<compile_context>
chip_gen: v7x
topology: tpu7x:2x2x1
jax: 0.10.2.dev20260603
libtpu: 0.0.44.dev20260713+nightly
codegen_flags: <defaults>
</compile_context>

<pallas_src>
import functools

import jax
import jax.numpy as jnp
from jax import lax
from jax.experimental import pallas as pl
from jax.experimental.pallas import tpu as pltpu
from jax.experimental.pallas import tpu_sc as plsc

B, L = 4096, 200
N = B * L
D = 16
OUTD = 2 * D + 1
NC, NS = 2, 16
NW = NC * NS
PER_W = N // NW
CHUNK = 800
NCHUNK = PER_W // CHUNK
LN2 = 0.6931471805599453


def _log1p_abs_signed(a):
    x = 1.0 + jnp.abs(a)
    u = lax.bitcast_convert_type(x, jnp.int32)
    un = u + (0x3F800000 - 0x3F3504F3)
    k = (un >> 23) - 127
    um = (un & 0x007FFFFF) + 0x3F3504F3
    m = lax.bitcast_convert_type(um, jnp.float32)
    t = (m - 1.0) / (m + 1.0)
    t2 = t * t
    p = 2.0 * t * (1.0 + t2 * (1.0 / 3.0 + t2 * (0.2 + t2 * (1.0 / 7.0 + t2 * (1.0 / 9.0)))))
    logx = k.astype(jnp.float32) * LN2 + p
    return jnp.sign(a) * logx


def _body(mcc_hbm, tr_hbm, amt_hbm, wm_hbm, wt_hbm, out_hbm,
          idxm0, idxm1, idxt0, idxt1, amt0, amt1,
          rows1_0, rows1_1, rows2_0, rows2_1, obuf0, obuf1,
          si0, si1, sg0, sg1, so0, so1):
    wid = lax.axis_index("s") * NC + lax.axis_index("c")
    base = wid * PER_W
    idxm = (idxm0, idxm1)
    idxt = (idxt0, idxt1)
    amtb = (amt0, amt1)
    rows1 = (rows1_0, rows1_1)
    rows2 = (rows2_0, rows2_1)
    obuf = (obuf0, obuf1)
    sem_i = (si0, si1)
    sem_g = (sg0, sg1)
    sem_o = (so0, so1)

    def start_idx(c, b):
        off = base + c * CHUNK
        pltpu.async_copy(mcc_hbm.at[pl.ds(off, CHUNK)], idxm[b], sem_i[b])
        pltpu.async_copy(tr_hbm.at[pl.ds(off, CHUNK)], idxt[b], sem_i[b])
        pltpu.async_copy(amt_hbm.at[pl.ds(off, CHUNK)], amtb[b], sem_i[b])

    def wait_idx(b):
        pltpu.make_async_copy(mcc_hbm.at[pl.ds(0, CHUNK)], idxm[b], sem_i[b]).wait()
        pltpu.make_async_copy(tr_hbm.at[pl.ds(0, CHUNK)], idxt[b], sem_i[b]).wait()
        pltpu.make_async_copy(amt_hbm.at[pl.ds(0, CHUNK)], amtb[b], sem_i[b]).wait()

    def start_gather(b):
        pltpu.async_copy(wm_hbm.at[idxm[b]], rows1[b], sem_g[b])
        pltpu.async_copy(wt_hbm.at[idxt[b]], rows2[b], sem_g[b])

    def wait_gather(b):
        pltpu.make_async_copy(wm_hbm.at[idxm[b]], rows1[b], sem_g[b]).wait()
        pltpu.make_async_copy(wt_hbm.at[idxt[b]], rows2[b], sem_g[b]).wait()

    def start_out(c, b):
        off = base + c * CHUNK
        pltpu.async_copy(obuf[b], out_hbm.at[pl.ds(off * OUTD, CHUNK * OUTD)], sem_o[b])

    def wait_out(b):
        pltpu.make_async_copy(obuf[b], out_hbm.at[pl.ds(0, CHUNK * OUTD)], sem_o[b]).wait()

    def interleave(b):
        r1, r2, ob, am = rows1[b], rows2[b], obuf[b], amtb[b]

        @plsc.parallel_loop(0, CHUNK // D, unroll=4)
        def _(i):
            r0 = i * D
            for j in range(D):
                r = r0 + j
                ob[pl.ds(r * OUTD, D)] = r1[r, :]
                ob[pl.ds(r * OUTD + D, D)] = r2[r, :]
            a = am[pl.ds(r0, D)]
            num = _log1p_abs_signed(a)
            idxs = (r0 + lax.iota(jnp.int32, D)) * OUTD + 2 * D
            plsc.store_scatter(ob, [idxs], num)

    def pipe_step(c, b, next_gather, idx_ahead, out_wait):
        wait_gather(b)
        nb = 1 - b
        if next_gather:
            wait_idx(nb)
            start_gather(nb)
        if out_wait:
            wait_out(b)
        interleave(b)
        if idx_ahead:
            start_idx(c + 2, b)
        start_out(c, b)

    start_idx(0, 0)
    start_idx(1, 1)
    wait_idx(0)
    start_gather(0)
    pipe_step(0, 0, True, True, False)
    pipe_step(1, 1, True, True, False)

    def pipe_k(k, carry):
        c = 2 * k
        pipe_step(c, 0, True, True, True)
        pipe_step(c + 1, 1, True, True, True)
        return carry

    lax.fori_loop(1, NCHUNK // 2 - 1, pipe_k, 0, unroll=False)
    pipe_step(NCHUNK - 2, 0, True, False, True)
    pipe_step(NCHUNK - 1, 1, False, False, True)
    wait_out(0)
    wait_out(1)


@jax.jit
def _sc_encode(mcc, tr, amt, wm, wt):
    mesh = plsc.VectorSubcoreMesh(core_axis_name="c", subcore_axis_name="s")
    f = pl.kernel(
        _body,
        out_type=jax.ShapeDtypeStruct((N * OUTD,), jnp.float32),
        mesh=mesh,
        compiler_params=pltpu.CompilerParams(
            needs_layout_passes=False, use_tc_tiling_on_sc=False),
        scratch_types=[
            pltpu.VMEM((CHUNK,), jnp.int32),
            pltpu.VMEM((CHUNK,), jnp.int32),
            pltpu.VMEM((CHUNK,), jnp.int32),
            pltpu.VMEM((CHUNK,), jnp.int32),
            pltpu.VMEM((CHUNK,), jnp.float32),
            pltpu.VMEM((CHUNK,), jnp.float32),
            pltpu.VMEM((CHUNK, D), jnp.float32),
            pltpu.VMEM((CHUNK, D), jnp.float32),
            pltpu.VMEM((CHUNK, D), jnp.float32),
            pltpu.VMEM((CHUNK, D), jnp.float32),
            pltpu.VMEM((CHUNK * OUTD,), jnp.float32),
            pltpu.VMEM((CHUNK * OUTD,), jnp.float32),
            pltpu.SemaphoreType.DMA,
            pltpu.SemaphoreType.DMA,
            pltpu.SemaphoreType.DMA,
            pltpu.SemaphoreType.DMA,
            pltpu.SemaphoreType.DMA,
            pltpu.SemaphoreType.DMA,
        ],
    )
    return f(mcc, tr, amt, wm, wt)


def kernel(mcc_code, tr_type, amount, seq_lens, W_mcc, W_tr):
    del seq_lens
    mcc = mcc_code.reshape(-1).astype(jnp.int32)
    tr = tr_type.reshape(-1).astype(jnp.int32)
    amt = amount.reshape(-1)
    out = _sc_encode(mcc, tr, amt, W_mcc, W_tr)
    return out.reshape(B, L, OUTD)

# --- scband reference (transcript-rebuilt; emitter-appended) ---
"""Pipeline reference for scband-trx-encoder-73753178407533 (READ-ONLY COPY).

The authoritative reference and input builder live on the scoring server;
editing this copy changes nothing except your own understanding.
"""

import jax, jax.numpy as jnp
import numpy as np


def setup_inputs(seed: int = 0) -> dict:
    key = jax.random.key(seed)
    k1, k2, k3, k4, k5, k6 = jax.random.split(key, 6)
    B, L = 4096, 200
    mcc_code = jax.random.randint(k1, (B, L), 0, 1000000)
    tr_type = jax.random.randint(k2, (B, L), 0, 100000)
    amount = jax.random.normal(k3, (B, L), dtype=jnp.float32)
    seq_lens = jax.random.randint(k4, (B,), 0, 200)
    W_mcc = jax.random.normal(k5, (1000000, 16), dtype=jnp.float32) * 0.02
    W_mcc = W_mcc.at[0].set(0.0)  # padding_idx=0
    W_tr = jax.random.normal(k6, (100000, 16), dtype=jnp.float32) * 0.02
    W_tr = W_tr.at[0].set(0.0)  # padding_idx=0
    return {"mcc_code": mcc_code, "tr_type": tr_type, "amount": amount,
            "seq_lens": seq_lens, "W_mcc": W_mcc, "W_tr": W_tr}


def reference(mcc_code, tr_type, amount, seq_lens, W_mcc, W_tr):
    # NoisyEmbedding in eval mode (no noise, no dropout) == plain embedding lookup
    e_mcc = jnp.take(W_mcc, mcc_code, axis=0)   # [B, L, 16]
    e_tr = jnp.take(W_tr, tr_type, axis=0)      # [B, L, 16]
    # LogScaler: x.abs().log1p() * x.sign()
    num = (jnp.log1p(jnp.abs(amount)) * jnp.sign(amount))[..., None]  # [B, L, 1]
    out = jnp.concatenate([e_mcc, e_tr, num], axis=-1)  # [B, L, 33]
    # PaddedBatch payload is `out`; seq_lens passed through unchanged
    return out

if __name__ == "__main__":
    import jax
    _d = setup_inputs()
    print(jax.jit(kernel)(*tuple(_d.values())))

</pallas_src>

<mosaic_0001>
#map = affine_map<(d0, d1) -> (0)>
#map1 = affine_map<(d0, d1) -> (0, 0)>
module attributes {stable_mosaic.version = 14 : i64} {
  func.func @_body(%arg0: i32, %arg1: i32, %arg2: memref<819200xi32, #tpu.memory_space<hbm>>, %arg3: memref<819200xi32, #tpu.memory_space<hbm>>, %arg4: memref<819200xf32, #tpu.memory_space<hbm>>, %arg5: memref<1000000x16xf32, #tpu.memory_space<hbm>>, %arg6: memref<100000x16xf32, #tpu.memory_space<hbm>>, %arg7: memref<27033600xf32, #tpu.memory_space<hbm>>, %arg8: memref<800xi32, #tpu.memory_space<vmem>>, %arg9: memref<800xi32, #tpu.memory_space<vmem>>, %arg10: memref<800xi32, #tpu.memory_space<vmem>>, %arg11: memref<800xi32, #tpu.memory_space<vmem>>, %arg12: memref<800xf32, #tpu.memory_space<vmem>>, %arg13: memref<800xf32, #tpu.memory_space<vmem>>, %arg14: memref<800x16xf32, #tpu.memory_space<vmem>>, %arg15: memref<800x16xf32, #tpu.memory_space<vmem>>, %arg16: memref<800x16xf32, #tpu.memory_space<vmem>>, %arg17: memref<800x16xf32, #tpu.memory_space<vmem>>, %arg18: memref<26400xf32, #tpu.memory_space<vmem>>, %arg19: memref<26400xf32, #tpu.memory_space<vmem>>, %arg20: memref<!tpu.dma_semaphore, #tpu.memory_space<semaphore_mem>>, %arg21: memref<!tpu.dma_semaphore, #tpu.memory_space<semaphore_mem>>, %arg22: memref<!tpu.dma_semaphore, #tpu.memory_space<semaphore_mem>>, %arg23: memref<!tpu.dma_semaphore, #tpu.memory_space<semaphore_mem>>, %arg24: memref<!tpu.dma_semaphore, #tpu.memory_space<semaphore_mem>>, %arg25: memref<!tpu.dma_semaphore, #tpu.memory_space<semaphore_mem>>) attributes {dimension_semantics = [#tpu.dimension_semantics<core_parallel>, #tpu.dimension_semantics<subcore_parallel>], iteration_bounds = array<i64: 2, 16>, scalar_prefetch = 0 : i64, scratch_operands = 18 : i64, tpu.core_type = #tpu.core_type<sc_vector_subcore>, window_params = [{transform_indices = #map}, {transform_indices = #map}, {transform_indices = #map}, {transform_indices = #map1}, {transform_indices = #map1}, {transform_indices = #map}]} {
    %mul3A = arith.constant 2 : i32
    %mul3A_0 = arith.muli %arg1, %mul3A : i32
    %add3A = arith.addi %mul3A_0, %arg0 : i32
    %mul3A_1 = arith.constant 25600 : i32
    %mul3A_2 = arith.muli %add3A, %mul3A_1 : i32
    %add3A_3 = arith.constant 0 : i32
    %add3A_4 = arith.addi %mul3A_2, %add3A_3 : i32
    %dma_start3A = tpu.memref_slice %arg2[%add3A_4] : memref<819200xi32, #tpu.memory_space<hbm>> -> memref<800xi32, #tpu.memory_space<hbm>>
    %dma_start3A_5 = tpu.memref_slice %arg2[%add3A_4] : memref<819200xi32, #tpu.memory_space<hbm>> -> memref<800xi32, #tpu.memory_space<hbm>>
    tpu.enqueue_dma source(%dma_start3A_5 : memref<800xi32, #tpu.memory_space<hbm>>) target(%arg8 : memref<800xi32, #tpu.memory_space<vmem>>) target_semaphore(%arg20 : memref<!tpu.dma_semaphore, #tpu.memory_space<semaphore_mem>>)
    %dma_start3A_6 = tpu.memref_slice %arg3[%add3A_4] : memref<819200xi32, #tpu.memory_space<hbm>> -> memref<800xi32, #tpu.memory_space<hbm>>
    %dma_start3A_7 = tpu.memref_slice %arg3[%add3A_4] : memref<819200xi32, #tpu.memory_space<hbm>> -> memref<800xi32, #tpu.memory_space<hbm>>
    tpu.enqueue_dma source(%dma_start3A_7 : memref<800xi32, #tpu.memory_space<hbm>>) target(%arg10 : memref<800xi32, #tpu.memory_space<vmem>>) target_semaphore(%arg20 : memref<!tpu.dma_semaphore, #tpu.memory_space<semaphore_mem>>)
    %dma_start3A_8 = tpu.memref_slice %arg4[%add3A_4] : memref<819200xf32, #tpu.memory_space<hbm>> -> memref<800xf32, #tpu.memory_space<hbm>>
    %dma_start3A_9 = tpu.memref_slice %arg4[%add3A_4] : memref<819200xf32, #tpu.memory_space<hbm>> -> memref<800xf32, #tpu.memory_space<hbm>>
    tpu.enqueue_dma source(%dma_start3A_9 : memref<800xf32, #tpu.memory_space<hbm>>) target(%arg12 : memref<800xf32, #tpu.memory_space<vmem>>) target_semaphore(%arg20 : memref<!tpu.dma_semaphore, #tpu.memory_space<semaphore_mem>>)
    %add3A_10 = arith.constant 800 : i32
    %add3A_11 = arith.addi %mul3A_2, %add3A_10 : i32
    %dma_start3A_12 = tpu.memref_slice %arg2[%add3A_11] : memref<819200xi32, #tpu.memory_space<hbm>> -> memref<800xi32, #tpu.memory_space<hbm>>
    %dma_start3A_13 = tpu.memref_slice %arg2[%add3A_11] : memref<819200xi32, #tpu.memory_space<hbm>> -> memref<800xi32, #tpu.memory_space<hbm>>
    tpu.enqueue_dma source(%dma_start3A_13 : memref<800xi32, #tpu.memory_space<hbm>>) target(%arg9 : memref<800xi32, #tpu.memory_space<vmem>>) target_semaphore(%arg21 : memref<!tpu.dma_semaphore, #tpu.memory_space<semaphore_mem>>)
    %dma_start3A_14 = tpu.memref_slice %arg3[%add3A_11] : memref<819200xi32, #tpu.memory_space<hbm>> -> memref<800xi32, #tpu.memory_space<hbm>>
    %dma_start3A_15 = tpu.memref_slice %arg3[%add3A_11] : memref<819200xi32, #tpu.memory_space<hbm>> -> memref<800xi32, #tpu.memory_space<hbm>>
    tpu.enqueue_dma source(%dma_start3A_15 : memref<800xi32, #tpu.memory_space<hbm>>) target(%arg11 : memref<800xi32, #tpu.memory_space<vmem>>) target_semaphore(%arg21 : memref<!tpu.dma_semaphore, #tpu.memory_space<semaphore_mem>>)
    %dma_start3A_16 = tpu.memref_slice %arg4[%add3A_11] : memref<819200xf32, #tpu.memory_space<hbm>> -> memref<800xf32, #tpu.memory_space<hbm>>
    %dma_start3A_17 = tpu.memref_slice %arg4[%add3A_11] : memref<819200xf32, #tpu.memory_space<hbm>> -> memref<800xf32, #tpu.memory_space<hbm>>
    tpu.enqueue_dma source(%dma_start3A_17 : memref<800xf32, #tpu.memory_space<hbm>>) target(%arg13 : memref<800xf32, #tpu.memory_space<vmem>>) target_semaphore(%arg21 : memref<!tpu.dma_semaphore, #tpu.memory_space<semaphore_mem>>)
    %dma_wait3A = arith.constant 0 : i32
    %dma_wait3A_18 = tpu.memref_slice %arg2[%dma_wait3A] : memref<819200xi32, #tpu.memory_space<hbm>> -> memref<800xi32, #tpu.memory_space<hbm>>
    %dma_wait3A_19 = arith.constant 0 : i32
    %dma_wait3A_20 = tpu.memref_slice %arg2[%dma_wait3A_19] : memref<819200xi32, #tpu.memory_space<hbm>> -> memref<800xi32, #tpu.memory_space<hbm>>
    tpu.wait_dma2 semaphore(%arg20 : memref<!tpu.dma_semaphore, #tpu.memory_space<semaphore_mem>>) src(%dma_wait3A_20 : memref<800xi32, #tpu.memory_space<hbm>>) dst(%arg8 : memref<800xi32, #tpu.memory_space<vmem>>)
    %dma_wait3A_21 = arith.constant 0 : i32
    %dma_wait3A_22 = tpu.memref_slice %arg3[%dma_wait3A_21] : memref<819200xi32, #tpu.memory_space<hbm>> -> memref<800xi32, #tpu.memory_space<hbm>>
    %dma_wait3A_23 = arith.constant 0 : i32
    %dma_wait3A_24 = tpu.memref_slice %arg3[%dma_wait3A_23] : memref<819200xi32, #tpu.memory_space<hbm>> -> memref<800xi32, #tpu.memory_space<hbm>>
    tpu.wait_dma2 semaphore(%arg20 : memref<!tpu.dma_semaphore, #tpu.memory_space<semaphore_mem>>) src(%dma_wait3A_24 : memref<800xi32, #tpu.memory_space<hbm>>) dst(%arg10 : memref<800xi32, #tpu.memory_space<vmem>>)
    %dma_wait3A_25 = arith.constant 0 : i32
    %dma_wait3A_26 = tpu.memref_slice %arg4[%dma_wait3A_25] : memref<819200xf32, #tpu.memory_space<hbm>> -> memref<800xf32, #tpu.memory_space<hbm>>
    %dma_wait3A_27 = arith.constant 0 : i32
    %dma_wait3A_28 = tpu.memref_slice %arg4[%dma_wait3A_27] : memref<819200xf32, #tpu.memory_space<hbm>> -> memref<800xf32, #tpu.memory_space<hbm>>
    tpu.wait_dma2 semaphore(%arg20 : memref<!tpu.dma_semaphore, #tpu.memory_space<semaphore_mem>>) src(%dma_wait3A_28 : memref<800xf32, #tpu.memory_space<hbm>>) dst(%arg12 : memref<800xf32, #tpu.memory_space<vmem>>)
    %dma_start3A_29 = arith.constant 0 : i32
    %dma_start3A_30 = arith.constant 0 : i32
    %dma_start3A_31 = tpu.memref_slice %arg5[%dma_start3A_29, %dma_start3A_30] : memref<1000000x16xf32, #tpu.memory_space<hbm>> -> memref<1000000x16xf32, #tpu.memory_space<hbm>>
    tpu.enqueue_indirect_dma source(%dma_start3A_31 : memref<1000000x16xf32, #tpu.memory_space<hbm>>) target(%arg14 : memref<800x16xf32, #tpu.memory_space<vmem>>) offsets(%arg8 : memref<800xi32, #tpu.memory_space<vmem>>) semaphore(%arg22 : memref<!tpu.dma_semaphore, #tpu.memory_space<semaphore_mem>>)
    %dma_start3A_32 = arith.constant 0 : i32
    %dma_start3A_33 = arith.constant 0 : i32
    %dma_start3A_34 = tpu.memref_slice %arg6[%dma_start3A_32, %dma_start3A_33] : memref<100000x16xf32, #tpu.memory_space<hbm>> -> memref<100000x16xf32, #tpu.memory_space<hbm>>
    tpu.enqueue_indirect_dma source(%dma_start3A_34 : memref<100000x16xf32, #tpu.memory_space<hbm>>) target(%arg16 : memref<800x16xf32, #tpu.memory_space<vmem>>) offsets(%arg10 : memref<800xi32, #tpu.memory_space<vmem>>) semaphore(%arg22 : memref<!tpu.dma_semaphore, #tpu.memory_space<semaphore_mem>>)
    %dma_wait3A_35 = arith.constant 0 : i32
    %dma_wait3A_36 = arith.constant 0 : i32
    %dma_wait3A_37 = tpu.memref_slice %arg5[%dma_wait3A_35, %dma_wait3A_36] : memref<1000000x16xf32, #tpu.memory_space<hbm>> -> memref<1000000x16xf32, #tpu.memory_space<hbm>>
    tpu.wait_indirect_dma semaphore(%arg22 : memref<!tpu.dma_semaphore, #tpu.memory_space<semaphore_mem>>) src(%dma_wait3A_37 : memref<1000000x16xf32, #tpu.memory_space<hbm>>) dst(%arg14 : memref<800x16xf32, #tpu.memory_space<vmem>>)
    %dma_wait3A_38 = arith.constant 0 : i32
    %dma_wait3A_39 = arith.constant 0 : i32
    %dma_wait3A_40 = tpu.memref_slice %arg6[%dma_wait3A_38, %dma_wait3A_39] : memref<100000x16xf32, #tpu.memory_space<hbm>> -> memref<100000x16xf32, #tpu.memory_space<hbm>>
    tpu.wait_indirect_dma semaphore(%arg22 : memref<!tpu.dma_semaphore, #tpu.memory_space<semaphore_mem>>) src(%dma_wait3A_40 : memref<100000x16xf32, #tpu.memory_space<hbm>>) dst(%arg16 : memref<800x16xf32, #tpu.memory_space<vmem>>)
    %dma_wait3A_41 = arith.constant 0 : i32
    %dma_wait3A_42 = tpu.memref_slice %arg2[%dma_wait3A_41] : memref<819200xi32, #tpu.memory_space<hbm>> -> memref<800xi32, #tpu.memory_space<hbm>>
    %dma_wait3A_43 = arith.constant 0 : i32
    %dma_wait3A_44 = tpu.memref_slice %arg2[%dma_wait3A_43] : memref<819200xi32, #tpu.memory_space<hbm>> -> memref<800xi32, #tpu.memory_space<hbm>>
    tpu.wait_dma2 semaphore(%arg21 : memref<!tpu.dma_semaphore, #tpu.memory_space<semaphore_mem>>) src(%dma_wait3A_44 : memref<800xi32, #tpu.memory_space<hbm>>) dst(%arg9 : memref<800xi32, #tpu.memory_space<vmem>>)
    %dma_wait3A_45 = arith.constant 0 : i32
    %dma_wait3A_46 = tpu.memref_slice %arg3[%dma_wait3A_45] : memref<819200xi32, #tpu.memory_space<hbm>> -> memref<800xi32, #tpu.memory_space<hbm>>
    %dma_wait3A_47 = arith.constant 0 : i32
    %dma_wait3A_48 = tpu.memref_slice %arg3[%dma_wait3A_47] : memref<819200xi32, #tpu.memory_space<hbm>> -> memref<800xi32, #tpu.memory_space<hbm>>
    tpu.wait_dma2 semaphore(%arg21 : memref<!tpu.dma_semaphore, #tpu.memory_space<semaphore_mem>>) src(%dma_wait3A_48 : memref<800xi32, #tpu.memory_space<hbm>>) dst(%arg11 : memref<800xi32, #tpu.memory_space<vmem>>)
    %dma_wait3A_49 = arith.constant 0 : i32
    %dma_wait3A_50 = tpu.memref_slice %arg4[%dma_wait3A_49] : memref<819200xf32, #tpu.memory_space<hbm>> -> memref<800xf32, #tpu.memory_space<hbm>>
    %dma_wait3A_51 = arith.constant 0 : i32
    %dma_wait3A_52 = tpu.memref_slice %arg4[%dma_wait3A_51] : memref<819200xf32, #tpu.memory_space<hbm>> -> memref<800xf32, #tpu.memory_space<hbm>>
    tpu.wait_dma2 semaphore(%arg21 : memref<!tpu.dma_semaphore, #tpu.memory_space<semaphore_mem>>) src(%dma_wait3A_52 : memref<800xf32, #tpu.memory_space<hbm>>) dst(%arg13 : memref<800xf32, #tpu.memory_space<vmem>>)
    %dma_start3A_53 = arith.constant 0 : i32
    %dma_start3A_54 = arith.constant 0 : i32
    %dma_start3A_55 = tpu.memref_slice %arg5[%dma_start3A_53, %dma_start3A_54] : memref<1000000x16xf32, #tpu.memory_space<hbm>> -> memref<1000000x16xf32, #tpu.memory_space<hbm>>
    tpu.enqueue_indirect_dma source(%dma_start3A_55 : memref<1000000x16xf32, #tpu.memory_space<hbm>>) target(%arg15 : memref<800x16xf32, #tpu.memory_space<vmem>>) offsets(%arg9 : memref<800xi32, #tpu.memory_space<vmem>>) semaphore(%arg23 : memref<!tpu.dma_semaphore, #tpu.memory_space<semaphore_mem>>)
    %dma_start3A_56 = arith.constant 0 : i32
    %dma_start3A_57 = arith.constant 0 : i32
    %dma_start3A_58 = tpu.memref_slice %arg6[%dma_start3A_56, %dma_start3A_57] : memref<100000x16xf32, #tpu.memory_space<hbm>> -> memref<100000x16xf32, #tpu.memory_space<hbm>>
    tpu.enqueue_indirect_dma source(%dma_start3A_58 : memref<100000x16xf32, #tpu.memory_space<hbm>>) target(%arg17 : memref<800x16xf32, #tpu.memory_space<vmem>>) offsets(%arg11 : memref<800xi32, #tpu.memory_space<vmem>>) semaphore(%arg23 : memref<!tpu.dma_semaphore, #tpu.memory_space<semaphore_mem>>)
    %parallel_loop3A = arith.constant 0 : i32
    %parallel_loop3A_59 = arith.constant 50 : i32
    %parallel_loop3A_60 = arith.constant 1 : i32
    scf.for %parallel_loop3A_185 = %parallel_loop3A to %parallel_loop3A_59 step %parallel_loop3A_60  : i32 {
      %parallel_loop3A_186 = arith.constant 16 : i32
      %parallel_loop3A_187 = arith.muli %parallel_loop3A_185, %parallel_loop3A_186 : i32
      %parallel_loop3A_188 = arith.constant 0 : i32
      %parallel_loop3A_189 = arith.addi %parallel_loop3A_187, %parallel_loop3A_188 : i32
      %parallel_loop3A_190 = arith.index_cast %parallel_loop3A_189 : i32 to index
      %parallel_loop3A_191 = arith.constant 0 : index
      %parallel_loop3A_192 = tpu.vector_load %arg14[%parallel_loop3A_190, %parallel_loop3A_191] {strides = array<i32>} : memref<800x16xf32, #tpu.memory_space<vmem>>, vector<16xf32>,
      %parallel_loop3A_193 = arith.constant 33 : i32
      %parallel_loop3A_194 = arith.muli %parallel_loop3A_189, %parallel_loop3A_193 : i32
      %parallel_loop3A_195 = arith.index_cast %parallel_loop3A_194 : i32 to index
      %parallel_loop3A_196 = tpu.vector_load %arg18[%parallel_loop3A_195] {strides = array<i32>} : memref<26400xf32, #tpu.memory_space<vmem>>, vector<16xf32>,
      tpu.vector_store %arg18[%parallel_loop3A_195], %parallel_loop3A_192 {strides = array<i32>} : memref<26400xf32, #tpu.memory_space<vmem>>, vector<16xf32>,
      %parallel_loop3A_197 = arith.index_cast %parallel_loop3A_189 : i32 to index
      %parallel_loop3A_198 = arith.constant 0 : index
      %parallel_loop3A_199 = tpu.vector_load %arg16[%parallel_loop3A_197, %parallel_loop3A_198] {strides = array<i32>} : memref<800x16xf32, #tpu.memory_space<vmem>>, vector<16xf32>,
      %parallel_loop3A_200 = arith.constant 33 : i32
      %parallel_loop3A_201 = arith.muli %parallel_loop3A_189, %parallel_loop3A_200 : i32
      %parallel_loop3A_202 = arith.constant 16 : i32
      %parallel_loop3A_203 = arith.addi %parallel_loop3A_201, %parallel_loop3A_202 : i32
      %parallel_loop3A_204 = arith.index_cast %parallel_loop3A_203 : i32 to index
      %parallel_loop3A_205 = tpu.vector_load %arg18[%parallel_loop3A_204] {strides = array<i32>} : memref<26400xf32, #tpu.memory_space<vmem>>, vector<16xf32>,
      tpu.vector_store %arg18[%parallel_loop3A_204], %parallel_loop3A_199 {strides = array<i32>} : memref<26400xf32, #tpu.memory_space<vmem>>, vector<16xf32>,
      %parallel_loop3A_206 = arith.constant 1 : i32
      %parallel_loop3A_207 = arith.addi %parallel_loop3A_187, %parallel_loop3A_206 : i32
      %parallel_loop3A_208 = arith.index_cast %parallel_loop3A_207 : i32 to index
      %parallel_loop3A_209 = arith.constant 0 : index
      %parallel_loop3A_210 = tpu.vector_load %arg14[%parallel_loop3A_208, %parallel_loop3A_209] {strides = array<i32>} : memref<800x16xf32, #tpu.memory_space<vmem>>, vector<16xf32>,
      %parallel_loop3A_211 = arith.constant 33 : i32
      %parallel_loop3A_212 = arith.muli %parallel_loop3A_207, %parallel_loop3A_211 : i32
      %parallel_loop3A_213 = arith.index_cast %parallel_loop3A_212 : i32 to index
      %parallel_loop3A_214 = tpu.vector_load %arg18[%parallel_loop3A_213] {strides = array<i32>} : memref<26400xf32, #tpu.memory_space<vmem>>, vector<16xf32>,
      tpu.vector_store %arg18[%parallel_loop3A_213], %parallel_loop3A_210 {strides = array<i32>} : memref<26400xf32, #tpu.memory_space<vmem>>, vector<16xf32>,
      %parallel_loop3A_215 = arith.index_cast %parallel_loop3A_207 : i32 to index
      %parallel_loop3A_216 = arith.constant 0 : index
      %parallel_loop3A_217 = tpu.vector_load %arg16[%parallel_loop3A_215, %parallel_loop3A_216] {strides = array<i32>} : memref<800x16xf32, #tpu.memory_space<vmem>>, vector<16xf32>,
      %parallel_loop3A_218 = arith.constant 33 : i32
      %parallel_loop3A_219 = arith.muli %parallel_loop3A_207, %parallel_loop3A_218 : i32
      %parallel_loop3A_220 = arith.constant 16 : i32
      %parallel_loop3A_221 = arith.addi %parallel_loop3A_219, %parallel_loop3A_220 : i32
      %parallel_loop3A_222 = arith.index_cast %parallel_loop3A_221 : i32 to index
      %parallel_loop3A_223 = tpu.vector_load %arg18[%parallel_loop3A_222] {strides = array<i32>} : memref<26400xf32, #tpu.memory_space<vmem>>, vector<16xf32>,
      tpu.vector_store %arg18[%parallel_loop3A_222], %parallel_loop3A_217 {strides = array<i32>} : memref<26400xf32, #tpu.memory_space<vmem>>, vector<16xf32>,
      %parallel_loop3A_224 = arith.constant 2 : i32
      %parallel_loop3A_225 = arith.addi %parallel_loop3A_187, %parallel_loop3A_224 : i32
      %parallel_loop3A_226 = arith.index_cast %parallel_loop3A_225 : i32 to index
      %parallel_loop3A_227 = arith.constant 0 : index
      %parallel_loop3A_228 = tpu.vector_load %arg14[%parallel_loop3A_226, %parallel_loop3A_227] {strides = array<i32>} : memref<800x16xf32, #tpu.memory_space<vmem>>, vector<16xf32>,
      %parallel_loop3A_229 = arith.constant 33 : i32
      %parallel_loop3A_230 = arith.muli %parallel_loop3A_225, %parallel_loop3A_229 : i32
      %parallel_loop3A_231 = arith.index_cast %parallel_loop3A_230 : i32 to index
      %parallel_loop3A_232 = tpu.vector_load %arg18[%parallel_loop3A_231] {strides = array<i32>} : memref<26400xf32, #tpu.memory_space<vmem>>, vector<16xf32>,
      tpu.vector_store %arg18[%parallel_loop3A_231], %parallel_loop3A_228 {strides = array<i32>} : memref<26400xf32, #tpu.memory_space<vmem>>, vector<16xf32>,
      %parallel_loop3A_233 = arith.index_cast %parallel_loop3A_225 : i32 to index
      %parallel_loop3A_234 = arith.constant 0 : index
      %parallel_loop3A_235 = tpu.vector_load %arg16[%parallel_loop3A_233, %parallel_loop3A_234] {strides = array<i32>} : memref<800x16xf32, #tpu.memory_space<vmem>>, vector<16xf32>,
      %parallel_loop3A_236 = arith.constant 33 : i32
      %parallel_loop3A_237 = arith.muli %parallel_loop3A_225, %parallel_loop3A_236 : i32
      %parallel_loop3A_238 = arith.constant 16 : i32
      %parallel_loop3A_239 = arith.addi %parallel_loop3A_237, %parallel_loop3A_238 : i32
      %parallel_loop3A_240 = arith.index_cast %parallel_loop3A_239 : i32 to index
      %parallel_loop3A_241 = tpu.vector_load %arg18[%parallel_loop3A_240] {strides = array<i32>} : memref<26400xf32, #tpu.memory_space<vmem>>, vector<16xf32>,
      tpu.vector_store %arg18[%parallel_loop3A_240], %parallel_loop3A_235 {strides = array<i32>} : memref<26400xf32, #tpu.memory_space<vmem>>, vector<16xf32>,
      %parallel_loop3A_242 = arith.constant 3 : i32
      %parallel_loop3A_243 = arith.addi %parallel_loop3A_187, %parallel_loop3A_242 : i32
      %parallel_loop3A_244 = arith.index_cast %parallel_loop3A_243 : i32 to index
      %parallel_loop3A_245 = arith.constant 0 : index
      %parallel_loop3A_246 = tpu.vector_load %arg14[%parallel_loop3A_244, %parallel_loop3A_245] {strides = array<i32>} : memref<800x16xf32, #tpu.memory_space<vmem>>, vector<16xf32>,
      %parallel_loop3A_247 = arith.constant 33 : i32
      %parallel_loop3A_248 = arith.muli %parallel_loop3A_243, %parallel_loop3A_247 : i32
      %parallel_loop3A_249 = arith.index_cast %parallel_loop3A_248 : i32 to index
      %parallel_loop3A_250 = tpu.vector_load %arg18[%parallel_loop3A_249] {strides = array<i32>} : memref<26400xf32, #tpu.memory_space<vmem>>, vector<16xf32>,
      tpu.vector_store %arg18[%parallel_loop3A_249], %parallel_loop3A_246 {strides = array<i32>} : memref<26400xf32, #tpu.memory_space<vmem>>, vector<16xf32>,
      %parallel_loop3A_251 = arith.index_cast %parallel_loop3A_243 : i32 to index
      %parallel_loop3A_252 = arith.constant 0 : index
      %parallel_loop3A_253 = tpu.vector_load %arg16[%parallel_loop3A_251, %parallel_loop3A_252] {strides = array<i32>} : memref<800x16xf32, #tpu.memory_space<vmem>>, vector<16xf32>,
      %parallel_loop3A_254 = arith.constant 33 : i32
      %parallel_loop3A_255 = arith.muli %parallel_loop3A_243, %parallel_loop3A_254 : i32
      %parallel_loop3A_256 = arith.constant 16 : i32
      %parallel_loop3A_257 = arith.addi %parallel_loop3A_255, %parallel_loop3A_256 : i32
      %parallel_loop3A_258 = arith.index_cast %parallel_loop3A_257 : i32 to index
      %parallel_loop3A_259 = tpu.vector_load %arg18[%parallel_loop3A_258] {strides = array<i32>} : memref<26400xf32, #tpu.memory_space<vmem>>, vector<16xf32>,
      tpu.vector_store %arg18[%parallel_loop3A_258], %parallel_loop3A_253 {strides = array<i32>} : memref<26400xf32, #tpu.memory_space<vmem>>, vector<16xf32>,
      %parallel_loop3A_260 = arith.constant 4 : i32
      %parallel_loop3A_261 = arith.addi %parallel_loop3A_187, %parallel_loop3A_260 : i32
      %parallel_loop3A_262 = arith.index_cast %parallel_loop3A_261 : i32 to index
      %parallel_loop3A_263 = arith.constant 0 : index
      %parallel_loop3A_264 = tpu.vector_load %arg14[%parallel_loop3A_262, %parallel_loop3A_263] {strides = array<i32>} : memref<800x16xf32, #tpu.memory_space<vmem>>, vector<16xf32>,
      %parallel_loop3A_265 = arith.constant 33 : i32
      %parallel_loop3A_266 = arith.muli %parallel_loop3A_261, %parallel_loop3A_265 : i32
      %parallel_loop3A_267 = arith.index_cast %parallel_loop3A_266 : i32 to index
      %parallel_loop3A_268 = tpu.vector_load %arg18[%parallel_loop3A_267] {strides = array<i32>} : memref<26400xf32, #tpu.memory_space<vmem>>, vector<16xf32>,
      tpu.vector_store %arg18[%parallel_loop3A_267], %parallel_loop3A_264 {strides = array<i32>} : memref<26400xf32, #tpu.memory_space<vmem>>, vector<16xf32>,
      %parallel_loop3A_269 = arith.index_cast %parallel_loop3A_261 : i32 to index
      %parallel_loop3A_270 = arith.constant 0 : index
      %parallel_loop3A_271 = tpu.vector_load %arg16[%parallel_loop3A_269, %parallel_loop3A_270] {strides = array<i32>} : memref<800x16xf32, #tpu.memory_space<vmem>>, vector<16xf32>,
      %parallel_loop3A_272 = arith.constant 33 : i32
      %parallel_loop3A_273 = arith.muli %parallel_loop3A_261, %parallel_loop3A_272 : i32
      %parallel_loop3A_274 = arith.constant 16 : i32
      %parallel_loop3A_275 = arith.addi %parallel_loop3A_273, %parallel_loop3A_274 : i32
      %parallel_loop3A_276 = arith.index_cast %parallel_loop3A_275 : i32 to index
      %parallel_loop3A_277 = tpu.vector_load %arg18[%parallel_loop3A_276] {strides = array<i32>} : memref<26400xf32, #tpu.memory_space<vmem>>, vector<16xf32>,
      tpu.vector_store %arg18[%parallel_loop3A_276], %parallel_loop3A_271 {strides = array<i32>} : memref<26400xf32, #tpu.memory_space<vmem>>, vector<16xf32>,
      %parallel_loop3A_278 = arith.constant 5 : i32
      %parallel_loop3A_279 = arith.addi %parallel_loop3A_187, %parallel_loop3A_278 : i32
      %parallel_loop3A_280 = arith.index_cast %parallel_loop3A_279 : i32 to index
      %parallel_loop3A_281 = arith.constant 0 : index
      %parallel_loop3A_282 = tpu.vector_load %arg14[%parallel_loop3A_280, %parallel_loop3A_281] {strides = array<i32>} : memref<800x16xf32, #tpu.memory_space<vmem>>, vector<16xf32>,
      %parallel_loop3A_283 = arith.constant 33 : i32
      %parallel_loop3A_284 = arith.muli %parallel_loop3A_279, %parallel_loop3A_283 : i32
      %parallel_loop3A_285 = arith.index_cast %parallel_loop3A_284 : i32 to index
      %parallel_loop3A_286 = tpu.vector_load %arg18[%parallel_loop3A_285] {strides = array<i32>} : memref<26400xf32, #tpu.memory_space<vmem>>, vector<16xf32>,
      tpu.vector_store %arg18[%parallel_loop3A_285], %parallel_loop3A_282 {strides = array<i32>} : memref<26400xf32, #tpu.memory_space<vmem>>, vector<16xf32>,
      %parallel_loop3A_287 = arith.index_cast %parallel_loop3A_279 : i32 to index
      %parallel_loop3A_288 = arith.constant 0 : index
      %parallel_loop3A_289 = tpu.vector_load %arg16[%parallel_loop3A_287, %parallel_loop3A_288] {strides = array<i32>} : memref<800x16xf32, #tpu.memory_space<vmem>>, vector<16xf32>,
      %parallel_loop3A_290 = arith.constant 33 : i32
      %parallel_loop3A_291 = arith.muli %parallel_loop3A_279, %parallel_loop3A_290 : i32
      %parallel_loop3A_292 = arith.constant 16 : i32
      %parallel_loop3A_293 = arith.addi %parallel_loop3A_291, %parallel_loop3A_292 : i32
      %parallel_loop3A_294 = arith.index_cast %parallel_loop3A_293 : i32 to index
      %parallel_loop3A_295 = tpu.vector_load %arg18[%parallel_loop3A_294] {strides = array<i32>} : memref<26400xf32, #tpu.memory_space<vmem>>, vector<16xf32>,
      tpu.vector_store %arg18[%parallel_loop3A_294], %parallel_loop3A_289 {strides = array<i32>} : memref<26400xf32, #tpu.memory_space<vmem>>, vector<16xf32>,
      %parallel_loop3A_296 = arith.constant 6 : i32
      %parallel_loop3A_297 = arith.addi %parallel_loop3A_187, %parallel_loop3A_296 : i32
      %parallel_loop3A_298 = arith.index_cast %parallel_loop3A_297 : i32 to index
      %parallel_loop3A_299 = arith.constant 0 : index
      %parallel_loop3A_300 = tpu.vector_load %arg14[%parallel_loop3A_298, %parallel_loop3A_299] {strides = array<i32>} : memref<800x16xf32, #tpu.memory_space<vmem>>, vector<16xf32>,
      %parallel_loop3A_301 = arith.constant 33 : i32
      %parallel_loop3A_302 = arith.muli %parallel_loop3A_297, %parallel_loop3A_301 : i32
      %parallel_loop3A_303 = arith.index_cast %parallel_loop3A_302 : i32 to index
      %parallel_loop3A_304 = tpu.vector_load %arg18[%parallel_loop3A_303] {strides = array<i32>} : memref<26400xf32, #tpu.memory_space<vmem>>, vector<16xf32>,
      tpu.vector_store %arg18[%parallel_loop3A_303], %parallel_loop3A_300 {strides = array<i32>} : memref<26400xf32, #tpu.memory_space<vmem>>, vector<16xf32>,
      %parallel_loop3A_305 = arith.index_cast %parallel_loop3A_297 : i32 to index
      %parallel_loop3A_306 = arith.constant 0 : index
      %parallel_loop3A_307 = tpu.vector_load %arg16[%parallel_loop3A_305, %parallel_loop3A_306] {strides = array<i32>} : memref<800x16xf32, #tpu.memory_space<vmem>>, vector<16xf32>,
      %parallel_loop3A_308 = arith.constant 33 : i32
      %parallel_loop3A_309 = arith.muli %parallel_loop3A_297, %parallel_loop3A_308 : i32
      %parallel_loop3A_310 = arith.constant 16 : i32
      %parallel_loop3A_311 = arith.addi %parallel_loop3A_309, %parallel_loop3A_310 : i32
      %parallel_loop3A_312 = arith.index_cast %parallel_loop3A_311 : i32 to index
      %parallel_loop3A_313 = tpu.vector_load %arg18[%parallel_loop3A_312] {strides = array<i32>} : memref<26400xf32, #tpu.memory_space<vmem>>, vector<16xf32>,
      tpu.vector_store %arg18[%parallel_loop3A_312], %parallel_loop3A_307 {strides = array<i32>} : memref<26400xf32, #tpu.memory_space<vmem>>, vector<16xf32>,
      %parallel_loop3A_314 = arith.constant 7 : i32
      %parallel_loop3A_315 = arith.addi %parallel_loop3A_187, %parallel_loop3A_314 : i32
      %parallel_loop3A_316 = arith.index_cast %parallel_loop3A_315 : i32 to index
      %parallel_loop3A_317 = arith.constant 0 : index
      %parallel_loop3A_318 = tpu.vector_load %arg14[%parallel_loop3A_316, %parallel_loop3A_317] {strides = array<i32>} : memref<800x16xf32, #tpu.memory_space<vmem>>, vector<16xf32>,
      %parallel_loop3A_319 = arith.constant 33 : i32
      %parallel_loop3A_320 = arith.muli %parallel_loop3A_315, %parallel_loop3A_319 : i32
      %parallel_loop3A_321 = arith.index_cast %parallel_loop3A_320 : i32 to index
      %parallel_loop3A_322 = tpu.vector_load %arg18[%parallel_loop3A_321] {strides = array<i32>} : memref<26400xf32, #tpu.memory_space<vmem>>, vector<16xf32>,
      tpu.vector_store %arg18[%parallel_loop3A_321], %parallel_loop3A_318 {strides = array<i32>} : memref<26400xf32, #tpu.memory_space<vmem>>, vector<16xf32>,
      %parallel_loop3A_323 = arith.index_cast %parallel_loop3A_315 : i32 to index
      %parallel_loop3A_324 = arith.constant 0 : index
      %parallel_loop3A_325 = tpu.vector_load %arg16[%parallel_loop3A_323, %parallel_loop3A_324] {strides = array<i32>} : memref<800x16xf32, #tpu.memory_space<vmem>>, vector<16xf32>,
      %parallel_loop3A_326 = arith.constant 33 : i32
      %parallel_loop3A_327 = arith.muli %parallel_loop3A_315, %parallel_loop3A_326 : i32
      %parallel_loop3A_328 = arith.constant 16 : i32
      %parallel_loop3A_329 = arith.addi %parallel_loop3A_327, %parallel_loop3A_328 : i32
      %parallel_loop3A_330 = arith.index_cast %parallel_loop3A_329 : i32 to index
      %parallel_loop3A_331 = tpu.vector_load %arg18[%parallel_loop3A_330] {strides = array<i32>} : memref<26400xf32, #tpu.memory_space<vmem>>, vector<16xf32>,
      tpu.vector_store %arg18[%parallel_loop3A_330], %parallel_loop3A_325 {strides = array<i32>} : memref<26400xf32, #tpu.memory_space<vmem>>, vector<16xf32>,
      %parallel_loop3A_332 = arith.constant 8 : i32
      %parallel_loop3A_333 = arith.addi %parallel_loop3A_187, %parallel_loop3A_332 : i32
      %parallel_loop3A_334 = arith.index_cast %parallel_loop3A_333 : i32 to index
      %parallel_loop3A_335 = arith.constant 0 : index
      %parallel_loop3A_336 = tpu.vector_load %arg14[%parallel_loop3A_334, %parallel_loop3A_335] {strides = array<i32>} : memref<800x16xf32, #tpu.memory_space<vmem>>, vector<16xf32>,
      %parallel_loop3A_337 = arith.constant 33 : i32
      %parallel_loop3A_338 = arith.muli %parallel_loop3A_333, %parallel_loop3A_337 : i32
      %parallel_loop3A_339 = arith.index_cast %parallel_loop3A_338 : i32 to index
      %parallel_loop3A_340 = tpu.vector_load %arg18[%parallel_loop3A_339] {strides = array<i32>} : memref<26400xf32, #tpu.memory_space<vmem>>, vector<16xf32>,
      tpu.vector_store %arg18[%parallel_loop3A_339], %parallel_loop3A_336 {strides = array<i32>} : memref<26400xf32, #tpu.memory_space<vmem>>, vector<16xf32>,
      %parallel_loop3A_341 = arith.index_cast %parallel_loop3A_333 : i32 to index
      %parallel_loop3A_342 = arith.constant 0 : index
      %parallel_loop3A_343 = tpu.vector_load %arg16[%parallel_loop3A_341, %parallel_loop3A_342] {strides = array<i32>} : memref<800x16xf32, #tpu.memory_space<vmem>>, vector<16xf32>,
      %parallel_loop3A_344 = arith.constant 33 : i32
      %parallel_loop3A_345 = arith.muli %parallel_loop3A_333, %parallel_loop3A_344 : i32
      %parallel_loop3A_346 = arith.constant 16 : i32
      %parallel_loop3A_347 = arith.addi %parallel_loop3A_345, %parallel_loop3A_346 : i32
      %parallel_loop3A_348 = arith.index_cast %parallel_loop3A_347 : i32 to index
      %parallel_loop3A_349 = tpu.vector_load %arg18[%parallel_loop3A_348] {strides = array<i32>} : memref<26400xf32, #tpu.memory_space<vmem>>, vector<16xf32>,
      tpu.vector_store %arg18[%parallel_loop3A_348], %parallel_loop3A_343 {strides = array<i32>} : memref<26400xf32, #tpu.memory_space<vmem>>, vector<16xf32>,
      %parallel_loop3A_350 = arith.constant 9 : i32
      %parallel_loop3A_351 = arith.addi %parallel_loop3A_187, %parallel_loop3A_350 : i32
      %parallel_loop3A_352 = arith.index_cast %parallel_loop3A_351 : i32 to index
      %parallel_loop3A_353 = arith.constant 0 : index
      %parallel_loop3A_354 = tpu.vector_load %arg14[%parallel_loop3A_352, %parallel_loop3A_353] {strides = array<i32>} : memref<800x16xf32, #tpu.memory_space<vmem>>, vector<16xf32>,
      %parallel_loop3A_355 = arith.constant 33 : i32
      %parallel_loop3A_356 = arith.muli %parallel_loop3A_351, %parallel_loop3A_355 : i32
      %parallel_loop3A_357 = arith.index_cast %parallel_loop3A_356 : i32 to index
      %parallel_loop3A_358 = tpu.vector_load %arg18[%parallel_loop3A_357] {strides = array<i32>} : memref<26400xf32, #tpu.memory_space<vmem>>, vector<16xf32>,
      tpu.vector_store %arg18[%parallel_loop3A_357], %parallel_loop3A_354 {strides = array<i32>} : memref<26400xf32, #tpu.memory_space<vmem>>, vector<16xf32>,
      %parallel_loop3A_359 = arith.index_cast %parallel_loop3A_351 : i32 to index
      %parallel_loop3A_360 = arith.constant 0 : index
      %parallel_loop3A_361 = tpu.vector_load %arg16[%parallel_loop3A_359, %parallel_loop3A_360] {strides = array<i32>} : memref<800x16xf32, #tpu.memory_space<vmem>>, vector<16xf32>,
      %parallel_loop3A_362 = arith.constant 33 : i32
      %parallel_loop3A_363 = arith.muli %parallel_loop3A_351, %parallel_loop3A_362 : i32
      %parallel_loop3A_364 = arith.constant 16 : i32
      %parallel_loop3A_365 = arith.addi %parallel_loop3A_363, %parallel_loop3A_364 : i32
      %parallel_loop3A_366 = arith.index_cast %parallel_loop3A_365 : i32 to index
      %parallel_loop3A_367 = tpu.vector_load %arg18[%parallel_loop3A_366] {strides = array<i32>} : memref<26400xf32, #tpu.memory_space<vmem>>, vector<16xf32>,
      tpu.vector_store %arg18[%parallel_loop3A_366], %parallel_loop3A_361 {strides = array<i32>} : memref<26400xf32, #tpu.memory_space<vmem>>, vector<16xf32>,
      %parallel_loop3A_368 = arith.constant 10 : i32
      %parallel_loop3A_369 = arith.addi %parallel_loop3A_187, %parallel_loop3A_368 : i32
      %parallel_loop3A_370 = arith.index_cast %parallel_loop3A_369 : i32 to index
      %parallel_loop3A_371 = arith.constant 0 : index
      %parallel_loop3A_372 = tpu.vector_load %arg14[%parallel_loop3A_370, %parallel_loop3A_371] {strides = array<i32>} : memref<800x16xf32, #tpu.memory_space<vmem>>, vector<16xf32>,
      %parallel_loop3A_373 = arith.constant 33 : i32
      %parallel_loop3A_374 = arith.muli %parallel_loop3A_369, %parallel_loop3A_373 : i32
      %parallel_loop3A_375 = arith.index_cast %parallel_loop3A_374 : i32 to index
      %parallel_loop3A_376 = tpu.vector_load %arg18[%parallel_loop3A_375] {strides = array<i32>} : memref<26400xf32, #tpu.memory_space<vmem>>, vector<16xf32>,
      tpu.vector_store %arg18[%parallel_loop3A_375], %parallel_loop3A_372 {strides = array<i32>} : memref<26400xf32, #tpu.memory_space<vmem>>, vector<16xf32>,
      %parallel_loop3A_377 = arith.index_cast %parallel_loop3A_369 : i32 to index
      %parallel_loop3A_378 = arith.constant 0 : index
      %parallel_loop3A_379 = tpu.vector_load %arg16[%parallel_loop3A_377, %parallel_loop3A_378] {strides = array<i32>} : memref<800x16xf32, #tpu.memory_space<vmem>>, vector<16xf32>,
      %parallel_loop3A_380 = arith.constant 33 : i32
      %parallel_loop3A_381 = arith.muli %parallel_loop3A_369, %parallel_loop3A_380 : i32
      %parallel_loop3A_382 = arith.constant 16 : i32
      %parallel_loop3A_383 = arith.addi %parallel_loop3A_381, %parallel_loop3A_382 : i32
      %parallel_loop3A_384 = arith.index_cast %parallel_loop3A_383 : i32 to index
      %parallel_loop3A_385 = tpu.vector_load %arg18[%parallel_loop3A_384] {strides = array<i32>} : memref<26400xf32, #tpu.memory_space<vmem>>, vector<16xf32>,
      tpu.vector_store %arg18[%parallel_loop3A_384], %parallel_loop3A_379 {strides = array<i32>} : memref<26400xf32, #tpu.memory_space<vmem>>, vector<16xf32>,
      %parallel_loop3A_386 = arith.constant 11 : i32
      %parallel_loop3A_387 = arith.addi %parallel_loop3A_187, %parallel_loop3A_386 : i32
      %parallel_loop3A_388 = arith.index_cast %parallel_loop3A_387 : i32 to index
      %parallel_loop3A_389 = arith.constant 0 : index
      %parallel_loop3A_390 = tpu.vector_load %arg14[%parallel_loop3A_388, %parallel_loop3A_389] {strides = array<i32>} : memref<800x16xf32, #tpu.memory_space<vmem>>, vector<16xf32>,
      %parallel_loop3A_391 = arith.constant 33 : i32
      %parallel_loop3A_392 = arith.muli %parallel_loop3A_387, %parallel_loop3A_391 : i32
      %parallel_loop3A_393 = arith.index_cast %parallel_loop3A_392 : i32 to index
      %parallel_loop3A_394 = tpu.vector_load %arg18[%parallel_loop3A_393] {strides = array<i32>} : memref<26400xf32, #tpu.memory_space<vmem>>, vector<16xf32>,
      tpu.vector_store %arg18[%parallel_loop3A_393], %parallel_loop3A_390 {strides = array<i32>} : memref<26400xf32, #tpu.memory_space<vmem>>, vector<16xf32>,
      %parallel_loop3A_395 = arith.index_cast %parallel_loop3A_387 : i32 to index
      %parallel_loop3A_396 = arith.constant 0 : index
      %parallel_loop3A_397 = tpu.vector_load %arg16[%parallel_loop3A_395, %parallel_loop3A_396] {strides = array<i32>} : memref<800x16xf32, #tpu.memory_space<vmem>>, vector<16xf32>,
      %parallel_loop3A_398 = arith.constant 33 : i32
      %parallel_loop3A_399 = arith.muli %parallel_loop3A_387, %parallel_loop3A_398 : i32
      %parallel_loop3A_400 = arith.constant 16 : i32
      %parallel_loop3A_401 = arith.addi %parallel_loop3A_399, %parallel_loop3A_400 : i32
      %parallel_loop3A_402 = arith.index_cast %parallel_loop3A_401 : i32 to index
      %parallel_loop3A_403 = tpu.vector_load %arg18[%parallel_loop3A_402] {strides = array<i32>} : memref<26400xf32, #tpu.memory_space<vmem>>, vector<16xf32>,
      tpu.vector_store %arg18[%parallel_loop3A_402], %parallel_loop3A_397 {strides = array<i32>} : memref<26400xf32, #tpu.memory_space<vmem>>, vector<16xf32>,
      %parallel_loop3A_404 = arith.constant 12 : i32
      %parallel_loop3A_405 = arith.addi %parallel_loop3A_187, %parallel_loop3A_404 : i32
      %parallel_loop3A_406 = arith.index_cast %parallel_loop3A_405 : i32 to index
      %parallel_loop3A_407 = arith.constant 0 : index
      %parallel_loop3A_408 = tpu.vector_load %arg14[%parallel_loop3A_406, %parallel_loop3A_407] {strides = array<i32>} : memref<800x16xf32, #tpu.memory_space<vmem>>, vector<16xf32>,
      %parallel_loop3A_409 = arith.constant 33 : i32
      %parallel_loop3A_410 = arith.muli %parallel_loop3A_405, %parallel_loop3A_409 : i32
      %parallel_loop3A_411 = arith.index_cast %parallel_loop3A_410 : i32 to index
      %parallel_loop3A_412 = tpu.vector_load %arg18[%parallel_loop3A_411] {strides = array<i32>} : memref<26400xf32, #tpu.memory_space<vmem>>, vector<16xf32>,
      tpu.vector_store %arg18[%parallel_loop3A_411], %parallel_loop3A_408 {strides = array<i32>} : memref<26400xf32, #tpu.memory_space<vmem>>, vector<16xf32>,
      %parallel_loop3A_413 = arith.index_cast %parallel_loop3A_405 : i32 to index
      %parallel_loop3A_414 = arith.constant 0 : index
      %parallel_loop3A_415 = tpu.vector_load %arg16[%parallel_loop3A_413, %parallel_loop3A_414] {strides = array<i32>} : memref<800x16xf32, #tpu.memory_space<vmem>>, vector<16xf32>,
      %parallel_loop3A_416 = arith.constant 33 : i32
      %parallel_loop3A_417 = arith.muli %parallel_loop3A_405, %parallel_loop3A_416 : i32
      %parallel_loop3A_418 = arith.constant 16 : i32
      %parallel_loop3A_419 = arith.addi %parallel_loop3A_417, %parallel_loop3A_418 : i32
      %parallel_loop3A_420 = arith.index_cast %parallel_loop3A_419 : i32 to index
      %parallel_loop3A_421 = tpu.vector_load %arg18[%parallel_loop3A_420] {strides = array<i32>} : memref<26400xf32, #tpu.memory_space<vmem>>, vector<16xf32>,
      tpu.vector_store %arg18[%parallel_loop3A_420], %parallel_loop3A_415 {strides = array<i32>} : memref<26400xf32, #tpu.memory_space<vmem>>, vector<16xf32>,
      %parallel_loop3A_422 = arith.constant 13 : i32
      %parallel_loop3A_423 = arith.addi %parallel_loop3A_187, %parallel_loop3A_422 : i32
      %parallel_loop3A_424 = arith.index_cast %parallel_loop3A_423 : i32 to index
      %parallel_loop3A_425 = arith.constant 0 : index
      %parallel_loop3A_426 = tpu.vector_load %arg14[%parallel_loop3A_424, %parallel_loop3A_425] {strides = array<i32>} : memref<800x16xf32, #tpu.memory_space<vmem>>, vector<16xf32>,
      %parallel_loop3A_427 = arith.constant 33 : i32
      %parallel_loop3A_428 = arith.muli %parallel_loop3A_423, %parallel_loop3A_427 : i32
      %parallel_loop3A_429 = arith.index_cast %parallel_loop3A_428 : i32 to index
      %parallel_loop3A_430 = tpu.vector_load %arg18[%parallel_loop3A_429] {strides = array<i32>} : memref<26400xf32, #tpu.memory_space<vmem>>, vector<16xf32>,
      tpu.vector_store %arg18[%parallel_loop3A_429], %parallel_loop3A_426 {strides = array<i32>} : memref<26400xf32, #tpu.memory_space<vmem>>, vector<16xf32>,
      %parallel_loop3A_431 = arith.index_cast %parallel_loop3A_423 : i32 to index
      %parallel_loop3A_432 = arith.constant 0 : index
      %parallel_loop3A_433 = tpu.vector_load %arg16[%parallel_loop3A_431, %parallel_loop3A_432] {strides = array<i32>} : memref<800x16xf32, #tpu.memory_space<vmem>>, vector<16xf32>,
      %parallel_loop3A_434 = arith.constant 33 : i32
      %parallel_loop3A_435 = arith.muli %parallel_loop3A_423, %parallel_loop3A_434 : i32
      %parallel_loop3A_436 = arith.constant 16 : i32
      %parallel_loop3A_437 = arith.addi %parallel_loop3A_435, %parallel_loop3A_436 : i32
      %parallel_loop3A_438 = arith.index_cast %parallel_loop3A_437 : i32 to index
      %parallel_loop3A_439 = tpu.vector_load %arg18[%parallel_loop3A_438] {strides = array<i32>} : memref<26400xf32, #tpu.memory_space<vmem>>, vector<16xf32>,
      tpu.vector_store %arg18[%parallel_loop3A_438], %parallel_loop3A_433 {strides = array<i32>} : memref<26400xf32, #tpu.memory_space<vmem>>, vector<16xf32>,
      %parallel_loop3A_440 = arith.constant 14 : i32
      %parallel_loop3A_441 = arith.addi %parallel_loop3A_187, %parallel_loop3A_440 : i32
      %parallel_loop3A_442 = arith.index_cast %parallel_loop3A_441 : i32 to index
      %parallel_loop3A_443 = arith.constant 0 : index
      %parallel_loop3A_444 = tpu.vector_load %arg14[%parallel_loop3A_442, %parallel_loop3A_443] {strides = array<i32>} : memref<800x16xf32, #tpu.memory_space<vmem>>, vector<16xf32>,
      %parallel_loop3A_445 = arith.constant 33 : i32
      %parallel_loop3A_446 = arith.muli %parallel_loop3A_441, %parallel_loop3A_445 : i32
      %parallel_loop3A_447 = arith.index_cast %parallel_loop3A_446 : i32 to index
      %parallel_loop3A_448 = tpu.vector_load %arg18[%parallel_loop3A_447] {strides = array<i32>} : memref<26400xf32, #tpu.memory_space<vmem>>, vector<16xf32>,
      tpu.vector_store %arg18[%parallel_loop3A_447], %parallel_loop3A_444 {strides = array<i32>} : memref<26400xf32, #tpu.memory_space<vmem>>, vector<16xf32>,
      %parallel_loop3A_449 = arith.index_cast %parallel_loop3A_441 : i32 to index
      %parallel_loop3A_450 = arith.constant 0 : index
      %parallel_loop3A_451 = tpu.vector_load %arg16[%parallel_loop3A_449, %parallel_loop3A_450] {strides = array<i32>} : memref<800x16xf32, #tpu.memory_space<vmem>>, vector<16xf32>,
      %parallel_loop3A_452 = arith.constant 33 : i32
      %parallel_loop3A_453 = arith.muli %parallel_loop3A_441, %parallel_loop3A_452 : i32
      %parallel_loop3A_454 = arith.constant 16 : i32
      %parallel_loop3A_455 = arith.addi %parallel_loop3A_453, %parallel_loop3A_454 : i32
      %parallel_loop3A_456 = arith.index_cast %parallel_loop3A_455 : i32 to index
      %parallel_loop3A_457 = tpu.vector_load %arg18[%parallel_loop3A_456] {strides = array<i32>} : memref<26400xf32, #tpu.memory_space<vmem>>, vector<16xf32>,
      tpu.vector_store %arg18[%parallel_loop3A_456], %parallel_loop3A_451 {strides = array<i32>} : memref<26400xf32, #tpu.memory_space<vmem>>, vector<16xf32>,
      %parallel_loop3A_458 = arith.constant 15 : i32
      %parallel_loop3A_459 = arith.addi %parallel_loop3A_187, %parallel_loop3A_458 : i32
      %parallel_loop3A_460 = arith.index_cast %parallel_loop3A_459 : i32 to index
      %parallel_loop3A_461 = arith.constant 0 : index
      %parallel_loop3A_462 = tpu.vector_load %arg14[%parallel_loop3A_460, %parallel_loop3A_461] {strides = array<i32>} : memref<800x16xf32, #tpu.memory_space<vmem>>, vector<16xf32>,
      %parallel_loop3A_463 = arith.constant 33 : i32
      %parallel_loop3A_464 = arith.muli %parallel_loop3A_459, %parallel_loop3A_463 : i32
      %parallel_loop3A_465 = arith.index_cast %parallel_loop3A_464 : i32 to index
      %parallel_loop3A_466 = tpu.vector_load %arg18[%parallel_loop3A_465] {strides = array<i32>} : memref<26400xf32, #tpu.memory_space<vmem>>, vector<16xf32>,
      tpu.vector_store %arg18[%parallel_loop3A_465], %parallel_loop3A_462 {strides = array<i32>} : memref<26400xf32, #tpu.memory_space<vmem>>, vector<16xf32>,
      %parallel_loop3A_467 = arith.index_cast %parallel_loop3A_459 : i32 to index
      %parallel_loop3A_468 = arith.constant 0 : index
      %parallel_loop3A_469 = tpu.vector_load %arg16[%parallel_loop3A_467, %parallel_loop3A_468] {strides = array<i32>} : memref<800x16xf32, #tpu.memory_space<vmem>>, vector<16xf32>,
      %parallel_loop3A_470 = arith.constant 33 : i32
      %parallel_loop3A_471 = arith.muli %parallel_loop3A_459, %parallel_loop3A_470 : i32
      %parallel_loop3A_472 = arith.constant 16 : i32
      %parallel_loop3A_473 = arith.addi %parallel_loop3A_471, %parallel_loop3A_472 : i32
      %parallel_loop3A_474 = arith.index_cast %parallel_loop3A_473 : i32 to index
      %parallel_loop3A_475 = tpu.vector_load %arg18[%parallel_loop3A_474] {strides = array<i32>} : memref<26400xf32, #tpu.memory_space<vmem>>, vector<16xf32>,
      tpu.vector_store %arg18[%parallel_loop3A_474], %parallel_loop3A_469 {strides = array<i32>} : memref<26400xf32, #tpu.memory_space<vmem>>, vector<16xf32>,
      %parallel_loop3A_476 = arith.index_cast %parallel_loop3A_187 : i32 to index
      %parallel_loop3A_477 = tpu.vector_load %arg12[%parallel_loop3A_476] {strides = array<i32>} : memref<800xf32, #tpu.memory_space<vmem>>, vector<16xf32>,
      %parallel_loop3A_478 = math.absf %parallel_loop3A_477 : vector<16xf32>
      %parallel_loop3A_479 = arith.constant 1.000000e+00 : f32
      %parallel_loop3A_480 = vector.broadcast %parallel_loop3A_479 : f32 to vector<16xf32>
      %parallel_loop3A_481 = arith.addf %parallel_loop3A_480, %parallel_loop3A_478 : vector<16xf32>
      %parallel_loop3A_482 = tpu.bitcast %parallel_loop3A_481 : vector<16xf32> -> vector<16xi32>
      %parallel_loop3A_483 = arith.constant 4913933 : i32
      %parallel_loop3A_484 = vector.broadcast %parallel_loop3A_483 : i32 to vector<16xi32>
      %parallel_loop3A_485 = arith.addi %parallel_loop3A_482, %parallel_loop3A_484 : vector<16xi32>
      %parallel_loop3A_486 = arith.constant 23 : i32
      %parallel_loop3A_487 = vector.broadcast %parallel_loop3A_486 : i32 to vector<16xi32>
      %parallel_loop3A_488 = arith.shrsi %parallel_loop3A_485, %parallel_loop3A_487 : vector<16xi32>
      %parallel_loop3A_489 = arith.constant 127 : i32
      %parallel_loop3A_490 = vector.broadcast %parallel_loop3A_489 : i32 to vector<16xi32>
      %parallel_loop3A_491 = arith.subi %parallel_loop3A_488, %parallel_loop3A_490 : vector<16xi32>
      %parallel_loop3A_492 = arith.constant 8388607 : i32
      %parallel_loop3A_493 = vector.broadcast %parallel_loop3A_492 : i32 to vector<16xi32>
      %parallel_loop3A_494 = arith.andi %parallel_loop3A_485, %parallel_loop3A_493 : vector<16xi32>
      %parallel_loop3A_495 = arith.constant 1060439283 : i32
      %parallel_loop3A_496 = vector.broadcast %parallel_loop3A_495 : i32 to vector<16xi32>
      %parallel_loop3A_497 = arith.addi %parallel_loop3A_494, %parallel_loop3A_496 : vector<16xi32>
      %parallel_loop3A_498 = tpu.bitcast %parallel_loop3A_497 : vector<16xi32> -> vector<16xf32>
      %parallel_loop3A_499 = arith.constant 1.000000e+00 : f32
      %parallel_loop3A_500 = vector.broadcast %parallel_loop3A_499 : f32 to vector<16xf32>
      %parallel_loop3A_501 = arith.subf %parallel_loop3A_498, %parallel_loop3A_500 : vector<16xf32>
      %parallel_loop3A_502 = arith.constant 1.000000e+00 : f32
      %parallel_loop3A_503 = vector.broadcast %parallel_loop3A_502 : f32 to vector<16xf32>
      %parallel_loop3A_504 = arith.addf %parallel_loop3A_498, %parallel_loop3A_503 : vector<16xf32>
      %parallel_loop3A_505 = arith.divf %parallel_loop3A_501, %parallel_loop3A_504 : vector<16xf32>
      %parallel_loop3A_506 = arith.mulf %parallel_loop3A_505, %parallel_loop3A_505 : vector<16xf32>
      %parallel_loop3A_507 = arith.constant 2.000000e+00 : f32
      %parallel_loop3A_508 = vector.broadcast %parallel_loop3A_507 : f32 to vector<16xf32>
      %parallel_loop3A_509 = arith.mulf %parallel_loop3A_508, %parallel_loop3A_505 : vector<16xf32>
      %parallel_loop3A_510 = arith.constant 0.111111112 : f32
      %parallel_loop3A_511 = vector.broadcast %parallel_loop3A_510 : f32 to vector<16xf32>
      %parallel_loop3A_512 = arith.mulf %parallel_loop3A_506, %parallel_loop3A_511 : vector<16xf32>
      %parallel_loop3A_513 = arith.constant 0.142857149 : f32
      %parallel_loop3A_514 = vector.broadcast %parallel_loop3A_513 : f32 to vector<16xf32>
      %parallel_loop3A_515 = arith.addf %parallel_loop3A_514, %parallel_loop3A_512 : vector<16xf32>
      %parallel_loop3A_516 = arith.mulf %parallel_loop3A_506, %parallel_loop3A_515 : vector<16xf32>
      %parallel_loop3A_517 = arith.constant 2.000000e-01 : f32
      %parallel_loop3A_518 = vector.broadcast %parallel_loop3A_517 : f32 to vector<16xf32>
      %parallel_loop3A_519 = arith.addf %parallel_loop3A_518, %parallel_loop3A_516 : vector<16xf32>
      %parallel_loop3A_520 = arith.mulf %parallel_loop3A_506, %parallel_loop3A_519 : vector<16xf32>
      %parallel_loop3A_521 = arith.constant 0.333333343 : f32
      %parallel_loop3A_522 = vector.broadcast %parallel_loop3A_521 : f32 to vector<16xf32>
      %parallel_loop3A_523 = arith.addf %parallel_loop3A_522, %parallel_loop3A_520 : vector<16xf32>
      %parallel_loop3A_524 = arith.mulf %parallel_loop3A_506, %parallel_loop3A_523 : vector<16xf32>
      %parallel_loop3A_525 = arith.constant 1.000000e+00 : f32
      %parallel_loop3A_526 = vector.broadcast %parallel_loop3A_525 : f32 to vector<16xf32>
      %parallel_loop3A_527 = arith.addf %parallel_loop3A_526, %parallel_loop3A_524 : vector<16xf32>
      %parallel_loop3A_528 = arith.mulf %parallel_loop3A_509, %parallel_loop3A_527 : vector<16xf32>
      %parallel_loop3A_529 = arith.sitofp %parallel_loop3A_491 : vector<16xi32> to vector<16xf32>
      %parallel_loop3A_530 = arith.constant 0.693147182 : f32
      %parallel_loop3A_531 = vector.broadcast %parallel_loop3A_530 : f32 to vector<16xf32>
      %parallel_loop3A_532 = arith.mulf %parallel_loop3A_529, %parallel_loop3A_531 : vector<16xf32>
      %parallel_loop3A_533 = arith.addf %parallel_loop3A_532, %parallel_loop3A_528 : vector<16xf32>
      %parallel_loop3A_534 = tpu.bitcast %parallel_loop3A_477 : vector<16xf32> -> vector<16xi32>
      %parallel_loop3A_535 = arith.constant -2147483648 : i32
      %parallel_loop3A_536 = vector.broadcast %parallel_loop3A_535 : i32 to vector<16xi32>
      %parallel_loop3A_537 = arith.andi %parallel_loop3A_534, %parallel_loop3A_536 : vector<16xi32>
      %parallel_loop3A_538 = arith.constant 1065353216 : i32
      %parallel_loop3A_539 = vector.broadcast %parallel_loop3A_538 : i32 to vector<16xi32>
      %parallel_loop3A_540 = arith.ori %parallel_loop3A_539, %parallel_loop3A_537 : vector<16xi32>
      %parallel_loop3A_541 = tpu.bitcast %parallel_loop3A_540 : vector<16xi32> -> vector<16xf32>
      %parallel_loop3A_542 = math.absf %parallel_loop3A_477 : vector<16xf32>
      %parallel_loop3A_543 = arith.constant 0.000000e+00 : f32
      %parallel_loop3A_544 = vector.broadcast %parallel_loop3A_543 : f32 to vector<16xf32>
      %parallel_loop3A_545 = arith.cmpf ogt, %parallel_loop3A_542, %parallel_loop3A_544 : vector<16xf32>
      %parallel_loop3A_546 = arith.select %parallel_loop3A_545, %parallel_loop3A_541, %parallel_loop3A_477 : vector<16xi1>, vector<16xf32>
      %parallel_loop3A_547 = arith.mulf %parallel_loop3A_546, %parallel_loop3A_533 : vector<16xf32>
      %parallel_loop3A_548 = tpu.iota {dimensions = array<i32: 0>} : vector<16xi32>
      %parallel_loop3A_549 = vector.broadcast %parallel_loop3A_187 : i32 to vector<16xi32>
      %parallel_loop3A_550 = arith.addi %parallel_loop3A_549, %parallel_loop3A_548 : vector<16xi32>
      %parallel_loop3A_551 = arith.constant 33 : i32
      %parallel_loop3A_552 = vector.broadcast %parallel_loop3A_551 : i32 to vector<16xi32>
      %parallel_loop3A_553 = arith.muli %parallel_loop3A_550, %parallel_loop3A_552 : vector<16xi32>
      %parallel_loop3A_554 = arith.constant 32 : i32
      %parallel_loop3A_555 = vector.broadcast %parallel_loop3A_554 : i32 to vector<16xi32>
      %parallel_loop3A_556 = arith.addi %parallel_loop3A_553, %parallel_loop3A_555 : vector<16xi32>
      tpu.vector_store_idx %arg18[%parallel_loop3A_556], %parallel_loop3A_547 : memref<26400xf32, #tpu.memory_space<vmem>>[vector<16xi32>], vector<16xf32>,
    } {sc.loop_unroll_factor = 4 : i64, sc.parallel_access}
    %add3A_61 = arith.constant 1600 : i32
    %add3A_62 = arith.addi %mul3A_2, %add3A_61 : i32
    %dma_start3A_63 = tpu.memref_slice %arg2[%add3A_62] : memref<819200xi32, #tpu.memory_space<hbm>> -> memref<800xi32, #tpu.memory_space<hbm>>
    %dma_start3A_64 = tpu.memref_slice %arg2[%add3A_62] : memref<819200xi32, #tpu.memory_space<hbm>> -> memref<800xi32, #tpu.memory_space<hbm>>
    tpu.enqueue_dma source(%dma_start3A_64 : memref<800xi32, #tpu.memory_space<hbm>>) target(%arg8 : memref<800xi32, #tpu.memory_space<vmem>>) target_semaphore(%arg20 : memref<!tpu.dma_semaphore, #tpu.memory_space<semaphore_mem>>)
    %dma_start3A_65 = tpu.memref_slice %arg3[%add3A_62] : memref<819200xi32, #tpu.memory_space<hbm>> -> memref<800xi32, #tpu.memory_space<hbm>>
    %dma_start3A_66 = tpu.memref_slice %arg3[%add3A_62] : memref<819200xi32, #tpu.memory_space<hbm>> -> memref<800xi32, #tpu.memory_space<hbm>>
    tpu.enqueue_dma source(%dma_start3A_66 : memref<800xi32, #tpu.memory_space<hbm>>) target(%arg10 : memref<800xi32, #tpu.memory_space<vmem>>) target_semaphore(%arg20 : memref<!tpu.dma_semaphore, #tpu.memory_space<semaphore_mem>>)
    %dma_start3A_67 = tpu.memref_slice %arg4[%add3A_62] : memref<819200xf32, #tpu.memory_space<hbm>> -> memref<800xf32, #tpu.memory_space<hbm>>
    %dma_start3A_68 = tpu.memref_slice %arg4[%add3A_62] : memref<819200xf32, #tpu.memory_space<hbm>> -> memref<800xf32, #tpu.memory_space<hbm>>
    tpu.enqueue_dma source(%dma_start3A_68 : memref<800xf32, #tpu.memory_space<hbm>>) target(%arg12 : memref<800xf32, #tpu.memory_space<vmem>>) target_semaphore(%arg20 : memref<!tpu.dma_semaphore, #tpu.memory_space<semaphore_mem>>)
    %add3A_69 = arith.constant 0 : i32
    %add3A_70 = arith.addi %mul3A_2, %add3A_69 : i32
    %mul3A_71 = arith.constant 33 : i32
    %mul3A_72 = arith.muli %add3A_70, %mul3A_71 : i32
    %dma_start3A_73 = tpu.memref_slice %arg7[%mul3A_72] : memref<27033600xf32, #tpu.memory_space<hbm>> -> memref<26400xf32, #tpu.memory_space<hbm>>
    %dma_start3A_74 = tpu.memref_slice %arg7[%mul3A_72] : memref<27033600xf32, #tpu.memory_space<hbm>> -> memref<26400xf32, #tpu.memory_space<hbm>>
    tpu.enqueue_dma source(%arg18 : memref<26400xf32, #tpu.memory_space<vmem>>) target(%dma_start3A_74 : memref<26400xf32, #tpu.memory_space<hbm>>) target_semaphore(%arg24 : memref<!tpu.dma_semaphore, #tpu.memory_space<semaphore_mem>>)
    %dma_wait3A_75 = arith.constant 0 : i32
    %dma_wait3A_76 = arith.constant 0 : i32
    %dma_wait3A_77 = tpu.memref_slice %arg5[%dma_wait3A_75, %dma_wait3A_76] : memref<1000000x16xf32, #tpu.memory_space<hbm>> -> memref<1000000x16xf32, #tpu.memory_space<hbm>>
    tpu.wait_indirect_dma semaphore(%arg23 : memref<!tpu.dma_semaphore, #tpu.memory_space<semaphore_mem>>) src(%dma_wait3A_77 : memref<1000000x16xf32, #tpu.memory_space<hbm>>) dst(%arg15 : memref<800x16xf32, #tpu.memory_space<vmem>>)
    %dma_wait3A_78 = arith.constant 0 : i32
    %dma_wait3A_79 = arith.constant 0 : i32
    %dma_wait3A_80 = tpu.memref_slice %arg6[%dma_wait3A_78, %dma_wait3A_79] : memref<100000x16xf32, #tpu.memory_space<hbm>> -> memref<100000x16xf32, #tpu.memory_space<hbm>>
    tpu.wait_indirect_dma semaphore(%arg23 : memref<!tpu.dma_semaphore, #tpu.memory_space<semaphore_mem>>) src(%dma_wait3A_80 : memref<100000x16xf32, #tpu.memory_space<hbm>>) dst(%arg17 : memref<800x16xf32, #tpu.memory_space<vmem>>)
    %dma_wait3A_81 = arith.constant 0 : i32
    %dma_wait3A_82 = tpu.memref_slice %arg2[%dma_wait3A_81] : memref<819200xi32, #tpu.memory_space<hbm>> -> memref<800xi32, #tpu.memory_space<hbm>>
    %dma_wait3A_83 = arith.constant 0 : i32
    %dma_wait3A_84 = tpu.memref_slice %arg2[%dma_wait3A_83] : memref<819200xi32, #tpu.memory_space<hbm>> -> memref<800xi32, #tpu.memory_space<hbm>>
    tpu.wait_dma2 semaphore(%arg20 : memref<!tpu.dma_semaphore, #tpu.memory_space<semaphore_mem>>) src(%dma_wait3A_84 : memref<800xi32, #tpu.memory_space<hbm>>) dst(%arg8 : memref<800xi32, #tpu.memory_space<vmem>>)
    %dma_wait3A_85 = arith.constant 0 : i32
    %dma_wait3A_86 = tpu.memref_slice %arg3[%dma_wait3A_85] : memref<819200xi32, #tpu.memory_space<hbm>> -> memref<800xi32, #tpu.memory_space<hbm>>
    %dma_wait3A_87 = arith.constant 0 : i32
    %dma_wait3A_88 = tpu.memref_slice %arg3[%dma_wait3A_87] : memref<819200xi32, #tpu.memory_space<hbm>> -> memref<800xi32, #tpu.memory_space<hbm>>
    tpu.wait_dma2 semaphore(%arg20 : memref<!tpu.dma_semaphore, #tpu.memory_space<semaphore_mem>>) src(%dma_wait3A_88 : memref<800xi32, #tpu.memory_space<hbm>>) dst(%arg10 : memref<800xi32, #tpu.memory_space<vmem>>)
    %dma_wait3A_89 = arith.constant 0 : i32
    %dma_wait3A_90 = tpu.memref_slice %arg4[%dma_wait3A_89] : memref<819200xf32, #tpu.memory_space<hbm>> -> memref<800xf32, #tpu.memory_space<hbm>>
    %dma_wait3A_91 = arith.constant 0 : i32
    %dma_wait3A_92 = tpu.memref_slice %arg4[%dma_wait3A_91] : memref<819200xf32, #tpu.memory_space<hbm>> -> memref<800xf32, #tpu.memory_space<hbm>>
    tpu.wait_dma2 semaphore(%arg20 : memref<!tpu.dma_semaphore, #tpu.memory_space<semaphore_mem>>) src(%dma_wait3A_92 : memref<800xf32, #tpu.memory_space<hbm>>) dst(%arg12 : memref<800xf32, #tpu.memory_space<vmem>>)
    %dma_start3A_93 = arith.constant 0 : i32
    %dma_start3A_94 = arith.constant 0 : i32
    %dma_start3A_95 = tpu.memref_slice %arg5[%dma_start3A_93, %dma_start3A_94] : memref<1000000x16xf32, #tpu.memory_space<hbm>> -> memref<1000000x16xf32, #tpu.memory_space<hbm>>
    tpu.enqueue_indirect_dma source(%dma_start3A_95 : memref<1000000x16xf32, #tpu.memory_space<hbm>>) target(%arg14 : memref<800x16xf32, #tpu.memory_space<vmem>>) offsets(%arg8 : memref<800xi32, #tpu.memory_space<vmem>>) semaphore(%arg22 : memref<!tpu.dma_semaphore, #tpu.memory_space<semaphore_mem>>)
    %dma_start3A_96 = arith.constant 0 : i32
    %dma_start3A_97 = arith.constant 0 : i32
    %dma_start3A_98 = tpu.memref_slice %arg6[%dma_start3A_96, %dma_start3A_97] : memref<100000x16xf32, #tpu.memory_space<hbm>> -> memref<100000x16xf32, #tpu.memory_space<hbm>>
    tpu.enqueue_indirect_dma source(%dma_start3A_98 : memref<100000x16xf32, #tpu.memory_space<hbm>>) target(%arg16 : memref<800x16xf32, #tpu.memory_space<vmem>>) offsets(%arg10 : memref<800xi32, #tpu.memory_space<vmem>>) semaphore(%arg22 : memref<!tpu.dma_semaphore, #tpu.memory_space<semaphore_mem>>)
    %parallel_loop3A_99 = arith.constant 0 : i32
    %parallel_loop3A_100 = arith.constant 50 : i32
    %parallel_loop3A_101 = arith.constant 1 : i32
    scf.for %parallel_loop3A_185 = %parallel_loop3A_99 to %parallel_loop3A_100 step %parallel_loop3A_101  : i32 {
      %parallel_loop3A_186 = arith.constant 16 : i32
      %parallel_loop3A_187 = arith.muli %parallel_loop3A_185, %parallel_loop3A_186 : i32
      %parallel_loop3A_188 = arith.constant 0 : i32
      %parallel_loop3A_189 = arith.addi %parallel_loop3A_187, %parallel_loop3A_188 : i32
      %parallel_loop3A_190 = arith.index_cast %parallel_loop3A_189 : i32 to index
      %parallel_loop3A_191 = arith.constant 0 : index
      %parallel_loop3A_192 = tpu.vector_load %arg15[%parallel_loop3A_190, %parallel_loop3A_191] {strides = array<i32>} : memref<800x16xf32, #tpu.memory_space<vmem>>, vector<16xf32>,
      %parallel_loop3A_193 = arith.constant 33 : i32
      %parallel_loop3A_194 = arith.muli %parallel_loop3A_189, %parallel_loop3A_193 : i32
      %parallel_loop3A_195 = arith.index_cast %parallel_loop3A_194 : i32 to index
      %parallel_loop3A_196 = tpu.vector_load %arg19[%parallel_loop3A_195] {strides = array<i32>} : memref<26400xf32, #tpu.memory_space<vmem>>, vector<16xf32>,
      tpu.vector_store %arg19[%parallel_loop3A_195], %parallel_loop3A_192 {strides = array<i32>} : memref<26400xf32, #tpu.memory_space<vmem>>, vector<16xf32>,
      %parallel_loop3A_197 = arith.index_cast %parallel_loop3A_189 : i32 to index
      %parallel_loop3A_198 = arith.constant 0 : index
      %parallel_loop3A_199 = tpu.vector_load %arg17[%parallel_loop3A_197, %parallel_loop3A_198] {strides = array<i32>} : memref<800x16xf32, #tpu.memory_space<vmem>>, vector<16xf32>,
      %parallel_loop3A_200 = arith.constant 33 : i32
      %parallel_loop3A_201 = arith.muli %parallel_loop3A_189, %parallel_loop3A_200 : i32
      %parallel_loop3A_202 = arith.constant 16 : i32
      %parallel_loop3A_203 = arith.addi %parallel_loop3A_201, %parallel_loop3A_202 : i32
      %parallel_loop3A_204 = arith.index_cast %parallel_loop3A_203 : i32 to index
      %parallel_loop3A_205 = tpu.vector_load %arg19[%parallel_loop3A_204] {strides = array<i32>} : memref<26400xf32, #tpu.memory_space<vmem>>, vector<16xf32>,
      tpu.vector_store %arg19[%parallel_loop3A_204], %parallel_loop3A_199 {strides = array<i32>} : memref<26400xf32, #tpu.memory_space<vmem>>, vector<16xf32>,
      %parallel_loop3A_206 = arith.constant 1 : i32
      %parallel_loop3A_207 = arith.addi %parallel_loop3A_187, %parallel_loop3A_206 : i32
      %parallel_loop3A_208 = arith.index_cast %parallel_loop3A_207 : i32 to index
      %parallel_loop3A_209 = arith.constant 0 : index
      %parallel_loop3A_210 = tpu.vector_load %arg15[%parallel_loop3A_208, %parallel_loop3A_209] {strides = array<i32>} : memref<800x16xf32, #tpu.memory_space<vmem>>, vector<16xf32>,
      %parallel_loop3A_211 = arith.constant 33 : i32
      %parallel_loop3A_212 = arith.muli %parallel_loop3A_207, %parallel_loop3A_211 : i32
      %parallel_loop3A_213 = arith.index_cast %parallel_loop3A_212 : i32 to index
      %parallel_loop3A_214 = tpu.vector_load %arg19[%parallel_loop3A_213] {strides = array<i32>} : memref<26400xf32, #tpu.memory_space<vmem>>, vector<16xf32>,
      tpu.vector_store %arg19[%parallel_loop3A_213], %parallel_loop3A_210 {strides = array<i32>} : memref<26400xf32, #tpu.memory_space<vmem>>, vector<16xf32>,
      %parallel_loop3A_215 = arith.index_cast %parallel_loop3A_207 : i32 to index
      %parallel_loop3A_216 = arith.constant 0 : index
      %parallel_loop3A_217 = tpu.vector_load %arg17[%parallel_loop3A_215, %parallel_loop3A_216] {strides = array<i32>} : memref<800x16xf32, #tpu.memory_space<vmem>>, vector<16xf32>,
      %parallel_loop3A_218 = arith.constant 33 : i32
      %parallel_loop3A_219 = arith.muli %parallel_loop3A_207, %parallel_loop3A_218 : i32
      %parallel_loop3A_220 = arith.constant 16 : i32
      %parallel_loop3A_221 = arith.addi %parallel_loop3A_219, %parallel_loop3A_220 : i32
      %parallel_loop3A_222 = arith.index_cast %parallel_loop3A_221 : i32 to index
      %parallel_loop3A_223 = tpu.vector_load %arg19[%parallel_loop3A_222] {strides = array<i32>} : memref<26400xf32, #tpu.memory_space<vmem>>, vector<16xf32>,
      tpu.vector_store %arg19[%parallel_loop3A_222], %parallel_loop3A_217 {strides = array<i32>} : memref<26400xf32, #tpu.memory_space<vmem>>, vector<16xf32>,
      %parallel_loop3A_224 = arith.constant 2 : i32
      %parallel_loop3A_225 = arith.addi %parallel_loop3A_187, %parallel_loop3A_224 : i32
      %parallel_loop3A_226 = arith.index_cast %parallel_loop3A_225 : i32 to index
      %parallel_loop3A_227 = arith.constant 0 : index
      %parallel_loop3A_228 = tpu.vector_load %arg15[%parallel_loop3A_226, %parallel_loop3A_227] {strides = array<i32>} : memref<800x16xf32, #tpu.memory_space<vmem>>, vector<16xf32>,
      %parallel_loop3A_229 = arith.constant 33 : i32
      %parallel_loop3A_230 = arith.muli %parallel_loop3A_225, %parallel_loop3A_229 : i32
      %parallel_loop3A_231 = arith.index_cast %parallel_loop3A_230 : i32 to index
      %parallel_loop3A_232 = tpu.vector_load %arg19[%parallel_loop3A_231] {strides = array<i32>} : memref<26400xf32, #tpu.memory_space<vmem>>, vector<16xf32>,
      tpu.vector_store %arg19[%parallel_loop3A_231], %parallel_loop3A_228 {strides = array<i32>} : memref<26400xf32, #tpu.memory_space<vmem>>, vector<16xf32>,
      %parallel_loop3A_233 = arith.index_cast %parallel_loop3A_225 : i32 to index
      %parallel_loop3A_234 = arith.constant 0 : index
      %parallel_loop3A_235 = tpu.vector_load %arg17[%parallel_loop3A_233, %parallel_loop3A_234] {strides = array<i32>} : memref<800x16xf32, #tpu.memory_space<vmem>>, vector<16xf32>,
      %parallel_loop3A_236 = arith.constant 33 : i32
      %parallel_loop3A_237 = arith.muli %parallel_loop3A_225, %parallel_loop3A_236 : i32
      %parallel_loop3A_238 = arith.constant 16 : i32
      %parallel_loop3A_239 = arith.addi %parallel_loop3A_237, %parallel_loop3A_238 : i32
      %parallel_loop3A_240 = arith.index_cast %parallel_loop3A_239 : i32 to index
      %parallel_loop3A_241 = tpu.vector_load %arg19[%parallel_loop3A_240] {strides = array<i32>} : memref<26400xf32, #tpu.memory_space<vmem>>, vector<16xf32>,
      tpu.vector_store %arg19[%parallel_loop3A_240], %parallel_loop3A_235 {strides = array<i32>} : memref<26400xf32, #tpu.memory_space<vmem>>, vector<16xf32>,
      %parallel_loop3A_242 = arith.constant 3 : i32
      %parallel_loop3A_243 = arith.addi %parallel_loop3A_187, %parallel_loop3A_242 : i32
      %parallel_loop3A_244 = arith.index_cast %parallel_loop3A_243 : i32 to index
      %parallel_loop3A_245 = arith.constant 0 : index
      %parallel_loop3A_246 = tpu.vector_load %arg15[%parallel_loop3A_244, %parallel_loop3A_245] {strides = array<i32>} : memref<800x16xf32, #tpu.memory_space<vmem>>, vector<16xf32>,
      %parallel_loop3A_247 = arith.constant 33 : i32
      %parallel_loop3A_248 = arith.muli %parallel_loop3A_243, %parallel_loop3A_247 : i32
      %parallel_loop3A_249 = arith.index_cast %parallel_loop3A_248 : i32 to index
      %parallel_loop3A_250 = tpu.vector_load %arg19[%parallel_loop3A_249] {strides = array<i32>} : memref<26400xf32, #tpu.memory_space<vmem>>, vector<16xf32>,
      tpu.vector_store %arg19[%parallel_loop3A_249], %parallel_loop3A_246 {strides = array<i32>} : memref<26400xf32, #tpu.memory_space<vmem>>, vector<16xf32>,
      %parallel_loop3A_251 = arith.index_cast %parallel_loop3A_243 : i32 to index
      %parallel_loop3A_252 = arith.constant 0 : index
      %parallel_loop3A_253 = tpu.vector_load %arg17[%parallel_loop3A_251, %parallel_loop3A_252] {strides = array<i32>} : memref<800x16xf32, #tpu.memory_space<vmem>>, vector<16xf32>,
      %parallel_loop3A_254 = arith.constant 33 : i32
      %parallel_loop3A_255 = arith.muli %parallel_loop3A_243, %parallel_loop3A_254 : i32
      %parallel_loop3A_256 = arith.constant 16 : i32
      %parallel_loop3A_257 = arith.addi %parallel_loop3A_255, %parallel_loop3A_256 : i32
      %parallel_loop3A_258 = arith.index_cast %parallel_loop3A_257 : i32 to index
      %parallel_loop3A_259 = tpu.vector_load %arg19[%parallel_loop3A_258] {strides = array<i32>} : memref<26400xf32, #tpu.memory_space<vmem>>, vector<16xf32>,
      tpu.vector_store %arg19[%parallel_loop3A_258], %parallel_loop3A_253 {strides = array<i32>} : memref<26400xf32, #tpu.memory_space<vmem>>, vector<16xf32>,
      %parallel_loop3A_260 = arith.constant 4 : i32
      %parallel_loop3A_261 = arith.addi %parallel_loop3A_187, %parallel_loop3A_260 : i32
      %parallel_loop3A_262 = arith.index_cast %parallel_loop3A_261 : i32 to index
      %parallel_loop3A_263 = arith.constant 0 : index
      %parallel_loop3A_264 = tpu.vector_load %arg15[%parallel_loop3A_262, %parallel_loop3A_263] {strides = array<i32>} : memref<800x16xf32, #tpu.memory_space<vmem>>, vector<16xf32>,
      %parallel_loop3A_265 = arith.constant 33 : i32
      %parallel_loop3A_266 = arith.muli %parallel_loop3A_261, %parallel_loop3A_265 : i32
      %parallel_loop3A_267 = arith.index_cast %parallel_loop3A_266 : i32 to index
      %parallel_loop3A_268 = tpu.vector_load %arg19[%parallel_loop3A_267] {strides = array<i32>} : memref<26400xf32, #tpu.memory_space<vmem>>, vector<16xf32>,
      tpu.vector_store %arg19[%parallel_loop3A_267], %parallel_loop3A_264 {strides = array<i32>} : memref<26400xf32, #tpu.memory_space<vmem>>, vector<16xf32>,
      %parallel_loop3A_269 = arith.index_cast %parallel_loop3A_261 : i32 to index
      %parallel_loop3A_270 = arith.constant 0 : index
      %parallel_loop3A_271 = tpu.vector_load %arg17[%parallel_loop3A_269, %parallel_loop3A_270] {strides = array<i32>} : memref<800x16xf32, #tpu.memory_space<vmem>>, vector<16xf32>,
      %parallel_loop3A_272 = arith.constant 33 : i32
      %parallel_loop3A_273 = arith.muli %parallel_loop3A_261, %parallel_loop3A_272 : i32
      %parallel_loop3A_274 = arith.constant 16 : i32
      %parallel_loop3A_275 = arith.addi %parallel_loop3A_273, %parallel_loop3A_274 : i32
      %parallel_loop3A_276 = arith.index_cast %parallel_loop3A_275 : i32 to index
      %parallel_loop3A_277 = tpu.vector_load %arg19[%parallel_loop3A_276] {strides = array<i32>} : memref<26400xf32, #tpu.memory_space<vmem>>, vector<16xf32>,
      tpu.vector_store %arg19[%parallel_loop3A_276], %parallel_loop3A_271 {strides = array<i32>} : memref<26400xf32, #tpu.memory_space<vmem>>, vector<16xf32>,
      %parallel_loop3A_278 = arith.constant 5 : i32
      %parallel_loop3A_279 = arith.addi %parallel_loop3A_187, %parallel_loop3A_278 : i32
      %parallel_loop3A_280 = arith.index_cast %parallel_loop3A_279 : i32 to index
      %parallel_loop3A_281 = arith.constant 0 : index
      %parallel_loop3A_282 = tpu.vector_load %arg15[%parallel_loop3A_280, %parallel_loop3A_281] {strides = array<i32>} : memref<800x16xf32, #tpu.memory_space<vmem>>, vector<16xf32>,
      %parallel_loop3A_283 = arith.constant 33 : i32
      %parallel_loop3A_284 = arith.muli %parallel_loop3A_279, %parallel_loop3A_283 : i32
      %parallel_loop3A_285 = arith.index_cast %parallel_loop3A_284 : i32 to index
      %parallel_loop3A_286 = tpu.vector_load %arg19[%parallel_loop3A_285] {strides = array<i32>} : memref<26400xf32, #tpu.memory_space<vmem>>, vector<16xf32>,
      tpu.vector_store %arg19[%parallel_loop3A_285], %parallel_loop3A_282 {strides = array<i32>} : memref<26400xf32, #tpu.memory_space<vmem>>, vector<16xf32>,
      %parallel_loop3A_287 = arith.index_cast %parallel_loop3A_279 : i32 to index
      %parallel_loop3A_288 = arith.constant 0 : index
      %parallel_loop3A_289 = tpu.vector_load %arg17[%parallel_loop3A_287, %parallel_loop3A_288] {strides = array<i32>} : memref<800x16xf32, #tpu.memory_space<vmem>>, vector<16xf32>,
      %parallel_loop3A_290 = arith.constant 33 : i32
      %parallel_loop3A_291 = arith.muli %parallel_loop3A_279, %parallel_loop3A_290 : i32
      %parallel_loop3A_292 = arith.constant 16 : i32
      %parallel_loop3A_293 = arith.addi %parallel_loop3A_291, %parallel_loop3A_292 : i32
      %parallel_loop3A_294 = arith.index_cast %parallel_loop3A_293 : i32 to index
      %parallel_loop3A_295 = tpu.vector_load %arg19[%parallel_loop3A_294] {strides = array<i32>} : memref<26400xf32, #tpu.memory_space<vmem>>, vector<16xf32>,
      tpu.vector_store %arg19[%parallel_loop3A_294], %parallel_loop3A_289 {strides = array<i32>} : memref<26400xf32, #tpu.memory_space<vmem>>, vector<16xf32>,
      %parallel_loop3A_296 = arith.constant 6 : i32
      %parallel_loop3A_297 = arith.addi %parallel_loop3A_187, %parallel_loop3A_296 : i32
      %parallel_loop3A_298 = arith.index_cast %parallel_loop3A_297 : i32 to index
      %parallel_loop3A_299 = arith.constant 0 : index
      %parallel_loop3A_300 = tpu.vector_load %arg15[%parallel_loop3A_298, %parallel_loop3A_299] {strides = array<i32>} : memref<800x16xf32, #tpu.memory_space<vmem>>, vector<16xf32>,
      %parallel_loop3A_301 = arith.constant 33 : i32
      %parallel_loop3A_302 = arith.muli %parallel_loop3A_297, %parallel_loop3A_301 : i32
      %parallel_loop3A_303 = arith.index_cast %parallel_loop3A_302 : i32 to index
      %parallel_loop3A_304 = tpu.vector_load %arg19[%parallel_loop3A_303] {strides = array<i32>} : memref<26400xf32, #tpu.memory_space<vmem>>, vector<16xf32>,
      tpu.vector_store %arg19[%parallel_loop3A_303], %parallel_loop3A_300 {strides = array<i32>} : memref<26400xf32, #tpu.memory_space<vmem>>, vector<16xf32>,
      %parallel_loop3A_305 = arith.index_cast %parallel_loop3A_297 : i32 to index
      %parallel_loop3A_306 = arith.constant 0 : index
      %parallel_loop3A_307 = tpu.vector_load %arg17[%parallel_loop3A_305, %parallel_loop3A_306] {strides = array<i32>} : memref<800x16xf32, #tpu.memory_space<vmem>>, vector<16xf32>,
      %parallel_loop3A_308 = arith.constant 33 : i32
      %parallel_loop3A_309 = arith.muli %parallel_loop3A_297, %parallel_loop3A_308 : i32
      %parallel_loop3A_310 = arith.constant 16 : i32
      %parallel_loop3A_311 = arith.addi %parallel_loop3A_309, %parallel_loop3A_310 : i32
      %parallel_loop3A_312 = arith.index_cast %parallel_loop3A_311 : i32 to index
      %parallel_loop3A_313 = tpu.vector_load %arg19[%parallel_loop3A_312] {strides = array<i32>} : memref<26400xf32, #tpu.memory_space<vmem>>, vector<16xf32>,
      tpu.vector_store %arg19[%parallel_loop3A_312], %parallel_loop3A_307 {strides = array<i32>} : memref<26400xf32, #tpu.memory_space<vmem>>, vector<16xf32>,
      %parallel_loop3A_314 = arith.constant 7 : i32
      %parallel_loop3A_315 = arith.addi %parallel_loop3A_187, %parallel_loop3A_314 : i32
      %parallel_loop3A_316 = arith.index_cast %parallel_loop3A_315 : i32 to index
      %parallel_loop3A_317 = arith.constant 0 : index
      %parallel_loop3A_318 = tpu.vector_load %arg15[%parallel_loop3A_316, %parallel_loop3A_317] {strides = array<i32>} : memref<800x16xf32, #tpu.memory_space<vmem>>, vector<16xf32>,
      %parallel_loop3A_319 = arith.constant 33 : i32
      %parallel_loop3A_320 = arith.muli %parallel_loop3A_315, %parallel_loop3A_319 : i32
      %parallel_loop3A_321 = arith.index_cast %parallel_loop3A_320 : i32 to index
      %parallel_loop3A_322 = tpu.vector_load %arg19[%parallel_loop3A_321] {strides = array<i32>} : memref<26400xf32, #tpu.memory_space<vmem>>, vector<16xf32>,
      tpu.vector_store %arg19[%parallel_loop3A_321], %parallel_loop3A_318 {strides = array<i32>} : memref<26400xf32, #tpu.memory_space<vmem>>, vector<16xf32>,
      %parallel_loop3A_323 = arith.index_cast %parallel_loop3A_315 : i32 to index
      %parallel_loop3A_324 = arith.constant 0 : index
      %parallel_loop3A_325 = tpu.vector_load %arg17[%parallel_loop3A_323, %parallel_loop3A_324] {strides = array<i32>} : memref<800x16xf32, #tpu.memory_space<vmem>>, vector<16xf32>,
      %parallel_loop3A_326 = arith.constant 33 : i32
      %parallel_loop3A_327 = arith.muli %parallel_loop3A_315, %parallel_loop3A_326 : i32
      %parallel_loop3A_328 = arith.constant 16 : i32
      %parallel_loop3A_329 = arith.addi %parallel_loop3A_327, %parallel_loop3A_328 : i32
      %parallel_loop3A_330 = arith.index_cast %parallel_loop3A_329 : i32 to index
      %parallel_loop3A_331 = tpu.vector_load %arg19[%parallel_loop3A_330] {strides = array<i32>} : memref<26400xf32, #tpu.memory_space<vmem>>, vector<16xf32>,
      tpu.vector_store %arg19[%parallel_loop3A_330], %parallel_loop3A_325 {strides = array<i32>} : memref<26400xf32, #tpu.memory_space<vmem>>, vector<16xf32>,
      %parallel_loop3A_332 = arith.constant 8 : i32
      %parallel_loop3A_333 = arith.addi %parallel_loop3A_187, %parallel_loop3A_332 : i32
      %parallel_loop3A_334 = arith.index_cast %parallel_loop3A_333 : i32 to index
      %parallel_loop3A_335 = arith.constant 0 : index
      %parallel_loop3A_336 = tpu.vector_load %arg15[%parallel_loop3A_334, %parallel_loop3A_335] {strides = array<i32>} : memref<800x16xf32, #tpu.memory_space<vmem>>, vector<16xf32>,
      %parallel_loop3A_337 = arith.constant 33 : i32
      %parallel_loop3A_338 = arith.muli %parallel_loop3A_333, %parallel_loop3A_337 : i32
      %parallel_loop3A_339 = arith.index_cast %parallel_loop3A_338 : i32 to index
      %parallel_loop3A_340 = tpu.vector_load %arg19[%parallel_loop3A_339] {strides = array<i32>} : memref<26400xf32, #tpu.memory_space<vmem>>, vector<16xf32>,
      tpu.vector_store %arg19[%parallel_loop3A_339], %parallel_loop3A_336 {strides = array<i32>} : memref<26400xf32, #tpu.memory_space<vmem>>, vector<16xf32>,
      %parallel_loop3A_341 = arith.index_cast %parallel_loop3A_333 : i32 to index
      %parallel_loop3A_342 = arith.constant 0 : index
      %parallel_loop3A_343 = tpu.vector_load %arg17[%parallel_loop3A_341, %parallel_loop3A_342] {strides = array<i32>} : memref<800x16xf32, #tpu.memory_space<vmem>>, vector<16xf32>,
      %parallel_loop3A_344 = arith.constant 33 : i32
      %parallel_loop3A_345 = arith.muli %parallel_loop3A_333, %parallel_loop3A_344 : i32
      %parallel_loop3A_346 = arith.constant 16 : i32
      %parallel_loop3A_347 = arith.addi %parallel_loop3A_345, %parallel_loop3A_346 : i32
      %parallel_loop3A_348 = arith.index_cast %parallel_loop3A_347 : i32 to index
      %parallel_loop3A_349 = tpu.vector_load %arg19[%parallel_loop3A_348] {strides = array<i32>} : memref<26400xf32, #tpu.memory_space<vmem>>, vector<16xf32>,
      tpu.vector_store %arg19[%parallel_loop3A_348], %parallel_loop3A_343 {strides = array<i32>} : memref<26400xf32, #tpu.memory_space<vmem>>, vector<16xf32>,
      %parallel_loop3A_350 = arith.constant 9 : i32
      %parallel_loop3A_351 = arith.addi %parallel_loop3A_187, %parallel_loop3A_350 : i32
      %parallel_loop3A_352 = arith.index_cast %parallel_loop3A_351 : i32 to index
      %parallel_loop3A_353 = arith.constant 0 : index
      %parallel_loop3A_354 = tpu.vector_load %arg15[%parallel_loop3A_352, %parallel_loop3A_353] {strides = array<i32>} : memref<800x16xf32, #tpu.memory_space<vmem>>, vector<16xf32>,
      %parallel_loop3A_355 = arith.constant 33 : i32
      %parallel_loop3A_356 = arith.muli %parallel_loop3A_351, %parallel_loop3A_355 : i32
      %parallel_loop3A_357 = arith.index_cast %parallel_loop3A_356 : i32 to index
      %parallel_loop3A_358 = tpu.vector_load %arg19[%parallel_loop3A_357] {strides = array<i32>} : memref<26400xf32, #tpu.memory_space<vmem>>, vector<16xf32>,
      tpu.vector_store %arg19[%parallel_loop3A_357], %parallel_loop3A_354 {strides = array<i32>} : memref<26400xf32, #tpu.memory_space<vmem>>, vector<16xf32>,
      %parallel_loop3A_359 = arith.index_cast %parallel_loop3A_351 : i32 to index
      %parallel_loop3A_360 = arith.constant 0 : index
      %parallel_loop3A_361 = tpu.vector_load %arg17[%parallel_loop3A_359, %parallel_loop3A_360] {strides = array<i32>} : memref<800x16xf32, #tpu.memory_space<vmem>>, vector<16xf32>,
      %parallel_loop3A_362 = arith.constant 33 : i32
      %parallel_loop3A_363 = arith.muli %parallel_loop3A_351, %parallel_loop3A_362 : i32
      %parallel_loop3A_364 = arith.constant 16 : i32
      %parallel_loop3A_365 = arith.addi %parallel_loop3A_363, %parallel_loop3A_364 : i32
      %parallel_loop3A_366 = arith.index_cast %parallel_loop3A_365 : i32 to index
      %parallel_loop3A_367 = tpu.vector_load %arg19[%parallel_loop3A_366] {strides = array<i32>} : memref<26400xf32, #tpu.memory_space<vmem>>, vector<16xf32>,
      tpu.vector_store %arg19[%parallel_loop3A_366], %parallel_loop3A_361 {strides = array<i32>} : memref<26400xf32, #tpu.memory_space<vmem>>, vector<16xf32>,
      %parallel_loop3A_368 = arith.constant 10 : i32
      %parallel_loop3A_369 = arith.addi %parallel_loop3A_187, %parallel_loop3A_368 : i32
      %parallel_loop3A_370 = arith.index_cast %parallel_loop3A_369 : i32 to index
      %parallel_loop3A_371 = arith.constant 0 : index
      %parallel_loop3A_372 = tpu.vector_load %arg15[%parallel_loop3A_370, %parallel_loop3A_371] {strides = array<i32>} : memref<800x16xf32, #tpu.memory_space<vmem>>, vector<16xf32>,
      %parallel_loop3A_373 = arith.constant 33 : i32
      %parallel_loop3A_374 = arith.muli %parallel_loop3A_369, %parallel_loop3A_373 : i32
      %parallel_loop3A_375 = arith.index_cast %parallel_loop3A_374 : i32 to index
      %parallel_loop3A_376 = tpu.vector_load %arg19[%parallel_loop3A_375] {strides = array<i32>} : memref<26400xf32, #tpu.memory_space<vmem>>, vector<16xf32>,
      tpu.vector_store %arg19[%parallel_loop3A_375], %parallel_loop3A_372 {strides = array<i32>} : memref<26400xf32, #tpu.memory_space<vmem>>, vector<16xf32>,
      %parallel_loop3A_377 = arith.index_cast %parallel_loop3A_369 : i32 to index
      %parallel_loop3A_378 = arith.constant 0 : index
      %parallel_loop3A_379 = tpu.vector_load %arg17[%parallel_loop3A_377, %parallel_loop3A_378] {strides = array<i32>} : memref<800x16xf32, #tpu.memory_space<vmem>>, vector<16xf32>,
      %parallel_loop3A_380 = arith.constant 33 : i32
      %parallel_loop3A_381 = arith.muli %parallel_loop3A_369, %parallel_loop3A_380 : i32
      %parallel_loop3A_382 = arith.constant 16 : i32
      %parallel_loop3A_383 = arith.addi %parallel_loop3A_381, %parallel_loop3A_382 : i32
      %parallel_loop3A_384 = arith.index_cast %parallel_loop3A_383 : i32 to index
      %parallel_loop3A_385 = tpu.vector_load %arg19[%parallel_loop3A_384] {strides = array<i32>} : memref<26400xf32, #tpu.memory_space<vmem>>, vector<16xf32>,
      tpu.vector_store %arg19[%parallel_loop3A_384], %parallel_loop3A_379 {strides = array<i32>} : memref<26400xf32, #tpu.memory_space<vmem>>, vector<16xf32>,
      %parallel_loop3A_386 = arith.constant 11 : i32
      %parallel_loop3A_387 = arith.addi %parallel_loop3A_187, %parallel_loop3A_386 : i32
      %parallel_loop3A_388 = arith.index_cast %parallel_loop3A_387 : i32 to index
      %parallel_loop3A_389 = arith.constant 0 : index
      %parallel_loop3A_390 = tpu.vector_load %arg15[%parallel_loop3A_388, %parallel_loop3A_389] {strides = array<i32>} : memref<800x16xf32, #tpu.memory_space<vmem>>, vector<16xf32>,
      %parallel_loop3A_391 = arith.constant 33 : i32
      %parallel_loop3A_392 = arith.muli %parallel_loop3A_387, %parallel_loop3A_391 : i32
      %parallel_loop3A_393 = arith.index_cast %parallel_loop3A_392 : i32 to index
      %parallel_loop3A_394 = tpu.vector_load %arg19[%parallel_loop3A_393] {strides = array<i32>} : memref<26400xf32, #tpu.memory_space<vmem>>, vector<16xf32>,
      tpu.vector_store %arg19[%parallel_loop3A_393], %parallel_loop3A_390 {strides = array<i32>} : memref<26400xf32, #tpu.memory_space<vmem>>, vector<16xf32>,
      %parallel_loop3A_395 = arith.index_cast %parallel_loop3A_387 : i32 to index
      %parallel_loop3A_396 = arith.constant 0 : index
      %parallel_loop3A_397 = tpu.vector_load %arg17[%parallel_loop3A_395, %parallel_loop3A_396] {strides = array<i32>} : memref<800x16xf32, #tpu.memory_space<vmem>>, vector<16xf32>,
      %parallel_loop3A_398 = arith.constant 33 : i32
      %parallel_loop3A_399 = arith.muli %parallel_loop3A_387, %parallel_loop3A_398 : i32
      %parallel_loop3A_400 = arith.constant 16 : i32
      %parallel_loop3A_401 = arith.addi %parallel_loop3A_399, %parallel_loop3A_400 : i32
      %parallel_loop3A_402 = arith.index_cast %parallel_loop3A_401 : i32 to index
      %parallel_loop3A_403 = tpu.vector_load %arg19[%parallel_loop3A_402] {strides = array<i32>} : memref<26400xf32, #tpu.memory_space<vmem>>, vector<16xf32>,
      tpu.vector_store %arg19[%parallel_loop3A_402], %parallel_loop3A_397 {strides = array<i32>} : memref<26400xf32, #tpu.memory_space<vmem>>, vector<16xf32>,
      %parallel_loop3A_404 = arith.constant 12 : i32
      %parallel_loop3A_405 = arith.addi %parallel_loop3A_187, %parallel_loop3A_404 : i32
      %parallel_loop3A_406 = arith.index_cast %parallel_loop3A_405 : i32 to index
      %parallel_loop3A_407 = arith.constant 0 : index
      %parallel_loop3A_408 = tpu.vector_load %arg15[%parallel_loop3A_406, %parallel_loop3A_407] {strides = array<i32>} : memref<800x16xf32, #tpu.memory_space<vmem>>, vector<16xf32>,
      %parallel_loop3A_409 = arith.constant 33 : i32
      %parallel_loop3A_410 = arith.muli %parallel_loop3A_405, %parallel_loop3A_409 : i32
      %parallel_loop3A_411 = arith.index_cast %parallel_loop3A_410 : i32 to index
      %parallel_loop3A_412 = tpu.vector_load %arg19[%parallel_loop3A_411] {strides = array<i32>} : memref<26400xf32, #tpu.memory_space<vmem>>, vector<16xf32>,
      tpu.vector_store %arg19[%parallel_loop3A_411], %parallel_loop3A_408 {strides = array<i32>} : memref<26400xf32, #tpu.memory_space<vmem>>, vector<16xf32>,
      %parallel_loop3A_413 = arith.index_cast %parallel_loop3A_405 : i32 to index
      %parallel_loop3A_414 = arith.constant 0 : index
      %parallel_loop3A_415 = tpu.vector_load %arg17[%parallel_loop3A_413, %parallel_loop3A_414] {strides = array<i32>} : memref<800x16xf32, #tpu.memory_space<vmem>>, vector<16xf32>,
      %parallel_loop3A_416 = arith.constant 33 : i32
      %parallel_loop3A_417 = arith.muli %parallel_loop3A_405, %parallel_loop3A_416 : i32
      %parallel_loop3A_418 = arith.constant 16 : i32
      %parallel_loop3A_419 = arith.addi %parallel_loop3A_417, %parallel_loop3A_418 : i32
      %parallel_loop3A_420 = arith.index_cast %parallel_loop3A_419 : i32 to index
      %parallel_loop3A_421 = tpu.vector_load %arg19[%parallel_loop3A_420] {strides = array<i32>} : memref<26400xf32, #tpu.memory_space<vmem>>, vector<16xf32>,
      tpu.vector_store %arg19[%parallel_loop3A_420], %parallel_loop3A_415 {strides = array<i32>} : memref<26400xf32, #tpu.memory_space<vmem>>, vector<16xf32>,
      %parallel_loop3A_422 = arith.constant 13 : i32
      %parallel_loop3A_423 = arith.addi %parallel_loop3A_187, %parallel_loop3A_422 : i32
      %parallel_loop3A_424 = arith.index_cast %parallel_loop3A_423 : i32 to index
      %parallel_loop3A_425 = arith.constant 0 : index
      %parallel_loop3A_426 = tpu.vector_load %arg15[%parallel_loop3A_424, %parallel_loop3A_425] {strides = array<i32>} : memref<800x16xf32, #tpu.memory_space<vmem>>, vector<16xf32>,
      %parallel_loop3A_427 = arith.constant 33 : i32
      %parallel_loop3A_428 = arith.muli %parallel_loop3A_423, %parallel_loop3A_427 : i32
      %parallel_loop3A_429 = arith.index_cast %parallel_loop3A_428 : i32 to index
      %parallel_loop3A_430 = tpu.vector_load %arg19[%parallel_loop3A_429] {strides = array<i32>} : memref<26400xf32, #tpu.memory_space<vmem>>, vector<16xf32>,
      tpu.vector_store %arg19[%parallel_loop3A_429], %parallel_loop3A_426 {strides = array<i32>} : memref<26400xf32, #tpu.memory_space<vmem>>, vector<16xf32>,
      %parallel_loop3A_431 = arith.index_cast %parallel_loop3A_423 : i32 to index
      %parallel_loop3A_432 = arith.constant 0 : index
      %parallel_loop3A_433 = tpu.vector_load %arg17[%parallel_loop3A_431, %parallel_loop3A_432] {strides = array<i32>} : memref<800x16xf32, #tpu.memory_space<vmem>>, vector<16xf32>,
      %parallel_loop3A_434 = arith.constant 33 : i32
      %parallel_loop3A_435 = arith.muli %parallel_loop3A_423, %parallel_loop3A_434 : i32
      %parallel_loop3A_436 = arith.constant 16 : i32
      %parallel_loop3A_437 = arith.addi %parallel_loop3A_435, %parallel_loop3A_436 : i32
      %parallel_loop3A_438 = arith.index_cast %parallel_loop3A_437 : i32 to index
      %parallel_loop3A_439 = tpu.vector_load %arg19[%parallel_loop3A_438] {strides = array<i32>} : memref<26400xf32, #tpu.memory_space<vmem>>, vector<16xf32>,
      tpu.vector_store %arg19[%parallel_loop3A_438], %parallel_loop3A_433 {strides = array<i32>} : memref<26400xf32, #tpu.memory_space<vmem>>, vector<16xf32>,
      %parallel_loop3A_440 = arith.constant 14 : i32
      %parallel_loop3A_441 = arith.addi %parallel_loop3A_187, %parallel_loop3A_440 : i32
      %parallel_loop3A_442 = arith.index_cast %parallel_loop3A_441 : i32 to index
      %parallel_loop3A_443 = arith.constant 0 : index
      %parallel_loop3A_444 = tpu.vector_load %arg15[%parallel_loop3A_442, %parallel_loop3A_443] {strides = array<i32>} : memref<800x16xf32, #tpu.memory_space<vmem>>, vector<16xf32>,
      %parallel_loop3A_445 = arith.constant 33 : i32
      %parallel_loop3A_446 = arith.muli %parallel_loop3A_441, %parallel_loop3A_445 : i32
      %parallel_loop3A_447 = arith.index_cast %parallel_loop3A_446 : i32 to index
      %parallel_loop3A_448 = tpu.vector_load %arg19[%parallel_loop3A_447] {strides = array<i32>} : memref<26400xf32, #tpu.memory_space<vmem>>, vector<16xf32>,
      tpu.vector_store %arg19[%parallel_loop3A_447], %parallel_loop3A_444 {strides = array<i32>} : memref<26400xf32, #tpu.memory_space<vmem>>, vector<16xf32>,
      %parallel_loop3A_449 = arith.index_cast %parallel_loop3A_441 : i32 to index
      %parallel_loop3A_450 = arith.constant 0 : index
      %parallel_loop3A_451 = tpu.vector_load %arg17[%parallel_loop3A_449, %parallel_loop3A_450] {strides = array<i32>} : memref<800x16xf32, #tpu.memory_space<vmem>>, vector<16xf32>,
      %parallel_loop3A_452 = arith.constant 33 : i32
      %parallel_loop3A_453 = arith.muli %parallel_loop3A_441, %parallel_loop3A_452 : i32
      %parallel_loop3A_454 = arith.constant 16 : i32
      %parallel_loop3A_455 = arith.addi %parallel_loop3A_453, %parallel_loop3A_454 : i32
      %parallel_loop3A_456 = arith.index_cast %parallel_loop3A_455 : i32 to index
      %parallel_loop3A_457 = tpu.vector_load %arg19[%parallel_loop3A_456] {strides = array<i32>} : memref<26400xf32, #tpu.memory_space<vmem>>, vector<16xf32>,
      tpu.vector_store %arg19[%parallel_loop3A_456], %parallel_loop3A_451 {strides = array<i32>} : memref<26400xf32, #tpu.memory_space<vmem>>, vector<16xf32>,
      %parallel_loop3A_458 = arith.constant 15 : i32
      %parallel_loop3A_459 = arith.addi %parallel_loop3A_187, %parallel_loop3A_458 : i32
      %parallel_loop3A_460 = arith.index_cast %parallel_loop3A_459 : i32 to index
      %parallel_loop3A_461 = arith.constant 0 : index
      %parallel_loop3A_462 = tpu.vector_load %arg15[%parallel_loop3A_460, %parallel_loop3A_461] {strides = array<i32>} : memref<800x16xf32, #tpu.memory_space<vmem>>, vector<16xf32>,
      %parallel_loop3A_463 = arith.constant 33 : i32
      %parallel_loop3A_464 = arith.muli %parallel_loop3A_459, %parallel_loop3A_463 : i32
      %parallel_loop3A_465 = arith.index_cast %parallel_loop3A_464 : i32 to index
      %parallel_loop3A_466 = tpu.vector_load %arg19[%parallel_loop3A_465] {strides = array<i32>} : memref<26400xf32, #tpu.memory_space<vmem>>, vector<16xf32>,
      tpu.vector_store %arg19[%parallel_loop3A_465], %parallel_loop3A_462 {strides = array<i32>} : memref<26400xf32, #tpu.memory_space<vmem>>, vector<16xf32>,
      %parallel_loop3A_467 = arith.index_cast %parallel_loop3A_459 : i32 to index
      %parallel_loop3A_468 = arith.constant 0 : index
      %parallel_loop3A_469 = tpu.vector_load %arg17[%parallel_loop3A_467, %parallel_loop3A_468] {strides = array<i32>} : memref<800x16xf32, #tpu.memory_space<vmem>>, vector<16xf32>,
      %parallel_loop3A_470 = arith.constant 33 : i32
      %parallel_loop3A_471 = arith.muli %parallel_loop3A_459, %parallel_loop3A_470 : i32
      %parallel_loop3A_472 = arith.constant 16 : i32
      %parallel_loop3A_473 = arith.addi %parallel_loop3A_471, %parallel_loop3A_472 : i32
      %parallel_loop3A_474 = arith.index_cast %parallel_loop3A_473 : i32 to index
      %parallel_loop3A_475 = tpu.vector_load %arg19[%parallel_loop3A_474] {strides = array<i32>} : memref<26400xf32, #tpu.memory_space<vmem>>, vector<16xf32>,
      tpu.vector_store %arg19[%parallel_loop3A_474], %parallel_loop3A_469 {strides = array<i32>} : memref<26400xf32, #tpu.memory_space<vmem>>, vector<16xf32>,
      %parallel_loop3A_476 = arith.index_cast %parallel_loop3A_187 : i32 to index
      %parallel_loop3A_477 = tpu.vector_load %arg13[%parallel_loop3A_476] {strides = array<i32>} : memref<800xf32, #tpu.memory_space<vmem>>, vector<16xf32>,
      %parallel_loop3A_478 = math.absf %parallel_loop3A_477 : vector<16xf32>
      %parallel_loop3A_479 = arith.constant 1.000000e+00 : f32
      %parallel_loop3A_480 = vector.broadcast %parallel_loop3A_479 : f32 to vector<16xf32>
      %parallel_loop3A_481 = arith.addf %parallel_loop3A_480, %parallel_loop3A_478 : vector<16xf32>
      %parallel_loop3A_482 = tpu.bitcast %parallel_loop3A_481 : vector<16xf32> -> vector<16xi32>
      %parallel_loop3A_483 = arith.constant 4913933 : i32
      %parallel_loop3A_484 = vector.broadcast %parallel_loop3A_483 : i32 to vector<16xi32>
      %parallel_loop3A_485 = arith.addi %parallel_loop3A_482, %parallel_loop3A_484 : vector<16xi32>
      %parallel_loop3A_486 = arith.constant 23 : i32
      %parallel_loop3A_487 = vector.broadcast %parallel_loop3A_486 : i32 to vector<16xi32>
      %parallel_loop3A_488 = arith.shrsi %parallel_loop3A_485, %parallel_loop3A_487 : vector<16xi32>
      %parallel_loop3A_489 = arith.constant 127 : i32
      %parallel_loop3A_490 = vector.broadcast %parallel_loop3A_489 : i32 to vector<16xi32>
      %parallel_loop3A_491 = arith.subi %parallel_loop3A_488, %parallel_loop3A_490 : vector<16xi32>
      %parallel_loop3A_492 = arith.constant 8388607 : i32
      %parallel_loop3A_493 = vector.broadcast %parallel_loop3A_492 : i32 to vector<16xi32>
      %parallel_loop3A_494 = arith.andi %parallel_loop3A_485, %parallel_loop3A_493 : vector<16xi32>
      %parallel_loop3A_495 = arith.constant 1060439283 : i32
      %parallel_loop3A_496 = vector.broadcast %parallel_loop3A_495 : i32 to vector<16xi32>
      %parallel_loop3A_497 = arith.addi %parallel_loop3A_494, %parallel_loop3A_496 : vector<16xi32>
      %parallel_loop3A_498 = tpu.bitcast %parallel_loop3A_497 : vector<16xi32> -> vector<16xf32>
      %parallel_loop3A_499 = arith.constant 1.000000e+00 : f32
      %parallel_loop3A_500 = vector.broadcast %parallel_loop3A_499 : f32 to vector<16xf32>
      %parallel_loop3A_501 = arith.subf %parallel_loop3A_498, %parallel_loop3A_500 : vector<16xf32>
      %parallel_loop3A_502 = arith.constant 1.000000e+00 : f32
      %parallel_loop3A_503 = vector.broadcast %parallel_loop3A_502 : f32 to vector<16xf32>
      %parallel_loop3A_504 = arith.addf %parallel_loop3A_498, %parallel_loop3A_503 : vector<16xf32>
      %parallel_loop3A_505 = arith.divf %parallel_loop3A_501, %parallel_loop3A_504 : vector<16xf32>
      %parallel_loop3A_506 = arith.mulf %parallel_loop3A_505, %parallel_loop3A_505 : vector<16xf32>
      %parallel_loop3A_507 = arith.constant 2.000000e+00 : f32
      %parallel_loop3A_508 = vector.broadcast %parallel_loop3A_507 : f32 to vector<16xf32>
      %parallel_loop3A_509 = arith.mulf %parallel_loop3A_508, %parallel_loop3A_505 : vector<16xf32>
      %parallel_loop3A_510 = arith.constant 0.111111112 : f32
      %parallel_loop3A_511 = vector.broadcast %parallel_loop3A_510 : f32 to vector<16xf32>
      %parallel_loop3A_512 = arith.mulf %parallel_loop3A_506, %parallel_loop3A_511 : vector<16xf32>
      %parallel_loop3A_513 = arith.constant 0.142857149 : f32
      %parallel_loop3A_514 = vector.broadcast %parallel_loop3A_513 : f32 to vector<16xf32>
      %parallel_loop3A_515 = arith.addf %parallel_loop3A_514, %parallel_loop3A_512 : vector<16xf32>
      %parallel_loop3A_516 = arith.mulf %parallel_loop3A_506, %parallel_loop3A_515 : vector<16xf32>
      %parallel_loop3A_517 = arith.constant 2.000000e-01 : f32
      %parallel_loop3A_518 = vector.broadcast %parallel_loop3A_517 : f32 to vector<16xf32>
      %parallel_loop3A_519 = arith.addf %parallel_loop3A_518, %parallel_loop3A_516 : vector<16xf32>
      %parallel_loop3A_520 = arith.mulf %parallel_loop3A_506, %parallel_loop3A_519 : vector<16xf32>
      %parallel_loop3A_521 = arith.constant 0.333333343 : f32
      %parallel_loop3A_522 = vector.broadcast %parallel_loop3A_521 : f32 to vector<16xf32>
      %parallel_loop3A_523 = arith.addf %parallel_loop3A_522, %parallel_loop3A_520 : vector<16xf32>
      %parallel_loop3A_524 = arith.mulf %parallel_loop3A_506, %parallel_loop3A_523 : vector<16xf32>
      %parallel_loop3A_525 = arith.constant 1.000000e+00 : f32
      %parallel_loop3A_526 = vector.broadcast %parallel_loop3A_525 : f32 to vector<16xf32>
      %parallel_loop3A_527 = arith.addf %parallel_loop3A_526, %parallel_loop3A_524 : vector<16xf32>
      %parallel_loop3A_528 = arith.mulf %parallel_loop3A_509, %parallel_loop3A_527 : vector<16xf32>
      %parallel_loop3A_529 = arith.sitofp %parallel_loop3A_491 : vector<16xi32> to vector<16xf32>
      %parallel_loop3A_530 = arith.constant 0.693147182 : f32
      %parallel_loop3A_531 = vector.broadcast %parallel_loop3A_530 : f32 to vector<16xf32>
      %parallel_loop3A_532 = arith.mulf %parallel_loop3A_529, %parallel_loop3A_531 : vector<16xf32>
      %parallel_loop3A_533 = arith.addf %parallel_loop3A_532, %parallel_loop3A_528 : vector<16xf32>
      %parallel_loop3A_534 = tpu.bitcast %parallel_loop3A_477 : vector<16xf32> -> vector<16xi32>
      %parallel_loop3A_535 = arith.constant -2147483648 : i32
      %parallel_loop3A_536 = vector.broadcast %parallel_loop3A_535 : i32 to vector<16xi32>
      %parallel_loop3A_537 = arith.andi %parallel_loop3A_534, %parallel_loop3A_536 : vector<16xi32>
      %parallel_loop3A_538 = arith.constant 1065353216 : i32
      %parallel_loop3A_539 = vector.broadcast %parallel_loop3A_538 : i32 to vector<16xi32>
      %parallel_loop3A_540 = arith.ori %parallel_loop3A_539, %parallel_loop3A_537 : vector<16xi32>
      %parallel_loop3A_541 = tpu.bitcast %parallel_loop3A_540 : vector<16xi32> -> vector<16xf32>
      %parallel_loop3A_542 = math.absf %parallel_loop3A_477 : vector<16xf32>
      %parallel_loop3A_543 = arith.constant 0.000000e+00 : f32
      %parallel_loop3A_544 = vector.broadcast %parallel_loop3A_543 : f32 to vector<16xf32>
      %parallel_loop3A_545 = arith.cmpf ogt, %parallel_loop3A_542, %parallel_loop3A_544 : vector<16xf32>
      %parallel_loop3A_546 = arith.select %parallel_loop3A_545, %parallel_loop3A_541, %parallel_loop3A_477 : vector<16xi1>, vector<16xf32>
      %parallel_loop3A_547 = arith.mulf %parallel_loop3A_546, %parallel_loop3A_533 : vector<16xf32>
      %parallel_loop3A_548 = tpu.iota {dimensions = array<i32: 0>} : vector<16xi32>
      %parallel_loop3A_549 = vector.broadcast %parallel_loop3A_187 : i32 to vector<16xi32>
      %parallel_loop3A_550 = arith.addi %parallel_loop3A_549, %parallel_loop3A_548 : vector<16xi32>
      %parallel_loop3A_551 = arith.constant 33 : i32
      %parallel_loop3A_552 = vector.broadcast %parallel_loop3A_551 : i32 to vector<16xi32>
      %parallel_loop3A_553 = arith.muli %parallel_loop3A_550, %parallel_loop3A_552 : vector<16xi32>
      %parallel_loop3A_554 = arith.constant 32 : i32
      %parallel_loop3A_555 = vector.broadcast %parallel_loop3A_554 : i32 to vector<16xi32>
      %parallel_loop3A_556 = arith.addi %parallel_loop3A_553, %parallel_loop3A_555 : vector<16xi32>
      tpu.vector_store_idx %arg19[%parallel_loop3A_556], %parallel_loop3A_547 : memref<26400xf32, #tpu.memory_space<vmem>>[vector<16xi32>], vector<16xf32>,
    } {sc.loop_unroll_factor = 4 : i64, sc.parallel_access}
    %add3A_102 = arith.constant 2400 : i32
    %add3A_103 = arith.addi %mul3A_2, %add3A_102 : i32
    %dma_start3A_104 = tpu.memref_slice %arg2[%add3A_103] : memref<819200xi32, #tpu.memory_space<hbm>> -> memref<800xi32, #tpu.memory_space<hbm>>
    %dma_start3A_105 = tpu.memref_slice %arg2[%add3A_103] : memref<819200xi32, #tpu.memory_space<hbm>> -> memref<800xi32, #tpu.memory_space<hbm>>
    tpu.enqueue_dma source(%dma_start3A_105 : memref<800xi32, #tpu.memory_space<hbm>>) target(%arg9 : memref<800xi32, #tpu.memory_space<vmem>>) target_semaphore(%arg21 : memref<!tpu.dma_semaphore, #tpu.memory_space<semaphore_mem>>)
    %dma_start3A_106 = tpu.memref_slice %arg3[%add3A_103] : memref<819200xi32, #tpu.memory_space<hbm>> -> memref<800xi32, #tpu.memory_space<hbm>>
    %dma_start3A_107 = tpu.memref_slice %arg3[%add3A_103] : memref<819200xi32, #tpu.memory_space<hbm>> -> memref<800xi32, #tpu.memory_space<hbm>>
    tpu.enqueue_dma source(%dma_start3A_107 : memref<800xi32, #tpu.memory_space<hbm>>) target(%arg11 : memref<800xi32, #tpu.memory_space<vmem>>) target_semaphore(%arg21 : memref<!tpu.dma_semaphore, #tpu.memory_space<semaphore_mem>>)
    %dma_start3A_108 = tpu.memref_slice %arg4[%add3A_103] : memref<819200xf32, #tpu.memory_space<hbm>> -> memref<800xf32, #tpu.memory_space<hbm>>
    %dma_start3A_109 = tpu.memref_slice %arg4[%add3A_103] : memref<819200xf32, #tpu.memory_space<hbm>> -> memref<800xf32, #tpu.memory_space<hbm>>
    tpu.enqueue_dma source(%dma_start3A_109 : memref<800xf32, #tpu.memory_space<hbm>>) target(%arg13 : memref<800xf32, #tpu.memory_space<vmem>>) target_semaphore(%arg21 : memref<!tpu.dma_semaphore, #tpu.memory_space<semaphore_mem>>)
    %add3A_110 = arith.constant 800 : i32
    %add3A_111 = arith.addi %mul3A_2, %add3A_110 : i32
    %mul3A_112 = arith.constant 33 : i32
    %mul3A_113 = arith.muli %add3A_111, %mul3A_112 : i32
    %dma_start3A_114 = tpu.memref_slice %arg7[%mul3A_113] : memref<27033600xf32, #tpu.memory_space<hbm>> -> memref<26400xf32, #tpu.memory_space<hbm>>
    %dma_start3A_115 = tpu.memref_slice %arg7[%mul3A_113] : memref<27033600xf32, #tpu.memory_space<hbm>> -> memref<26400xf32, #tpu.memory_space<hbm>>
    tpu.enqueue_dma source(%arg19 : memref<26400xf32, #tpu.memory_space<vmem>>) target(%dma_start3A_115 : memref<26400xf32, #tpu.memory_space<hbm>>) target_semaphore(%arg25 : memref<!tpu.dma_semaphore, #tpu.memory_space<semaphore_mem>>)
    %scan3A = arith.constant 0 : i32
    %scan3A_116 = arith.constant 1 : i32
    %scan3A_117 = arith.constant 14 : i32
    %scan3A_118 = arith.addi %scan3A_116, %scan3A_117 : i32
    %scan3A_119 = arith.constant 1 : i32
    scf.for %scan3A_185 = %scan3A_116 to %scan3A_118 step %scan3A_119  : i32 {
      %mul3A_186 = arith.constant 2 : i32
      %mul3A_187 = arith.muli %mul3A_186, %scan3A_185 : i32
      %dma_wait3A_188 = arith.constant 0 : i32
      %dma_wait3A_189 = arith.constant 0 : i32
      %dma_wait3A_190 = tpu.memref_slice %arg5[%dma_wait3A_188, %dma_wait3A_189] : memref<1000000x16xf32, #tpu.memory_space<hbm>> -> memref<1000000x16xf32, #tpu.memory_space<hbm>>
      tpu.wait_indirect_dma semaphore(%arg22 : memref<!tpu.dma_semaphore, #tpu.memory_space<semaphore_mem>>) src(%dma_wait3A_190 : memref<1000000x16xf32, #tpu.memory_space<hbm>>) dst(%arg14 : memref<800x16xf32, #tpu.memory_space<vmem>>)
      %dma_wait3A_191 = arith.constant 0 : i32
      %dma_wait3A_192 = arith.constant 0 : i32
      %dma_wait3A_193 = tpu.memref_slice %arg6[%dma_wait3A_191, %dma_wait3A_192] : memref<100000x16xf32, #tpu.memory_space<hbm>> -> memref<100000x16xf32, #tpu.memory_space<hbm>>
      tpu.wait_indirect_dma semaphore(%arg22 : memref<!tpu.dma_semaphore, #tpu.memory_space<semaphore_mem>>) src(%dma_wait3A_193 : memref<100000x16xf32, #tpu.memory_space<hbm>>) dst(%arg16 : memref<800x16xf32, #tpu.memory_space<vmem>>)
      %dma_wait3A_194 = arith.constant 0 : i32
      %dma_wait3A_195 = tpu.memref_slice %arg2[%dma_wait3A_194] : memref<819200xi32, #tpu.memory_space<hbm>> -> memref<800xi32, #tpu.memory_space<hbm>>
      %dma_wait3A_196 = arith.constant 0 : i32
      %dma_wait3A_197 = tpu.memref_slice %arg2[%dma_wait3A_196] : memref<819200xi32, #tpu.memory_space<hbm>> -> memref<800xi32, #tpu.memory_space<hbm>>
      tpu.wait_dma2 semaphore(%arg21 : memref<!tpu.dma_semaphore, #tpu.memory_space<semaphore_mem>>) src(%dma_wait3A_197 : memref<800xi32, #tpu.memory_space<hbm>>) dst(%arg9 : memref<800xi32, #tpu.memory_space<vmem>>)
      %dma_wait3A_198 = arith.constant 0 : i32
      %dma_wait3A_199 = tpu.memref_slice %arg3[%dma_wait3A_198] : memref<819200xi32, #tpu.memory_space<hbm>> -> memref<800xi32, #tpu.memory_space<hbm>>
      %dma_wait3A_200 = arith.constant 0 : i32
      %dma_wait3A_201 = tpu.memref_slice %arg3[%dma_wait3A_200] : memref<819200xi32, #tpu.memory_space<hbm>> -> memref<800xi32, #tpu.memory_space<hbm>>
      tpu.wait_dma2 semaphore(%arg21 : memref<!tpu.dma_semaphore, #tpu.memory_space<semaphore_mem>>) src(%dma_wait3A_201 : memref<800xi32, #tpu.memory_space<hbm>>) dst(%arg11 : memref<800xi32, #tpu.memory_space<vmem>>)
      %dma_wait3A_202 = arith.constant 0 : i32
      %dma_wait3A_203 = tpu.memref_slice %arg4[%dma_wait3A_202] : memref<819200xf32, #tpu.memory_space<hbm>> -> memref<800xf32, #tpu.memory_space<hbm>>
      %dma_wait3A_204 = arith.constant 0 : i32
      %dma_wait3A_205 = tpu.memref_slice %arg4[%dma_wait3A_204] : memref<819200xf32, #tpu.memory_space<hbm>> -> memref<800xf32, #tpu.memory_space<hbm>>
      tpu.wait_dma2 semaphore(%arg21 : memref<!tpu.dma_semaphore, #tpu.memory_space<semaphore_mem>>) src(%dma_wait3A_205 : memref<800xf32, #tpu.memory_space<hbm>>) dst(%arg13 : memref<800xf32, #tpu.memory_space<vmem>>)
      %dma_start3A_206 = arith.constant 0 : i32
      %dma_start3A_207 = arith.constant 0 : i32
      %dma_start3A_208 = tpu.memref_slice %arg5[%dma_start3A_206, %dma_start3A_207] : memref<1000000x16xf32, #tpu.memory_space<hbm>> -> memref<1000000x16xf32, #tpu.memory_space<hbm>>
      tpu.enqueue_indirect_dma source(%dma_start3A_208 : memref<1000000x16xf32, #tpu.memory_space<hbm>>) target(%arg15 : memref<800x16xf32, #tpu.memory_space<vmem>>) offsets(%arg9 : memref<800xi32, #tpu.memory_space<vmem>>) semaphore(%arg23 : memref<!tpu.dma_semaphore, #tpu.memory_space<semaphore_mem>>)
      %dma_start3A_209 = arith.constant 0 : i32
      %dma_start3A_210 = arith.constant 0 : i32
      %dma_start3A_211 = tpu.memref_slice %arg6[%dma_start3A_209, %dma_start3A_210] : memref<100000x16xf32, #tpu.memory_space<hbm>> -> memref<100000x16xf32, #tpu.memory_space<hbm>>
      tpu.enqueue_indirect_dma source(%dma_start3A_211 : memref<100000x16xf32, #tpu.memory_space<hbm>>) target(%arg17 : memref<800x16xf32, #tpu.memory_space<vmem>>) offsets(%arg11 : memref<800xi32, #tpu.memory_space<vmem>>) semaphore(%arg23 : memref<!tpu.dma_semaphore, #tpu.memory_space<semaphore_mem>>)
      %dma_wait3A_212 = arith.constant 0 : i32
      %dma_wait3A_213 = tpu.memref_slice %arg7[%dma_wait3A_212] : memref<27033600xf32, #tpu.memory_space<hbm>> -> memref<26400xf32, #tpu.memory_space<hbm>>
      %dma_wait3A_214 = arith.constant 0 : i32
      %dma_wait3A_215 = tpu.memref_slice %arg7[%dma_wait3A_214] : memref<27033600xf32, #tpu.memory_space<hbm>> -> memref<26400xf32, #tpu.memory_space<hbm>>
      tpu.wait_dma2 semaphore(%arg24 : memref<!tpu.dma_semaphore, #tpu.memory_space<semaphore_mem>>) src(%arg18 : memref<26400xf32, #tpu.memory_space<vmem>>) dst(%dma_wait3A_215 : memref<26400xf32, #tpu.memory_space<hbm>>)
      %parallel_loop3A_216 = arith.constant 0 : i32
      %parallel_loop3A_217 = arith.constant 50 : i32
      %parallel_loop3A_218 = arith.constant 1 : i32
      scf.for %parallel_loop3A_288 = %parallel_loop3A_216 to %parallel_loop3A_217 step %parallel_loop3A_218  : i32 {
        %parallel_loop3A_289 = arith.constant 16 : i32
        %parallel_loop3A_290 = arith.muli %parallel_loop3A_288, %parallel_loop3A_289 : i32
        %parallel_loop3A_291 = arith.constant 0 : i32
        %parallel_loop3A_292 = arith.addi %parallel_loop3A_290, %parallel_loop3A_291 : i32
        %parallel_loop3A_293 = arith.index_cast %parallel_loop3A_292 : i32 to index
        %parallel_loop3A_294 = arith.constant 0 : index
        %parallel_loop3A_295 = tpu.vector_load %arg14[%parallel_loop3A_293, %parallel_loop3A_294] {strides = array<i32>} : memref<800x16xf32, #tpu.memory_space<vmem>>, vector<16xf32>,
        %parallel_loop3A_296 = arith.constant 33 : i32
        %parallel_loop3A_297 = arith.muli %parallel_loop3A_292, %parallel_loop3A_296 : i32
        %parallel_loop3A_298 = arith.index_cast %parallel_loop3A_297 : i32 to index
        %parallel_loop3A_299 = tpu.vector_load %arg18[%parallel_loop3A_298] {strides = array<i32>} : memref<26400xf32, #tpu.memory_space<vmem>>, vector<16xf32>,
        tpu.vector_store %arg18[%parallel_loop3A_298], %parallel_loop3A_295 {strides = array<i32>} : memref<26400xf32, #tpu.memory_space<vmem>>, vector<16xf32>,
        %parallel_loop3A_300 = arith.index_cast %parallel_loop3A_292 : i32 to index
        %parallel_loop3A_301 = arith.constant 0 : index
        %parallel_loop3A_302 = tpu.vector_load %arg16[%parallel_loop3A_300, %parallel_loop3A_301] {strides = array<i32>} : memref<800x16xf32, #tpu.memory_space<vmem>>, vector<16xf32>,
        %parallel_loop3A_303 = arith.constant 33 : i32
        %parallel_loop3A_304 = arith.muli %parallel_loop3A_292, %parallel_loop3A_303 : i32
        %parallel_loop3A_305 = arith.constant 16 : i32
        %parallel_loop3A_306 = arith.addi %parallel_loop3A_304, %parallel_loop3A_305 : i32
        %parallel_loop3A_307 = arith.index_cast %parallel_loop3A_306 : i32 to index
        %parallel_loop3A_308 = tpu.vector_load %arg18[%parallel_loop3A_307] {strides = array<i32>} : memref<26400xf32, #tpu.memory_space<vmem>>, vector<16xf32>,
        tpu.vector_store %arg18[%parallel_loop3A_307], %parallel_loop3A_302 {strides = array<i32>} : memref<26400xf32, #tpu.memory_space<vmem>>, vector<16xf32>,
        %parallel_loop3A_309 = arith.constant 1 : i32
        %parallel_loop3A_310 = arith.addi %parallel_loop3A_290, %parallel_loop3A_309 : i32
        %parallel_loop3A_311 = arith.index_cast %parallel_loop3A_310 : i32 to index
        %parallel_loop3A_312 = arith.constant 0 : index
        %parallel_loop3A_313 = tpu.vector_load %arg14[%parallel_loop3A_311, %parallel_loop3A_312] {strides = array<i32>} : memref<800x16xf32, #tpu.memory_space<vmem>>, vector<16xf32>,
        %parallel_loop3A_314 = arith.constant 33 : i32
        %parallel_loop3A_315 = arith.muli %parallel_loop3A_310, %parallel_loop3A_314 : i32
        %parallel_loop3A_316 = arith.index_cast %parallel_loop3A_315 : i32 to index
        %parallel_loop3A_317 = tpu.vector_load %arg18[%parallel_loop3A_316] {strides = array<i32>} : memref<26400xf32, #tpu.memory_space<vmem>>, vector<16xf32>,
        tpu.vector_store %arg18[%parallel_loop3A_316], %parallel_loop3A_313 {strides = array<i32>} : memref<26400xf32, #tpu.memory_space<vmem>>, vector<16xf32>,
        %parallel_loop3A_318 = arith.index_cast %parallel_loop3A_310 : i32 to index
        %parallel_loop3A_319 = arith.constant 0 : index
        %parallel_loop3A_320 = tpu.vector_load %arg16[%parallel_loop3A_318, %parallel_loop3A_319] {strides = array<i32>} : memref<800x16xf32, #tpu.memory_space<vmem>>, vector<16xf32>,
        %parallel_loop3A_321 = arith.constant 33 : i32
        %parallel_loop3A_322 = arith.muli %parallel_loop3A_310, %parallel_loop3A_321 : i32
        %parallel_loop3A_323 = arith.constant 16 : i32
        %parallel_loop3A_324 = arith.addi %parallel_loop3A_322, %parallel_loop3A_323 : i32
        %parallel_loop3A_325 = arith.index_cast %parallel_loop3A_324 : i32 to index
        %parallel_loop3A_326 = tpu.vector_load %arg18[%parallel_loop3A_325] {strides = array<i32>} : memref<26400xf32, #tpu.memory_space<vmem>>, vector<16xf32>,
        tpu.vector_store %arg18[%parallel_loop3A_325], %parallel_loop3A_320 {strides = array<i32>} : memref<26400xf32, #tpu.memory_space<vmem>>, vector<16xf32>,
        %parallel_loop3A_327 = arith.constant 2 : i32
        %parallel_loop3A_328 = arith.addi %parallel_loop3A_290, %parallel_loop3A_327 : i32
        %parallel_loop3A_329 = arith.index_cast %parallel_loop3A_328 : i32 to index
        %parallel_loop3A_330 = arith.constant 0 : index
        %parallel_loop3A_331 = tpu.vector_load %arg14[%parallel_loop3A_329, %parallel_loop3A_330] {strides = array<i32>} : memref<800x16xf32, #tpu.memory_space<vmem>>, vector<16xf32>,
        %parallel_loop3A_332 = arith.constant 33 : i32
        %parallel_loop3A_333 = arith.muli %parallel_loop3A_328, %parallel_loop3A_332 : i32
        %parallel_loop3A_334 = arith.index_cast %parallel_loop3A_333 : i32 to index
        %parallel_loop3A_335 = tpu.vector_load %arg18[%parallel_loop3A_334] {strides = array<i32>} : memref<26400xf32, #tpu.memory_space<vmem>>, vector<16xf32>,
        tpu.vector_store %arg18[%parallel_loop3A_334], %parallel_loop3A_331 {strides = array<i32>} : memref<26400xf32, #tpu.memory_space<vmem>>, vector<16xf32>,
        %parallel_loop3A_336 = arith.index_cast %parallel_loop3A_328 : i32 to index
        %parallel_loop3A_337 = arith.constant 0 : index
        %parallel_loop3A_338 = tpu.vector_load %arg16[%parallel_loop3A_336, %parallel_loop3A_337] {strides = array<i32>} : memref<800x16xf32, #tpu.memory_space<vmem>>, vector<16xf32>,
        %parallel_loop3A_339 = arith.constant 33 : i32
        %parallel_loop3A_340 = arith.muli %parallel_loop3A_328, %parallel_loop3A_339 : i32
        %parallel_loop3A_341 = arith.constant 16 : i32
        %parallel_loop3A_342 = arith.addi %parallel_loop3A_340, %parallel_loop3A_341 : i32
        %parallel_loop3A_343 = arith.index_cast %parallel_loop3A_342 : i32 to index
        %parallel_loop3A_344 = tpu.vector_load %arg18[%parallel_loop3A_343] {strides = array<i32>} : memref<26400xf32, #tpu.memory_space<vmem>>, vector<16xf32>,
        tpu.vector_store %arg18[%parallel_loop3A_343], %parallel_loop3A_338 {strides = array<i32>} : memref<26400xf32, #tpu.memory_space<vmem>>, vector<16xf32>,
        %parallel_loop3A_345 = arith.constant 3 : i32
        %parallel_loop3A_346 = arith.addi %parallel_loop3A_290, %parallel_loop3A_345 : i32
        %parallel_loop3A_347 = arith.index_cast %parallel_loop3A_346 : i32 to index
        %parallel_loop3A_348 = arith.constant 0 : index
        %parallel_loop3A_349 = tpu.vector_load %arg14[%parallel_loop3A_347, %parallel_loop3A_348] {strides = array<i32>} : memref<800x16xf32, #tpu.memory_space<vmem>>, vector<16xf32>,
        %parallel_loop3A_350 = arith.constant 33 : i32
        %parallel_loop3A_351 = arith.muli %parallel_loop3A_346, %parallel_loop3A_350 : i32
        %parallel_loop3A_352 = arith.index_cast %parallel_loop3A_351 : i32 to index
        %parallel_loop3A_353 = tpu.vector_load %arg18[%parallel_loop3A_352] {strides = array<i32>} : memref<26400xf32, #tpu.memory_space<vmem>>, vector<16xf32>,
        tpu.vector_store %arg18[%parallel_loop3A_352], %parallel_loop3A_349 {strides = array<i32>} : memref<26400xf32, #tpu.memory_space<vmem>>, vector<16xf32>,
        %parallel_loop3A_354 = arith.index_cast %parallel_loop3A_346 : i32 to index
        %parallel_loop3A_355 = arith.constant 0 : index
        %parallel_loop3A_356 = tpu.vector_load %arg16[%parallel_loop3A_354, %parallel_loop3A_355] {strides = array<i32>} : memref<800x16xf32, #tpu.memory_space<vmem>>, vector<16xf32>,
        %parallel_loop3A_357 = arith.constant 33 : i32
        %parallel_loop3A_358 = arith.muli %parallel_loop3A_346, %parallel_loop3A_357 : i32
        %parallel_loop3A_359 = arith.constant 16 : i32
        %parallel_loop3A_360 = arith.addi %parallel_loop3A_358, %parallel_loop3A_359 : i32
        %parallel_loop3A_361 = arith.index_cast %parallel_loop3A_360 : i32 to index
        %parallel_loop3A_362 = tpu.vector_load %arg18[%parallel_loop3A_361] {strides = array<i32>} : memref<26400xf32, #tpu.memory_space<vmem>>, vector<16xf32>,
        tpu.vector_store %arg18[%parallel_loop3A_361], %parallel_loop3A_356 {strides = array<i32>} : memref<26400xf32, #tpu.memory_space<vmem>>, vector<16xf32>,
        %parallel_loop3A_363 = arith.constant 4 : i32
        %parallel_loop3A_364 = arith.addi %parallel_loop3A_290, %parallel_loop3A_363 : i32
        %parallel_loop3A_365 = arith.index_cast %parallel_loop3A_364 : i32 to index
        %parallel_loop3A_366 = arith.constant 0 : index
        %parallel_loop3A_367 = tpu.vector_load %arg14[%parallel_loop3A_365, %parallel_loop3A_366] {strides = array<i32>} : memref<800x16xf32, #tpu.memory_space<vmem>>, vector<16xf32>,
        %parallel_loop3A_368 = arith.constant 33 : i32
        %parallel_loop3A_369 = arith.muli %parallel_loop3A_364, %parallel_loop3A_368 : i32
        %parallel_loop3A_370 = arith.index_cast %parallel_loop3A_369 : i32 to index
        %parallel_loop3A_371 = tpu.vector_load %arg18[%parallel_loop3A_370] {strides = array<i32>} : memref<26400xf32, #tpu.memory_space<vmem>>, vector<16xf32>,
        tpu.vector_store %arg18[%parallel_loop3A_370], %parallel_loop3A_367 {strides = array<i32>} : memref<26400xf32, #tpu.memory_space<vmem>>, vector<16xf32>,
        %parallel_loop3A_372 = arith.index_cast %parallel_loop3A_364 : i32 to index
        %parallel_loop3A_373 = arith.constant 0 : index
        %parallel_loop3A_374 = tpu.vector_load %arg16[%parallel_loop3A_372, %parallel_loop3A_373] {strides = array<i32>} : memref<800x16xf32, #tpu.memory_space<vmem>>, vector<16xf32>,
        %parallel_loop3A_375 = arith.constant 33 : i32
        %parallel_loop3A_376 = arith.muli %parallel_loop3A_364, %parallel_loop3A_375 : i32
        %parallel_loop3A_377 = arith.constant 16 : i32
        %parallel_loop3A_378 = arith.addi %parallel_loop3A_376, %parallel_loop3A_377 : i32
        %parallel_loop3A_379 = arith.index_cast %parallel_loop3A_378 : i32 to index
        %parallel_loop3A_380 = tpu.vector_load %arg18[%parallel_loop3A_379] {strides = array<i32>} : memref<26400xf32, #tpu.memory_space<vmem>>, vector<16xf32>,
        tpu.vector_store %arg18[%parallel_loop3A_379], %parallel_loop3A_374 {strides = array<i32>} : memref<26400xf32, #tpu.memory_space<vmem>>, vector<16xf32>,
        %parallel_loop3A_381 = arith.constant 5 : i32
        %parallel_loop3A_382 = arith.addi %parallel_loop3A_290, %parallel_loop3A_381 : i32
        %parallel_loop3A_383 = arith.index_cast %parallel_loop3A_382 : i32 to index
        %parallel_loop3A_384 = arith.constant 0 : index
        %parallel_loop3A_385 = tpu.vector_load %arg14[%parallel_loop3A_383, %parallel_loop3A_384] {strides = array<i32>} : memref<800x16xf32, #tpu.memory_space<vmem>>, vector<16xf32>,
        %parallel_loop3A_386 = arith.constant 33 : i32
        %parallel_loop3A_387 = arith.muli %parallel_loop3A_382, %parallel_loop3A_386 : i32
        %parallel_loop3A_388 = arith.index_cast %parallel_loop3A_387 : i32 to index
        %parallel_loop3A_389 = tpu.vector_load %arg18[%parallel_loop3A_388] {strides = array<i32>} : memref<26400xf32, #tpu.memory_space<vmem>>, vector<16xf32>,
        tpu.vector_store %arg18[%parallel_loop3A_388], %parallel_loop3A_385 {strides = array<i32>} : memref<26400xf32, #tpu.memory_space<vmem>>, vector<16xf32>,
        %parallel_loop3A_390 = arith.index_cast %parallel_loop3A_382 : i32 to index
        %parallel_loop3A_391 = arith.constant 0 : index
        %parallel_loop3A_392 = tpu.vector_load %arg16[%parallel_loop3A_390, %parallel_loop3A_391] {strides = array<i32>} : memref<800x16xf32, #tpu.memory_space<vmem>>, vector<16xf32>,
        %parallel_loop3A_393 = arith.constant 33 : i32
        %parallel_loop3A_394 = arith.muli %parallel_loop3A_382, %parallel_loop3A_393 : i32
        %parallel_loop3A_395 = arith.constant 16 : i32
        %parallel_loop3A_396 = arith.addi %parallel_loop3A_394, %parallel_loop3A_395 : i32
        %parallel_loop3A_397 = arith.index_cast %parallel_loop3A_396 : i32 to index
        %parallel_loop3A_398 = tpu.vector_load %arg18[%parallel_loop3A_397] {strides = array<i32>} : memref<26400xf32, #tpu.memory_space<vmem>>, vector<16xf32>,
        tpu.vector_store %arg18[%parallel_loop3A_397], %parallel_loop3A_392 {strides = array<i32>} : memref<26400xf32, #tpu.memory_space<vmem>>, vector<16xf32>,
        %parallel_loop3A_399 = arith.constant 6 : i32
        %parallel_loop3A_400 = arith.addi %parallel_loop3A_290, %parallel_loop3A_399 : i32
        %parallel_loop3A_401 = arith.index_cast %parallel_loop3A_400 : i32 to index
        %parallel_loop3A_402 = arith.constant 0 : index
        %parallel_loop3A_403 = tpu.vector_load %arg14[%parallel_loop3A_401, %parallel_loop3A_402] {strides = array<i32>} : memref<800x16xf32, #tpu.memory_space<vmem>>, vector<16xf32>,
        %parallel_loop3A_404 = arith.constant 33 : i32
        %parallel_loop3A_405 = arith.muli %parallel_loop3A_400, %parallel_loop3A_404 : i32
        %parallel_loop3A_406 = arith.index_cast %parallel_loop3A_405 : i32 to index
        %parallel_loop3A_407 = tpu.vector_load %arg18[%parallel_loop3A_406] {strides = array<i32>} : memref<26400xf32, #tpu.memory_space<vmem>>, vector<16xf32>,
        tpu.vector_store %arg18[%parallel_loop3A_406], %parallel_loop3A_403 {strides = array<i32>} : memref<26400xf32, #tpu.memory_space<vmem>>, vector<16xf32>,
        %parallel_loop3A_408 = arith.index_cast %parallel_loop3A_400 : i32 to index
        %parallel_loop3A_409 = arith.constant 0 : index
        %parallel_loop3A_410 = tpu.vector_load %arg16[%parallel_loop3A_408, %parallel_loop3A_409] {strides = array<i32>} : memref<800x16xf32, #tpu.memory_space<vmem>>, vector<16xf32>,
        %parallel_loop3A_411 = arith.constant 33 : i32
        %parallel_loop3A_412 = arith.muli %parallel_loop3A_400, %parallel_loop3A_411 : i32
        %parallel_loop3A_413 = arith.constant 16 : i32
        %parallel_loop3A_414 = arith.addi %parallel_loop3A_412, %parallel_loop3A_413 : i32
        %parallel_loop3A_415 = arith.index_cast %parallel_loop3A_414 : i32 to index
        %parallel_loop3A_416 = tpu.vector_load %arg18[%parallel_loop3A_415] {strides = array<i32>} : memref<26400xf32, #tpu.memory_space<vmem>>, vector<16xf32>,
        tpu.vector_store %arg18[%parallel_loop3A_415], %parallel_loop3A_410 {strides = array<i32>} : memref<26400xf32, #tpu.memory_space<vmem>>, vector<16xf32>,
        %parallel_loop3A_417 = arith.constant 7 : i32
        %parallel_loop3A_418 = arith.addi %parallel_loop3A_290, %parallel_loop3A_417 : i32
        %parallel_loop3A_419 = arith.index_cast %parallel_loop3A_418 : i32 to index
        %parallel_loop3A_420 = arith.constant 0 : index
        %parallel_loop3A_421 = tpu.vector_load %arg14[%parallel_loop3A_419, %parallel_loop3A_420] {strides = array<i32>} : memref<800x16xf32, #tpu.memory_space<vmem>>, vector<16xf32>,
        %parallel_loop3A_422 = arith.constant 33 : i32
        %parallel_loop3A_423 = arith.muli %parallel_loop3A_418, %parallel_loop3A_422 : i32
        %parallel_loop3A_424 = arith.index_cast %parallel_loop3A_423 : i32 to index
        %parallel_loop3A_425 = tpu.vector_load %arg18[%parallel_loop3A_424] {strides = array<i32>} : memref<26400xf32, #tpu.memory_space<vmem>>, vector<16xf32>,
        tpu.vector_store %arg18[%parallel_loop3A_424], %parallel_loop3A_421 {strides = array<i32>} : memref<26400xf32, #tpu.memory_space<vmem>>, vector<16xf32>,
        %parallel_loop3A_426 = arith.index_cast %parallel_loop3A_418 : i32 to index
        %parallel_loop3A_427 = arith.constant 0 : index
        %parallel_loop3A_428 = tpu.vector_load %arg16[%parallel_loop3A_426, %parallel_loop3A_427] {strides = array<i32>} : memref<800x16xf32, #tpu.memory_space<vmem>>, vector<16xf32>,
        %parallel_loop3A_429 = arith.constant 33 : i32
        %parallel_loop3A_430 = arith.muli %parallel_loop3A_418, %parallel_loop3A_429 : i32
        %parallel_loop3A_431 = arith.constant 16 : i32
        %parallel_loop3A_432 = arith.addi %parallel_loop3A_430, %parallel_loop3A_431 : i32
        %parallel_loop3A_433 = arith.index_cast %parallel_loop3A_432 : i32 to index
        %parallel_loop3A_434 = tpu.vector_load %arg18[%parallel_loop3A_433] {strides = array<i32>} : memref<26400xf32, #tpu.memory_space<vmem>>, vector<16xf32>,
        tpu.vector_store %arg18[%parallel_loop3A_433], %parallel_loop3A_428 {strides = array<i32>} : memref<26400xf32, #tpu.memory_space<vmem>>, vector<16xf32>,
        %parallel_loop3A_435 = arith.constant 8 : i32
        %parallel_loop3A_436 = arith.addi %parallel_loop3A_290, %parallel_loop3A_435 : i32
        %parallel_loop3A_437 = arith.index_cast %parallel_loop3A_436 : i32 to index
        %parallel_loop3A_438 = arith.constant 0 : index
        %parallel_loop3A_439 = tpu.vector_load %arg14[%parallel_loop3A_437, %parallel_loop3A_438] {strides = array<i32>} : memref<800x16xf32, #tpu.memory_space<vmem>>, vector<16xf32>,
        %parallel_loop3A_440 = arith.constant 33 : i32
        %parallel_loop3A_441 = arith.muli %parallel_loop3A_436, %parallel_loop3A_440 : i32
        %parallel_loop3A_442 = arith.index_cast %parallel_loop3A_441 : i32 to index
        %parallel_loop3A_443 = tpu.vector_load %arg18[%parallel_loop3A_442] {strides = array<i32>} : memref<26400xf32, #tpu.memory_space<vmem>>, vector<16xf32>,
        tpu.vector_store %arg18[%parallel_loop3A_442], %parallel_loop3A_439 {strides = array<i32>} : memref<26400xf32, #tpu.memory_space<vmem>>, vector<16xf32>,
        %parallel_loop3A_444 = arith.index_cast %parallel_loop3A_436 : i32 to index
        %parallel_loop3A_445 = arith.constant 0 : index
        %parallel_loop3A_446 = tpu.vector_load %arg16[%parallel_loop3A_444, %parallel_loop3A_445] {strides = array<i32>} : memref<800x16xf32, #tpu.memory_space<vmem>>, vector<16xf32>,
        %parallel_loop3A_447 = arith.constant 33 : i32
        %parallel_loop3A_448 = arith.muli %parallel_loop3A_436, %parallel_loop3A_447 : i32
        %parallel_loop3A_449 = arith.constant 16 : i32
        %parallel_loop3A_450 = arith.addi %parallel_loop3A_448, %parallel_loop3A_449 : i32
        %parallel_loop3A_451 = arith.index_cast %parallel_loop3A_450 : i32 to index
        %parallel_loop3A_452 = tpu.vector_load %arg18[%parallel_loop3A_451] {strides = array<i32>} : memref<26400xf32, #tpu.memory_space<vmem>>, vector<16xf32>,
        tpu.vector_store %arg18[%parallel_loop3A_451], %parallel_loop3A_446 {strides = array<i32>} : memref<26400xf32, #tpu.memory_space<vmem>>, vector<16xf32>,
        %parallel_loop3A_453 = arith.constant 9 : i32
        %parallel_loop3A_454 = arith.addi %parallel_loop3A_290, %parallel_loop3A_453 : i32
        %parallel_loop3A_455 = arith.index_cast %parallel_loop3A_454 : i32 to index
        %parallel_loop3A_456 = arith.constant 0 : index
        %parallel_loop3A_457 = tpu.vector_load %arg14[%parallel_loop3A_455, %parallel_loop3A_456] {strides = array<i32>} : memref<800x16xf32, #tpu.memory_space<vmem>>, vector<16xf32>,
        %parallel_loop3A_458 = arith.constant 33 : i32
        %parallel_loop3A_459 = arith.muli %parallel_loop3A_454, %parallel_loop3A_458 : i32
        %parallel_loop3A_460 = arith.index_cast %parallel_loop3A_459 : i32 to index
        %parallel_loop3A_461 = tpu.vector_load %arg18[%parallel_loop3A_460] {strides = array<i32>} : memref<26400xf32, #tpu.memory_space<vmem>>, vector<16xf32>,
        tpu.vector_store %arg18[%parallel_loop3A_460], %parallel_loop3A_457 {strides = array<i32>} : memref<26400xf32, #tpu.memory_space<vmem>>, vector<16xf32>,
        %parallel_loop3A_462 = arith.index_cast %parallel_loop3A_454 : i32 to index
        %parallel_loop3A_463 = arith.constant 0 : index
        %parallel_loop3A_464 = tpu.vector_load %arg16[%parallel_loop3A_462, %parallel_loop3A_463] {strides = array<i32>} : memref<800x16xf32, #tpu.memory_space<vmem>>, vector<16xf32>,
        %parallel_loop3A_465 = arith.constant 33 : i32
        %parallel_loop3A_466 = arith.muli %parallel_loop3A_454, %parallel_loop3A_465 : i32
        %parallel_loop3A_467 = arith.constant 16 : i32
        %parallel_loop3A_468 = arith.addi %parallel_loop3A_466, %parallel_loop3A_467 : i32
        %parallel_loop3A_469 = arith.index_cast %parallel_loop3A_468 : i32 to index
        %parallel_loop3A_470 = tpu.vector_load %arg18[%parallel_loop3A_469] {strides = array<i32>} : memref<26400xf32, #tpu.memory_space<vmem>>, vector<16xf32>,
        tpu.vector_store %arg18[%parallel_loop3A_469], %parallel_loop3A_464 {strides = array<i32>} : memref<26400xf32, #tpu.memory_space<vmem>>, vector<16xf32>,
        %parallel_loop3A_471 = arith.constant 10 : i32
        %parallel_loop3A_472 = arith.addi %parallel_loop3A_290, %parallel_loop3A_471 : i32
        %parallel_loop3A_473 = arith.index_cast %parallel_loop3A_472 : i32 to index
        %parallel_loop3A_474 = arith.constant 0 : index
        %parallel_loop3A_475 = tpu.vector_load %arg14[%parallel_loop3A_473, %parallel_loop3A_474] {strides = array<i32>} : memref<800x16xf32, #tpu.memory_space<vmem>>, vector<16xf32>,
        %parallel_loop3A_476 = arith.constant 33 : i32
        %parallel_loop3A_477 = arith.muli %parallel_loop3A_472, %parallel_loop3A_476 : i32
        %parallel_loop3A_478 = arith.index_cast %parallel_loop3A_477 : i32 to index
        %parallel_loop3A_479 = tpu.vector_load %arg18[%parallel_loop3A_478] {strides = array<i32>} : memref<26400xf32, #tpu.memory_space<vmem>>, vector<16xf32>,
        tpu.vector_store %arg18[%parallel_loop3A_478], %parallel_loop3A_475 {strides = array<i32>} : memref<26400xf32, #tpu.memory_space<vmem>>, vector<16xf32>,
        %parallel_loop3A_480 = arith.index_cast %parallel_loop3A_472 : i32 to index
        %parallel_loop3A_481 = arith.constant 0 : index
        %parallel_loop3A_482 = tpu.vector_load %arg16[%parallel_loop3A_480, %parallel_loop3A_481] {strides = array<i32>} : memref<800x16xf32, #tpu.memory_space<vmem>>, vector<16xf32>,
        %parallel_loop3A_483 = arith.constant 33 : i32
        %parallel_loop3A_484 = arith.muli %parallel_loop3A_472, %parallel_loop3A_483 : i32
        %parallel_loop3A_485 = arith.constant 16 : i32
        %parallel_loop3A_486 = arith.addi %parallel_loop3A_484, %parallel_loop3A_485 : i32
        %parallel_loop3A_487 = arith.index_cast %parallel_loop3A_486 : i32 to index
        %parallel_loop3A_488 = tpu.vector_load %arg18[%parallel_loop3A_487] {strides = array<i32>} : memref<26400xf32, #tpu.memory_space<vmem>>, vector<16xf32>,
        tpu.vector_store %arg18[%parallel_loop3A_487], %parallel_loop3A_482 {strides = array<i32>} : memref<26400xf32, #tpu.memory_space<vmem>>, vector<16xf32>,
        %parallel_loop3A_489 = arith.constant 11 : i32
        %parallel_loop3A_490 = arith.addi %parallel_loop3A_290, %parallel_loop3A_489 : i32
        %parallel_loop3A_491 = arith.index_cast %parallel_loop3A_490 : i32 to index
        %parallel_loop3A_492 = arith.constant 0 : index
        %parallel_loop3A_493 = tpu.vector_load %arg14[%parallel_loop3A_491, %parallel_loop3A_492] {strides = array<i32>} : memref<800x16xf32, #tpu.memory_space<vmem>>, vector<16xf32>,
        %parallel_loop3A_494 = arith.constant 33 : i32
        %parallel_loop3A_495 = arith.muli %parallel_loop3A_490, %parallel_loop3A_494 : i32
        %parallel_loop3A_496 = arith.index_cast %parallel_loop3A_495 : i32 to index
        %parallel_loop3A_497 = tpu.vector_load %arg18[%parallel_loop3A_496] {strides = array<i32>} : memref<26400xf32, #tpu.memory_space<vmem>>, vector<16xf32>,
        tpu.vector_store %arg18[%parallel_loop3A_496], %parallel_loop3A_493 {strides = array<i32>} : memref<26400xf32, #tpu.memory_space<vmem>>, vector<16xf32>,
        %parallel_loop3A_498 = arith.index_cast %parallel_loop3A_490 : i32 to index
        %parallel_loop3A_499 = arith.constant 0 : index
        %parallel_loop3A_500 = tpu.vector_load %arg16[%parallel_loop3A_498, %parallel_loop3A_499] {strides = array<i32>} : memref<800x16xf32, #tpu.memory_space<vmem>>, vector<16xf32>,
        %parallel_loop3A_501 = arith.constant 33 : i32
        %parallel_loop3A_502 = arith.muli %parallel_loop3A_490, %parallel_loop3A_501 : i32
        %parallel_loop3A_503 = arith.constant 16 : i32
        %parallel_loop3A_504 = arith.addi %parallel_loop3A_502, %parallel_loop3A_503 : i32
        %parallel_loop3A_505 = arith.index_cast %parallel_loop3A_504 : i32 to index
        %parallel_loop3A_506 = tpu.vector_load %arg18[%parallel_loop3A_505] {strides = array<i32>} : memref<26400xf32, #tpu.memory_space<vmem>>, vector<16xf32>,
        tpu.vector_store %arg18[%parallel_loop3A_505], %parallel_loop3A_500 {strides = array<i32>} : memref<26400xf32, #tpu.memory_space<vmem>>, vector<16xf32>,
        %parallel_loop3A_507 = arith.constant 12 : i32
        %parallel_loop3A_508 = arith.addi %parallel_loop3A_290, %parallel_loop3A_507 : i32
        %parallel_loop3A_509 = arith.index_cast %parallel_loop3A_508 : i32 to index
        %parallel_loop3A_510 = arith.constant 0 : index
        %parallel_loop3A_511 = tpu.vector_load %arg14[%parallel_loop3A_509, %parallel_loop3A_510] {strides = array<i32>} : memref<800x16xf32, #tpu.memory_space<vmem>>, vector<16xf32>,
        %parallel_loop3A_512 = arith.constant 33 : i32
        %parallel_loop3A_513 = arith.muli %parallel_loop3A_508, %parallel_loop3A_512 : i32
        %parallel_loop3A_514 = arith.index_cast %parallel_loop3A_513 : i32 to index
        %parallel_loop3A_515 = tpu.vector_load %arg18[%parallel_loop3A_514] {strides = array<i32>} : memref<26400xf32, #tpu.memory_space<vmem>>, vector<16xf32>,
        tpu.vector_store %arg18[%parallel_loop3A_514], %parallel_loop3A_511 {strides = array<i32>} : memref<26400xf32, #tpu.memory_space<vmem>>, vector<16xf32>,
        %parallel_loop3A_516 = arith.index_cast %parallel_loop3A_508 : i32 to index
        %parallel_loop3A_517 = arith.constant 0 : index
        %parallel_loop3A_518 = tpu.vector_load %arg16[%parallel_loop3A_516, %parallel_loop3A_517] {strides = array<i32>} : memref<800x16xf32, #tpu.memory_space<vmem>>, vector<16xf32>,
        %parallel_loop3A_519 = arith.constant 33 : i32
        %parallel_loop3A_520 = arith.muli %parallel_loop3A_508, %parallel_loop3A_519 : i32
        %parallel_loop3A_521 = arith.constant 16 : i32
        %parallel_loop3A_522 = arith.addi %parallel_loop3A_520, %parallel_loop3A_521 : i32
        %parallel_loop3A_523 = arith.index_cast %parallel_loop3A_522 : i32 to index
        %parallel_loop3A_524 = tpu.vector_load %arg18[%parallel_loop3A_523] {strides = array<i32>} : memref<26400xf32, #tpu.memory_space<vmem>>, vector<16xf32>,
        tpu.vector_store %arg18[%parallel_loop3A_523], %parallel_loop3A_518 {strides = array<i32>} : memref<26400xf32, #tpu.memory_space<vmem>>, vector<16xf32>,
        %parallel_loop3A_525 = arith.constant 13 : i32
        %parallel_loop3A_526 = arith.addi %parallel_loop3A_290, %parallel_loop3A_525 : i32
        %parallel_loop3A_527 = arith.index_cast %parallel_loop3A_526 : i32 to index
        %parallel_loop3A_528 = arith.constant 0 : index
        %parallel_loop3A_529 = tpu.vector_load %arg14[%parallel_loop3A_527, %parallel_loop3A_528] {strides = array<i32>} : memref<800x16xf32, #tpu.memory_space<vmem>>, vector<16xf32>,
        %parallel_loop3A_530 = arith.constant 33 : i32
        %parallel_loop3A_531 = arith.muli %parallel_loop3A_526, %parallel_loop3A_530 : i32
        %parallel_loop3A_532 = arith.index_cast %parallel_loop3A_531 : i32 to index
        %parallel_loop3A_533 = tpu.vector_load %arg18[%parallel_loop3A_532] {strides = array<i32>} : memref<26400xf32, #tpu.memory_space<vmem>>, vector<16xf32>,
        tpu.vector_store %arg18[%parallel_loop3A_532], %parallel_loop3A_529 {strides = array<i32>} : memref<26400xf32, #tpu.memory_space<vmem>>, vector<16xf32>,
        %parallel_loop3A_534 = arith.index_cast %parallel_loop3A_526 : i32 to index
        %parallel_loop3A_535 = arith.constant 0 : index
        %parallel_loop3A_536 = tpu.vector_load %arg16[%parallel_loop3A_534, %parallel_loop3A_535] {strides = array<i32>} : memref<800x16xf32, #tpu.memory_space<vmem>>, vector<16xf32>,
        %parallel_loop3A_537 = arith.constant 33 : i32
        %parallel_loop3A_538 = arith.muli %parallel_loop3A_526, %parallel_loop3A_537 : i32
        %parallel_loop3A_539 = arith.constant 16 : i32
        %parallel_loop3A_540 = arith.addi %parallel_loop3A_538, %parallel_loop3A_539 : i32
        %parallel_loop3A_541 = arith.index_cast %parallel_loop3A_540 : i32 to index
        %parallel_loop3A_542 = tpu.vector_load %arg18[%parallel_loop3A_541] {strides = array<i32>} : memref<26400xf32, #tpu.memory_space<vmem>>, vector<16xf32>,
        tpu.vector_store %arg18[%parallel_loop3A_541], %parallel_loop3A_536 {strides = array<i32>} : memref<26400xf32, #tpu.memory_space<vmem>>, vector<16xf32>,
        %parallel_loop3A_543 = arith.constant 14 : i32
        %parallel_loop3A_544 = arith.addi %parallel_loop3A_290, %parallel_loop3A_543 : i32
        %parallel_loop3A_545 = arith.index_cast %parallel_loop3A_544 : i32 to index
        %parallel_loop3A_546 = arith.constant 0 : index
        %parallel_loop3A_547 = tpu.vector_load %arg14[%parallel_loop3A_545, %parallel_loop3A_546] {strides = array<i32>} : memref<800x16xf32, #tpu.memory_space<vmem>>, vector<16xf32>,
        %parallel_loop3A_548 = arith.constant 33 : i32
        %parallel_loop3A_549 = arith.muli %parallel_loop3A_544, %parallel_loop3A_548 : i32
        %parallel_loop3A_550 = arith.index_cast %parallel_loop3A_549 : i32 to index
        %parallel_loop3A_551 = tpu.vector_load %arg18[%parallel_loop3A_550] {strides = array<i32>} : memref<26400xf32, #tpu.memory_space<vmem>>, vector<16xf32>,
        tpu.vector_store %arg18[%parallel_loop3A_550], %parallel_loop3A_547 {strides = array<i32>} : memref<26400xf32, #tpu.memory_space<vmem>>, vector<16xf32>,
        %parallel_loop3A_552 = arith.index_cast %parallel_loop3A_544 : i32 to index
        %parallel_loop3A_553 = arith.constant 0 : index
        %parallel_loop3A_554 = tpu.vector_load %arg16[%parallel_loop3A_552, %parallel_loop3A_553] {strides = array<i32>} : memref<800x16xf32, #tpu.memory_space<vmem>>, vector<16xf32>,
        %parallel_loop3A_555 = arith.constant 33 : i32
        %parallel_loop3A_556 = arith.muli %parallel_loop3A_544, %parallel_loop3A_555 : i32
        %parallel_loop3A_557 = arith.constant 16 : i32
        %parallel_loop3A_558 = arith.addi %parallel_loop3A_556, %parallel_loop3A_557 : i32
        %parallel_loop3A_559 = arith.index_cast %parallel_loop3A_558 : i32 to index
        %parallel_loop3A_560 = tpu.vector_load %arg18[%parallel_loop3A_559] {strides = array<i32>} : memref<26400xf32, #tpu.memory_space<vmem>>, vector<16xf32>,
        tpu.vector_store %arg18[%parallel_loop3A_559], %parallel_loop3A_554 {strides = array<i32>} : memref<26400xf32, #tpu.memory_space<vmem>>, vector<16xf32>,
        %parallel_loop3A_561 = arith.constant 15 : i32
        %parallel_loop3A_562 = arith.addi %parallel_loop3A_290, %parallel_loop3A_561 : i32
        %parallel_loop3A_563 = arith.index_cast %parallel_loop3A_562 : i32 to index
        %parallel_loop3A_564 = arith.constant 0 : index
        %parallel_loop3A_565 = tpu.vector_load %arg14[%parallel_loop3A_563, %parallel_loop3A_564] {strides = array<i32>} : memref<800x16xf32, #tpu.memory_space<vmem>>, vector<16xf32>,
        %parallel_loop3A_566 = arith.constant 33 : i32
        %parallel_loop3A_567 = arith.muli %parallel_loop3A_562, %parallel_loop3A_566 : i32
        %parallel_loop3A_568 = arith.index_cast %parallel_loop3A_567 : i32 to index
        %parallel_loop3A_569 = tpu.vector_load %arg18[%parallel_loop3A_568] {strides = array<i32>} : memref<26400xf32, #tpu.memory_space<vmem>>, vector<16xf32>,
        tpu.vector_store %arg18[%parallel_loop3A_568], %parallel_loop3A_565 {strides = array<i32>} : memref<26400xf32, #tpu.memory_space<vmem>>, vector<16xf32>,
        %parallel_loop3A_570 = arith.index_cast %parallel_loop3A_562 : i32 to index
        %parallel_loop3A_571 = arith.constant 0 : index
        %parallel_loop3A_572 = tpu.vector_load %arg16[%parallel_loop3A_570, %parallel_loop3A_571] {strides = array<i32>} : memref<800x16xf32, #tpu.memory_space<vmem>>, vector<16xf32>,
        %parallel_loop3A_573 = arith.constant 33 : i32
        %parallel_loop3A_574 = arith.muli %parallel_loop3A_562, %parallel_loop3A_573 : i32
        %parallel_loop3A_575 = arith.constant 16 : i32
        %parallel_loop3A_576 = arith.addi %parallel_loop3A_574, %parallel_loop3A_575 : i32
        %parallel_loop3A_577 = arith.index_cast %parallel_loop3A_576 : i32 to index
        %parallel_loop3A_578 = tpu.vector_load %arg18[%parallel_loop3A_577] {strides = array<i32>} : memref<26400xf32, #tpu.memory_space<vmem>>, vector<16xf32>,
        tpu.vector_store %arg18[%parallel_loop3A_577], %parallel_loop3A_572 {strides = array<i32>} : memref<26400xf32, #tpu.memory_space<vmem>>, vector<16xf32>,
        %parallel_loop3A_579 = arith.index_cast %parallel_loop3A_290 : i32 to index
        %parallel_loop3A_580 = tpu.vector_load %arg12[%parallel_loop3A_579] {strides = array<i32>} : memref<800xf32, #tpu.memory_space<vmem>>, vector<16xf32>,
        %parallel_loop3A_581 = math.absf %parallel_loop3A_580 : vector<16xf32>
        %parallel_loop3A_582 = arith.constant 1.000000e+00 : f32
        %parallel_loop3A_583 = vector.broadcast %parallel_loop3A_582 : f32 to vector<16xf32>
        %parallel_loop3A_584 = arith.addf %parallel_loop3A_583, %parallel_loop3A_581 : vector<16xf32>
        %parallel_loop3A_585 = tpu.bitcast %parallel_loop3A_584 : vector<16xf32> -> vector<16xi32>
        %parallel_loop3A_586 = arith.constant 4913933 : i32
        %parallel_loop3A_587 = vector.broadcast %parallel_loop3A_586 : i32 to vector<16xi32>
        %parallel_loop3A_588 = arith.addi %parallel_loop3A_585, %parallel_loop3A_587 : vector<16xi32>
        %parallel_loop3A_589 = arith.constant 23 : i32
        %parallel_loop3A_590 = vector.broadcast %parallel_loop3A_589 : i32 to vector<16xi32>
        %parallel_loop3A_591 = arith.shrsi %parallel_loop3A_588, %parallel_loop3A_590 : vector<16xi32>
        %parallel_loop3A_592 = arith.constant 127 : i32
        %parallel_loop3A_593 = vector.broadcast %parallel_loop3A_592 : i32 to vector<16xi32>
        %parallel_loop3A_594 = arith.subi %parallel_loop3A_591, %parallel_loop3A_593 : vector<16xi32>
        %parallel_loop3A_595 = arith.constant 8388607 : i32
        %parallel_loop3A_596 = vector.broadcast %parallel_loop3A_595 : i32 to vector<16xi32>
        %parallel_loop3A_597 = arith.andi %parallel_loop3A_588, %parallel_loop3A_596 : vector<16xi32>
        %parallel_loop3A_598 = arith.constant 1060439283 : i32
        %parallel_loop3A_599 = vector.broadcast %parallel_loop3A_598 : i32 to vector<16xi32>
        %parallel_loop3A_600 = arith.addi %parallel_loop3A_597, %parallel_loop3A_599 : vector<16xi32>
        %parallel_loop3A_601 = tpu.bitcast %parallel_loop3A_600 : vector<16xi32> -> vector<16xf32>
        %parallel_loop3A_602 = arith.constant 1.000000e+00 : f32
        %parallel_loop3A_603 = vector.broadcast %parallel_loop3A_602 : f32 to vector<16xf32>
        %parallel_loop3A_604 = arith.subf %parallel_loop3A_601, %parallel_loop3A_603 : vector<16xf32>
        %parallel_loop3A_605 = arith.constant 1.000000e+00 : f32
        %parallel_loop3A_606 = vector.broadcast %parallel_loop3A_605 : f32 to vector<16xf32>
        %parallel_loop3A_607 = arith.addf %parallel_loop3A_601, %parallel_loop3A_606 : vector<16xf32>
        %parallel_loop3A_608 = arith.divf %parallel_loop3A_604, %parallel_loop3A_607 : vector<16xf32>
        %parallel_loop3A_609 = arith.mulf %parallel_loop3A_608, %parallel_loop3A_608 : vector<16xf32>
        %parallel_loop3A_610 = arith.constant 2.000000e+00 : f32
        %parallel_loop3A_611 = vector.broadcast %parallel_loop3A_610 : f32 to vector<16xf32>
        %parallel_loop3A_612 = arith.mulf %parallel_loop3A_611, %parallel_loop3A_608 : vector<16xf32>
        %parallel_loop3A_613 = arith.constant 0.111111112 : f32
        %parallel_loop3A_614 = vector.broadcast %parallel_loop3A_613 : f32 to vector<16xf32>
        %parallel_loop3A_615 = arith.mulf %parallel_loop3A_609, %parallel_loop3A_614 : vector<16xf32>
        %parallel_loop3A_616 = arith.constant 0.142857149 : f32
        %parallel_loop3A_617 = vector.broadcast %parallel_loop3A_616 : f32 to vector<16xf32>
        %parallel_loop3A_618 = arith.addf %parallel_loop3A_617, %parallel_loop3A_615 : vector<16xf32>
        %parallel_loop3A_619 = arith.mulf %parallel_loop3A_609, %parallel_loop3A_618 : vector<16xf32>
        %parallel_loop3A_620 = arith.constant 2.000000e-01 : f32
        %parallel_loop3A_621 = vector.broadcast %parallel_loop3A_620 : f32 to vector<16xf32>
        %parallel_loop3A_622 = arith.addf %parallel_loop3A_621, %parallel_loop3A_619 : vector<16xf32>
        %parallel_loop3A_623 = arith.mulf %parallel_loop3A_609, %parallel_loop3A_622 : vector<16xf32>
        %parallel_loop3A_624 = arith.constant 0.333333343 : f32
        %parallel_loop3A_625 = vector.broadcast %parallel_loop3A_624 : f32 to vector<16xf32>
        %parallel_loop3A_626 = arith.addf %parallel_loop3A_625, %parallel_loop3A_623 : vector<16xf32>
        %parallel_loop3A_627 = arith.mulf %parallel_loop3A_609, %parallel_loop3A_626 : vector<16xf32>
        %parallel_loop3A_628 = arith.constant 1.000000e+00 : f32
        %parallel_loop3A_629 = vector.broadcast %parallel_loop3A_628 : f32 to vector<16xf32>
        %parallel_loop3A_630 = arith.addf %parallel_loop3A_629, %parallel_loop3A_627 : vector<16xf32>
        %parallel_loop3A_631 = arith.mulf %parallel_loop3A_612, %parallel_loop3A_630 : vector<16xf32>
        %parallel_loop3A_632 = arith.sitofp %parallel_loop3A_594 : vector<16xi32> to vector<16xf32>
        %parallel_loop3A_633 = arith.constant 0.693147182 : f32
        %parallel_loop3A_634 = vector.broadcast %parallel_loop3A_633 : f32 to vector<16xf32>
        %parallel_loop3A_635 = arith.mulf %parallel_loop3A_632, %parallel_loop3A_634 : vector<16xf32>
        %parallel_loop3A_636 = arith.addf %parallel_loop3A_635, %parallel_loop3A_631 : vector<16xf32>
        %parallel_loop3A_637 = tpu.bitcast %parallel_loop3A_580 : vector<16xf32> -> vector<16xi32>
        %parallel_loop3A_638 = arith.constant -2147483648 : i32
        %parallel_loop3A_639 = vector.broadcast %parallel_loop3A_638 : i32 to vector<16xi32>
        %parallel_loop3A_640 = arith.andi %parallel_loop3A_637, %parallel_loop3A_639 : vector<16xi32>
        %parallel_loop3A_641 = arith.constant 1065353216 : i32
        %parallel_loop3A_642 = vector.broadcast %parallel_loop3A_641 : i32 to vector<16xi32>
        %parallel_loop3A_643 = arith.ori %parallel_loop3A_642, %parallel_loop3A_640 : vector<16xi32>
        %parallel_loop3A_644 = tpu.bitcast %parallel_loop3A_643 : vector<16xi32> -> vector<16xf32>
        %parallel_loop3A_645 = math.absf %parallel_loop3A_580 : vector<16xf32>
        %parallel_loop3A_646 = arith.constant 0.000000e+00 : f32
        %parallel_loop3A_647 = vector.broadcast %parallel_loop3A_646 : f32 to vector<16xf32>
        %parallel_loop3A_648 = arith.cmpf ogt, %parallel_loop3A_645, %parallel_loop3A_647 : vector<16xf32>
        %parallel_loop3A_649 = arith.select %parallel_loop3A_648, %parallel_loop3A_644, %parallel_loop3A_580 : vector<16xi1>, vector<16xf32>
        %parallel_loop3A_650 = arith.mulf %parallel_loop3A_649, %parallel_loop3A_636 : vector<16xf32>
        %parallel_loop3A_651 = tpu.iota {dimensions = array<i32: 0>} : vector<16xi32>
        %parallel_loop3A_652 = vector.broadcast %parallel_loop3A_290 : i32 to vector<16xi32>
        %parallel_loop3A_653 = arith.addi %parallel_loop3A_652, %parallel_loop3A_651 : vector<16xi32>
        %parallel_loop3A_654 = arith.constant 33 : i32
        %parallel_loop3A_655 = vector.broadcast %parallel_loop3A_654 : i32 to vector<16xi32>
        %parallel_loop3A_656 = arith.muli %parallel_loop3A_653, %parallel_loop3A_655 : vector<16xi32>
        %parallel_loop3A_657 = arith.constant 32 : i32
        %parallel_loop3A_658 = vector.broadcast %parallel_loop3A_657 : i32 to vector<16xi32>
        %parallel_loop3A_659 = arith.addi %parallel_loop3A_656, %parallel_loop3A_658 : vector<16xi32>
        tpu.vector_store_idx %arg18[%parallel_loop3A_659], %parallel_loop3A_650 : memref<26400xf32, #tpu.memory_space<vmem>>[vector<16xi32>], vector<16xf32>,
      } {sc.loop_unroll_factor = 4 : i64, sc.parallel_access}
      %add3A_219 = arith.constant 2 : i32
      %add3A_220 = arith.addi %mul3A_187, %add3A_219 : i32
      %mul3A_221 = arith.constant 800 : i32
      %mul3A_222 = arith.muli %add3A_220, %mul3A_221 : i32
      %add3A_223 = arith.addi %mul3A_2, %mul3A_222 : i32
      %dma_start3A_224 = tpu.memref_slice %arg2[%add3A_223] : memref<819200xi32, #tpu.memory_space<hbm>> -> memref<800xi32, #tpu.memory_space<hbm>>
      %dma_start3A_225 = tpu.memref_slice %arg2[%add3A_223] : memref<819200xi32, #tpu.memory_space<hbm>> -> memref<800xi32, #tpu.memory_space<hbm>>
      tpu.enqueue_dma source(%dma_start3A_225 : memref<800xi32, #tpu.memory_space<hbm>>) target(%arg8 : memref<800xi32, #tpu.memory_space<vmem>>) target_semaphore(%arg20 : memref<!tpu.dma_semaphore, #tpu.memory_space<semaphore_mem>>)
      %dma_start3A_226 = tpu.memref_slice %arg3[%add3A_223] : memref<819200xi32, #tpu.memory_space<hbm>> -> memref<800xi32, #tpu.memory_space<hbm>>
      %dma_start3A_227 = tpu.memref_slice %arg3[%add3A_223] : memref<819200xi32, #tpu.memory_space<hbm>> -> memref<800xi32, #tpu.memory_space<hbm>>
      tpu.enqueue_dma source(%dma_start3A_227 : memref<800xi32, #tpu.memory_space<hbm>>) target(%arg10 : memref<800xi32, #tpu.memory_space<vmem>>) target_semaphore(%arg20 : memref<!tpu.dma_semaphore, #tpu.memory_space<semaphore_mem>>)
      %dma_start3A_228 = tpu.memref_slice %arg4[%add3A_223] : memref<819200xf32, #tpu.memory_space<hbm>> -> memref<800xf32, #tpu.memory_space<hbm>>
      %dma_start3A_229 = tpu.memref_slice %arg4[%add3A_223] : memref<819200xf32, #tpu.memory_space<hbm>> -> memref<800xf32, #tpu.memory_space<hbm>>
      tpu.enqueue_dma source(%dma_start3A_229 : memref<800xf32, #tpu.memory_space<hbm>>) target(%arg12 : memref<800xf32, #tpu.memory_space<vmem>>) target_semaphore(%arg20 : memref<!tpu.dma_semaphore, #tpu.memory_space<semaphore_mem>>)
      %mul3A_230 = arith.constant 800 : i32
      %mul3A_231 = arith.muli %mul3A_187, %mul3A_230 : i32
      %add3A_232 = arith.addi %mul3A_2, %mul3A_231 : i32
      %mul3A_233 = arith.constant 33 : i32
      %mul3A_234 = arith.muli %add3A_232, %mul3A_233 : i32
      %dma_start3A_235 = tpu.memref_slice %arg7[%mul3A_234] : memref<27033600xf32, #tpu.memory_space<hbm>> -> memref<26400xf32, #tpu.memory_space<hbm>>
      %dma_start3A_236 = tpu.memref_slice %arg7[%mul3A_234] : memref<27033600xf32, #tpu.memory_space<hbm>> -> memref<26400xf32, #tpu.memory_space<hbm>>
      tpu.enqueue_dma source(%arg18 : memref<26400xf32, #tpu.memory_space<vmem>>) target(%dma_start3A_236 : memref<26400xf32, #tpu.memory_space<hbm>>) target_semaphore(%arg24 : memref<!tpu.dma_semaphore, #tpu.memory_space<semaphore_mem>>)
      %add3A_237 = arith.constant 1 : i32
      %add3A_238 = arith.addi %mul3A_187, %add3A_237 : i32
      %dma_wait3A_239 = arith.constant 0 : i32
      %dma_wait3A_240 = arith.constant 0 : i32
      %dma_wait3A_241 = tpu.memref_slice %arg5[%dma_wait3A_239, %dma_wait3A_240] : memref<1000000x16xf32, #tpu.memory_space<hbm>> -> memref<1000000x16xf32, #tpu.memory_space<hbm>>
      tpu.wait_indirect_dma semaphore(%arg23 : memref<!tpu.dma_semaphore, #tpu.memory_space<semaphore_mem>>) src(%dma_wait3A_241 : memref<1000000x16xf32, #tpu.memory_space<hbm>>) dst(%arg15 : memref<800x16xf32, #tpu.memory_space<vmem>>)
      %dma_wait3A_242 = arith.constant 0 : i32
      %dma_wait3A_243 = arith.constant 0 : i32
      %dma_wait3A_244 = tpu.memref_slice %arg6[%dma_wait3A_242, %dma_wait3A_243] : memref<100000x16xf32, #tpu.memory_space<hbm>> -> memref<100000x16xf32, #tpu.memory_space<hbm>>
      tpu.wait_indirect_dma semaphore(%arg23 : memref<!tpu.dma_semaphore, #tpu.memory_space<semaphore_mem>>) src(%dma_wait3A_244 : memref<100000x16xf32, #tpu.memory_space<hbm>>) dst(%arg17 : memref<800x16xf32, #tpu.memory_space<vmem>>)
      %dma_wait3A_245 = arith.constant 0 : i32
      %dma_wait3A_246 = tpu.memref_slice %arg2[%dma_wait3A_245] : memref<819200xi32, #tpu.memory_space<hbm>> -> memref<800xi32, #tpu.memory_space<hbm>>
      %dma_wait3A_247 = arith.constant 0 : i32
      %dma_wait3A_248 = tpu.memref_slice %arg2[%dma_wait3A_247] : memref<819200xi32, #tpu.memory_space<hbm>> -> memref<800xi32, #tpu.memory_space<hbm>>
      tpu.wait_dma2 semaphore(%arg20 : memref<!tpu.dma_semaphore, #tpu.memory_space<semaphore_mem>>) src(%dma_wait3A_248 : memref<800xi32, #tpu.memory_space<hbm>>) dst(%arg8 : memref<800xi32, #tpu.memory_space<vmem>>)
      %dma_wait3A_249 = arith.constant 0 : i32
      %dma_wait3A_250 = tpu.memref_slice %arg3[%dma_wait3A_249] : memref<819200xi32, #tpu.memory_space<hbm>> -> memref<800xi32, #tpu.memory_space<hbm>>
      %dma_wait3A_251 = arith.constant 0 : i32
      %dma_wait3A_252 = tpu.memref_slice %arg3[%dma_wait3A_251] : memref<819200xi32, #tpu.memory_space<hbm>> -> memref<800xi32, #tpu.memory_space<hbm>>
      tpu.wait_dma2 semaphore(%arg20 : memref<!tpu.dma_semaphore, #tpu.memory_space<semaphore_mem>>) src(%dma_wait3A_252 : memref<800xi32, #tpu.memory_space<hbm>>) dst(%arg10 : memref<800xi32, #tpu.memory_space<vmem>>)
      %dma_wait3A_253 = arith.constant 0 : i32
      %dma_wait3A_254 = tpu.memref_slice %arg4[%dma_wait3A_253] : memref<819200xf32, #tpu.memory_space<hbm>> -> memref<800xf32, #tpu.memory_space<hbm>>
      %dma_wait3A_255 = arith.constant 0 : i32
      %dma_wait3A_256 = tpu.memref_slice %arg4[%dma_wait3A_255] : memref<819200xf32, #tpu.memory_space<hbm>> -> memref<800xf32, #tpu.memory_space<hbm>>
      tpu.wait_dma2 semaphore(%arg20 : memref<!tpu.dma_semaphore, #tpu.memory_space<semaphore_mem>>) src(%dma_wait3A_256 : memref<800xf32, #tpu.memory_space<hbm>>) dst(%arg12 : memref<800xf32, #tpu.memory_space<vmem>>)
      %dma_start3A_257 = arith.constant 0 : i32
      %dma_start3A_258 = arith.constant 0 : i32
      %dma_start3A_259 = tpu.memref_slice %arg5[%dma_start3A_257, %dma_start3A_258] : memref<1000000x16xf32, #tpu.memory_space<hbm>> -> memref<1000000x16xf32, #tpu.memory_space<hbm>>
      tpu.enqueue_indirect_dma source(%dma_start3A_259 : memref<1000000x16xf32, #tpu.memory_space<hbm>>) target(%arg14 : memref<800x16xf32, #tpu.memory_space<vmem>>) offsets(%arg8 : memref<800xi32, #tpu.memory_space<vmem>>) semaphore(%arg22 : memref<!tpu.dma_semaphore, #tpu.memory_space<semaphore_mem>>)
      %dma_start3A_260 = arith.constant 0 : i32
      %dma_start3A_261 = arith.constant 0 : i32
      %dma_start3A_262 = tpu.memref_slice %arg6[%dma_start3A_260, %dma_start3A_261] : memref<100000x16xf32, #tpu.memory_space<hbm>> -> memref<100000x16xf32, #tpu.memory_space<hbm>>
      tpu.enqueue_indirect_dma source(%dma_start3A_262 : memref<100000x16xf32, #tpu.memory_space<hbm>>) target(%arg16 : memref<800x16xf32, #tpu.memory_space<vmem>>) offsets(%arg10 : memref<800xi32, #tpu.memory_space<vmem>>) semaphore(%arg22 : memref<!tpu.dma_semaphore, #tpu.memory_space<semaphore_mem>>)
      %dma_wait3A_263 = arith.constant 0 : i32
      %dma_wait3A_264 = tpu.memref_slice %arg7[%dma_wait3A_263] : memref<27033600xf32, #tpu.memory_space<hbm>> -> memref<26400xf32, #tpu.memory_space<hbm>>
      %dma_wait3A_265 = arith.constant 0 : i32
      %dma_wait3A_266 = tpu.memref_slice %arg7[%dma_wait3A_265] : memref<27033600xf32, #tpu.memory_space<hbm>> -> memref<26400xf32, #tpu.memory_space<hbm>>
      tpu.wait_dma2 semaphore(%arg25 : memref<!tpu.dma_semaphore, #tpu.memory_space<semaphore_mem>>) src(%arg19 : memref<26400xf32, #tpu.memory_space<vmem>>) dst(%dma_wait3A_266 : memref<26400xf32, #tpu.memory_space<hbm>>)
      %parallel_loop3A_267 = arith.constant 0 : i32
      %parallel_loop3A_268 = arith.constant 50 : i32
      %parallel_loop3A_269 = arith.constant 1 : i32
      scf.for %parallel_loop3A_288 = %parallel_loop3A_267 to %parallel_loop3A_268 step %parallel_loop3A_269  : i32 {
        %parallel_loop3A_289 = arith.constant 16 : i32
        %parallel_loop3A_290 = arith.muli %parallel_loop3A_288, %parallel_loop3A_289 : i32
        %parallel_loop3A_291 = arith.constant 0 : i32
        %parallel_loop3A_292 = arith.addi %parallel_loop3A_290, %parallel_loop3A_291 : i32
        %parallel_loop3A_293 = arith.index_cast %parallel_loop3A_292 : i32 to index
        %parallel_loop3A_294 = arith.constant 0 : index
        %parallel_loop3A_295 = tpu.vector_load %arg15[%parallel_loop3A_293, %parallel_loop3A_294] {strides = array<i32>} : memref<800x16xf32, #tpu.memory_space<vmem>>, vector<16xf32>,
        %parallel_loop3A_296 = arith.constant 33 : i32
        %parallel_loop3A_297 = arith.muli %parallel_loop3A_292, %parallel_loop3A_296 : i32
        %parallel_loop3A_298 = arith.index_cast %parallel_loop3A_297 : i32 to index
        %parallel_loop3A_299 = tpu.vector_load %arg19[%parallel_loop3A_298] {strides = array<i32>} : memref<26400xf32, #tpu.memory_space<vmem>>, vector<16xf32>,
        tpu.vector_store %arg19[%parallel_loop3A_298], %parallel_loop3A_295 {strides = array<i32>} : memref<26400xf32, #tpu.memory_space<vmem>>, vector<16xf32>,
        %parallel_loop3A_300 = arith.index_cast %parallel_loop3A_292 : i32 to index
        %parallel_loop3A_301 = arith.constant 0 : index
        %parallel_loop3A_302 = tpu.vector_load %arg17[%parallel_loop3A_300, %parallel_loop3A_301] {strides = array<i32>} : memref<800x16xf32, #tpu.memory_space<vmem>>, vector<16xf32>,
        %parallel_loop3A_303 = arith.constant 33 : i32
        %parallel_loop3A_304 = arith.muli %parallel_loop3A_292, %parallel_loop3A_303 : i32
        %parallel_loop3A_305 = arith.constant 16 : i32
        %parallel_loop3A_306 = arith.addi %parallel_loop3A_304, %parallel_loop3A_305 : i32
        %parallel_loop3A_307 = arith.index_cast %parallel_loop3A_306 : i32 to index
        %parallel_loop3A_308 = tpu.vector_load %arg19[%parallel_loop3A_307] {strides = array<i32>} : memref<26400xf32, #tpu.memory_space<vmem>>, vector<16xf32>,
        tpu.vector_store %arg19[%parallel_loop3A_307], %parallel_loop3A_302 {strides = array<i32>} : memref<26400xf32, #tpu.memory_space<vmem>>, vector<16xf32>,
        %parallel_loop3A_309 = arith.constant 1 : i32
        %parallel_loop3A_310 = arith.addi %parallel_loop3A_290, %parallel_loop3A_309 : i32
        %parallel_loop3A_311 = arith.index_cast %parallel_loop3A_310 : i32 to index
        %parallel_loop3A_312 = arith.constant 0 : index
        %parallel_loop3A_313 = tpu.vector_load %arg15[%parallel_loop3A_311, %parallel_loop3A_312] {strides = array<i32>} : memref<800x16xf32, #tpu.memory_space<vmem>>, vector<16xf32>,
        %parallel_loop3A_314 = arith.constant 33 : i32
        %parallel_loop3A_315 = arith.muli %parallel_loop3A_310, %parallel_loop3A_314 : i32
        %parallel_loop3A_316 = arith.index_cast %parallel_loop3A_315 : i32 to index
        %parallel_loop3A_317 = tpu.vector_load %arg19[%parallel_loop3A_316] {strides = array<i32>} : memref<26400xf32, #tpu.memory_space<vmem>>, vector<16xf32>,
        tpu.vector_store %arg19[%parallel_loop3A_316], %parallel_loop3A_313 {strides = array<i32>} : memref<26400xf32, #tpu.memory_space<vmem>>, vector<16xf32>,
        %parallel_loop3A_318 = arith.index_cast %parallel_loop3A_310 : i32 to index
        %parallel_loop3A_319 = arith.constant 0 : index
        %parallel_loop3A_320 = tpu.vector_load %arg17[%parallel_loop3A_318, %parallel_loop3A_319] {strides = array<i32>} : memref<800x16xf32, #tpu.memory_space<vmem>>, vector<16xf32>,
        %parallel_loop3A_321 = arith.constant 33 : i32
        %parallel_loop3A_322 = arith.muli %parallel_loop3A_310, %parallel_loop3A_321 : i32
        %parallel_loop3A_323 = arith.constant 16 : i32
        %parallel_loop3A_324 = arith.addi %parallel_loop3A_322, %parallel_loop3A_323 : i32
        %parallel_loop3A_325 = arith.index_cast %parallel_loop3A_324 : i32 to index
        %parallel_loop3A_326 = tpu.vector_load %arg19[%parallel_loop3A_325] {strides = array<i32>} : memref<26400xf32, #tpu.memory_space<vmem>>, vector<16xf32>,
        tpu.vector_store %arg19[%parallel_loop3A_325], %parallel_loop3A_320 {strides = array<i32>} : memref<26400xf32, #tpu.memory_space<vmem>>, vector<16xf32>,
        %parallel_loop3A_327 = arith.constant 2 : i32
        %parallel_loop3A_328 = arith.addi %parallel_loop3A_290, %parallel_loop3A_327 : i32
        %parallel_loop3A_329 = arith.index_cast %parallel_loop3A_328 : i32 to index
        %parallel_loop3A_330 = arith.constant 0 : index
        %parallel_loop3A_331 = tpu.vector_load %arg15[%parallel_loop3A_329, %parallel_loop3A_330] {strides = array<i32>} : memref<800x16xf32, #tpu.memory_space<vmem>>, vector<16xf32>,
        %parallel_loop3A_332 = arith.constant 33 : i32
        %parallel_loop3A_333 = arith.muli %parallel_loop3A_328, %parallel_loop3A_332 : i32
        %parallel_loop3A_334 = arith.index_cast %parallel_loop3A_333 : i32 to index
        %parallel_loop3A_335 = tpu.vector_load %arg19[%parallel_loop3A_334] {strides = array<i32>} : memref<26400xf32, #tpu.memory_space<vmem>>, vector<16xf32>,
        tpu.vector_store %arg19[%parallel_loop3A_334], %parallel_loop3A_331 {strides = array<i32>} : memref<26400xf32, #tpu.memory_space<vmem>>, vector<16xf32>,
        %parallel_loop3A_336 = arith.index_cast %parallel_loop3A_328 : i32 to index
        %parallel_loop3A_337 = arith.constant 0 : index
        %parallel_loop3A_338 = tpu.vector_load %arg17[%parallel_loop3A_336, %parallel_loop3A_337] {strides = array<i32>} : memref<800x16xf32, #tpu.memory_space<vmem>>, vector<16xf32>,
        %parallel_loop3A_339 = arith.constant 33 : i32
        %parallel_loop3A_340 = arith.muli %parallel_loop3A_328, %parallel_loop3A_339 : i32
        %parallel_loop3A_341 = arith.constant 16 : i32
        %parallel_loop3A_342 = arith.addi %parallel_loop3A_340, %parallel_loop3A_341 : i32
        %parallel_loop3A_343 = arith.index_cast %parallel_loop3A_342 : i32 to index
        %parallel_loop3A_344 = tpu.vector_load %arg19[%parallel_loop3A_343] {strides = array<i32>} : memref<26400xf32, #tpu.memory_space<vmem>>, vector<16xf32>,
        tpu.vector_store %arg19[%parallel_loop3A_343], %parallel_loop3A_338 {strides = array<i32>} : memref<26400xf32, #tpu.memory_space<vmem>>, vector<16xf32>,
        %parallel_loop3A_345 = arith.constant 3 : i32
        %parallel_loop3A_346 = arith.addi %parallel_loop3A_290, %parallel_loop3A_345 : i32
        %parallel_loop3A_347 = arith.index_cast %parallel_loop3A_346 : i32 to index
        %parallel_loop3A_348 = arith.constant 0 : index
        %parallel_loop3A_349 = tpu.vector_load %arg15[%parallel_loop3A_347, %parallel_loop3A_348] {strides = array<i32>} : memref<800x16xf32, #tpu.memory_space<vmem>>, vector<16xf32>,
        %parallel_loop3A_350 = arith.constant 33 : i32
        %parallel_loop3A_351 = arith.muli %parallel_loop3A_346, %parallel_loop3A_350 : i32
        %parallel_loop3A_352 = arith.index_cast %parallel_loop3A_351 : i32 to index
        %parallel_loop3A_353 = tpu.vector_load %arg19[%parallel_loop3A_352] {strides = array<i32>} : memref<26400xf32, #tpu.memory_space<vmem>>, vector<16xf32>,
        tpu.vector_store %arg19[%parallel_loop3A_352], %parallel_loop3A_349 {strides = array<i32>} : memref<26400xf32, #tpu.memory_space<vmem>>, vector<16xf32>,
        %parallel_loop3A_354 = arith.index_cast %parallel_loop3A_346 : i32 to index
        %parallel_loop3A_355 = arith.constant 0 : index
        %parallel_loop3A_356 = tpu.vector_load %arg17[%parallel_loop3A_354, %parallel_loop3A_355] {strides = array<i32>} : memref<800x16xf32, #tpu.memory_space<vmem>>, vector<16xf32>,
        %parallel_loop3A_357 = arith.constant 33 : i32
        %parallel_loop3A_358 = arith.muli %parallel_loop3A_346, %parallel_loop3A_357 : i32
        %parallel_loop3A_359 = arith.constant 16 : i32
        %parallel_loop3A_360 = arith.addi %parallel_loop3A_358, %parallel_loop3A_359 : i32
        %parallel_loop3A_361 = arith.index_cast %parallel_loop3A_360 : i32 to index
        %parallel_loop3A_362 = tpu.vector_load %arg19[%parallel_loop3A_361] {strides = array<i32>} : memref<26400xf32, #tpu.memory_space<vmem>>, vector<16xf32>,
        tpu.vector_store %arg19[%parallel_loop3A_361], %parallel_loop3A_356 {strides = array<i32>} : memref<26400xf32, #tpu.memory_space<vmem>>, vector<16xf32>,
        %parallel_loop3A_363 = arith.constant 4 : i32
        %parallel_loop3A_364 = arith.addi %parallel_loop3A_290, %parallel_loop3A_363 : i32
        %parallel_loop3A_365 = arith.index_cast %parallel_loop3A_364 : i32 to index
        %parallel_loop3A_366 = arith.constant 0 : index
        %parallel_loop3A_367 = tpu.vector_load %arg15[%parallel_loop3A_365, %parallel_loop3A_366] {strides = array<i32>} : memref<800x16xf32, #tpu.memory_space<vmem>>, vector<16xf32>,
        %parallel_loop3A_368 = arith.constant 33 : i32
        %parallel_loop3A_369 = arith.muli %parallel_loop3A_364, %parallel_loop3A_368 : i32
        %parallel_loop3A_370 = arith.index_cast %parallel_loop3A_369 : i32 to index
        %parallel_loop3A_371 = tpu.vector_load %arg19[%parallel_loop3A_370] {strides = array<i32>} : memref<26400xf32, #tpu.memory_space<vmem>>, vector<16xf32>,
        tpu.vector_store %arg19[%parallel_loop3A_370], %parallel_loop3A_367 {strides = array<i32>} : memref<26400xf32, #tpu.memory_space<vmem>>, vector<16xf32>,
        %parallel_loop3A_372 = arith.index_cast %parallel_loop3A_364 : i32 to index
        %parallel_loop3A_373 = arith.constant 0 : index
        %parallel_loop3A_374 = tpu.vector_load %arg17[%parallel_loop3A_372, %parallel_loop3A_373] {strides = array<i32>} : memref<800x16xf32, #tpu.memory_space<vmem>>, vector<16xf32>,
        %parallel_loop3A_375 = arith.constant 33 : i32
        %parallel_loop3A_376 = arith.muli %parallel_loop3A_364, %parallel_loop3A_375 : i32
        %parallel_loop3A_377 = arith.constant 16 : i32
        %parallel_loop3A_378 = arith.addi %parallel_loop3A_376, %parallel_loop3A_377 : i32
        %parallel_loop3A_379 = arith.index_cast %parallel_loop3A_378 : i32 to index
        %parallel_loop3A_380 = tpu.vector_load %arg19[%parallel_loop3A_379] {strides = array<i32>} : memref<26400xf32, #tpu.memory_space<vmem>>, vector<16xf32>,
        tpu.vector_store %arg19[%parallel_loop3A_379], %parallel_loop3A_374 {strides = array<i32>} : memref<26400xf32, #tpu.memory_space<vmem>>, vector<16xf32>,
        %parallel_loop3A_381 = arith.constant 5 : i32
        %parallel_loop3A_382 = arith.addi %parallel_loop3A_290, %parallel_loop3A_381 : i32
        %parallel_loop3A_383 = arith.index_cast %parallel_loop3A_382 : i32 to index
        %parallel_loop3A_384 = arith.constant 0 : index
        %parallel_loop3A_385 = tpu.vector_load %arg15[%parallel_loop3A_383, %parallel_loop3A_384] {strides = array<i32>} : memref<800x16xf32, #tpu.memory_space<vmem>>, vector<16xf32>,
        %parallel_loop3A_386 = arith.constant 33 : i32
        %parallel_loop3A_387 = arith.muli %parallel_loop3A_382, %parallel_loop3A_386 : i32
        %parallel_loop3A_388 = arith.index_cast %parallel_loop3A_387 : i32 to index
        %parallel_loop3A_389 = tpu.vector_load %arg19[%parallel_loop3A_388] {strides = array<i32>} : memref<26400xf32, #tpu.memory_space<vmem>>, vector<16xf32>,
        tpu.vector_store %arg19[%parallel_loop3A_388], %parallel_loop3A_385 {strides = array<i32>} : memref<26400xf32, #tpu.memory_space<vmem>>, vector<16xf32>,
        %parallel_loop3A_390 = arith.index_cast %parallel_loop3A_382 : i32 to index
        %parallel_loop3A_391 = arith.constant 0 : index
        %parallel_loop3A_392 = tpu.vector_load %arg17[%parallel_loop3A_390, %parallel_loop3A_391] {strides = array<i32>} : memref<800x16xf32, #tpu.memory_space<vmem>>, vector<16xf32>,
        %parallel_loop3A_393 = arith.constant 33 : i32
        %parallel_loop3A_394 = arith.muli %parallel_loop3A_382, %parallel_loop3A_393 : i32
        %parallel_loop3A_395 = arith.constant 16 : i32
        %parallel_loop3A_396 = arith.addi %parallel_loop3A_394, %parallel_loop3A_395 : i32
        %parallel_loop3A_397 = arith.index_cast %parallel_loop3A_396 : i32 to index
        %parallel_loop3A_398 = tpu.vector_load %arg19[%parallel_loop3A_397] {strides = array<i32>} : memref<26400xf32, #tpu.memory_space<vmem>>, vector<16xf32>,
        tpu.vector_store %arg19[%parallel_loop3A_397], %parallel_loop3A_392 {strides = array<i32>} : memref<26400xf32, #tpu.memory_space<vmem>>, vector<16xf32>,
        %parallel_loop3A_399 = arith.constant 6 : i32
        %parallel_loop3A_400 = arith.addi %parallel_loop3A_290, %parallel_loop3A_399 : i32
        %parallel_loop3A_401 = arith.index_cast %parallel_loop3A_400 : i32 to index
        %parallel_loop3A_402 = arith.constant 0 : index
        %parallel_loop3A_403 = tpu.vector_load %arg15[%parallel_loop3A_401, %parallel_loop3A_402] {strides = array<i32>} : memref<800x16xf32, #tpu.memory_space<vmem>>, vector<16xf32>,
        %parallel_loop3A_404 = arith.constant 33 : i32
        %parallel_loop3A_405 = arith.muli %parallel_loop3A_400, %parallel_loop3A_404 : i32
        %parallel_loop3A_406 = arith.index_cast %parallel_loop3A_405 : i32 to index
        %parallel_loop3A_407 = tpu.vector_load %arg19[%parallel_loop3A_406] {strides = array<i32>} : memref<26400xf32, #tpu.memory_space<vmem>>, vector<16xf32>,
        tpu.vector_store %arg19[%parallel_loop3A_406], %parallel_loop3A_403 {strides = array<i32>} : memref<26400xf32, #tpu.memory_space<vmem>>, vector<16xf32>,
        %parallel_loop3A_408 = arith.index_cast %parallel_loop3A_400 : i32 to index
        %parallel_loop3A_409 = arith.constant 0 : index
        %parallel_loop3A_410 = tpu.vector_load %arg17[%parallel_loop3A_408, %parallel_loop3A_409] {strides = array<i32>} : memref<800x16xf32, #tpu.memory_space<vmem>>, vector<16xf32>,
        %parallel_loop3A_411 = arith.constant 33 : i32
        %parallel_loop3A_412 = arith.muli %parallel_loop3A_400, %parallel_loop3A_411 : i32
        %parallel_loop3A_413 = arith.constant 16 : i32
        %parallel_loop3A_414 = arith.addi %parallel_loop3A_412, %parallel_loop3A_413 : i32
        %parallel_loop3A_415 = arith.index_cast %parallel_loop3A_414 : i32 to index
        %parallel_loop3A_416 = tpu.vector_load %arg19[%parallel_loop3A_415] {strides = array<i32>} : memref<26400xf32, #tpu.memory_space<vmem>>, vector<16xf32>,
        tpu.vector_store %arg19[%parallel_loop3A_415], %parallel_loop3A_410 {strides = array<i32>} : memref<26400xf32, #tpu.memory_space<vmem>>, vector<16xf32>,
        %parallel_loop3A_417 = arith.constant 7 : i32
        %parallel_loop3A_418 = arith.addi %parallel_loop3A_290, %parallel_loop3A_417 : i32
        %parallel_loop3A_419 = arith.index_cast %parallel_loop3A_418 : i32 to index
        %parallel_loop3A_420 = arith.constant 0 : index
        %parallel_loop3A_421 = tpu.vector_load %arg15[%parallel_loop3A_419, %parallel_loop3A_420] {strides = array<i32>} : memref<800x16xf32, #tpu.memory_space<vmem>>, vector<16xf32>,
        %parallel_loop3A_422 = arith.constant 33 : i32
        %parallel_loop3A_423 = arith.muli %parallel_loop3A_418, %parallel_loop3A_422 : i32
        %parallel_loop3A_424 = arith.index_cast %parallel_loop3A_423 : i32 to index
        %parallel_loop3A_425 = tpu.vector_load %arg19[%parallel_loop3A_424] {strides = array<i32>} : memref<26400xf32, #tpu.memory_space<vmem>>, vector<16xf32>,
        tpu.vector_store %arg19[%parallel_loop3A_424], %parallel_loop3A_421 {strides = array<i32>} : memref<26400xf32, #tpu.memory_space<vmem>>, vector<16xf32>,
        %parallel_loop3A_426 = arith.index_cast %parallel_loop3A_418 : i32 to index
        %parallel_loop3A_427 = arith.constant 0 : index
        %parallel_loop3A_428 = tpu.vector_load %arg17[%parallel_loop3A_426, %parallel_loop3A_427] {strides = array<i32>} : memref<800x16xf32, #tpu.memory_space<vmem>>, vector<16xf32>,
        %parallel_loop3A_429 = arith.constant 33 : i32
        %parallel_loop3A_430 = arith.muli %parallel_loop3A_418, %parallel_loop3A_429 : i32
        %parallel_loop3A_431 = arith.constant 16 : i32
        %parallel_loop3A_432 = arith.addi %parallel_loop3A_430, %parallel_loop3A_431 : i32
        %parallel_loop3A_433 = arith.index_cast %parallel_loop3A_432 : i32 to index
        %parallel_loop3A_434 = tpu.vector_load %arg19[%parallel_loop3A_433] {strides = array<i32>} : memref<26400xf32, #tpu.memory_space<vmem>>, vector<16xf32>,
        tpu.vector_store %arg19[%parallel_loop3A_433], %parallel_loop3A_428 {strides = array<i32>} : memref<26400xf32, #tpu.memory_space<vmem>>, vector<16xf32>,
        %parallel_loop3A_435 = arith.constant 8 : i32
        %parallel_loop3A_436 = arith.addi %parallel_loop3A_290, %parallel_loop3A_435 : i32
        %parallel_loop3A_437 = arith.index_cast %parallel_loop3A_436 : i32 to index
        %parallel_loop3A_438 = arith.constant 0 : index
        %parallel_loop3A_439 = tpu.vector_load %arg15[%parallel_loop3A_437, %parallel_loop3A_438] {strides = array<i32>} : memref<800x16xf32, #tpu.memory_space<vmem>>, vector<16xf32>,
        %parallel_loop3A_440 = arith.constant 33 : i32
        %parallel_loop3A_441 = arith.muli %parallel_loop3A_436, %parallel_loop3A_440 : i32
        %parallel_loop3A_442 = arith.index_cast %parallel_loop3A_441 : i32 to index
        %parallel_loop3A_443 = tpu.vector_load %arg19[%parallel_loop3A_442] {strides = array<i32>} : memref<26400xf32, #tpu.memory_space<vmem>>, vector<16xf32>,
        tpu.vector_store %arg19[%parallel_loop3A_442], %parallel_loop3A_439 {strides = array<i32>} : memref<26400xf32, #tpu.memory_space<vmem>>, vector<16xf32>,
        %parallel_loop3A_444 = arith.index_cast %parallel_loop3A_436 : i32 to index
        %parallel_loop3A_445 = arith.constant 0 : index
        %parallel_loop3A_446 = tpu.vector_load %arg17[%parallel_loop3A_444, %parallel_loop3A_445] {strides = array<i32>} : memref<800x16xf32, #tpu.memory_space<vmem>>, vector<16xf32>,
        %parallel_loop3A_447 = arith.constant 33 : i32
        %parallel_loop3A_448 = arith.muli %parallel_loop3A_436, %parallel_loop3A_447 : i32
        %parallel_loop3A_449 = arith.constant 16 : i32
        %parallel_loop3A_450 = arith.addi %parallel_loop3A_448, %parallel_loop3A_449 : i32
        %parallel_loop3A_451 = arith.index_cast %parallel_loop3A_450 : i32 to index
        %parallel_loop3A_452 = tpu.vector_load %arg19[%parallel_loop3A_451] {strides = array<i32>} : memref<26400xf32, #tpu.memory_space<vmem>>, vector<16xf32>,
        tpu.vector_store %arg19[%parallel_loop3A_451], %parallel_loop3A_446 {strides = array<i32>} : memref<26400xf32, #tpu.memory_space<vmem>>, vector<16xf32>,
        %parallel_loop3A_453 = arith.constant 9 : i32
        %parallel_loop3A_454 = arith.addi %parallel_loop3A_290, %parallel_loop3A_453 : i32
        %parallel_loop3A_455 = arith.index_cast %parallel_loop3A_454 : i32 to index
        %parallel_loop3A_456 = arith.constant 0 : index
        %parallel_loop3A_457 = tpu.vector_load %arg15[%parallel_loop3A_455, %parallel_loop3A_456] {strides = array<i32>} : memref<800x16xf32, #tpu.memory_space<vmem>>, vector<16xf32>,
        %parallel_loop3A_458 = arith.constant 33 : i32
        %parallel_loop3A_459 = arith.muli %parallel_loop3A_454, %parallel_loop3A_458 : i32
        %parallel_loop3A_460 = arith.index_cast %parallel_loop3A_459 : i32 to index
        %parallel_loop3A_461 = tpu.vector_load %arg19[%parallel_loop3A_460] {strides = array<i32>} : memref<26400xf32, #tpu.memory_space<vmem>>, vector<16xf32>,
        tpu.vector_store %arg19[%parallel_loop3A_460], %parallel_loop3A_457 {strides = array<i32>} : memref<26400xf32, #tpu.memory_space<vmem>>, vector<16xf32>,
        %parallel_loop3A_462 = arith.index_cast %parallel_loop3A_454 : i32 to index
        %parallel_loop3A_463 = arith.constant 0 : index
        %parallel_loop3A_464 = tpu.vector_load %arg17[%parallel_loop3A_462, %parallel_loop3A_463] {strides = array<i32>} : memref<800x16xf32, #tpu.memory_space<vmem>>, vector<16xf32>,
        %parallel_loop3A_465 = arith.constant 33 : i32
        %parallel_loop3A_466 = arith.muli %parallel_loop3A_454, %parallel_loop3A_465 : i32
        %parallel_loop3A_467 = arith.constant 16 : i32
        %parallel_loop3A_468 = arith.addi %parallel_loop3A_466, %parallel_loop3A_467 : i32
        %parallel_loop3A_469 = arith.index_cast %parallel_loop3A_468 : i32 to index
        %parallel_loop3A_470 = tpu.vector_load %arg19[%parallel_loop3A_469] {strides = array<i32>} : memref<26400xf32, #tpu.memory_space<vmem>>, vector<16xf32>,
        tpu.vector_store %arg19[%parallel_loop3A_469], %parallel_loop3A_464 {strides = array<i32>} : memref<26400xf32, #tpu.memory_space<vmem>>, vector<16xf32>,
        %parallel_loop3A_471 = arith.constant 10 : i32
        %parallel_loop3A_472 = arith.addi %parallel_loop3A_290, %parallel_loop3A_471 : i32
        %parallel_loop3A_473 = arith.index_cast %parallel_loop3A_472 : i32 to index
        %parallel_loop3A_474 = arith.constant 0 : index
        %parallel_loop3A_475 = tpu.vector_load %arg15[%parallel_loop3A_473, %parallel_loop3A_474] {strides = array<i32>} : memref<800x16xf32, #tpu.memory_space<vmem>>, vector<16xf32>,
        %parallel_loop3A_476 = arith.constant 33 : i32
        %parallel_loop3A_477 = arith.muli %parallel_loop3A_472, %parallel_loop3A_476 : i32
        %parallel_loop3A_478 = arith.index_cast %parallel_loop3A_477 : i32 to index
        %parallel_loop3A_479 = tpu.vector_load %arg19[%parallel_loop3A_478] {strides = array<i32>} : memref<26400xf32, #tpu.memory_space<vmem>>, vector<16xf32>,
        tpu.vector_store %arg19[%parallel_loop3A_478], %parallel_loop3A_475 {strides = array<i32>} : memref<26400xf32, #tpu.memory_space<vmem>>, vector<16xf32>,
        %parallel_loop3A_480 = arith.index_cast %parallel_loop3A_472 : i32 to index
        %parallel_loop3A_481 = arith.constant 0 : index
        %parallel_loop3A_482 = tpu.vector_load %arg17[%parallel_loop3A_480, %parallel_loop3A_481] {strides = array<i32>} : memref<800x16xf32, #tpu.memory_space<vmem>>, vector<16xf32>,
        %parallel_loop3A_483 = arith.constant 33 : i32
        %parallel_loop3A_484 = arith.muli %parallel_loop3A_472, %parallel_loop3A_483 : i32
        %parallel_loop3A_485 = arith.constant 16 : i32
        %parallel_loop3A_486 = arith.addi %parallel_loop3A_484, %parallel_loop3A_485 : i32
        %parallel_loop3A_487 = arith.index_cast %parallel_loop3A_486 : i32 to index
        %parallel_loop3A_488 = tpu.vector_load %arg19[%parallel_loop3A_487] {strides = array<i32>} : memref<26400xf32, #tpu.memory_space<vmem>>, vector<16xf32>,
        tpu.vector_store %arg19[%parallel_loop3A_487], %parallel_loop3A_482 {strides = array<i32>} : memref<26400xf32, #tpu.memory_space<vmem>>, vector<16xf32>,
        %parallel_loop3A_489 = arith.constant 11 : i32
        %parallel_loop3A_490 = arith.addi %parallel_loop3A_290, %parallel_loop3A_489 : i32
        %parallel_loop3A_491 = arith.index_cast %parallel_loop3A_490 : i32 to index
        %parallel_loop3A_492 = arith.constant 0 : index
        %parallel_loop3A_493 = tpu.vector_load %arg15[%parallel_loop3A_491, %parallel_loop3A_492] {strides = array<i32>} : memref<800x16xf32, #tpu.memory_space<vmem>>, vector<16xf32>,
        %parallel_loop3A_494 = arith.constant 33 : i32
        %parallel_loop3A_495 = arith.muli %parallel_loop3A_490, %parallel_loop3A_494 : i32
        %parallel_loop3A_496 = arith.index_cast %parallel_loop3A_495 : i32 to index
        %parallel_loop3A_497 = tpu.vector_load %arg19[%parallel_loop3A_496] {strides = array<i32>} : memref<26400xf32, #tpu.memory_space<vmem>>, vector<16xf32>,
        tpu.vector_store %arg19[%parallel_loop3A_496], %parallel_loop3A_493 {strides = array<i32>} : memref<26400xf32, #tpu.memory_space<vmem>>, vector<16xf32>,
        %parallel_loop3A_498 = arith.index_cast %parallel_loop3A_490 : i32 to index
        %parallel_loop3A_499 = arith.constant 0 : index
        %parallel_loop3A_500 = tpu.vector_load %arg17[%parallel_loop3A_498, %parallel_loop3A_499] {strides = array<i32>} : memref<800x16xf32, #tpu.memory_space<vmem>>, vector<16xf32>,
        %parallel_loop3A_501 = arith.constant 33 : i32
        %parallel_loop3A_502 = arith.muli %parallel_loop3A_490, %parallel_loop3A_501 : i32
        %parallel_loop3A_503 = arith.constant 16 : i32
        %parallel_loop3A_504 = arith.addi %parallel_loop3A_502, %parallel_loop3A_503 : i32
        %parallel_loop3A_505 = arith.index_cast %parallel_loop3A_504 : i32 to index
        %parallel_loop3A_506 = tpu.vector_load %arg19[%parallel_loop3A_505] {strides = array<i32>} : memref<26400xf32, #tpu.memory_space<vmem>>, vector<16xf32>,
        tpu.vector_store %arg19[%parallel_loop3A_505], %parallel_loop3A_500 {strides = array<i32>} : memref<26400xf32, #tpu.memory_space<vmem>>, vector<16xf32>,
        %parallel_loop3A_507 = arith.constant 12 : i32
        %parallel_loop3A_508 = arith.addi %parallel_loop3A_290, %parallel_loop3A_507 : i32
        %parallel_loop3A_509 = arith.index_cast %parallel_loop3A_508 : i32 to index
        %parallel_loop3A_510 = arith.constant 0 : index
        %parallel_loop3A_511 = tpu.vector_load %arg15[%parallel_loop3A_509, %parallel_loop3A_510] {strides = array<i32>} : memref<800x16xf32, #tpu.memory_space<vmem>>, vector<16xf32>,
        %parallel_loop3A_512 = arith.constant 33 : i32
        %parallel_loop3A_513 = arith.muli %parallel_loop3A_508, %parallel_loop3A_512 : i32
        %parallel_loop3A_514 = arith.index_cast %parallel_loop3A_513 : i32 to index
        %parallel_loop3A_515 = tpu.vector_load %arg19[%parallel_loop3A_514] {strides = array<i32>} : memref<26400xf32, #tpu.memory_space<vmem>>, vector<16xf32>,
        tpu.vector_store %arg19[%parallel_loop3A_514], %parallel_loop3A_511 {strides = array<i32>} : memref<26400xf32, #tpu.memory_space<vmem>>, vector<16xf32>,
        %parallel_loop3A_516 = arith.index_cast %parallel_loop3A_508 : i32 to index
        %parallel_loop3A_517 = arith.constant 0 : index
        %parallel_loop3A_518 = tpu.vector_load %arg17[%parallel_loop3A_516, %parallel_loop3A_517] {strides = array<i32>} : memref<800x16xf32, #tpu.memory_space<vmem>>, vector<16xf32>,
        %parallel_loop3A_519 = arith.constant 33 : i32
        %parallel_loop3A_520 = arith.muli %parallel_loop3A_508, %parallel_loop3A_519 : i32
        %parallel_loop3A_521 = arith.constant 16 : i32
        %parallel_loop3A_522 = arith.addi %parallel_loop3A_520, %parallel_loop3A_521 : i32
        %parallel_loop3A_523 = arith.index_cast %parallel_loop3A_522 : i32 to index
        %parallel_loop3A_524 = tpu.vector_load %arg19[%parallel_loop3A_523] {strides = array<i32>} : memref<26400xf32, #tpu.memory_space<vmem>>, vector<16xf32>,
        tpu.vector_store %arg19[%parallel_loop3A_523], %parallel_loop3A_518 {strides = array<i32>} : memref<26400xf32, #tpu.memory_space<vmem>>, vector<16xf32>,
        %parallel_loop3A_525 = arith.constant 13 : i32
        %parallel_loop3A_526 = arith.addi %parallel_loop3A_290, %parallel_loop3A_525 : i32
        %parallel_loop3A_527 = arith.index_cast %parallel_loop3A_526 : i32 to index
        %parallel_loop3A_528 = arith.constant 0 : index
        %parallel_loop3A_529 = tpu.vector_load %arg15[%parallel_loop3A_527, %parallel_loop3A_528] {strides = array<i32>} : memref<800x16xf32, #tpu.memory_space<vmem>>, vector<16xf32>,
        %parallel_loop3A_530 = arith.constant 33 : i32
        %parallel_loop3A_531 = arith.muli %parallel_loop3A_526, %parallel_loop3A_530 : i32
        %parallel_loop3A_532 = arith.index_cast %parallel_loop3A_531 : i32 to index
        %parallel_loop3A_533 = tpu.vector_load %arg19[%parallel_loop3A_532] {strides = array<i32>} : memref<26400xf32, #tpu.memory_space<vmem>>, vector<16xf32>,
        tpu.vector_store %arg19[%parallel_loop3A_532], %parallel_loop3A_529 {strides = array<i32>} : memref<26400xf32, #tpu.memory_space<vmem>>, vector<16xf32>,
        %parallel_loop3A_534 = arith.index_cast %parallel_loop3A_526 : i32 to index
        %parallel_loop3A_535 = arith.constant 0 : index
        %parallel_loop3A_536 = tpu.vector_load %arg17[%parallel_loop3A_534, %parallel_loop3A_535] {strides = array<i32>} : memref<800x16xf32, #tpu.memory_space<vmem>>, vector<16xf32>,
        %parallel_loop3A_537 = arith.constant 33 : i32
        %parallel_loop3A_538 = arith.muli %parallel_loop3A_526, %parallel_loop3A_537 : i32
        %parallel_loop3A_539 = arith.constant 16 : i32
        %parallel_loop3A_540 = arith.addi %parallel_loop3A_538, %parallel_loop3A_539 : i32
        %parallel_loop3A_541 = arith.index_cast %parallel_loop3A_540 : i32 to index
        %parallel_loop3A_542 = tpu.vector_load %arg19[%parallel_loop3A_541] {strides = array<i32>} : memref<26400xf32, #tpu.memory_space<vmem>>, vector<16xf32>,
        tpu.vector_store %arg19[%parallel_loop3A_541], %parallel_loop3A_536 {strides = array<i32>} : memref<26400xf32, #tpu.memory_space<vmem>>, vector<16xf32>,
        %parallel_loop3A_543 = arith.constant 14 : i32
        %parallel_loop3A_544 = arith.addi %parallel_loop3A_290, %parallel_loop3A_543 : i32
        %parallel_loop3A_545 = arith.index_cast %parallel_loop3A_544 : i32 to index
        %parallel_loop3A_546 = arith.constant 0 : index
        %parallel_loop3A_547 = tpu.vector_load %arg15[%parallel_loop3A_545, %parallel_loop3A_546] {strides = array<i32>} : memref<800x16xf32, #tpu.memory_space<vmem>>, vector<16xf32>,
        %parallel_loop3A_548 = arith.constant 33 : i32
        %parallel_loop3A_549 = arith.muli %parallel_loop3A_544, %parallel_loop3A_548 : i32
        %parallel_loop3A_550 = arith.index_cast %parallel_loop3A_549 : i32 to index
        %parallel_loop3A_551 = tpu.vector_load %arg19[%parallel_loop3A_550] {strides = array<i32>} : memref<26400xf32, #tpu.memory_space<vmem>>, vector<16xf32>,
        tpu.vector_store %arg19[%parallel_loop3A_550], %parallel_loop3A_547 {strides = array<i32>} : memref<26400xf32, #tpu.memory_space<vmem>>, vector<16xf32>,
        %parallel_loop3A_552 = arith.index_cast %parallel_loop3A_544 : i32 to index
        %parallel_loop3A_553 = arith.constant 0 : index
        %parallel_loop3A_554 = tpu.vector_load %arg17[%parallel_loop3A_552, %parallel_loop3A_553] {strides = array<i32>} : memref<800x16xf32, #tpu.memory_space<vmem>>, vector<16xf32>,
        %parallel_loop3A_555 = arith.constant 33 : i32
        %parallel_loop3A_556 = arith.muli %parallel_loop3A_544, %parallel_loop3A_555 : i32
        %parallel_loop3A_557 = arith.constant 16 : i32
        %parallel_loop3A_558 = arith.addi %parallel_loop3A_556, %parallel_loop3A_557 : i32
        %parallel_loop3A_559 = arith.index_cast %parallel_loop3A_558 : i32 to index
        %parallel_loop3A_560 = tpu.vector_load %arg19[%parallel_loop3A_559] {strides = array<i32>} : memref<26400xf32, #tpu.memory_space<vmem>>, vector<16xf32>,
        tpu.vector_store %arg19[%parallel_loop3A_559], %parallel_loop3A_554 {strides = array<i32>} : memref<26400xf32, #tpu.memory_space<vmem>>, vector<16xf32>,
        %parallel_loop3A_561 = arith.constant 15 : i32
        %parallel_loop3A_562 = arith.addi %parallel_loop3A_290, %parallel_loop3A_561 : i32
        %parallel_loop3A_563 = arith.index_cast %parallel_loop3A_562 : i32 to index
        %parallel_loop3A_564 = arith.constant 0 : index
        %parallel_loop3A_565 = tpu.vector_load %arg15[%parallel_loop3A_563, %parallel_loop3A_564] {strides = array<i32>} : memref<800x16xf32, #tpu.memory_space<vmem>>, vector<16xf32>,
        %parallel_loop3A_566 = arith.constant 33 : i32
        %parallel_loop3A_567 = arith.muli %parallel_loop3A_562, %parallel_loop3A_566 : i32
        %parallel_loop3A_568 = arith.index_cast %parallel_loop3A_567 : i32 to index
        %parallel_loop3A_569 = tpu.vector_load %arg19[%parallel_loop3A_568] {strides = array<i32>} : memref<26400xf32, #tpu.memory_space<vmem>>, vector<16xf32>,
        tpu.vector_store %arg19[%parallel_loop3A_568], %parallel_loop3A_565 {strides = array<i32>} : memref<26400xf32, #tpu.memory_space<vmem>>, vector<16xf32>,
        %parallel_loop3A_570 = arith.index_cast %parallel_loop3A_562 : i32 to index
        %parallel_loop3A_571 = arith.constant 0 : index
        %parallel_loop3A_572 = tpu.vector_load %arg17[%parallel_loop3A_570, %parallel_loop3A_571] {strides = array<i32>} : memref<800x16xf32, #tpu.memory_space<vmem>>, vector<16xf32>,
        %parallel_loop3A_573 = arith.constant 33 : i32
        %parallel_loop3A_574 = arith.muli %parallel_loop3A_562, %parallel_loop3A_573 : i32
        %parallel_loop3A_575 = arith.constant 16 : i32
        %parallel_loop3A_576 = arith.addi %parallel_loop3A_574, %parallel_loop3A_575 : i32
        %parallel_loop3A_577 = arith.index_cast %parallel_loop3A_576 : i32 to index
        %parallel_loop3A_578 = tpu.vector_load %arg19[%parallel_loop3A_577] {strides = array<i32>} : memref<26400xf32, #tpu.memory_space<vmem>>, vector<16xf32>,
        tpu.vector_store %arg19[%parallel_loop3A_577], %parallel_loop3A_572 {strides = array<i32>} : memref<26400xf32, #tpu.memory_space<vmem>>, vector<16xf32>,
        %parallel_loop3A_579 = arith.index_cast %parallel_loop3A_290 : i32 to index
        %parallel_loop3A_580 = tpu.vector_load %arg13[%parallel_loop3A_579] {strides = array<i32>} : memref<800xf32, #tpu.memory_space<vmem>>, vector<16xf32>,
        %parallel_loop3A_581 = math.absf %parallel_loop3A_580 : vector<16xf32>
        %parallel_loop3A_582 = arith.constant 1.000000e+00 : f32
        %parallel_loop3A_583 = vector.broadcast %parallel_loop3A_582 : f32 to vector<16xf32>
        %parallel_loop3A_584 = arith.addf %parallel_loop3A_583, %parallel_loop3A_581 : vector<16xf32>
        %parallel_loop3A_585 = tpu.bitcast %parallel_loop3A_584 : vector<16xf32> -> vector<16xi32>
        %parallel_loop3A_586 = arith.constant 4913933 : i32
        %parallel_loop3A_587 = vector.broadcast %parallel_loop3A_586 : i32 to vector<16xi32>
        %parallel_loop3A_588 = arith.addi %parallel_loop3A_585, %parallel_loop3A_587 : vector<16xi32>
        %parallel_loop3A_589 = arith.constant 23 : i32
        %parallel_loop3A_590 = vector.broadcast %parallel_loop3A_589 : i32 to vector<16xi32>
        %parallel_loop3A_591 = arith.shrsi %parallel_loop3A_588, %parallel_loop3A_590 : vector<16xi32>
        %parallel_loop3A_592 = arith.constant 127 : i32
        %parallel_loop3A_593 = vector.broadcast %parallel_loop3A_592 : i32 to vector<16xi32>
        %parallel_loop3A_594 = arith.subi %parallel_loop3A_591, %parallel_loop3A_593 : vector<16xi32>
        %parallel_loop3A_595 = arith.constant 8388607 : i32
        %parallel_loop3A_596 = vector.broadcast %parallel_loop3A_595 : i32 to vector<16xi32>
        %parallel_loop3A_597 = arith.andi %parallel_loop3A_588, %parallel_loop3A_596 : vector<16xi32>
        %parallel_loop3A_598 = arith.constant 1060439283 : i32
        %parallel_loop3A_599 = vector.broadcast %parallel_loop3A_598 : i32 to vector<16xi32>
        %parallel_loop3A_600 = arith.addi %parallel_loop3A_597, %parallel_loop3A_599 : vector<16xi32>
        %parallel_loop3A_601 = tpu.bitcast %parallel_loop3A_600 : vector<16xi32> -> vector<16xf32>
        %parallel_loop3A_602 = arith.constant 1.000000e+00 : f32
        %parallel_loop3A_603 = vector.broadcast %parallel_loop3A_602 : f32 to vector<16xf32>
        %parallel_loop3A_604 = arith.subf %parallel_loop3A_601, %parallel_loop3A_603 : vector<16xf32>
        %parallel_loop3A_605 = arith.constant 1.000000e+00 : f32
        %parallel_loop3A_606 = vector.broadcast %parallel_loop3A_605 : f32 to vector<16xf32>
        %parallel_loop3A_607 = arith.addf %parallel_loop3A_601, %parallel_loop3A_606 : vector<16xf32>
        %parallel_loop3A_608 = arith.divf %parallel_loop3A_604, %parallel_loop3A_607 : vector<16xf32>
        %parallel_loop3A_609 = arith.mulf %parallel_loop3A_608, %parallel_loop3A_608 : vector<16xf32>
        %parallel_loop3A_610 = arith.constant 2.000000e+00 : f32
        %parallel_loop3A_611 = vector.broadcast %parallel_loop3A_610 : f32 to vector<16xf32>
        %parallel_loop3A_612 = arith.mulf %parallel_loop3A_611, %parallel_loop3A_608 : vector<16xf32>
        %parallel_loop3A_613 = arith.constant 0.111111112 : f32
        %parallel_loop3A_614 = vector.broadcast %parallel_loop3A_613 : f32 to vector<16xf32>
        %parallel_loop3A_615 = arith.mulf %parallel_loop3A_609, %parallel_loop3A_614 : vector<16xf32>
        %parallel_loop3A_616 = arith.constant 0.142857149 : f32
        %parallel_loop3A_617 = vector.broadcast %parallel_loop3A_616 : f32 to vector<16xf32>
        %parallel_loop3A_618 = arith.addf %parallel_loop3A_617, %parallel_loop3A_615 : vector<16xf32>
        %parallel_loop3A_619 = arith.mulf %parallel_loop3A_609, %parallel_loop3A_618 : vector<16xf32>
        %parallel_loop3A_620 = arith.constant 2.000000e-01 : f32
        %parallel_loop3A_621 = vector.broadcast %parallel_loop3A_620 : f32 to vector<16xf32>
        %parallel_loop3A_622 = arith.addf %parallel_loop3A_621, %parallel_loop3A_619 : vector<16xf32>
        %parallel_loop3A_623 = arith.mulf %parallel_loop3A_609, %parallel_loop3A_622 : vector<16xf32>
        %parallel_loop3A_624 = arith.constant 0.333333343 : f32
        %parallel_loop3A_625 = vector.broadcast %parallel_loop3A_624 : f32 to vector<16xf32>
        %parallel_loop3A_626 = arith.addf %parallel_loop3A_625, %parallel_loop3A_623 : vector<16xf32>
        %parallel_loop3A_627 = arith.mulf %parallel_loop3A_609, %parallel_loop3A_626 : vector<16xf32>
        %parallel_loop3A_628 = arith.constant 1.000000e+00 : f32
        %parallel_loop3A_629 = vector.broadcast %parallel_loop3A_628 : f32 to vector<16xf32>
        %parallel_loop3A_630 = arith.addf %parallel_loop3A_629, %parallel_loop3A_627 : vector<16xf32>
        %parallel_loop3A_631 = arith.mulf %parallel_loop3A_612, %parallel_loop3A_630 : vector<16xf32>
        %parallel_loop3A_632 = arith.sitofp %parallel_loop3A_594 : vector<16xi32> to vector<16xf32>
        %parallel_loop3A_633 = arith.constant 0.693147182 : f32
        %parallel_loop3A_634 = vector.broadcast %parallel_loop3A_633 : f32 to vector<16xf32>
        %parallel_loop3A_635 = arith.mulf %parallel_loop3A_632, %parallel_loop3A_634 : vector<16xf32>
        %parallel_loop3A_636 = arith.addf %parallel_loop3A_635, %parallel_loop3A_631 : vector<16xf32>
        %parallel_loop3A_637 = tpu.bitcast %parallel_loop3A_580 : vector<16xf32> -> vector<16xi32>
        %parallel_loop3A_638 = arith.constant -2147483648 : i32
        %parallel_loop3A_639 = vector.broadcast %parallel_loop3A_638 : i32 to vector<16xi32>
        %parallel_loop3A_640 = arith.andi %parallel_loop3A_637, %parallel_loop3A_639 : vector<16xi32>
        %parallel_loop3A_641 = arith.constant 1065353216 : i32
        %parallel_loop3A_642 = vector.broadcast %parallel_loop3A_641 : i32 to vector<16xi32>
        %parallel_loop3A_643 = arith.ori %parallel_loop3A_642, %parallel_loop3A_640 : vector<16xi32>
        %parallel_loop3A_644 = tpu.bitcast %parallel_loop3A_643 : vector<16xi32> -> vector<16xf32>
        %parallel_loop3A_645 = math.absf %parallel_loop3A_580 : vector<16xf32>
        %parallel_loop3A_646 = arith.constant 0.000000e+00 : f32
        %parallel_loop3A_647 = vector.broadcast %parallel_loop3A_646 : f32 to vector<16xf32>
        %parallel_loop3A_648 = arith.cmpf ogt, %parallel_loop3A_645, %parallel_loop3A_647 : vector<16xf32>
        %parallel_loop3A_649 = arith.select %parallel_loop3A_648, %parallel_loop3A_644, %parallel_loop3A_580 : vector<16xi1>, vector<16xf32>
        %parallel_loop3A_650 = arith.mulf %parallel_loop3A_649, %parallel_loop3A_636 : vector<16xf32>
        %parallel_loop3A_651 = tpu.iota {dimensions = array<i32: 0>} : vector<16xi32>
        %parallel_loop3A_652 = vector.broadcast %parallel_loop3A_290 : i32 to vector<16xi32>
        %parallel_loop3A_653 = arith.addi %parallel_loop3A_652, %parallel_loop3A_651 : vector<16xi32>
        %parallel_loop3A_654 = arith.constant 33 : i32
        %parallel_loop3A_655 = vector.broadcast %parallel_loop3A_654 : i32 to vector<16xi32>
        %parallel_loop3A_656 = arith.muli %parallel_loop3A_653, %parallel_loop3A_655 : vector<16xi32>
        %parallel_loop3A_657 = arith.constant 32 : i32
        %parallel_loop3A_658 = vector.broadcast %parallel_loop3A_657 : i32 to vector<16xi32>
        %parallel_loop3A_659 = arith.addi %parallel_loop3A_656, %parallel_loop3A_658 : vector<16xi32>
        tpu.vector_store_idx %arg19[%parallel_loop3A_659], %parallel_loop3A_650 : memref<26400xf32, #tpu.memory_space<vmem>>[vector<16xi32>], vector<16xf32>,
      } {sc.loop_unroll_factor = 4 : i64, sc.parallel_access}
      %add3A_270 = arith.constant 2 : i32
      %add3A_271 = arith.addi %add3A_238, %add3A_270 : i32
      %mul3A_272 = arith.constant 800 : i32
      %mul3A_273 = arith.muli %add3A_271, %mul3A_272 : i32
      %add3A_274 = arith.addi %mul3A_2, %mul3A_273 : i32
      %dma_start3A_275 = tpu.memref_slice %arg2[%add3A_274] : memref<819200xi32, #tpu.memory_space<hbm>> -> memref<800xi32, #tpu.memory_space<hbm>>
      %dma_start3A_276 = tpu.memref_slice %arg2[%add3A_274] : memref<819200xi32, #tpu.memory_space<hbm>> -> memref<800xi32, #tpu.memory_space<hbm>>
      tpu.enqueue_dma source(%dma_start3A_276 : memref<800xi32, #tpu.memory_space<hbm>>) target(%arg9 : memref<800xi32, #tpu.memory_space<vmem>>) target_semaphore(%arg21 : memref<!tpu.dma_semaphore, #tpu.memory_space<semaphore_mem>>)
      %dma_start3A_277 = tpu.memref_slice %arg3[%add3A_274] : memref<819200xi32, #tpu.memory_space<hbm>> -> memref<800xi32, #tpu.memory_space<hbm>>
      %dma_start3A_278 = tpu.memref_slice %arg3[%add3A_274] : memref<819200xi32, #tpu.memory_space<hbm>> -> memref<800xi32, #tpu.memory_space<hbm>>
      tpu.enqueue_dma source(%dma_start3A_278 : memref<800xi32, #tpu.memory_space<hbm>>) target(%arg11 : memref<800xi32, #tpu.memory_space<vmem>>) target_semaphore(%arg21 : memref<!tpu.dma_semaphore, #tpu.memory_space<semaphore_mem>>)
      %dma_start3A_279 = tpu.memref_slice %arg4[%add3A_274] : memref<819200xf32, #tpu.memory_space<hbm>> -> memref<800xf32, #tpu.memory_space<hbm>>
      %dma_start3A_280 = tpu.memref_slice %arg4[%add3A_274] : memref<819200xf32, #tpu.memory_space<hbm>> -> memref<800xf32, #tpu.memory_space<hbm>>
      tpu.enqueue_dma source(%dma_start3A_280 : memref<800xf32, #tpu.memory_space<hbm>>) target(%arg13 : memref<800xf32, #tpu.memory_space<vmem>>) target_semaphore(%arg21 : memref<!tpu.dma_semaphore, #tpu.memory_space<semaphore_mem>>)
      %mul3A_281 = arith.constant 800 : i32
      %mul3A_282 = arith.muli %add3A_238, %mul3A_281 : i32
      %add3A_283 = arith.addi %mul3A_2, %mul3A_282 : i32
      %mul3A_284 = arith.constant 33 : i32
      %mul3A_285 = arith.muli %add3A_283, %mul3A_284 : i32
      %dma_start3A_286 = tpu.memref_slice %arg7[%mul3A_285] : memref<27033600xf32, #tpu.memory_space<hbm>> -> memref<26400xf32, #tpu.memory_space<hbm>>
      %dma_start3A_287 = tpu.memref_slice %arg7[%mul3A_285] : memref<27033600xf32, #tpu.memory_space<hbm>> -> memref<26400xf32, #tpu.memory_space<hbm>>
      tpu.enqueue_dma source(%arg19 : memref<26400xf32, #tpu.memory_space<vmem>>) target(%dma_start3A_287 : memref<26400xf32, #tpu.memory_space<hbm>>) target_semaphore(%arg25 : memref<!tpu.dma_semaphore, #tpu.memory_space<semaphore_mem>>)
    }
    %scan3A_120 = arith.constant 14 : i32
    %dma_wait3A_121 = arith.constant 0 : i32
    %dma_wait3A_122 = arith.constant 0 : i32
    %dma_wait3A_123 = tpu.memref_slice %arg5[%dma_wait3A_121, %dma_wait3A_122] : memref<1000000x16xf32, #tpu.memory_space<hbm>> -> memref<1000000x16xf32, #tpu.memory_space<hbm>>
    tpu.wait_indirect_dma semaphore(%arg22 : memref<!tpu.dma_semaphore, #tpu.memory_space<semaphore_mem>>) src(%dma_wait3A_123 : memref<1000000x16xf32, #tpu.memory_space<hbm>>) dst(%arg14 : memref<800x16xf32, #tpu.memory_space<vmem>>)
    %dma_wait3A_124 = arith.constant 0 : i32
    %dma_wait3A_125 = arith.constant 0 : i32
    %dma_wait3A_126 = tpu.memref_slice %arg6[%dma_wait3A_124, %dma_wait3A_125] : memref<100000x16xf32, #tpu.memory_space<hbm>> -> memref<100000x16xf32, #tpu.memory_space<hbm>>
    tpu.wait_indirect_dma semaphore(%arg22 : memref<!tpu.dma_semaphore, #tpu.memory_space<semaphore_mem>>) src(%dma_wait3A_126 : memref<100000x16xf32, #tpu.memory_space<hbm>>) dst(%arg16 : memref<800x16xf32, #tpu.memory_space<vmem>>)
    %dma_wait3A_127 = arith.constant 0 : i32
    %dma_wait3A_128 = tpu.memref_slice %arg2[%dma_wait3A_127] : memref<819200xi32, #tpu.memory_space<hbm>> -> memref<800xi32, #tpu.memory_space<hbm>>
    %dma_wait3A_129 = arith.constant 0 : i32
    %dma_wait3A_130 = tpu.memref_slice %arg2[%dma_wait3A_129] : memref<819200xi32, #tpu.memory_space<hbm>> -> memref<800xi32, #tpu.memory_space<hbm>>
    tpu.wait_dma2 semaphore(%arg21 : memref<!tpu.dma_semaphore, #tpu.memory_space<semaphore_mem>>) src(%dma_wait3A_130 : memref<800xi32, #tpu.memory_space<hbm>>) dst(%arg9 : memref<800xi32, #tpu.memory_space<vmem>>)
    %dma_wait3A_131 = arith.constant 0 : i32
    %dma_wait3A_132 = tpu.memref_slice %arg3[%dma_wait3A_131] : memref<819200xi32, #tpu.memory_space<hbm>> -> memref<800xi32, #tpu.memory_space<hbm>>
    %dma_wait3A_133 = arith.constant 0 : i32
    %dma_wait3A_134 = tpu.memref_slice %arg3[%dma_wait3A_133] : memref<819200xi32, #tpu.memory_space<hbm>> -> memref<800xi32, #tpu.memory_space<hbm>>
    tpu.wait_dma2 semaphore(%arg21 : memref<!tpu.dma_semaphore, #tpu.memory_space<semaphore_mem>>) src(%dma_wait3A_134 : memref<800xi32, #tpu.memory_space<hbm>>) dst(%arg11 : memref<800xi32, #tpu.memory_space<vmem>>)
    %dma_wait3A_135 = arith.constant 0 : i32
    %dma_wait3A_136 = tpu.memref_slice %arg4[%dma_wait3A_135] : memref<819200xf32, #tpu.memory_space<hbm>> -> memref<800xf32, #tpu.memory_space<hbm>>
    %dma_wait3A_137 = arith.constant 0 : i32
    %dma_wait3A_138 = tpu.memref_slice %arg4[%dma_wait3A_137] : memref<819200xf32, #tpu.memory_space<hbm>> -> memref<800xf32, #tpu.memory_space<hbm>>
    tpu.wait_dma2 semaphore(%arg21 : memref<!tpu.dma_semaphore, #tpu.memory_space<semaphore_mem>>) src(%dma_wait3A_138 : memref<800xf32, #tpu.memory_space<hbm>>) dst(%arg13 : memref<800xf32, #tpu.memory_space<vmem>>)
    %dma_start3A_139 = arith.constant 0 : i32
    %dma_start3A_140 = arith.constant 0 : i32
    %dma_start3A_141 = tpu.memref_slice %arg5[%dma_start3A_139, %dma_start3A_140] : memref<1000000x16xf32, #tpu.memory_space<hbm>> -> memref<1000000x16xf32, #tpu.memory_space<hbm>>
    tpu.enqueue_indirect_dma source(%dma_start3A_141 : memref<1000000x16xf32, #tpu.memory_space<hbm>>) target(%arg15 : memref<800x16xf32, #tpu.memory_space<vmem>>) offsets(%arg9 : memref<800xi32, #tpu.memory_space<vmem>>) semaphore(%arg23 : memref<!tpu.dma_semaphore, #tpu.memory_space<semaphore_mem>>)
    %dma_start3A_142 = arith.constant 0 : i32
    %dma_start3A_143 = arith.constant 0 : i32
    %dma_start3A_144 = tpu.memref_slice %arg6[%dma_start3A_142, %dma_start3A_143] : memref<100000x16xf32, #tpu.memory_space<hbm>> -> memref<100000x16xf32, #tpu.memory_space<hbm>>
    tpu.enqueue_indirect_dma source(%dma_start3A_144 : memref<100000x16xf32, #tpu.memory_space<hbm>>) target(%arg17 : memref<800x16xf32, #tpu.memory_space<vmem>>) offsets(%arg11 : memref<800xi32, #tpu.memory_space<vmem>>) semaphore(%arg23 : memref<!tpu.dma_semaphore, #tpu.memory_space<semaphore_mem>>)
    %dma_wait3A_145 = arith.constant 0 : i32
    %dma_wait3A_146 = tpu.memref_slice %arg7[%dma_wait3A_145] : memref<27033600xf32, #tpu.memory_space<hbm>> -> memref<26400xf32, #tpu.memory_space<hbm>>
    %dma_wait3A_147 = arith.constant 0 : i32
    %dma_wait3A_148 = tpu.memref_slice %arg7[%dma_wait3A_147] : memref<27033600xf32, #tpu.memory_space<hbm>> -> memref<26400xf32, #tpu.memory_space<hbm>>
    tpu.wait_dma2 semaphore(%arg24 : memref<!tpu.dma_semaphore, #tpu.memory_space<semaphore_mem>>) src(%arg18 : memref<26400xf32, #tpu.memory_space<vmem>>) dst(%dma_wait3A_148 : memref<26400xf32, #tpu.memory_space<hbm>>)
    %parallel_loop3A_149 = arith.constant 0 : i32
    %parallel_loop3A_150 = arith.constant 50 : i32
    %parallel_loop3A_151 = arith.constant 1 : i32
    scf.for %parallel_loop3A_185 = %parallel_loop3A_149 to %parallel_loop3A_150 step %parallel_loop3A_151  : i32 {
      %parallel_loop3A_186 = arith.constant 16 : i32
      %parallel_loop3A_187 = arith.muli %parallel_loop3A_185, %parallel_loop3A_186 : i32
      %parallel_loop3A_188 = arith.constant 0 : i32
      %parallel_loop3A_189 = arith.addi %parallel_loop3A_187, %parallel_loop3A_188 : i32
      %parallel_loop3A_190 = arith.index_cast %parallel_loop3A_189 : i32 to index
      %parallel_loop3A_191 = arith.constant 0 : index
      %parallel_loop3A_192 = tpu.vector_load %arg14[%parallel_loop3A_190, %parallel_loop3A_191] {strides = array<i32>} : memref<800x16xf32, #tpu.memory_space<vmem>>, vector<16xf32>,
      %parallel_loop3A_193 = arith.constant 33 : i32
      %parallel_loop3A_194 = arith.muli %parallel_loop3A_189, %parallel_loop3A_193 : i32
      %parallel_loop3A_195 = arith.index_cast %parallel_loop3A_194 : i32 to index
      %parallel_loop3A_196 = tpu.vector_load %arg18[%parallel_loop3A_195] {strides = array<i32>} : memref<26400xf32, #tpu.memory_space<vmem>>, vector<16xf32>,
      tpu.vector_store %arg18[%parallel_loop3A_195], %parallel_loop3A_192 {strides = array<i32>} : memref<26400xf32, #tpu.memory_space<vmem>>, vector<16xf32>,
      %parallel_loop3A_197 = arith.index_cast %parallel_loop3A_189 : i32 to index
      %parallel_loop3A_198 = arith.constant 0 : index
      %parallel_loop3A_199 = tpu.vector_load %arg16[%parallel_loop3A_197, %parallel_loop3A_198] {strides = array<i32>} : memref<800x16xf32, #tpu.memory_space<vmem>>, vector<16xf32>,
      %parallel_loop3A_200 = arith.constant 33 : i32
      %parallel_loop3A_201 = arith.muli %parallel_loop3A_189, %parallel_loop3A_200 : i32
      %parallel_loop3A_202 = arith.constant 16 : i32
      %parallel_loop3A_203 = arith.addi %parallel_loop3A_201, %parallel_loop3A_202 : i32
      %parallel_loop3A_204 = arith.index_cast %parallel_loop3A_203 : i32 to index
      %parallel_loop3A_205 = tpu.vector_load %arg18[%parallel_loop3A_204] {strides = array<i32>} : memref<26400xf32, #tpu.memory_space<vmem>>, vector<16xf32>,
      tpu.vector_store %arg18[%parallel_loop3A_204], %parallel_loop3A_199 {strides = array<i32>} : memref<26400xf32, #tpu.memory_space<vmem>>, vector<16xf32>,
      %parallel_loop3A_206 = arith.constant 1 : i32
      %parallel_loop3A_207 = arith.addi %parallel_loop3A_187, %parallel_loop3A_206 : i32
      %parallel_loop3A_208 = arith.index_cast %parallel_loop3A_207 : i32 to index
      %parallel_loop3A_209 = arith.constant 0 : index
      %parallel_loop3A_210 = tpu.vector_load %arg14[%parallel_loop3A_208, %parallel_loop3A_209] {strides = array<i32>} : memref<800x16xf32, #tpu.memory_space<vmem>>, vector<16xf32>,
      %parallel_loop3A_211 = arith.constant 33 : i32
      %parallel_loop3A_212 = arith.muli %parallel_loop3A_207, %parallel_loop3A_211 : i32
      %parallel_loop3A_213 = arith.index_cast %parallel_loop3A_212 : i32 to index
      %parallel_loop3A_214 = tpu.vector_load %arg18[%parallel_loop3A_213] {strides = array<i32>} : memref<26400xf32, #tpu.memory_space<vmem>>, vector<16xf32>,
      tpu.vector_store %arg18[%parallel_loop3A_213], %parallel_loop3A_210 {strides = array<i32>} : memref<26400xf32, #tpu.memory_space<vmem>>, vector<16xf32>,
      %parallel_loop3A_215 = arith.index_cast %parallel_loop3A_207 : i32 to index
      %parallel_loop3A_216 = arith.constant 0 : index
      %parallel_loop3A_217 = tpu.vector_load %arg16[%parallel_loop3A_215, %parallel_loop3A_216] {strides = array<i32>} : memref<800x16xf32, #tpu.memory_space<vmem>>, vector<16xf32>,
      %parallel_loop3A_218 = arith.constant 33 : i32
      %parallel_loop3A_219 = arith.muli %parallel_loop3A_207, %parallel_loop3A_218 : i32
      %parallel_loop3A_220 = arith.constant 16 : i32
      %parallel_loop3A_221 = arith.addi %parallel_loop3A_219, %parallel_loop3A_220 : i32
      %parallel_loop3A_222 = arith.index_cast %parallel_loop3A_221 : i32 to index
      %parallel_loop3A_223 = tpu.vector_load %arg18[%parallel_loop3A_222] {strides = array<i32>} : memref<26400xf32, #tpu.memory_space<vmem>>, vector<16xf32>,
      tpu.vector_store %arg18[%parallel_loop3A_222], %parallel_loop3A_217 {strides = array<i32>} : memref<26400xf32, #tpu.memory_space<vmem>>, vector<16xf32>,
      %parallel_loop3A_224 = arith.constant 2 : i32
      %parallel_loop3A_225 = arith.addi %parallel_loop3A_187, %parallel_loop3A_224 : i32
      %parallel_loop3A_226 = arith.index_cast %parallel_loop3A_225 : i32 to index
      %parallel_loop3A_227 = arith.constant 0 : index
      %parallel_loop3A_228 = tpu.vector_load %arg14[%parallel_loop3A_226, %parallel_loop3A_227] {strides = array<i32>} : memref<800x16xf32, #tpu.memory_space<vmem>>, vector<16xf32>,
      %parallel_loop3A_229 = arith.constant 33 : i32
      %parallel_loop3A_230 = arith.muli %parallel_loop3A_225, %parallel_loop3A_229 : i32
      %parallel_loop3A_231 = arith.index_cast %parallel_loop3A_230 : i32 to index
      %parallel_loop3A_232 = tpu.vector_load %arg18[%parallel_loop3A_231] {strides = array<i32>} : memref<26400xf32, #tpu.memory_space<vmem>>, vector<16xf32>,
      tpu.vector_store %arg18[%parallel_loop3A_231], %parallel_loop3A_228 {strides = array<i32>} : memref<26400xf32, #tpu.memory_space<vmem>>, vector<16xf32>,
      %parallel_loop3A_233 = arith.index_cast %parallel_loop3A_225 : i32 to index
      %parallel_loop3A_234 = arith.constant 0 : index
      %parallel_loop3A_235 = tpu.vector_load %arg16[%parallel_loop3A_233, %parallel_loop3A_234] {strides = array<i32>} : memref<800x16xf32, #tpu.memory_space<vmem>>, vector<16xf32>,
      %parallel_loop3A_236 = arith.constant 33 : i32
      %parallel_loop3A_237 = arith.muli %parallel_loop3A_225, %parallel_loop3A_236 : i32
      %parallel_loop3A_238 = arith.constant 16 : i32
      %parallel_loop3A_239 = arith.addi %parallel_loop3A_237, %parallel_loop3A_238 : i32
      %parallel_loop3A_240 = arith.index_cast %parallel_loop3A_239 : i32 to index
      %parallel_loop3A_241 = tpu.vector_load %arg18[%parallel_loop3A_240] {strides = array<i32>} : memref<26400xf32, #tpu.memory_space<vmem>>, vector<16xf32>,
      tpu.vector_store %arg18[%parallel_loop3A_240], %parallel_loop3A_235 {strides = array<i32>} : memref<26400xf32, #tpu.memory_space<vmem>>, vector<16xf32>,
      %parallel_loop3A_242 = arith.constant 3 : i32
      %parallel_loop3A_243 = arith.addi %parallel_loop3A_187, %parallel_loop3A_242 : i32
      %parallel_loop3A_244 = arith.index_cast %parallel_loop3A_243 : i32 to index
      %parallel_loop3A_245 = arith.constant 0 : index
      %parallel_loop3A_246 = tpu.vector_load %arg14[%parallel_loop3A_244, %parallel_loop3A_245] {strides = array<i32>} : memref<800x16xf32, #tpu.memory_space<vmem>>, vector<16xf32>,
      %parallel_loop3A_247 = arith.constant 33 : i32
      %parallel_loop3A_248 = arith.muli %parallel_loop3A_243, %parallel_loop3A_247 : i32
      %parallel_loop3A_249 = arith.index_cast %parallel_loop3A_248 : i32 to index
      %parallel_loop3A_250 = tpu.vector_load %arg18[%parallel_loop3A_249] {strides = array<i32>} : memref<26400xf32, #tpu.memory_space<vmem>>, vector<16xf32>,
      tpu.vector_store %arg18[%parallel_loop3A_249], %parallel_loop3A_246 {strides = array<i32>} : memref<26400xf32, #tpu.memory_space<vmem>>, vector<16xf32>,
      %parallel_loop3A_251 = arith.index_cast %parallel_loop3A_243 : i32 to index
      %parallel_loop3A_252 = arith.constant 0 : index
      %parallel_loop3A_253 = tpu.vector_load %arg16[%parallel_loop3A_251, %parallel_loop3A_252] {strides = array<i32>} : memref<800x16xf32, #tpu.memory_space<vmem>>, vector<16xf32>,
      %parallel_loop3A_254 = arith.constant 33 : i32
      %parallel_loop3A_255 = arith.muli %parallel_loop3A_243, %parallel_loop3A_254 : i32
      %parallel_loop3A_256 = arith.constant 16 : i32
      %parallel_loop3A_257 = arith.addi %parallel_loop3A_255, %parallel_loop3A_256 : i32
      %parallel_loop3A_258 = arith.index_cast %parallel_loop3A_257 : i32 to index
      %parallel_loop3A_259 = tpu.vector_load %arg18[%parallel_loop3A_258] {strides = array<i32>} : memref<26400xf32, #tpu.memory_space<vmem>>, vector<16xf32>,
      tpu.vector_store %arg18[%parallel_loop3A_258], %parallel_loop3A_253 {strides = array<i32>} : memref<26400xf32, #tpu.memory_space<vmem>>, vector<16xf32>,
      %parallel_loop3A_260 = arith.constant 4 : i32
      %parallel_loop3A_261 = arith.addi %parallel_loop3A_187, %parallel_loop3A_260 : i32
      %parallel_loop3A_262 = arith.index_cast %parallel_loop3A_261 : i32 to index
      %parallel_loop3A_263 = arith.constant 0 : index
      %parallel_loop3A_264 = tpu.vector_load %arg14[%parallel_loop3A_262, %parallel_loop3A_263] {strides = array<i32>} : memref<800x16xf32, #tpu.memory_space<vmem>>, vector<16xf32>,
      %parallel_loop3A_265 = arith.constant 33 : i32
      %parallel_loop3A_266 = arith.muli %parallel_loop3A_261, %parallel_loop3A_265 : i32
      %parallel_loop3A_267 = arith.index_cast %parallel_loop3A_266 : i32 to index
      %parallel_loop3A_268 = tpu.vector_load %arg18[%parallel_loop3A_267] {strides = array<i32>} : memref<26400xf32, #tpu.memory_space<vmem>>, vector<16xf32>,
      tpu.vector_store %arg18[%parallel_loop3A_267], %parallel_loop3A_264 {strides = array<i32>} : memref<26400xf32, #tpu.memory_space<vmem>>, vector<16xf32>,
      %parallel_loop3A_269 = arith.index_cast %parallel_loop3A_261 : i32 to index
      %parallel_loop3A_270 = arith.constant 0 : index
      %parallel_loop3A_271 = tpu.vector_load %arg16[%parallel_loop3A_269, %parallel_loop3A_270] {strides = array<i32>} : memref<800x16xf32, #tpu.memory_space<vmem>>, vector<16xf32>,
      %parallel_loop3A_272 = arith.constant 33 : i32
      %parallel_loop3A_273 = arith.muli %parallel_loop3A_261, %parallel_loop3A_272 : i32
      %parallel_loop3A_274 = arith.constant 16 : i32
      %parallel_loop3A_275 = arith.addi %parallel_loop3A_273, %parallel_loop3A_274 : i32
      %parallel_loop3A_276 = arith.index_cast %parallel_loop3A_275 : i32 to index
      %parallel_loop3A_277 = tpu.vector_load %arg18[%parallel_loop3A_276] {strides = array<i32>} : memref<26400xf32, #tpu.memory_space<vmem>>, vector<16xf32>,
      tpu.vector_store %arg18[%parallel_loop3A_276], %parallel_loop3A_271 {strides = array<i32>} : memref<26400xf32, #tpu.memory_space<vmem>>, vector<16xf32>,
      %parallel_loop3A_278 = arith.constant 5 : i32
      %parallel_loop3A_279 = arith.addi %parallel_loop3A_187, %parallel_loop3A_278 : i32
      %parallel_loop3A_280 = arith.index_cast %parallel_loop3A_279 : i32 to index
      %parallel_loop3A_281 = arith.constant 0 : index
      %parallel_loop3A_282 = tpu.vector_load %arg14[%parallel_loop3A_280, %parallel_loop3A_281] {strides = array<i32>} : memref<800x16xf32, #tpu.memory_space<vmem>>, vector<16xf32>,
      %parallel_loop3A_283 = arith.constant 33 : i32
      %parallel_loop3A_284 = arith.muli %parallel_loop3A_279, %parallel_loop3A_283 : i32
      %parallel_loop3A_285 = arith.index_cast %parallel_loop3A_284 : i32 to index
      %parallel_loop3A_286 = tpu.vector_load %arg18[%parallel_loop3A_285] {strides = array<i32>} : memref<26400xf32, #tpu.memory_space<vmem>>, vector<16xf32>,
      tpu.vector_store %arg18[%parallel_loop3A_285], %parallel_loop3A_282 {strides = array<i32>} : memref<26400xf32, #tpu.memory_space<vmem>>, vector<16xf32>,
      %parallel_loop3A_287 = arith.index_cast %parallel_loop3A_279 : i32 to index
      %parallel_loop3A_288 = arith.constant 0 : index
      %parallel_loop3A_289 = tpu.vector_load %arg16[%parallel_loop3A_287, %parallel_loop3A_288] {strides = array<i32>} : memref<800x16xf32, #tpu.memory_space<vmem>>, vector<16xf32>,
      %parallel_loop3A_290 = arith.constant 33 : i32
      %parallel_loop3A_291 = arith.muli %parallel_loop3A_279, %parallel_loop3A_290 : i32
      %parallel_loop3A_292 = arith.constant 16 : i32
      %parallel_loop3A_293 = arith.addi %parallel_loop3A_291, %parallel_loop3A_292 : i32
      %parallel_loop3A_294 = arith.index_cast %parallel_loop3A_293 : i32 to index
      %parallel_loop3A_295 = tpu.vector_load %arg18[%parallel_loop3A_294] {strides = array<i32>} : memref<26400xf32, #tpu.memory_space<vmem>>, vector<16xf32>,
      tpu.vector_store %arg18[%parallel_loop3A_294], %parallel_loop3A_289 {strides = array<i32>} : memref<26400xf32, #tpu.memory_space<vmem>>, vector<16xf32>,
      %parallel_loop3A_296 = arith.constant 6 : i32
      %parallel_loop3A_297 = arith.addi %parallel_loop3A_187, %parallel_loop3A_296 : i32
      %parallel_loop3A_298 = arith.index_cast %parallel_loop3A_297 : i32 to index
      %parallel_loop3A_299 = arith.constant 0 : index
      %parallel_loop3A_300 = tpu.vector_load %arg14[%parallel_loop3A_298, %parallel_loop3A_299] {strides = array<i32>} : memref<800x16xf32, #tpu.memory_space<vmem>>, vector<16xf32>,
      %parallel_loop3A_301 = arith.constant 33 : i32
      %parallel_loop3A_302 = arith.muli %parallel_loop3A_297, %parallel_loop3A_301 : i32
      %parallel_loop3A_303 = arith.index_cast %parallel_loop3A_302 : i32 to index
      %parallel_loop3A_304 = tpu.vector_load %arg18[%parallel_loop3A_303] {strides = array<i32>} : memref<26400xf32, #tpu.memory_space<vmem>>, vector<16xf32>,
      tpu.vector_store %arg18[%parallel_loop3A_303], %parallel_loop3A_300 {strides = array<i32>} : memref<26400xf32, #tpu.memory_space<vmem>>, vector<16xf32>,
      %parallel_loop3A_305 = arith.index_cast %parallel_loop3A_297 : i32 to index
      %parallel_loop3A_306 = arith.constant 0 : index
      %parallel_loop3A_307 = tpu.vector_load %arg16[%parallel_loop3A_305, %parallel_loop3A_306] {strides = array<i32>} : memref<800x16xf32, #tpu.memory_space<vmem>>, vector<16xf32>,
      %parallel_loop3A_308 = arith.constant 33 : i32
      %parallel_loop3A_309 = arith.muli %parallel_loop3A_297, %parallel_loop3A_308 : i32
      %parallel_loop3A_310 = arith.constant 16 : i32
      %parallel_loop3A_311 = arith.addi %parallel_loop3A_309, %parallel_loop3A_310 : i32
      %parallel_loop3A_312 = arith.index_cast %parallel_loop3A_311 : i32 to index
      %parallel_loop3A_313 = tpu.vector_load %arg18[%parallel_loop3A_312] {strides = array<i32>} : memref<26400xf32, #tpu.memory_space<vmem>>, vector<16xf32>,
      tpu.vector_store %arg18[%parallel_loop3A_312], %parallel_loop3A_307 {strides = array<i32>} : memref<26400xf32, #tpu.memory_space<vmem>>, vector<16xf32>,
      %parallel_loop3A_314 = arith.constant 7 : i32
      %parallel_loop3A_315 = arith.addi %parallel_loop3A_187, %parallel_loop3A_314 : i32
      %parallel_loop3A_316 = arith.index_cast %parallel_loop3A_315 : i32 to index
      %parallel_loop3A_317 = arith.constant 0 : index
      %parallel_loop3A_318 = tpu.vector_load %arg14[%parallel_loop3A_316, %parallel_loop3A_317] {strides = array<i32>} : memref<800x16xf32, #tpu.memory_space<vmem>>, vector<16xf32>,
      %parallel_loop3A_319 = arith.constant 33 : i32
      %parallel_loop3A_320 = arith.muli %parallel_loop3A_315, %parallel_loop3A_319 : i32
      %parallel_loop3A_321 = arith.index_cast %parallel_loop3A_320 : i32 to index
      %parallel_loop3A_322 = tpu.vector_load %arg18[%parallel_loop3A_321] {strides = array<i32>} : memref<26400xf32, #tpu.memory_space<vmem>>, vector<16xf32>,
      tpu.vector_store %arg18[%parallel_loop3A_321], %parallel_loop3A_318 {strides = array<i32>} : memref<26400xf32, #tpu.memory_space<vmem>>, vector<16xf32>,
      %parallel_loop3A_323 = arith.index_cast %parallel_loop3A_315 : i32 to index
      %parallel_loop3A_324 = arith.constant 0 : index
      %parallel_loop3A_325 = tpu.vector_load %arg16[%parallel_loop3A_323, %parallel_loop3A_324] {strides = array<i32>} : memref<800x16xf32, #tpu.memory_space<vmem>>, vector<16xf32>,
      %parallel_loop3A_326 = arith.constant 33 : i32
      %parallel_loop3A_327 = arith.muli %parallel_loop3A_315, %parallel_loop3A_326 : i32
      %parallel_loop3A_328 = arith.constant 16 : i32
      %parallel_loop3A_329 = arith.addi %parallel_loop3A_327, %parallel_loop3A_328 : i32
      %parallel_loop3A_330 = arith.index_cast %parallel_loop3A_329 : i32 to index
      %parallel_loop3A_331 = tpu.vector_load %arg18[%parallel_loop3A_330] {strides = array<i32>} : memref<26400xf32, #tpu.memory_space<vmem>>, vector<16xf32>,
      tpu.vector_store %arg18[%parallel_loop3A_330], %parallel_loop3A_325 {strides = array<i32>} : memref<26400xf32, #tpu.memory_space<vmem>>, vector<16xf32>,
      %parallel_loop3A_332 = arith.constant 8 : i32
      %parallel_loop3A_333 = arith.addi %parallel_loop3A_187, %parallel_loop3A_332 : i32
      %parallel_loop3A_334 = arith.index_cast %parallel_loop3A_333 : i32 to index
      %parallel_loop3A_335 = arith.constant 0 : index
      %parallel_loop3A_336 = tpu.vector_load %arg14[%parallel_loop3A_334, %parallel_loop3A_335] {strides = array<i32>} : memref<800x16xf32, #tpu.memory_space<vmem>>, vector<16xf32>,
      %parallel_loop3A_337 = arith.constant 33 : i32
      %parallel_loop3A_338 = arith.muli %parallel_loop3A_333, %parallel_loop3A_337 : i32
      %parallel_loop3A_339 = arith.index_cast %parallel_loop3A_338 : i32 to index
      %parallel_loop3A_340 = tpu.vector_load %arg18[%parallel_loop3A_339] {strides = array<i32>} : memref<26400xf32, #tpu.memory_space<vmem>>, vector<16xf32>,
      tpu.vector_store %arg18[%parallel_loop3A_339], %parallel_loop3A_336 {strides = array<i32>} : memref<26400xf32, #tpu.memory_space<vmem>>, vector<16xf32>,
      %parallel_loop3A_341 = arith.index_cast %parallel_loop3A_333 : i32 to index
      %parallel_loop3A_342 = arith.constant 0 : index
      %parallel_loop3A_343 = tpu.vector_load %arg16[%parallel_loop3A_341, %parallel_loop3A_342] {strides = array<i32>} : memref<800x16xf32, #tpu.memory_space<vmem>>, vector<16xf32>,
      %parallel_loop3A_344 = arith.constant 33 : i32
      %parallel_loop3A_345 = arith.muli %parallel_loop3A_333, %parallel_loop3A_344 : i32
      %parallel_loop3A_346 = arith.constant 16 : i32
      %parallel_loop3A_347 = arith.addi %parallel_loop3A_345, %parallel_loop3A_346 : i32
      %parallel_loop3A_348 = arith.index_cast %parallel_loop3A_347 : i32 to index
      %parallel_loop3A_349 = tpu.vector_load %arg18[%parallel_loop3A_348] {strides = array<i32>} : memref<26400xf32, #tpu.memory_space<vmem>>, vector<16xf32>,
      tpu.vector_store %arg18[%parallel_loop3A_348], %parallel_loop3A_343 {strides = array<i32>} : memref<26400xf32, #tpu.memory_space<vmem>>, vector<16xf32>,
      %parallel_loop3A_350 = arith.constant 9 : i32
      %parallel_loop3A_351 = arith.addi %parallel_loop3A_187, %parallel_loop3A_350 : i32
      %parallel_loop3A_352 = arith.index_cast %parallel_loop3A_351 : i32 to index
      %parallel_loop3A_353 = arith.constant 0 : index
      %parallel_loop3A_354 = tpu.vector_load %arg14[%parallel_loop3A_352, %parallel_loop3A_353] {strides = array<i32>} : memref<800x16xf32, #tpu.memory_space<vmem>>, vector<16xf32>,
      %parallel_loop3A_355 = arith.constant 33 : i32
      %parallel_loop3A_356 = arith.muli %parallel_loop3A_351, %parallel_loop3A_355 : i32
      %parallel_loop3A_357 = arith.index_cast %parallel_loop3A_356 : i32 to index
      %parallel_loop3A_358 = tpu.vector_load %arg18[%parallel_loop3A_357] {strides = array<i32>} : memref<26400xf32, #tpu.memory_space<vmem>>, vector<16xf32>,
      tpu.vector_store %arg18[%parallel_loop3A_357], %parallel_loop3A_354 {strides = array<i32>} : memref<26400xf32, #tpu.memory_space<vmem>>, vector<16xf32>,
      %parallel_loop3A_359 = arith.index_cast %parallel_loop3A_351 : i32 to index
      %parallel_loop3A_360 = arith.constant 0 : index
      %parallel_loop3A_361 = tpu.vector_load %arg16[%parallel_loop3A_359, %parallel_loop3A_360] {strides = array<i32>} : memref<800x16xf32, #tpu.memory_space<vmem>>, vector<16xf32>,
      %parallel_loop3A_362 = arith.constant 33 : i32
      %parallel_loop3A_363 = arith.muli %parallel_loop3A_351, %parallel_loop3A_362 : i32
      %parallel_loop3A_364 = arith.constant 16 : i32
      %parallel_loop3A_365 = arith.addi %parallel_loop3A_363, %parallel_loop3A_364 : i32
      %parallel_loop3A_366 = arith.index_cast %parallel_loop3A_365 : i32 to index
      %parallel_loop3A_367 = tpu.vector_load %arg18[%parallel_loop3A_366] {strides = array<i32>} : memref<26400xf32, #tpu.memory_space<vmem>>, vector<16xf32>,
      tpu.vector_store %arg18[%parallel_loop3A_366], %parallel_loop3A_361 {strides = array<i32>} : memref<26400xf32, #tpu.memory_space<vmem>>, vector<16xf32>,
      %parallel_loop3A_368 = arith.constant 10 : i32
      %parallel_loop3A_369 = arith.addi %parallel_loop3A_187, %parallel_loop3A_368 : i32
      %parallel_loop3A_370 = arith.index_cast %parallel_loop3A_369 : i32 to index
      %parallel_loop3A_371 = arith.constant 0 : index
      %parallel_loop3A_372 = tpu.vector_load %arg14[%parallel_loop3A_370, %parallel_loop3A_371] {strides = array<i32>} : memref<800x16xf32, #tpu.memory_space<vmem>>, vector<16xf32>,
      %parallel_loop3A_373 = arith.constant 33 : i32
      %parallel_loop3A_374 = arith.muli %parallel_loop3A_369, %parallel_loop3A_373 : i32
      %parallel_loop3A_375 = arith.index_cast %parallel_loop3A_374 : i32 to index
      %parallel_loop3A_376 = tpu.vector_load %arg18[%parallel_loop3A_375] {strides = array<i32>} : memref<26400xf32, #tpu.memory_space<vmem>>, vector<16xf32>,
      tpu.vector_store %arg18[%parallel_loop3A_375], %parallel_loop3A_372 {strides = array<i32>} : memref<26400xf32, #tpu.memory_space<vmem>>, vector<16xf32>,
      %parallel_loop3A_377 = arith.index_cast %parallel_loop3A_369 : i32 to index
      %parallel_loop3A_378 = arith.constant 0 : index
      %parallel_loop3A_379 = tpu.vector_load %arg16[%parallel_loop3A_377, %parallel_loop3A_378] {strides = array<i32>} : memref<800x16xf32, #tpu.memory_space<vmem>>, vector<16xf32>,
      %parallel_loop3A_380 = arith.constant 33 : i32
      %parallel_loop3A_381 = arith.muli %parallel_loop3A_369, %parallel_loop3A_380 : i32
      %parallel_loop3A_382 = arith.constant 16 : i32
      %parallel_loop3A_383 = arith.addi %parallel_loop3A_381, %parallel_loop3A_382 : i32
      %parallel_loop3A_384 = arith.index_cast %parallel_loop3A_383 : i32 to index
      %parallel_loop3A_385 = tpu.vector_load %arg18[%parallel_loop3A_384] {strides = array<i32>} : memref<26400xf32, #tpu.memory_space<vmem>>, vector<16xf32>,
      tpu.vector_store %arg18[%parallel_loop3A_384], %parallel_loop3A_379 {strides = array<i32>} : memref<26400xf32, #tpu.memory_space<vmem>>, vector<16xf32>,
      %parallel_loop3A_386 = arith.constant 11 : i32
      %parallel_loop3A_387 = arith.addi %parallel_loop3A_187, %parallel_loop3A_386 : i32
      %parallel_loop3A_388 = arith.index_cast %parallel_loop3A_387 : i32 to index
      %parallel_loop3A_389 = arith.constant 0 : index
      %parallel_loop3A_390 = tpu.vector_load %arg14[%parallel_loop3A_388, %parallel_loop3A_389] {strides = array<i32>} : memref<800x16xf32, #tpu.memory_space<vmem>>, vector<16xf32>,
      %parallel_loop3A_391 = arith.constant 33 : i32
      %parallel_loop3A_392 = arith.muli %parallel_loop3A_387, %parallel_loop3A_391 : i32
      %parallel_loop3A_393 = arith.index_cast %parallel_loop3A_392 : i32 to index
      %parallel_loop3A_394 = tpu.vector_load %arg18[%parallel_loop3A_393] {strides = array<i32>} : memref<26400xf32, #tpu.memory_space<vmem>>, vector<16xf32>,
      tpu.vector_store %arg18[%parallel_loop3A_393], %parallel_loop3A_390 {strides = array<i32>} : memref<26400xf32, #tpu.memory_space<vmem>>, vector<16xf32>,
      %parallel_loop3A_395 = arith.index_cast %parallel_loop3A_387 : i32 to index
      %parallel_loop3A_396 = arith.constant 0 : index
      %parallel_loop3A_397 = tpu.vector_load %arg16[%parallel_loop3A_395, %parallel_loop3A_396] {strides = array<i32>} : memref<800x16xf32, #tpu.memory_space<vmem>>, vector<16xf32>,
      %parallel_loop3A_398 = arith.constant 33 : i32
      %parallel_loop3A_399 = arith.muli %parallel_loop3A_387, %parallel_loop3A_398 : i32
      %parallel_loop3A_400 = arith.constant 16 : i32
      %parallel_loop3A_401 = arith.addi %parallel_loop3A_399, %parallel_loop3A_400 : i32
      %parallel_loop3A_402 = arith.index_cast %parallel_loop3A_401 : i32 to index
      %parallel_loop3A_403 = tpu.vector_load %arg18[%parallel_loop3A_402] {strides = array<i32>} : memref<26400xf32, #tpu.memory_space<vmem>>, vector<16xf32>,
      tpu.vector_store %arg18[%parallel_loop3A_402], %parallel_loop3A_397 {strides = array<i32>} : memref<26400xf32, #tpu.memory_space<vmem>>, vector<16xf32>,
      %parallel_loop3A_404 = arith.constant 12 : i32
      %parallel_loop3A_405 = arith.addi %parallel_loop3A_187, %parallel_loop3A_404 : i32
      %parallel_loop3A_406 = arith.index_cast %parallel_loop3A_405 : i32 to index
      %parallel_loop3A_407 = arith.constant 0 : index
      %parallel_loop3A_408 = tpu.vector_load %arg14[%parallel_loop3A_406, %parallel_loop3A_407] {strides = array<i32>} : memref<800x16xf32, #tpu.memory_space<vmem>>, vector<16xf32>,
      %parallel_loop3A_409 = arith.constant 33 : i32
      %parallel_loop3A_410 = arith.muli %parallel_loop3A_405, %parallel_loop3A_409 : i32
      %parallel_loop3A_411 = arith.index_cast %parallel_loop3A_410 : i32 to index
      %parallel_loop3A_412 = tpu.vector_load %arg18[%parallel_loop3A_411] {strides = array<i32>} : memref<26400xf32, #tpu.memory_space<vmem>>, vector<16xf32>,
      tpu.vector_store %arg18[%parallel_loop3A_411], %parallel_loop3A_408 {strides = array<i32>} : memref<26400xf32, #tpu.memory_space<vmem>>, vector<16xf32>,
      %parallel_loop3A_413 = arith.index_cast %parallel_loop3A_405 : i32 to index
      %parallel_loop3A_414 = arith.constant 0 : index
      %parallel_loop3A_415 = tpu.vector_load %arg16[%parallel_loop3A_413, %parallel_loop3A_414] {strides = array<i32>} : memref<800x16xf32, #tpu.memory_space<vmem>>, vector<16xf32>,
      %parallel_loop3A_416 = arith.constant 33 : i32
      %parallel_loop3A_417 = arith.muli %parallel_loop3A_405, %parallel_loop3A_416 : i32
      %parallel_loop3A_418 = arith.constant 16 : i32
      %parallel_loop3A_419 = arith.addi %parallel_loop3A_417, %parallel_loop3A_418 : i32
      %parallel_loop3A_420 = arith.index_cast %parallel_loop3A_419 : i32 to index
      %parallel_loop3A_421 = tpu.vector_load %arg18[%parallel_loop3A_420] {strides = array<i32>} : memref<26400xf32, #tpu.memory_space<vmem>>, vector<16xf32>,
      tpu.vector_store %arg18[%parallel_loop3A_420], %parallel_loop3A_415 {strides = array<i32>} : memref<26400xf32, #tpu.memory_space<vmem>>, vector<16xf32>,
      %parallel_loop3A_422 = arith.constant 13 : i32
      %parallel_loop3A_423 = arith.addi %parallel_loop3A_187, %parallel_loop3A_422 : i32
      %parallel_loop3A_424 = arith.index_cast %parallel_loop3A_423 : i32 to index
      %parallel_loop3A_425 = arith.constant 0 : index
      %parallel_loop3A_426 = tpu.vector_load %arg14[%parallel_loop3A_424, %parallel_loop3A_425] {strides = array<i32>} : memref<800x16xf32, #tpu.memory_space<vmem>>, vector<16xf32>,
      %parallel_loop3A_427 = arith.constant 33 : i32
      %parallel_loop3A_428 = arith.muli %parallel_loop3A_423, %parallel_loop3A_427 : i32
      %parallel_loop3A_429 = arith.index_cast %parallel_loop3A_428 : i32 to index
      %parallel_loop3A_430 = tpu.vector_load %arg18[%parallel_loop3A_429] {strides = array<i32>} : memref<26400xf32, #tpu.memory_space<vmem>>, vector<16xf32>,
      tpu.vector_store %arg18[%parallel_loop3A_429], %parallel_loop3A_426 {strides = array<i32>} : memref<26400xf32, #tpu.memory_space<vmem>>, vector<16xf32>,
      %parallel_loop3A_431 = arith.index_cast %parallel_loop3A_423 : i32 to index
      %parallel_loop3A_432 = arith.constant 0 : index
      %parallel_loop3A_433 = tpu.vector_load %arg16[%parallel_loop3A_431, %parallel_loop3A_432] {strides = array<i32>} : memref<800x16xf32, #tpu.memory_space<vmem>>, vector<16xf32>,
      %parallel_loop3A_434 = arith.constant 33 : i32
      %parallel_loop3A_435 = arith.muli %parallel_loop3A_423, %parallel_loop3A_434 : i32
      %parallel_loop3A_436 = arith.constant 16 : i32
      %parallel_loop3A_437 = arith.addi %parallel_loop3A_435, %parallel_loop3A_436 : i32
      %parallel_loop3A_438 = arith.index_cast %parallel_loop3A_437 : i32 to index
      %parallel_loop3A_439 = tpu.vector_load %arg18[%parallel_loop3A_438] {strides = array<i32>} : memref<26400xf32, #tpu.memory_space<vmem>>, vector<16xf32>,
      tpu.vector_store %arg18[%parallel_loop3A_438], %parallel_loop3A_433 {strides = array<i32>} : memref<26400xf32, #tpu.memory_space<vmem>>, vector<16xf32>,
      %parallel_loop3A_440 = arith.constant 14 : i32
      %parallel_loop3A_441 = arith.addi %parallel_loop3A_187, %parallel_loop3A_440 : i32
      %parallel_loop3A_442 = arith.index_cast %parallel_loop3A_441 : i32 to index
      %parallel_loop3A_443 = arith.constant 0 : index
      %parallel_loop3A_444 = tpu.vector_load %arg14[%parallel_loop3A_442, %parallel_loop3A_443] {strides = array<i32>} : memref<800x16xf32, #tpu.memory_space<vmem>>, vector<16xf32>,
      %parallel_loop3A_445 = arith.constant 33 : i32
      %parallel_loop3A_446 = arith.muli %parallel_loop3A_441, %parallel_loop3A_445 : i32
      %parallel_loop3A_447 = arith.index_cast %parallel_loop3A_446 : i32 to index
      %parallel_loop3A_448 = tpu.vector_load %arg18[%parallel_loop3A_447] {strides = array<i32>} : memref<26400xf32, #tpu.memory_space<vmem>>, vector<16xf32>,
      tpu.vector_store %arg18[%parallel_loop3A_447], %parallel_loop3A_444 {strides = array<i32>} : memref<26400xf32, #tpu.memory_space<vmem>>, vector<16xf32>,
      %parallel_loop3A_449 = arith.index_cast %parallel_loop3A_441 : i32 to index
      %parallel_loop3A_450 = arith.constant 0 : index
      %parallel_loop3A_451 = tpu.vector_load %arg16[%parallel_loop3A_449, %parallel_loop3A_450] {strides = array<i32>} : memref<800x16xf32, #tpu.memory_space<vmem>>, vector<16xf32>,
      %parallel_loop3A_452 = arith.constant 33 : i32
      %parallel_loop3A_453 = arith.muli %parallel_loop3A_441, %parallel_loop3A_452 : i32
      %parallel_loop3A_454 = arith.constant 16 : i32
      %parallel_loop3A_455 = arith.addi %parallel_loop3A_453, %parallel_loop3A_454 : i32
      %parallel_loop3A_456 = arith.index_cast %parallel_loop3A_455 : i32 to index
      %parallel_loop3A_457 = tpu.vector_load %arg18[%parallel_loop3A_456] {strides = array<i32>} : memref<26400xf32, #tpu.memory_space<vmem>>, vector<16xf32>,
      tpu.vector_store %arg18[%parallel_loop3A_456], %parallel_loop3A_451 {strides = array<i32>} : memref<26400xf32, #tpu.memory_space<vmem>>, vector<16xf32>,
      %parallel_loop3A_458 = arith.constant 15 : i32
      %parallel_loop3A_459 = arith.addi %parallel_loop3A_187, %parallel_loop3A_458 : i32
      %parallel_loop3A_460 = arith.index_cast %parallel_loop3A_459 : i32 to index
      %parallel_loop3A_461 = arith.constant 0 : index
      %parallel_loop3A_462 = tpu.vector_load %arg14[%parallel_loop3A_460, %parallel_loop3A_461] {strides = array<i32>} : memref<800x16xf32, #tpu.memory_space<vmem>>, vector<16xf32>,
      %parallel_loop3A_463 = arith.constant 33 : i32
      %parallel_loop3A_464 = arith.muli %parallel_loop3A_459, %parallel_loop3A_463 : i32
      %parallel_loop3A_465 = arith.index_cast %parallel_loop3A_464 : i32 to index
      %parallel_loop3A_466 = tpu.vector_load %arg18[%parallel_loop3A_465] {strides = array<i32>} : memref<26400xf32, #tpu.memory_space<vmem>>, vector<16xf32>,
      tpu.vector_store %arg18[%parallel_loop3A_465], %parallel_loop3A_462 {strides = array<i32>} : memref<26400xf32, #tpu.memory_space<vmem>>, vector<16xf32>,
      %parallel_loop3A_467 = arith.index_cast %parallel_loop3A_459 : i32 to index
      %parallel_loop3A_468 = arith.constant 0 : index
      %parallel_loop3A_469 = tpu.vector_load %arg16[%parallel_loop3A_467, %parallel_loop3A_468] {strides = array<i32>} : memref<800x16xf32, #tpu.memory_space<vmem>>, vector<16xf32>,
      %parallel_loop3A_470 = arith.constant 33 : i32
      %parallel_loop3A_471 = arith.muli %parallel_loop3A_459, %parallel_loop3A_470 : i32
      %parallel_loop3A_472 = arith.constant 16 : i32
      %parallel_loop3A_473 = arith.addi %parallel_loop3A_471, %parallel_loop3A_472 : i32
      %parallel_loop3A_474 = arith.index_cast %parallel_loop3A_473 : i32 to index
      %parallel_loop3A_475 = tpu.vector_load %arg18[%parallel_loop3A_474] {strides = array<i32>} : memref<26400xf32, #tpu.memory_space<vmem>>, vector<16xf32>,
      tpu.vector_store %arg18[%parallel_loop3A_474], %parallel_loop3A_469 {strides = array<i32>} : memref<26400xf32, #tpu.memory_space<vmem>>, vector<16xf32>,
      %parallel_loop3A_476 = arith.index_cast %parallel_loop3A_187 : i32 to index
      %parallel_loop3A_477 = tpu.vector_load %arg12[%parallel_loop3A_476] {strides = array<i32>} : memref<800xf32, #tpu.memory_space<vmem>>, vector<16xf32>,
      %parallel_loop3A_478 = math.absf %parallel_loop3A_477 : vector<16xf32>
      %parallel_loop3A_479 = arith.constant 1.000000e+00 : f32
      %parallel_loop3A_480 = vector.broadcast %parallel_loop3A_479 : f32 to vector<16xf32>
      %parallel_loop3A_481 = arith.addf %parallel_loop3A_480, %parallel_loop3A_478 : vector<16xf32>
      %parallel_loop3A_482 = tpu.bitcast %parallel_loop3A_481 : vector<16xf32> -> vector<16xi32>
      %parallel_loop3A_483 = arith.constant 4913933 : i32
      %parallel_loop3A_484 = vector.broadcast %parallel_loop3A_483 : i32 to vector<16xi32>
      %parallel_loop3A_485 = arith.addi %parallel_loop3A_482, %parallel_loop3A_484 : vector<16xi32>
      %parallel_loop3A_486 = arith.constant 23 : i32
      %parallel_loop3A_487 = vector.broadcast %parallel_loop3A_486 : i32 to vector<16xi32>
      %parallel_loop3A_488 = arith.shrsi %parallel_loop3A_485, %parallel_loop3A_487 : vector<16xi32>
      %parallel_loop3A_489 = arith.constant 127 : i32
      %parallel_loop3A_490 = vector.broadcast %parallel_loop3A_489 : i32 to vector<16xi32>
      %parallel_loop3A_491 = arith.subi %parallel_loop3A_488, %parallel_loop3A_490 : vector<16xi32>
      %parallel_loop3A_492 = arith.constant 8388607 : i32
      %parallel_loop3A_493 = vector.broadcast %parallel_loop3A_492 : i32 to vector<16xi32>
      %parallel_loop3A_494 = arith.andi %parallel_loop3A_485, %parallel_loop3A_493 : vector<16xi32>
      %parallel_loop3A_495 = arith.constant 1060439283 : i32
      %parallel_loop3A_496 = vector.broadcast %parallel_loop3A_495 : i32 to vector<16xi32>
      %parallel_loop3A_497 = arith.addi %parallel_loop3A_494, %parallel_loop3A_496 : vector<16xi32>
      %parallel_loop3A_498 = tpu.bitcast %parallel_loop3A_497 : vector<16xi32> -> vector<16xf32>
      %parallel_loop3A_499 = arith.constant 1.000000e+00 : f32
      %parallel_loop3A_500 = vector.broadcast %parallel_loop3A_499 : f32 to vector<16xf32>
      %parallel_loop3A_501 = arith.subf %parallel_loop3A_498, %parallel_loop3A_500 : vector<16xf32>
      %parallel_loop3A_502 = arith.constant 1.000000e+00 : f32
      %parallel_loop3A_503 = vector.broadcast %parallel_loop3A_502 : f32 to vector<16xf32>
      %parallel_loop3A_504 = arith.addf %parallel_loop3A_498, %parallel_loop3A_503 : vector<16xf32>
      %parallel_loop3A_505 = arith.divf %parallel_loop3A_501, %parallel_loop3A_504 : vector<16xf32>
      %parallel_loop3A_506 = arith.mulf %parallel_loop3A_505, %parallel_loop3A_505 : vector<16xf32>
      %parallel_loop3A_507 = arith.constant 2.000000e+00 : f32
      %parallel_loop3A_508 = vector.broadcast %parallel_loop3A_507 : f32 to vector<16xf32>
      %parallel_loop3A_509 = arith.mulf %parallel_loop3A_508, %parallel_loop3A_505 : vector<16xf32>
      %parallel_loop3A_510 = arith.constant 0.111111112 : f32
      %parallel_loop3A_511 = vector.broadcast %parallel_loop3A_510 : f32 to vector<16xf32>
      %parallel_loop3A_512 = arith.mulf %parallel_loop3A_506, %parallel_loop3A_511 : vector<16xf32>
      %parallel_loop3A_513 = arith.constant 0.142857149 : f32
      %parallel_loop3A_514 = vector.broadcast %parallel_loop3A_513 : f32 to vector<16xf32>
      %parallel_loop3A_515 = arith.addf %parallel_loop3A_514, %parallel_loop3A_512 : vector<16xf32>
      %parallel_loop3A_516 = arith.mulf %parallel_loop3A_506, %parallel_loop3A_515 : vector<16xf32>
      %parallel_loop3A_517 = arith.constant 2.000000e-01 : f32
      %parallel_loop3A_518 = vector.broadcast %parallel_loop3A_517 : f32 to vector<16xf32>
      %parallel_loop3A_519 = arith.addf %parallel_loop3A_518, %parallel_loop3A_516 : vector<16xf32>
      %parallel_loop3A_520 = arith.mulf %parallel_loop3A_506, %parallel_loop3A_519 : vector<16xf32>
      %parallel_loop3A_521 = arith.constant 0.333333343 : f32
      %parallel_loop3A_522 = vector.broadcast %parallel_loop3A_521 : f32 to vector<16xf32>
      %parallel_loop3A_523 = arith.addf %parallel_loop3A_522, %parallel_loop3A_520 : vector<16xf32>
      %parallel_loop3A_524 = arith.mulf %parallel_loop3A_506, %parallel_loop3A_523 : vector<16xf32>
      %parallel_loop3A_525 = arith.constant 1.000000e+00 : f32
      %parallel_loop3A_526 = vector.broadcast %parallel_loop3A_525 : f32 to vector<16xf32>
      %parallel_loop3A_527 = arith.addf %parallel_loop3A_526, %parallel_loop3A_524 : vector<16xf32>
      %parallel_loop3A_528 = arith.mulf %parallel_loop3A_509, %parallel_loop3A_527 : vector<16xf32>
      %parallel_loop3A_529 = arith.sitofp %parallel_loop3A_491 : vector<16xi32> to vector<16xf32>
      %parallel_loop3A_530 = arith.constant 0.693147182 : f32
      %parallel_loop3A_531 = vector.broadcast %parallel_loop3A_530 : f32 to vector<16xf32>
      %parallel_loop3A_532 = arith.mulf %parallel_loop3A_529, %parallel_loop3A_531 : vector<16xf32>
      %parallel_loop3A_533 = arith.addf %parallel_loop3A_532, %parallel_loop3A_528 : vector<16xf32>
      %parallel_loop3A_534 = tpu.bitcast %parallel_loop3A_477 : vector<16xf32> -> vector<16xi32>
      %parallel_loop3A_535 = arith.constant -2147483648 : i32
      %parallel_loop3A_536 = vector.broadcast %parallel_loop3A_535 : i32 to vector<16xi32>
      %parallel_loop3A_537 = arith.andi %parallel_loop3A_534, %parallel_loop3A_536 : vector<16xi32>
      %parallel_loop3A_538 = arith.constant 1065353216 : i32
      %parallel_loop3A_539 = vector.broadcast %parallel_loop3A_538 : i32 to vector<16xi32>
      %parallel_loop3A_540 = arith.ori %parallel_loop3A_539, %parallel_loop3A_537 : vector<16xi32>
      %parallel_loop3A_541 = tpu.bitcast %parallel_loop3A_540 : vector<16xi32> -> vector<16xf32>
      %parallel_loop3A_542 = math.absf %parallel_loop3A_477 : vector<16xf32>
      %parallel_loop3A_543 = arith.constant 0.000000e+00 : f32
      %parallel_loop3A_544 = vector.broadcast %parallel_loop3A_543 : f32 to vector<16xf32>
      %parallel_loop3A_545 = arith.cmpf ogt, %parallel_loop3A_542, %parallel_loop3A_544 : vector<16xf32>
      %parallel_loop3A_546 = arith.select %parallel_loop3A_545, %parallel_loop3A_541, %parallel_loop3A_477 : vector<16xi1>, vector<16xf32>
      %parallel_loop3A_547 = arith.mulf %parallel_loop3A_546, %parallel_loop3A_533 : vector<16xf32>
      %parallel_loop3A_548 = tpu.iota {dimensions = array<i32: 0>} : vector<16xi32>
      %parallel_loop3A_549 = vector.broadcast %parallel_loop3A_187 : i32 to vector<16xi32>
      %parallel_loop3A_550 = arith.addi %parallel_loop3A_549, %parallel_loop3A_548 : vector<16xi32>
      %parallel_loop3A_551 = arith.constant 33 : i32
      %parallel_loop3A_552 = vector.broadcast %parallel_loop3A_551 : i32 to vector<16xi32>
      %parallel_loop3A_553 = arith.muli %parallel_loop3A_550, %parallel_loop3A_552 : vector<16xi32>
      %parallel_loop3A_554 = arith.constant 32 : i32
      %parallel_loop3A_555 = vector.broadcast %parallel_loop3A_554 : i32 to vector<16xi32>
      %parallel_loop3A_556 = arith.addi %parallel_loop3A_553, %parallel_loop3A_555 : vector<16xi32>
      tpu.vector_store_idx %arg18[%parallel_loop3A_556], %parallel_loop3A_547 : memref<26400xf32, #tpu.memory_space<vmem>>[vector<16xi32>], vector<16xf32>,
    } {sc.loop_unroll_factor = 4 : i64, sc.parallel_access}
    %add3A_152 = arith.constant 24000 : i32
    %add3A_153 = arith.addi %mul3A_2, %add3A_152 : i32
    %mul3A_154 = arith.constant 33 : i32
    %mul3A_155 = arith.muli %add3A_153, %mul3A_154 : i32
    %dma_start3A_156 = tpu.memref_slice %arg7[%mul3A_155] : memref<27033600xf32, #tpu.memory_space<hbm>> -> memref<26400xf32, #tpu.memory_space<hbm>>
    %dma_start3A_157 = tpu.memref_slice %arg7[%mul3A_155] : memref<27033600xf32, #tpu.memory_space<hbm>> -> memref<26400xf32, #tpu.memory_space<hbm>>
    tpu.enqueue_dma source(%arg18 : memref<26400xf32, #tpu.memory_space<vmem>>) target(%dma_start3A_157 : memref<26400xf32, #tpu.memory_space<hbm>>) target_semaphore(%arg24 : memref<!tpu.dma_semaphore, #tpu.memory_space<semaphore_mem>>)
    %dma_wait3A_158 = arith.constant 0 : i32
    %dma_wait3A_159 = arith.constant 0 : i32
    %dma_wait3A_160 = tpu.memref_slice %arg5[%dma_wait3A_158, %dma_wait3A_159] : memref<1000000x16xf32, #tpu.memory_space<hbm>> -> memref<1000000x16xf32, #tpu.memory_space<hbm>>
    tpu.wait_indirect_dma semaphore(%arg23 : memref<!tpu.dma_semaphore, #tpu.memory_space<semaphore_mem>>) src(%dma_wait3A_160 : memref<1000000x16xf32, #tpu.memory_space<hbm>>) dst(%arg15 : memref<800x16xf32, #tpu.memory_space<vmem>>)
    %dma_wait3A_161 = arith.constant 0 : i32
    %dma_wait3A_162 = arith.constant 0 : i32
    %dma_wait3A_163 = tpu.memref_slice %arg6[%dma_wait3A_161, %dma_wait3A_162] : memref<100000x16xf32, #tpu.memory_space<hbm>> -> memref<100000x16xf32, #tpu.memory_space<hbm>>
    tpu.wait_indirect_dma semaphore(%arg23 : memref<!tpu.dma_semaphore, #tpu.memory_space<semaphore_mem>>) src(%dma_wait3A_163 : memref<100000x16xf32, #tpu.memory_space<hbm>>) dst(%arg17 : memref<800x16xf32, #tpu.memory_space<vmem>>)
    %dma_wait3A_164 = arith.constant 0 : i32
    %dma_wait3A_165 = tpu.memref_slice %arg7[%dma_wait3A_164] : memref<27033600xf32, #tpu.memory_space<hbm>> -> memref<26400xf32, #tpu.memory_space<hbm>>
    %dma_wait3A_166 = arith.constant 0 : i32
    %dma_wait3A_167 = tpu.memref_slice %arg7[%dma_wait3A_166] : memref<27033600xf32, #tpu.memory_space<hbm>> -> memref<26400xf32, #tpu.memory_space<hbm>>
    tpu.wait_dma2 semaphore(%arg25 : memref<!tpu.dma_semaphore, #tpu.memory_space<semaphore_mem>>) src(%arg19 : memref<26400xf32, #tpu.memory_space<vmem>>) dst(%dma_wait3A_167 : memref<26400xf32, #tpu.memory_space<hbm>>)
    %parallel_loop3A_168 = arith.constant 0 : i32
    %parallel_loop3A_169 = arith.constant 50 : i32
    %parallel_loop3A_170 = arith.constant 1 : i32
    scf.for %parallel_loop3A_185 = %parallel_loop3A_168 to %parallel_loop3A_169 step %parallel_loop3A_170  : i32 {
      %parallel_loop3A_186 = arith.constant 16 : i32
      %parallel_loop3A_187 = arith.muli %parallel_loop3A_185, %parallel_loop3A_186 : i32
      %parallel_loop3A_188 = arith.constant 0 : i32
      %parallel_loop3A_189 = arith.addi %parallel_loop3A_187, %parallel_loop3A_188 : i32
      %parallel_loop3A_190 = arith.index_cast %parallel_loop3A_189 : i32 to index
      %parallel_loop3A_191 = arith.constant 0 : index
      %parallel_loop3A_192 = tpu.vector_load %arg15[%parallel_loop3A_190, %parallel_loop3A_191] {strides = array<i32>} : memref<800x16xf32, #tpu.memory_space<vmem>>, vector<16xf32>,
      %parallel_loop3A_193 = arith.constant 33 : i32
      %parallel_loop3A_194 = arith.muli %parallel_loop3A_189, %parallel_loop3A_193 : i32
      %parallel_loop3A_195 = arith.index_cast %parallel_loop3A_194 : i32 to index
      %parallel_loop3A_196 = tpu.vector_load %arg19[%parallel_loop3A_195] {strides = array<i32>} : memref<26400xf32, #tpu.memory_space<vmem>>, vector<16xf32>,
      tpu.vector_store %arg19[%parallel_loop3A_195], %parallel_loop3A_192 {strides = array<i32>} : memref<26400xf32, #tpu.memory_space<vmem>>, vector<16xf32>,
      %parallel_loop3A_197 = arith.index_cast %parallel_loop3A_189 : i32 to index
      %parallel_loop3A_198 = arith.constant 0 : index
      %parallel_loop3A_199 = tpu.vector_load %arg17[%parallel_loop3A_197, %parallel_loop3A_198] {strides = array<i32>} : memref<800x16xf32, #tpu.memory_space<vmem>>, vector<16xf32>,
      %parallel_loop3A_200 = arith.constant 33 : i32
      %parallel_loop3A_201 = arith.muli %parallel_loop3A_189, %parallel_loop3A_200 : i32
      %parallel_loop3A_202 = arith.constant 16 : i32
      %parallel_loop3A_203 = arith.addi %parallel_loop3A_201, %parallel_loop3A_202 : i32
      %parallel_loop3A_204 = arith.index_cast %parallel_loop3A_203 : i32 to index
      %parallel_loop3A_205 = tpu.vector_load %arg19[%parallel_loop3A_204] {strides = array<i32>} : memref<26400xf32, #tpu.memory_space<vmem>>, vector<16xf32>,
      tpu.vector_store %arg19[%parallel_loop3A_204], %parallel_loop3A_199 {strides = array<i32>} : memref<26400xf32, #tpu.memory_space<vmem>>, vector<16xf32>,
      %parallel_loop3A_206 = arith.constant 1 : i32
      %parallel_loop3A_207 = arith.addi %parallel_loop3A_187, %parallel_loop3A_206 : i32
      %parallel_loop3A_208 = arith.index_cast %parallel_loop3A_207 : i32 to index
      %parallel_loop3A_209 = arith.constant 0 : index
      %parallel_loop3A_210 = tpu.vector_load %arg15[%parallel_loop3A_208, %parallel_loop3A_209] {strides = array<i32>} : memref<800x16xf32, #tpu.memory_space<vmem>>, vector<16xf32>,
      %parallel_loop3A_211 = arith.constant 33 : i32
      %parallel_loop3A_212 = arith.muli %parallel_loop3A_207, %parallel_loop3A_211 : i32
      %parallel_loop3A_213 = arith.index_cast %parallel_loop3A_212 : i32 to index
      %parallel_loop3A_214 = tpu.vector_load %arg19[%parallel_loop3A_213] {strides = array<i32>} : memref<26400xf32, #tpu.memory_space<vmem>>, vector<16xf32>,
      tpu.vector_store %arg19[%parallel_loop3A_213], %parallel_loop3A_210 {strides = array<i32>} : memref<26400xf32, #tpu.memory_space<vmem>>, vector<16xf32>,
      %parallel_loop3A_215 = arith.index_cast %parallel_loop3A_207 : i32 to index
      %parallel_loop3A_216 = arith.constant 0 : index
      %parallel_loop3A_217 = tpu.vector_load %arg17[%parallel_loop3A_215, %parallel_loop3A_216] {strides = array<i32>} : memref<800x16xf32, #tpu.memory_space<vmem>>, vector<16xf32>,
      %parallel_loop3A_218 = arith.constant 33 : i32
      %parallel_loop3A_219 = arith.muli %parallel_loop3A_207, %parallel_loop3A_218 : i32
      %parallel_loop3A_220 = arith.constant 16 : i32
      %parallel_loop3A_221 = arith.addi %parallel_loop3A_219, %parallel_loop3A_220 : i32
      %parallel_loop3A_222 = arith.index_cast %parallel_loop3A_221 : i32 to index
      %parallel_loop3A_223 = tpu.vector_load %arg19[%parallel_loop3A_222] {strides = array<i32>} : memref<26400xf32, #tpu.memory_space<vmem>>, vector<16xf32>,
      tpu.vector_store %arg19[%parallel_loop3A_222], %parallel_loop3A_217 {strides = array<i32>} : memref<26400xf32, #tpu.memory_space<vmem>>, vector<16xf32>,
      %parallel_loop3A_224 = arith.constant 2 : i32
      %parallel_loop3A_225 = arith.addi %parallel_loop3A_187, %parallel_loop3A_224 : i32
      %parallel_loop3A_226 = arith.index_cast %parallel_loop3A_225 : i32 to index
      %parallel_loop3A_227 = arith.constant 0 : index
      %parallel_loop3A_228 = tpu.vector_load %arg15[%parallel_loop3A_226, %parallel_loop3A_227] {strides = array<i32>} : memref<800x16xf32, #tpu.memory_space<vmem>>, vector<16xf32>,
      %parallel_loop3A_229 = arith.constant 33 : i32
      %parallel_loop3A_230 = arith.muli %parallel_loop3A_225, %parallel_loop3A_229 : i32
      %parallel_loop3A_231 = arith.index_cast %parallel_loop3A_230 : i32 to index
      %parallel_loop3A_232 = tpu.vector_load %arg19[%parallel_loop3A_231] {strides = array<i32>} : memref<26400xf32, #tpu.memory_space<vmem>>, vector<16xf32>,
      tpu.vector_store %arg19[%parallel_loop3A_231], %parallel_loop3A_228 {strides = array<i32>} : memref<26400xf32, #tpu.memory_space<vmem>>, vector<16xf32>,
      %parallel_loop3A_233 = arith.index_cast %parallel_loop3A_225 : i32 to index
      %parallel_loop3A_234 = arith.constant 0 : index
      %parallel_loop3A_235 = tpu.vector_load %arg17[%parallel_loop3A_233, %parallel_loop3A_234] {strides = array<i32>} : memref<800x16xf32, #tpu.memory_space<vmem>>, vector<16xf32>,
      %parallel_loop3A_236 = arith.constant 33 : i32
      %parallel_loop3A_237 = arith.muli %parallel_loop3A_225, %parallel_loop3A_236 : i32
      %parallel_loop3A_238 = arith.constant 16 : i32
      %parallel_loop3A_239 = arith.addi %parallel_loop3A_237, %parallel_loop3A_238 : i32
      %parallel_loop3A_240 = arith.index_cast %parallel_loop3A_239 : i32 to index
      %parallel_loop3A_241 = tpu.vector_load %arg19[%parallel_loop3A_240] {strides = array<i32>} : memref<26400xf32, #tpu.memory_space<vmem>>, vector<16xf32>,
      tpu.vector_store %arg19[%parallel_loop3A_240], %parallel_loop3A_235 {strides = array<i32>} : memref<26400xf32, #tpu.memory_space<vmem>>, vector<16xf32>,
      %parallel_loop3A_242 = arith.constant 3 : i32
      %parallel_loop3A_243 = arith.addi %parallel_loop3A_187, %parallel_loop3A_242 : i32
      %parallel_loop3A_244 = arith.index_cast %parallel_loop3A_243 : i32 to index
      %parallel_loop3A_245 = arith.constant 0 : index
      %parallel_loop3A_246 = tpu.vector_load %arg15[%parallel_loop3A_244, %parallel_loop3A_245] {strides = array<i32>} : memref<800x16xf32, #tpu.memory_space<vmem>>, vector<16xf32>,
      %parallel_loop3A_247 = arith.constant 33 : i32
      %parallel_loop3A_248 = arith.muli %parallel_loop3A_243, %parallel_loop3A_247 : i32
      %parallel_loop3A_249 = arith.index_cast %parallel_loop3A_248 : i32 to index
      %parallel_loop3A_250 = tpu.vector_load %arg19[%parallel_loop3A_249] {strides = array<i32>} : memref<26400xf32, #tpu.memory_space<vmem>>, vector<16xf32>,
      tpu.vector_store %arg19[%parallel_loop3A_249], %parallel_loop3A_246 {strides = array<i32>} : memref<26400xf32, #tpu.memory_space<vmem>>, vector<16xf32>,
      %parallel_loop3A_251 = arith.index_cast %parallel_loop3A_243 : i32 to index
      %parallel_loop3A_252 = arith.constant 0 : index
      %parallel_loop3A_253 = tpu.vector_load %arg17[%parallel_loop3A_251, %parallel_loop3A_252] {strides = array<i32>} : memref<800x16xf32, #tpu.memory_space<vmem>>, vector<16xf32>,
      %parallel_loop3A_254 = arith.constant 33 : i32
      %parallel_loop3A_255 = arith.muli %parallel_loop3A_243, %parallel_loop3A_254 : i32
      %parallel_loop3A_256 = arith.constant 16 : i32
      %parallel_loop3A_257 = arith.addi %parallel_loop3A_255, %parallel_loop3A_256 : i32
      %parallel_loop3A_258 = arith.index_cast %parallel_loop3A_257 : i32 to index
      %parallel_loop3A_259 = tpu.vector_load %arg19[%parallel_loop3A_258] {strides = array<i32>} : memref<26400xf32, #tpu.memory_space<vmem>>, vector<16xf32>,
      tpu.vector_store %arg19[%parallel_loop3A_258], %parallel_loop3A_253 {strides = array<i32>} : memref<26400xf32, #tpu.memory_space<vmem>>, vector<16xf32>,
      %parallel_loop3A_260 = arith.constant 4 : i32
      %parallel_loop3A_261 = arith.addi %parallel_loop3A_187, %parallel_loop3A_260 : i32
      %parallel_loop3A_262 = arith.index_cast %parallel_loop3A_261 : i32 to index
      %parallel_loop3A_263 = arith.constant 0 : index
      %parallel_loop3A_264 = tpu.vector_load %arg15[%parallel_loop3A_262, %parallel_loop3A_263] {strides = array<i32>} : memref<800x16xf32, #tpu.memory_space<vmem>>, vector<16xf32>,
      %parallel_loop3A_265 = arith.constant 33 : i32
      %parallel_loop3A_266 = arith.muli %parallel_loop3A_261, %parallel_loop3A_265 : i32
      %parallel_loop3A_267 = arith.index_cast %parallel_loop3A_266 : i32 to index
      %parallel_loop3A_268 = tpu.vector_load %arg19[%parallel_loop3A_267] {strides = array<i32>} : memref<26400xf32, #tpu.memory_space<vmem>>, vector<16xf32>,
      tpu.vector_store %arg19[%parallel_loop3A_267], %parallel_loop3A_264 {strides = array<i32>} : memref<26400xf32, #tpu.memory_space<vmem>>, vector<16xf32>,
      %parallel_loop3A_269 = arith.index_cast %parallel_loop3A_261 : i32 to index
      %parallel_loop3A_270 = arith.constant 0 : index
      %parallel_loop3A_271 = tpu.vector_load %arg17[%parallel_loop3A_269, %parallel_loop3A_270] {strides = array<i32>} : memref<800x16xf32, #tpu.memory_space<vmem>>, vector<16xf32>,
      %parallel_loop3A_272 = arith.constant 33 : i32
      %parallel_loop3A_273 = arith.muli %parallel_loop3A_261, %parallel_loop3A_272 : i32
      %parallel_loop3A_274 = arith.constant 16 : i32
      %parallel_loop3A_275 = arith.addi %parallel_loop3A_273, %parallel_loop3A_274 : i32
      %parallel_loop3A_276 = arith.index_cast %parallel_loop3A_275 : i32 to index
      %parallel_loop3A_277 = tpu.vector_load %arg19[%parallel_loop3A_276] {strides = array<i32>} : memref<26400xf32, #tpu.memory_space<vmem>>, vector<16xf32>,
      tpu.vector_store %arg19[%parallel_loop3A_276], %parallel_loop3A_271 {strides = array<i32>} : memref<26400xf32, #tpu.memory_space<vmem>>, vector<16xf32>,
      %parallel_loop3A_278 = arith.constant 5 : i32
      %parallel_loop3A_279 = arith.addi %parallel_loop3A_187, %parallel_loop3A_278 : i32
      %parallel_loop3A_280 = arith.index_cast %parallel_loop3A_279 : i32 to index
      %parallel_loop3A_281 = arith.constant 0 : index
      %parallel_loop3A_282 = tpu.vector_load %arg15[%parallel_loop3A_280, %parallel_loop3A_281] {strides = array<i32>} : memref<800x16xf32, #tpu.memory_space<vmem>>, vector<16xf32>,
      %parallel_loop3A_283 = arith.constant 33 : i32
      %parallel_loop3A_284 = arith.muli %parallel_loop3A_279, %parallel_loop3A_283 : i32
      %parallel_loop3A_285 = arith.index_cast %parallel_loop3A_284 : i32 to index
      %parallel_loop3A_286 = tpu.vector_load %arg19[%parallel_loop3A_285] {strides = array<i32>} : memref<26400xf32, #tpu.memory_space<vmem>>, vector<16xf32>,
      tpu.vector_store %arg19[%parallel_loop3A_285], %parallel_loop3A_282 {strides = array<i32>} : memref<26400xf32, #tpu.memory_space<vmem>>, vector<16xf32>,
      %parallel_loop3A_287 = arith.index_cast %parallel_loop3A_279 : i32 to index
      %parallel_loop3A_288 = arith.constant 0 : index
      %parallel_loop3A_289 = tpu.vector_load %arg17[%parallel_loop3A_287, %parallel_loop3A_288] {strides = array<i32>} : memref<800x16xf32, #tpu.memory_space<vmem>>, vector<16xf32>,
      %parallel_loop3A_290 = arith.constant 33 : i32
      %parallel_loop3A_291 = arith.muli %parallel_loop3A_279, %parallel_loop3A_290 : i32
      %parallel_loop3A_292 = arith.constant 16 : i32
      %parallel_loop3A_293 = arith.addi %parallel_loop3A_291, %parallel_loop3A_292 : i32
      %parallel_loop3A_294 = arith.index_cast %parallel_loop3A_293 : i32 to index
      %parallel_loop3A_295 = tpu.vector_load %arg19[%parallel_loop3A_294] {strides = array<i32>} : memref<26400xf32, #tpu.memory_space<vmem>>, vector<16xf32>,
      tpu.vector_store %arg19[%parallel_loop3A_294], %parallel_loop3A_289 {strides = array<i32>} : memref<26400xf32, #tpu.memory_space<vmem>>, vector<16xf32>,
      %parallel_loop3A_296 = arith.constant 6 : i32
      %parallel_loop3A_297 = arith.addi %parallel_loop3A_187, %parallel_loop3A_296 : i32
      %parallel_loop3A_298 = arith.index_cast %parallel_loop3A_297 : i32 to index
      %parallel_loop3A_299 = arith.constant 0 : index
      %parallel_loop3A_300 = tpu.vector_load %arg15[%parallel_loop3A_298, %parallel_loop3A_299] {strides = array<i32>} : memref<800x16xf32, #tpu.memory_space<vmem>>, vector<16xf32>,
      %parallel_loop3A_301 = arith.constant 33 : i32
      %parallel_loop3A_302 = arith.muli %parallel_loop3A_297, %parallel_loop3A_301 : i32
      %parallel_loop3A_303 = arith.index_cast %parallel_loop3A_302 : i32 to index
      %parallel_loop3A_304 = tpu.vector_load %arg19[%parallel_loop3A_303] {strides = array<i32>} : memref<26400xf32, #tpu.memory_space<vmem>>, vector<16xf32>,
      tpu.vector_store %arg19[%parallel_loop3A_303], %parallel_loop3A_300 {strides = array<i32>} : memref<26400xf32, #tpu.memory_space<vmem>>, vector<16xf32>,
      %parallel_loop3A_305 = arith.index_cast %parallel_loop3A_297 : i32 to index
      %parallel_loop3A_306 = arith.constant 0 : index
      %parallel_loop3A_307 = tpu.vector_load %arg17[%parallel_loop3A_305, %parallel_loop3A_306] {strides = array<i32>} : memref<800x16xf32, #tpu.memory_space<vmem>>, vector<16xf32>,
      %parallel_loop3A_308 = arith.constant 33 : i32
      %parallel_loop3A_309 = arith.muli %parallel_loop3A_297, %parallel_loop3A_308 : i32
      %parallel_loop3A_310 = arith.constant 16 : i32
      %parallel_loop3A_311 = arith.addi %parallel_loop3A_309, %parallel_loop3A_310 : i32
      %parallel_loop3A_312 = arith.index_cast %parallel_loop3A_311 : i32 to index
      %parallel_loop3A_313 = tpu.vector_load %arg19[%parallel_loop3A_312] {strides = array<i32>} : memref<26400xf32, #tpu.memory_space<vmem>>, vector<16xf32>,
      tpu.vector_store %arg19[%parallel_loop3A_312], %parallel_loop3A_307 {strides = array<i32>} : memref<26400xf32, #tpu.memory_space<vmem>>, vector<16xf32>,
      %parallel_loop3A_314 = arith.constant 7 : i32
      %parallel_loop3A_315 = arith.addi %parallel_loop3A_187, %parallel_loop3A_314 : i32
      %parallel_loop3A_316 = arith.index_cast %parallel_loop3A_315 : i32 to index
      %parallel_loop3A_317 = arith.constant 0 : index
      %parallel_loop3A_318 = tpu.vector_load %arg15[%parallel_loop3A_316, %parallel_loop3A_317] {strides = array<i32>} : memref<800x16xf32, #tpu.memory_space<vmem>>, vector<16xf32>,
      %parallel_loop3A_319 = arith.constant 33 : i32
      %parallel_loop3A_320 = arith.muli %parallel_loop3A_315, %parallel_loop3A_319 : i32
      %parallel_loop3A_321 = arith.index_cast %parallel_loop3A_320 : i32 to index
      %parallel_loop3A_322 = tpu.vector_load %arg19[%parallel_loop3A_321] {strides = array<i32>} : memref<26400xf32, #tpu.memory_space<vmem>>, vector<16xf32>,
      tpu.vector_store %arg19[%parallel_loop3A_321], %parallel_loop3A_318 {strides = array<i32>} : memref<26400xf32, #tpu.memory_space<vmem>>, vector<16xf32>,
      %parallel_loop3A_323 = arith.index_cast %parallel_loop3A_315 : i32 to index
      %parallel_loop3A_324 = arith.constant 0 : index
      %parallel_loop3A_325 = tpu.vector_load %arg17[%parallel_loop3A_323, %parallel_loop3A_324] {strides = array<i32>} : memref<800x16xf32, #tpu.memory_space<vmem>>, vector<16xf32>,
      %parallel_loop3A_326 = arith.constant 33 : i32
      %parallel_loop3A_327 = arith.muli %parallel_loop3A_315, %parallel_loop3A_326 : i32
      %parallel_loop3A_328 = arith.constant 16 : i32
      %parallel_loop3A_329 = arith.addi %parallel_loop3A_327, %parallel_loop3A_328 : i32
      %parallel_loop3A_330 = arith.index_cast %parallel_loop3A_329 : i32 to index
      %parallel_loop3A_331 = tpu.vector_load %arg19[%parallel_loop3A_330] {strides = array<i32>} : memref<26400xf32, #tpu.memory_space<vmem>>, vector<16xf32>,
      tpu.vector_store %arg19[%parallel_loop3A_330], %parallel_loop3A_325 {strides = array<i32>} : memref<26400xf32, #tpu.memory_space<vmem>>, vector<16xf32>,
      %parallel_loop3A_332 = arith.constant 8 : i32
      %parallel_loop3A_333 = arith.addi %parallel_loop3A_187, %parallel_loop3A_332 : i32
      %parallel_loop3A_334 = arith.index_cast %parallel_loop3A_333 : i32 to index
      %parallel_loop3A_335 = arith.constant 0 : index
      %parallel_loop3A_336 = tpu.vector_load %arg15[%parallel_loop3A_334, %parallel_loop3A_335] {strides = array<i32>} : memref<800x16xf32, #tpu.memory_space<vmem>>, vector<16xf32>,
      %parallel_loop3A_337 = arith.constant 33 : i32
      %parallel_loop3A_338 = arith.muli %parallel_loop3A_333, %parallel_loop3A_337 : i32
      %parallel_loop3A_339 = arith.index_cast %parallel_loop3A_338 : i32 to index
      %parallel_loop3A_340 = tpu.vector_load %arg19[%parallel_loop3A_339] {strides = array<i32>} : memref<26400xf32, #tpu.memory_space<vmem>>, vector<16xf32>,
      tpu.vector_store %arg19[%parallel_loop3A_339], %parallel_loop3A_336 {strides = array<i32>} : memref<26400xf32, #tpu.memory_space<vmem>>, vector<16xf32>,
      %parallel_loop3A_341 = arith.index_cast %parallel_loop3A_333 : i32 to index
      %parallel_loop3A_342 = arith.constant 0 : index
      %parallel_loop3A_343 = tpu.vector_load %arg17[%parallel_loop3A_341, %parallel_loop3A_342] {strides = array<i32>} : memref<800x16xf32, #tpu.memory_space<vmem>>, vector<16xf32>,
      %parallel_loop3A_344 = arith.constant 33 : i32
      %parallel_loop3A_345 = arith.muli %parallel_loop3A_333, %parallel_loop3A_344 : i32
      %parallel_loop3A_346 = arith.constant 16 : i32
      %parallel_loop3A_347 = arith.addi %parallel_loop3A_345, %parallel_loop3A_346 : i32
      %parallel_loop3A_348 = arith.index_cast %parallel_loop3A_347 : i32 to index
      %parallel_loop3A_349 = tpu.vector_load %arg19[%parallel_loop3A_348] {strides = array<i32>} : memref<26400xf32, #tpu.memory_space<vmem>>, vector<16xf32>,
      tpu.vector_store %arg19[%parallel_loop3A_348], %parallel_loop3A_343 {strides = array<i32>} : memref<26400xf32, #tpu.memory_space<vmem>>, vector<16xf32>,
      %parallel_loop3A_350 = arith.constant 9 : i32
      %parallel_loop3A_351 = arith.addi %parallel_loop3A_187, %parallel_loop3A_350 : i32
      %parallel_loop3A_352 = arith.index_cast %parallel_loop3A_351 : i32 to index
      %parallel_loop3A_353 = arith.constant 0 : index
      %parallel_loop3A_354 = tpu.vector_load %arg15[%parallel_loop3A_352, %parallel_loop3A_353] {strides = array<i32>} : memref<800x16xf32, #tpu.memory_space<vmem>>, vector<16xf32>,
      %parallel_loop3A_355 = arith.constant 33 : i32
      %parallel_loop3A_356 = arith.muli %parallel_loop3A_351, %parallel_loop3A_355 : i32
      %parallel_loop3A_357 = arith.index_cast %parallel_loop3A_356 : i32 to index
      %parallel_loop3A_358 = tpu.vector_load %arg19[%parallel_loop3A_357] {strides = array<i32>} : memref<26400xf32, #tpu.memory_space<vmem>>, vector<16xf32>,
      tpu.vector_store %arg19[%parallel_loop3A_357], %parallel_loop3A_354 {strides = array<i32>} : memref<26400xf32, #tpu.memory_space<vmem>>, vector<16xf32>,
      %parallel_loop3A_359 = arith.index_cast %parallel_loop3A_351 : i32 to index
      %parallel_loop3A_360 = arith.constant 0 : index
      %parallel_loop3A_361 = tpu.vector_load %arg17[%parallel_loop3A_359, %parallel_loop3A_360] {strides = array<i32>} : memref<800x16xf32, #tpu.memory_space<vmem>>, vector<16xf32>,
      %parallel_loop3A_362 = arith.constant 33 : i32
      %parallel_loop3A_363 = arith.muli %parallel_loop3A_351, %parallel_loop3A_362 : i32
      %parallel_loop3A_364 = arith.constant 16 : i32
      %parallel_loop3A_365 = arith.addi %parallel_loop3A_363, %parallel_loop3A_364 : i32
      %parallel_loop3A_366 = arith.index_cast %parallel_loop3A_365 : i32 to index
      %parallel_loop3A_367 = tpu.vector_load %arg19[%parallel_loop3A_366] {strides = array<i32>} : memref<26400xf32, #tpu.memory_space<vmem>>, vector<16xf32>,
      tpu.vector_store %arg19[%parallel_loop3A_366], %parallel_loop3A_361 {strides = array<i32>} : memref<26400xf32, #tpu.memory_space<vmem>>, vector<16xf32>,
      %parallel_loop3A_368 = arith.constant 10 : i32
      %parallel_loop3A_369 = arith.addi %parallel_loop3A_187, %parallel_loop3A_368 : i32
      %parallel_loop3A_370 = arith.index_cast %parallel_loop3A_369 : i32 to index
      %parallel_loop3A_371 = arith.constant 0 : index
      %parallel_loop3A_372 = tpu.vector_load %arg15[%parallel_loop3A_370, %parallel_loop3A_371] {strides = array<i32>} : memref<800x16xf32, #tpu.memory_space<vmem>>, vector<16xf32>,
      %parallel_loop3A_373 = arith.constant 33 : i32
      %parallel_loop3A_374 = arith.muli %parallel_loop3A_369, %parallel_loop3A_373 : i32
      %parallel_loop3A_375 = arith.index_cast %parallel_loop3A_374 : i32 to index
      %parallel_loop3A_376 = tpu.vector_load %arg19[%parallel_loop3A_375] {strides = array<i32>} : memref<26400xf32, #tpu.memory_space<vmem>>, vector<16xf32>,
      tpu.vector_store %arg19[%parallel_loop3A_375], %parallel_loop3A_372 {strides = array<i32>} : memref<26400xf32, #tpu.memory_space<vmem>>, vector<16xf32>,
      %parallel_loop3A_377 = arith.index_cast %parallel_loop3A_369 : i32 to index
      %parallel_loop3A_378 = arith.constant 0 : index
      %parallel_loop3A_379 = tpu.vector_load %arg17[%parallel_loop3A_377, %parallel_loop3A_378] {strides = array<i32>} : memref<800x16xf32, #tpu.memory_space<vmem>>, vector<16xf32>,
      %parallel_loop3A_380 = arith.constant 33 : i32
      %parallel_loop3A_381 = arith.muli %parallel_loop3A_369, %parallel_loop3A_380 : i32
      %parallel_loop3A_382 = arith.constant 16 : i32
      %parallel_loop3A_383 = arith.addi %parallel_loop3A_381, %parallel_loop3A_382 : i32
      %parallel_loop3A_384 = arith.index_cast %parallel_loop3A_383 : i32 to index
      %parallel_loop3A_385 = tpu.vector_load %arg19[%parallel_loop3A_384] {strides = array<i32>} : memref<26400xf32, #tpu.memory_space<vmem>>, vector<16xf32>,
      tpu.vector_store %arg19[%parallel_loop3A_384], %parallel_loop3A_379 {strides = array<i32>} : memref<26400xf32, #tpu.memory_space<vmem>>, vector<16xf32>,
      %parallel_loop3A_386 = arith.constant 11 : i32
      %parallel_loop3A_387 = arith.addi %parallel_loop3A_187, %parallel_loop3A_386 : i32
      %parallel_loop3A_388 = arith.index_cast %parallel_loop3A_387 : i32 to index
      %parallel_loop3A_389 = arith.constant 0 : index
      %parallel_loop3A_390 = tpu.vector_load %arg15[%parallel_loop3A_388, %parallel_loop3A_389] {strides = array<i32>} : memref<800x16xf32, #tpu.memory_space<vmem>>, vector<16xf32>,
      %parallel_loop3A_391 = arith.constant 33 : i32
      %parallel_loop3A_392 = arith.muli %parallel_loop3A_387, %parallel_loop3A_391 : i32
      %parallel_loop3A_393 = arith.index_cast %parallel_loop3A_392 : i32 to index
      %parallel_loop3A_394 = tpu.vector_load %arg19[%parallel_loop3A_393] {strides = array<i32>} : memref<26400xf32, #tpu.memory_space<vmem>>, vector<16xf32>,
      tpu.vector_store %arg19[%parallel_loop3A_393], %parallel_loop3A_390 {strides = array<i32>} : memref<26400xf32, #tpu.memory_space<vmem>>, vector<16xf32>,
      %parallel_loop3A_395 = arith.index_cast %parallel_loop3A_387 : i32 to index
      %parallel_loop3A_396 = arith.constant 0 : index
      %parallel_loop3A_397 = tpu.vector_load %arg17[%parallel_loop3A_395, %parallel_loop3A_396] {strides = array<i32>} : memref<800x16xf32, #tpu.memory_space<vmem>>, vector<16xf32>,
      %parallel_loop3A_398 = arith.constant 33 : i32
      %parallel_loop3A_399 = arith.muli %parallel_loop3A_387, %parallel_loop3A_398 : i32
      %parallel_loop3A_400 = arith.constant 16 : i32
      %parallel_loop3A_401 = arith.addi %parallel_loop3A_399, %parallel_loop3A_400 : i32
      %parallel_loop3A_402 = arith.index_cast %parallel_loop3A_401 : i32 to index
      %parallel_loop3A_403 = tpu.vector_load %arg19[%parallel_loop3A_402] {strides = array<i32>} : memref<26400xf32, #tpu.memory_space<vmem>>, vector<16xf32>,
      tpu.vector_store %arg19[%parallel_loop3A_402], %parallel_loop3A_397 {strides = array<i32>} : memref<26400xf32, #tpu.memory_space<vmem>>, vector<16xf32>,
      %parallel_loop3A_404 = arith.constant 12 : i32
      %parallel_loop3A_405 = arith.addi %parallel_loop3A_187, %parallel_loop3A_404 : i32
      %parallel_loop3A_406 = arith.index_cast %parallel_loop3A_405 : i32 to index
      %parallel_loop3A_407 = arith.constant 0 : index
      %parallel_loop3A_408 = tpu.vector_load %arg15[%parallel_loop3A_406, %parallel_loop3A_407] {strides = array<i32>} : memref<800x16xf32, #tpu.memory_space<vmem>>, vector<16xf32>,
      %parallel_loop3A_409 = arith.constant 33 : i32
      %parallel_loop3A_410 = arith.muli %parallel_loop3A_405, %parallel_loop3A_409 : i32
      %parallel_loop3A_411 = arith.index_cast %parallel_loop3A_410 : i32 to index
      %parallel_loop3A_412 = tpu.vector_load %arg19[%parallel_loop3A_411] {strides = array<i32>} : memref<26400xf32, #tpu.memory_space<vmem>>, vector<16xf32>,
      tpu.vector_store %arg19[%parallel_loop3A_411], %parallel_loop3A_408 {strides = array<i32>} : memref<26400xf32, #tpu.memory_space<vmem>>, vector<16xf32>,
      %parallel_loop3A_413 = arith.index_cast %parallel_loop3A_405 : i32 to index
      %parallel_loop3A_414 = arith.constant 0 : index
      %parallel_loop3A_415 = tpu.vector_load %arg17[%parallel_loop3A_413, %parallel_loop3A_414] {strides = array<i32>} : memref<800x16xf32, #tpu.memory_space<vmem>>, vector<16xf32>,
      %parallel_loop3A_416 = arith.constant 33 : i32
      %parallel_loop3A_417 = arith.muli %parallel_loop3A_405, %parallel_loop3A_416 : i32
      %parallel_loop3A_418 = arith.constant 16 : i32
      %parallel_loop3A_419 = arith.addi %parallel_loop3A_417, %parallel_loop3A_418 : i32
      %parallel_loop3A_420 = arith.index_cast %parallel_loop3A_419 : i32 to index
      %parallel_loop3A_421 = tpu.vector_load %arg19[%parallel_loop3A_420] {strides = array<i32>} : memref<26400xf32, #tpu.memory_space<vmem>>, vector<16xf32>,
      tpu.vector_store %arg19[%parallel_loop3A_420], %parallel_loop3A_415 {strides = array<i32>} : memref<26400xf32, #tpu.memory_space<vmem>>, vector<16xf32>,
      %parallel_loop3A_422 = arith.constant 13 : i32
      %parallel_loop3A_423 = arith.addi %parallel_loop3A_187, %parallel_loop3A_422 : i32
      %parallel_loop3A_424 = arith.index_cast %parallel_loop3A_423 : i32 to index
      %parallel_loop3A_425 = arith.constant 0 : index
      %parallel_loop3A_426 = tpu.vector_load %arg15[%parallel_loop3A_424, %parallel_loop3A_425] {strides = array<i32>} : memref<800x16xf32, #tpu.memory_space<vmem>>, vector<16xf32>,
      %parallel_loop3A_427 = arith.constant 33 : i32
      %parallel_loop3A_428 = arith.muli %parallel_loop3A_423, %parallel_loop3A_427 : i32
      %parallel_loop3A_429 = arith.index_cast %parallel_loop3A_428 : i32 to index
      %parallel_loop3A_430 = tpu.vector_load %arg19[%parallel_loop3A_429] {strides = array<i32>} : memref<26400xf32, #tpu.memory_space<vmem>>, vector<16xf32>,
      tpu.vector_store %arg19[%parallel_loop3A_429], %parallel_loop3A_426 {strides = array<i32>} : memref<26400xf32, #tpu.memory_space<vmem>>, vector<16xf32>,
      %parallel_loop3A_431 = arith.index_cast %parallel_loop3A_423 : i32 to index
      %parallel_loop3A_432 = arith.constant 0 : index
      %parallel_loop3A_433 = tpu.vector_load %arg17[%parallel_loop3A_431, %parallel_loop3A_432] {strides = array<i32>} : memref<800x16xf32, #tpu.memory_space<vmem>>, vector<16xf32>,
      %parallel_loop3A_434 = arith.constant 33 : i32
      %parallel_loop3A_435 = arith.muli %parallel_loop3A_423, %parallel_loop3A_434 : i32
      %parallel_loop3A_436 = arith.constant 16 : i32
      %parallel_loop3A_437 = arith.addi %parallel_loop3A_435, %parallel_loop3A_436 : i32
      %parallel_loop3A_438 = arith.index_cast %parallel_loop3A_437 : i32 to index
      %parallel_loop3A_439 = tpu.vector_load %arg19[%parallel_loop3A_438] {strides = array<i32>} : memref<26400xf32, #tpu.memory_space<vmem>>, vector<16xf32>,
      tpu.vector_store %arg19[%parallel_loop3A_438], %parallel_loop3A_433 {strides = array<i32>} : memref<26400xf32, #tpu.memory_space<vmem>>, vector<16xf32>,
      %parallel_loop3A_440 = arith.constant 14 : i32
      %parallel_loop3A_441 = arith.addi %parallel_loop3A_187, %parallel_loop3A_440 : i32
      %parallel_loop3A_442 = arith.index_cast %parallel_loop3A_441 : i32 to index
      %parallel_loop3A_443 = arith.constant 0 : index
      %parallel_loop3A_444 = tpu.vector_load %arg15[%parallel_loop3A_442, %parallel_loop3A_443] {strides = array<i32>} : memref<800x16xf32, #tpu.memory_space<vmem>>, vector<16xf32>,
      %parallel_loop3A_445 = arith.constant 33 : i32
      %parallel_loop3A_446 = arith.muli %parallel_loop3A_441, %parallel_loop3A_445 : i32
      %parallel_loop3A_447 = arith.index_cast %parallel_loop3A_446 : i32 to index
      %parallel_loop3A_448 = tpu.vector_load %arg19[%parallel_loop3A_447] {strides = array<i32>} : memref<26400xf32, #tpu.memory_space<vmem>>, vector<16xf32>,
      tpu.vector_store %arg19[%parallel_loop3A_447], %parallel_loop3A_444 {strides = array<i32>} : memref<26400xf32, #tpu.memory_space<vmem>>, vector<16xf32>,
      %parallel_loop3A_449 = arith.index_cast %parallel_loop3A_441 : i32 to index
      %parallel_loop3A_450 = arith.constant 0 : index
      %parallel_loop3A_451 = tpu.vector_load %arg17[%parallel_loop3A_449, %parallel_loop3A_450] {strides = array<i32>} : memref<800x16xf32, #tpu.memory_space<vmem>>, vector<16xf32>,
      %parallel_loop3A_452 = arith.constant 33 : i32
      %parallel_loop3A_453 = arith.muli %parallel_loop3A_441, %parallel_loop3A_452 : i32
      %parallel_loop3A_454 = arith.constant 16 : i32
      %parallel_loop3A_455 = arith.addi %parallel_loop3A_453, %parallel_loop3A_454 : i32
      %parallel_loop3A_456 = arith.index_cast %parallel_loop3A_455 : i32 to index
      %parallel_loop3A_457 = tpu.vector_load %arg19[%parallel_loop3A_456] {strides = array<i32>} : memref<26400xf32, #tpu.memory_space<vmem>>, vector<16xf32>,
      tpu.vector_store %arg19[%parallel_loop3A_456], %parallel_loop3A_451 {strides = array<i32>} : memref<26400xf32, #tpu.memory_space<vmem>>, vector<16xf32>,
      %parallel_loop3A_458 = arith.constant 15 : i32
      %parallel_loop3A_459 = arith.addi %parallel_loop3A_187, %parallel_loop3A_458 : i32
      %parallel_loop3A_460 = arith.index_cast %parallel_loop3A_459 : i32 to index
      %parallel_loop3A_461 = arith.constant 0 : index
      %parallel_loop3A_462 = tpu.vector_load %arg15[%parallel_loop3A_460, %parallel_loop3A_461] {strides = array<i32>} : memref<800x16xf32, #tpu.memory_space<vmem>>, vector<16xf32>,
      %parallel_loop3A_463 = arith.constant 33 : i32
      %parallel_loop3A_464 = arith.muli %parallel_loop3A_459, %parallel_loop3A_463 : i32
      %parallel_loop3A_465 = arith.index_cast %parallel_loop3A_464 : i32 to index
      %parallel_loop3A_466 = tpu.vector_load %arg19[%parallel_loop3A_465] {strides = array<i32>} : memref<26400xf32, #tpu.memory_space<vmem>>, vector<16xf32>,
      tpu.vector_store %arg19[%parallel_loop3A_465], %parallel_loop3A_462 {strides = array<i32>} : memref<26400xf32, #tpu.memory_space<vmem>>, vector<16xf32>,
      %parallel_loop3A_467 = arith.index_cast %parallel_loop3A_459 : i32 to index
      %parallel_loop3A_468 = arith.constant 0 : index
      %parallel_loop3A_469 = tpu.vector_load %arg17[%parallel_loop3A_467, %parallel_loop3A_468] {strides = array<i32>} : memref<800x16xf32, #tpu.memory_space<vmem>>, vector<16xf32>,
      %parallel_loop3A_470 = arith.constant 33 : i32
      %parallel_loop3A_471 = arith.muli %parallel_loop3A_459, %parallel_loop3A_470 : i32
      %parallel_loop3A_472 = arith.constant 16 : i32
      %parallel_loop3A_473 = arith.addi %parallel_loop3A_471, %parallel_loop3A_472 : i32
      %parallel_loop3A_474 = arith.index_cast %parallel_loop3A_473 : i32 to index
      %parallel_loop3A_475 = tpu.vector_load %arg19[%parallel_loop3A_474] {strides = array<i32>} : memref<26400xf32, #tpu.memory_space<vmem>>, vector<16xf32>,
      tpu.vector_store %arg19[%parallel_loop3A_474], %parallel_loop3A_469 {strides = array<i32>} : memref<26400xf32, #tpu.memory_space<vmem>>, vector<16xf32>,
      %parallel_loop3A_476 = arith.index_cast %parallel_loop3A_187 : i32 to index
      %parallel_loop3A_477 = tpu.vector_load %arg13[%parallel_loop3A_476] {strides = array<i32>} : memref<800xf32, #tpu.memory_space<vmem>>, vector<16xf32>,
      %parallel_loop3A_478 = math.absf %parallel_loop3A_477 : vector<16xf32>
      %parallel_loop3A_479 = arith.constant 1.000000e+00 : f32
      %parallel_loop3A_480 = vector.broadcast %parallel_loop3A_479 : f32 to vector<16xf32>
      %parallel_loop3A_481 = arith.addf %parallel_loop3A_480, %parallel_loop3A_478 : vector<16xf32>
      %parallel_loop3A_482 = tpu.bitcast %parallel_loop3A_481 : vector<16xf32> -> vector<16xi32>
      %parallel_loop3A_483 = arith.constant 4913933 : i32
      %parallel_loop3A_484 = vector.broadcast %parallel_loop3A_483 : i32 to vector<16xi32>
      %parallel_loop3A_485 = arith.addi %parallel_loop3A_482, %parallel_loop3A_484 : vector<16xi32>
      %parallel_loop3A_486 = arith.constant 23 : i32
      %parallel_loop3A_487 = vector.broadcast %parallel_loop3A_486 : i32 to vector<16xi32>
      %parallel_loop3A_488 = arith.shrsi %parallel_loop3A_485, %parallel_loop3A_487 : vector<16xi32>
      %parallel_loop3A_489 = arith.constant 127 : i32
      %parallel_loop3A_490 = vector.broadcast %parallel_loop3A_489 : i32 to vector<16xi32>
      %parallel_loop3A_491 = arith.subi %parallel_loop3A_488, %parallel_loop3A_490 : vector<16xi32>
      %parallel_loop3A_492 = arith.constant 8388607 : i32
      %parallel_loop3A_493 = vector.broadcast %parallel_loop3A_492 : i32 to vector<16xi32>
      %parallel_loop3A_494 = arith.andi %parallel_loop3A_485, %parallel_loop3A_493 : vector<16xi32>
      %parallel_loop3A_495 = arith.constant 1060439283 : i32
      %parallel_loop3A_496 = vector.broadcast %parallel_loop3A_495 : i32 to vector<16xi32>
      %parallel_loop3A_497 = arith.addi %parallel_loop3A_494, %parallel_loop3A_496 : vector<16xi32>
      %parallel_loop3A_498 = tpu.bitcast %parallel_loop3A_497 : vector<16xi32> -> vector<16xf32>
      %parallel_loop3A_499 = arith.constant 1.000000e+00 : f32
      %parallel_loop3A_500 = vector.broadcast %parallel_loop3A_499 : f32 to vector<16xf32>
      %parallel_loop3A_501 = arith.subf %parallel_loop3A_498, %parallel_loop3A_500 : vector<16xf32>
      %parallel_loop3A_502 = arith.constant 1.000000e+00 : f32
      %parallel_loop3A_503 = vector.broadcast %parallel_loop3A_502 : f32 to vector<16xf32>
      %parallel_loop3A_504 = arith.addf %parallel_loop3A_498, %parallel_loop3A_503 : vector<16xf32>
      %parallel_loop3A_505 = arith.divf %parallel_loop3A_501, %parallel_loop3A_504 : vector<16xf32>
      %parallel_loop3A_506 = arith.mulf %parallel_loop3A_505, %parallel_loop3A_505 : vector<16xf32>
      %parallel_loop3A_507 = arith.constant 2.000000e+00 : f32
      %parallel_loop3A_508 = vector.broadcast %parallel_loop3A_507 : f32 to vector<16xf32>
      %parallel_loop3A_509 = arith.mulf %parallel_loop3A_508, %parallel_loop3A_505 : vector<16xf32>
      %parallel_loop3A_510 = arith.constant 0.111111112 : f32
      %parallel_loop3A_511 = vector.broadcast %parallel_loop3A_510 : f32 to vector<16xf32>
      %parallel_loop3A_512 = arith.mulf %parallel_loop3A_506, %parallel_loop3A_511 : vector<16xf32>
      %parallel_loop3A_513 = arith.constant 0.142857149 : f32
      %parallel_loop3A_514 = vector.broadcast %parallel_loop3A_513 : f32 to vector<16xf32>
      %parallel_loop3A_515 = arith.addf %parallel_loop3A_514, %parallel_loop3A_512 : vector<16xf32>
      %parallel_loop3A_516 = arith.mulf %parallel_loop3A_506, %parallel_loop3A_515 : vector<16xf32>
      %parallel_loop3A_517 = arith.constant 2.000000e-01 : f32
      %parallel_loop3A_518 = vector.broadcast %parallel_loop3A_517 : f32 to vector<16xf32>
      %parallel_loop3A_519 = arith.addf %parallel_loop3A_518, %parallel_loop3A_516 : vector<16xf32>
      %parallel_loop3A_520 = arith.mulf %parallel_loop3A_506, %parallel_loop3A_519 : vector<16xf32>
      %parallel_loop3A_521 = arith.constant 0.333333343 : f32
      %parallel_loop3A_522 = vector.broadcast %parallel_loop3A_521 : f32 to vector<16xf32>
      %parallel_loop3A_523 = arith.addf %parallel_loop3A_522, %parallel_loop3A_520 : vector<16xf32>
      %parallel_loop3A_524 = arith.mulf %parallel_loop3A_506, %parallel_loop3A_523 : vector<16xf32>
      %parallel_loop3A_525 = arith.constant 1.000000e+00 : f32
      %parallel_loop3A_526 = vector.broadcast %parallel_loop3A_525 : f32 to vector<16xf32>
      %parallel_loop3A_527 = arith.addf %parallel_loop3A_526, %parallel_loop3A_524 : vector<16xf32>
      %parallel_loop3A_528 = arith.mulf %parallel_loop3A_509, %parallel_loop3A_527 : vector<16xf32>
      %parallel_loop3A_529 = arith.sitofp %parallel_loop3A_491 : vector<16xi32> to vector<16xf32>
      %parallel_loop3A_530 = arith.constant 0.693147182 : f32
      %parallel_loop3A_531 = vector.broadcast %parallel_loop3A_530 : f32 to vector<16xf32>
      %parallel_loop3A_532 = arith.mulf %parallel_loop3A_529, %parallel_loop3A_531 : vector<16xf32>
      %parallel_loop3A_533 = arith.addf %parallel_loop3A_532, %parallel_loop3A_528 : vector<16xf32>
      %parallel_loop3A_534 = tpu.bitcast %parallel_loop3A_477 : vector<16xf32> -> vector<16xi32>
      %parallel_loop3A_535 = arith.constant -2147483648 : i32
      %parallel_loop3A_536 = vector.broadcast %parallel_loop3A_535 : i32 to vector<16xi32>
      %parallel_loop3A_537 = arith.andi %parallel_loop3A_534, %parallel_loop3A_536 : vector<16xi32>
      %parallel_loop3A_538 = arith.constant 1065353216 : i32
      %parallel_loop3A_539 = vector.broadcast %parallel_loop3A_538 : i32 to vector<16xi32>
      %parallel_loop3A_540 = arith.ori %parallel_loop3A_539, %parallel_loop3A_537 : vector<16xi32>
      %parallel_loop3A_541 = tpu.bitcast %parallel_loop3A_540 : vector<16xi32> -> vector<16xf32>
      %parallel_loop3A_542 = math.absf %parallel_loop3A_477 : vector<16xf32>
      %parallel_loop3A_543 = arith.constant 0.000000e+00 : f32
      %parallel_loop3A_544 = vector.broadcast %parallel_loop3A_543 : f32 to vector<16xf32>
      %parallel_loop3A_545 = arith.cmpf ogt, %parallel_loop3A_542, %parallel_loop3A_544 : vector<16xf32>
      %parallel_loop3A_546 = arith.select %parallel_loop3A_545, %parallel_loop3A_541, %parallel_loop3A_477 : vector<16xi1>, vector<16xf32>
      %parallel_loop3A_547 = arith.mulf %parallel_loop3A_546, %parallel_loop3A_533 : vector<16xf32>
      %parallel_loop3A_548 = tpu.iota {dimensions = array<i32: 0>} : vector<16xi32>
      %parallel_loop3A_549 = vector.broadcast %parallel_loop3A_187 : i32 to vector<16xi32>
      %parallel_loop3A_550 = arith.addi %parallel_loop3A_549, %parallel_loop3A_548 : vector<16xi32>
      %parallel_loop3A_551 = arith.constant 33 : i32
      %parallel_loop3A_552 = vector.broadcast %parallel_loop3A_551 : i32 to vector<16xi32>
      %parallel_loop3A_553 = arith.muli %parallel_loop3A_550, %parallel_loop3A_552 : vector<16xi32>
      %parallel_loop3A_554 = arith.constant 32 : i32
      %parallel_loop3A_555 = vector.broadcast %parallel_loop3A_554 : i32 to vector<16xi32>
      %parallel_loop3A_556 = arith.addi %parallel_loop3A_553, %parallel_loop3A_555 : vector<16xi32>
      tpu.vector_store_idx %arg19[%parallel_loop3A_556], %parallel_loop3A_547 : memref<26400xf32, #tpu.memory_space<vmem>>[vector<16xi32>], vector<16xf32>,
    } {sc.loop_unroll_factor = 4 : i64, sc.parallel_access}
    %add3A_171 = arith.constant 24800 : i32
    %add3A_172 = arith.addi %mul3A_2, %add3A_171 : i32
    %mul3A_173 = arith.constant 33 : i32
    %mul3A_174 = arith.muli %add3A_172, %mul3A_173 : i32
    %dma_start3A_175 = tpu.memref_slice %arg7[%mul3A_174] : memref<27033600xf32, #tpu.memory_space<hbm>> -> memref<26400xf32, #tpu.memory_space<hbm>>
    %dma_start3A_176 = tpu.memref_slice %arg7[%mul3A_174] : memref<27033600xf32, #tpu.memory_space<hbm>> -> memref<26400xf32, #tpu.memory_space<hbm>>
    tpu.enqueue_dma source(%arg19 : memref<26400xf32, #tpu.memory_space<vmem>>) target(%dma_start3A_176 : memref<26400xf32, #tpu.memory_space<hbm>>) target_semaphore(%arg25 : memref<!tpu.dma_semaphore, #tpu.memory_space<semaphore_mem>>)
    %dma_wait3A_177 = arith.constant 0 : i32
    %dma_wait3A_178 = tpu.memref_slice %arg7[%dma_wait3A_177] : memref<27033600xf32, #tpu.memory_space<hbm>> -> memref<26400xf32, #tpu.memory_space<hbm>>
    %dma_wait3A_179 = arith.constant 0 : i32
    %dma_wait3A_180 = tpu.memref_slice %arg7[%dma_wait3A_179] : memref<27033600xf32, #tpu.memory_space<hbm>> -> memref<26400xf32, #tpu.memory_space<hbm>>
    tpu.wait_dma2 semaphore(%arg24 : memref<!tpu.dma_semaphore, #tpu.memory_space<semaphore_mem>>) src(%arg18 : memref<26400xf32, #tpu.memory_space<vmem>>) dst(%dma_wait3A_180 : memref<26400xf32, #tpu.memory_space<hbm>>)
    %dma_wait3A_181 = arith.constant 0 : i32
    %dma_wait3A_182 = tpu.memref_slice %arg7[%dma_wait3A_181] : memref<27033600xf32, #tpu.memory_space<hbm>> -> memref<26400xf32, #tpu.memory_space<hbm>>
    %dma_wait3A_183 = arith.constant 0 : i32
    %dma_wait3A_184 = tpu.memref_slice %arg7[%dma_wait3A_183] : memref<27033600xf32, #tpu.memory_space<hbm>> -> memref<26400xf32, #tpu.memory_space<hbm>>
    tpu.wait_dma2 semaphore(%arg25 : memref<!tpu.dma_semaphore, #tpu.memory_space<semaphore_mem>>) src(%arg19 : memref<26400xf32, #tpu.memory_space<vmem>>) dst(%dma_wait3A_184 : memref<26400xf32, #tpu.memory_space<hbm>>)
    return
  }
}

</mosaic_0001>

<sc_bundles>
// kernel: _sc_encode.3.cloned.1.call-start
scs
__scs_entry_jumppad:
0x0: {  	(pc) =	sbr.rel $0x88, $3  }
0x1: {  	(tag) =	ssettag $0x0;
	lr =	simm.s32 $0x1  }
0x2: {  	[smem:$0x3F9C] =	sst lr;
	_ =	strace $0xD0000000  }
0x3: {  	_ = 	snop  }
0x4: {  	_ = 	snop  }
0x5: {  	_ = 	snop  }
0x6: {  	_ = 	snop  }
0x7: {  	_ = 	snop  }
__scs_overlays_trampoline_lowered:
0x8: {  	[smem:$0x3FAB] =	sst s0  }
0x9: {  	[smem:$0x3FAC] =	sst s1  }
0xa: {  	[smem:$0x3FAD] =	sst s2  }
0xb: {  	[smem:$0x3FAE] =	sst s3  }
0xc: {  	[smem:$0x3FAF] =	sst s4  }
0xd: {  	[smem:$0x3FB0] =	sst s5  }
0xe: {  	[smem:$0x3FB1] =	sst s6  }
0xf: {  	[smem:$0x3FB2] =	sst s7  }
0x10: {  	[smem:$0x3FB3] =	sst s8  }
0x11: {  	[smem:$0x3FB4] =	sst s9;
	s0 =	simm.s32 @!p0 $0x0  }
0x12: {  	s1 =	sld [smem:$0x3F9A];
	s0 =	simm.s32 @p0 $0x1  }
0x13: {  	[smem:$0x3FB5] =	sst s0;
	s0 =	simm.s32 @!p1 $0x0  }
0x14: {  	s2 =	sld [smem:$0x3F99];
	s0 =	simm.s32 @p1 $0x1  }
0x15: {  	[smem:$0x3FB6] =	sst s0;
	s0 =	simm.s32 @!p2 $0x0  }
0x16: {  	s3 =	sld [smem:$0x3FDB];
	s0 =	simm.s32 @p2 $0x1  }
0x17: {  	s4 =	simm.s32 $0x1BF5;
	[smem:$0x3FB8] =	sst s0  }
0x18: {  	s0 =	sld [smem:$0x3F9B];
	_ =	swait.ge [sflag:s4], $0x0  }
0x19: {  	s7 =	sld [smem:$0x3F9C]  }
0x1a: {  	s8 =	sadd.s32 $0xFFFFE003, lr  }
0x1b: {  	s9 =	sadd.s32 $0xFFFFFEF7, lr;
	s5 =	simm.s32 $0xFFFFFFFF;
	p2 =	slt.u32 s8, $0xFFFFF086  }
0x1c: {  	p1 =	slt.u32 s9, $0xF7A;
	s5 =	simm.s32 @!p2 $0x0  }
0x1d: {  	s5 =	simm.s32 @p1 $0x1;
	p0 =	seq.s32 s7, s2  }
0x1e: {  	s7 =	smul.u32 @!p0 $0xF7A, s2;
	p2 =	seq.s32 @!p0 s5, $0x0  }
0x1f: {  	s9 =	smul.u32 $0xF7A, s1;
	s8 =	simm.s32 @!p0 $0x1BF5;
	p2 =	por !p2, p0  }
0x20: {  	[sflag:s8] =	ssyncset.s32 @!p0 $0xFFFFF086;
	s6 =	sadd.s32 @!p0 s3, s7;
	s7 =	simm.s32 @!p0 $0x108  }
0x21: {  	s3 =	sadd.s32 s3, s9;
	s6 =	sadd.s32 @!p0 $0x88, s6;
	s7 =	simm.s32 @p2 $0x1082  }
0x22: {  	[simem:s7], [sflag:s8] =	dma.local @!p0 [hbm:s6], $0xF7A  }
0x23: {  	s9 =	sor.u32 $0xD0000000, s2;
	s6 =	simm.s32 $0x108;
	_ =	swait.ge @!p0 [sflag:s8], $0x0  }
0x24: {  	s3 =	sadd.s32 $0x88, s3;
	s6 =	simm.s32 @!p1 $0x1082;
	[sflag:s4] =	ssyncset.s32 $0xFFFFF086  }
0x25: {  	[simem:s6], [sflag:s4] =	dma.local [hbm:s3], $0xF7A  }
0x26: {  	[smem:$0x3F9C] =	sst s1;
	(tag) =	ssettag s2;
	_ =	strace s9  }
0x27: {  	s1 =	sld [smem:$0x3FAC]  }
0x28: {  	s2 =	sld [smem:$0x3FAD]  }
0x29: {  	s4 =	sld [smem:$0x3FAF]  }
0x2a: {  	p0 =	seq.s32 s5, $0x0;
	s5 =	sld [smem:$0x3FB0]  }
0x2b: {  	s6 =	sld [smem:$0x3FB1]  }
0x2c: {  	s7 =	sld [smem:$0x3FB2]  }
0x2d: {  	s3 =	simm.s32 $0x108;
	s8 =	sld [smem:$0x3FB3]  }
0x2e: {  	s3 =	simm.s32 @!p0 $0x1082;
	s9 =	sld [smem:$0x3FB4]  }
0x2f: {  	lr =	sadd.s32 s0, s3;
	s0 =	sld [smem:$0x3FAB]  }
0x30: {  	s3 =	sld [smem:$0x3FAE]  }
0x31: {  	[smem:$0x3FB7] =	sst s10  }
0x32: {  	s10 =	sld [smem:$0x3FB5];
	_ =	sdelay $0x3  }
0x33: {  	p0 =	seq.s32 s10, $0x1;
	s10 =	sld [smem:$0x3FB7];
	_ =	sdelay $0x3  }
0x34: {  	[smem:$0x3FB7] =	sst s10  }
0x35: {  	s10 =	sld [smem:$0x3FB6];
	_ =	sdelay $0x3  }
0x36: {  	p1 =	seq.s32 s10, $0x1;
	s10 =	sld [smem:$0x3FB7];
	_ =	sdelay $0x3  }
0x37: {  	[smem:$0x3FB7] =	sst s10  }
0x38: {  	s10 =	sld [smem:$0x3FB8]  }
0x39: {  	_ = 	snop;
	(pc) =	sbr.ind lr, $3  }
0x3a: {  	_ = 	snop  }
0x3b: {  	_ = 	snop  }
0x3c: {  	p2 =	seq.s32 s10, $0x1;
	s10 =	sld [smem:$0x3FB7]  }
0x3d: {  	_ =	shalt  }
0x3e: {  	_ =	shalt  }
0x3f: {  	_ =	shalt  }
0x40: {  	_ =	shalt  }
0x41: {  	_ =	shalt  }
0x42: {  	_ =	shalt  }
0x43: {  	_ =	shalt  }
0x44: {  	_ =	shalt  }
0x45: {  	_ =	shalt  }
0x46: {  	_ =	shalt  }
0x47: {  	_ =	shalt  }
0x48: {  	_ =	shalt  }
0x49: {  	_ =	shalt  }
0x4a: {  	_ =	shalt  }
0x4b: {  	_ =	shalt  }
0x4c: {  	_ =	shalt  }
0x4d: {  	_ =	shalt  }
0x4e: {  	_ =	shalt  }
0x4f: {  	_ =	shalt  }
0x50: {  	_ =	shalt  }
0x51: {  	_ =	shalt  }
0x52: {  	_ =	shalt  }
0x53: {  	_ =	shalt  }
0x54: {  	_ =	shalt  }
0x55: {  	_ =	shalt  }
0x56: {  	_ =	shalt  }
0x57: {  	_ =	shalt  }
0x58: {  	_ =	shalt  }
0x59: {  	_ =	shalt  }
0x5a: {  	_ =	shalt  }
0x5b: {  	_ =	shalt  }
0x5c: {  	_ =	shalt  }
0x5d: {  	_ =	shalt  }
0x5e: {  	_ =	shalt  }
0x5f: {  	_ =	shalt  }
0x60: {  	_ =	shalt  }
0x61: {  	_ =	shalt  }
0x62: {  	_ =	shalt  }
0x63: {  	_ =	shalt  }
0x64: {  	_ =	shalt  }
0x65: {  	_ =	shalt  }
0x66: {  	_ =	shalt  }
0x67: {  	_ =	shalt  }
0x68: {  	_ =	shalt  }
0x69: {  	_ =	shalt  }
0x6a: {  	_ =	shalt  }
0x6b: {  	_ =	shalt  }
0x6c: {  	_ =	shalt  }
0x6d: {  	_ =	shalt  }
0x6e: {  	_ =	shalt  }
0x6f: {  	_ =	shalt  }
0x70: {  	_ =	shalt  }
0x71: {  	_ =	shalt  }
0x72: {  	_ =	shalt  }
0x73: {  	_ =	shalt  }
0x74: {  	_ =	shalt  }
0x75: {  	_ =	shalt  }
0x76: {  	_ =	shalt  }
0x77: {  	_ =	shalt  }
0x78: {  	_ =	shalt  }
0x79: {  	_ =	shalt  }
0x7a: {  	_ =	shalt  }
0x7b: {  	_ =	shalt  }
0x7c: {  	_ =	shalt  }
0x7d: {  	_ =	shalt  }
0x7e: {  	_ =	shalt  }
0x7f: {  	_ =	shalt  }
0x80: {  	_ =	shalt  }
0x81: {  	_ =	shalt  }
0x82: {  	_ =	shalt  }
0x83: {  	_ =	shalt  }
0x84: {  	_ =	shalt  }
0x85: {  	_ =	shalt  }
0x86: {  	_ =	shalt  }
0x87: {  	_ =	shalt  }
.Lfunc_end0:
.L_simem_size_0:
called_computation_lowered:
.L_overlay_start_0:
0x88: {  	s2 =	sld [smem:$0x3FD9]  }
0x89: {  	s3 =	sld [smem:$0x3FFE];
	_ =	sdelay $0x1  }
0x8a: {  	s1 =	srdreg.scid  }
0x8b: {  	s0 =	sand.u32 $0x1, s1  }
0x8c: {  	s17 =	sshll.u32 s0, $0xA;
	s2 =	sadd.s32 s3, s2  }
0x8d: {  	s2 =	sadd.s32 s2, s17  }
0x8e: {  	[smem:$0x3FC3] =	sst s2  }
0x8f: {  	_ = 	snop  }
0x90: {  	s2 =	sld [smem:$0x3FC9]  }
0x91: {  	s18 =	sld [smem:$0x3FC8]  }
0x92: {  	s4 =	sld [smem:$0x3FC7]  }
0x93: {  	s5 =	sld [smem:$0x3FD0];
	(tm) =	ssettm $0x1  }
0x94: {  	s6 =	sld [smem:$0x3FFB];
	_ =	sdelay $0x3  }
0x95: {  	_ =	strace s6  }
0x96: {  	s6 =	sld [smem:$0x3FFC];
	_ =	sdelay $0x3  }
0x97: {  	_ =	strace s6  }
0x98: {  	s6 =	sld [smem:$0x3FFD];
	_ =	sdelay $0x3  }
0x99: {  	_ =	strace s6  }
0x9a: {  	_ =	strace $0x8FFFFFFF  }
0x9b: {  	s19 =	sld [smem:$0x3FDB];
	_ =	sdelay $0x1  }
0x9c: {  	s7 =	simm.s32 $_scs_section_size  }
0x9d: {  	s8 =	simm.s32 $_size__tile_overlayer_lowered;
	s9 =	simm.s32 $_tile_overlayer_lowered  }
0x9e: {  	s22 =	simm.s32 $0x1BFF;
	s21 =	sshll.u32 s9, $0x1;
	s6 =	sadd.s32 s7, s19  }
0x9f: {  	s10 =	simm.s32 $0x0;
	s20 =	sshll.u32 s8, $0x1;
	s8 =	sadd.s32 s21, s6  }
0xa0: {  	[timem:s10], [sflag:s22] =	dma.local [hbm:s8], s20  }
0xa1: {  	_ =	swait.ge [sflag:s22], s20  }
0xa2: {  	s7 =	ssub.s32 $0x0, s20;
	[sflag:s22] =	ssyncset.done $0x0  }
0xa3: {  	[sflag:s22] =	ssyncadd.s32 s7;
	_ =	sdelay $0x1  }
0xa4: {  	s23 =	simm.s32 $0x1B8B  }
0xa5: {  	_ =	swait.ge [sflag:s23], $0x1  }
0xa6: {  	[sflag:s23] =	ssyncset.done $0x0  }
0xa7: {  	s25 =	simm.s32 $0x1B8E;
	s24 =	sld [smem:$0x3FFE];
	[sflag:s23] =	ssyncadd.s32 $0xFFFFFFFF  }
0xa8: {  	s26 =	simm.s32 $execute0_lowered;
	[smem:$0x3FD2] =	sst s25  }
0xa9: {  	s8 =	sshll.u32 s26, $0x1;
	_ =	strace $0x80000046;
	[dreg:$0x1] =	wrdreg $0xFFFFFFFF  }
0xaa: {  	s28 =	simm.s32 $_size_execute0_lowered;
	s6 =	sadd.s32 s6, s8;
	[dreg:$0x0] =	wrdreg $0x0  }
0xab: {  	s8 =	sshll.u32 s28, $0x1;
	[dreg:$0x2] =	wrdreg s6  }
0xac: {  	[dreg:$0x3] =	wrdreg s8  }
0xad: {  	[dreg:$0x4] =	wrdreg $0xC0  }
0xae: {  	_ =	task [dreg:s10], $0x5FFFF  }
0xaf: {  	[dreg:$0x1] =	wrdreg $0xFFFFFFFF  }
0xb0: {  	[dreg:$0x0] =	wrdreg $0x60  }
0xb1: {  	[dreg:$0x2] =	wrdreg s2  }
0xb2: {  	[dreg:$0x3] =	wrdreg s18  }
0xb3: {  	[dreg:$0x4] =	wrdreg s4  }
0xb4: {  	[dreg:$0x5] =	wrdreg s24  }
0xb5: {  	[dreg:$0x6] =	wrdreg s5  }
0xb6: {  	[dreg:$0x7] =	wrdreg $0x9  }
0xb7: {  	_ =	task.clear_ibuf [dreg:s10], $0x8FFFF;
	_ =	strace $0x90000046  }
0xb8: {  	s29 =	simm.s32 $0x9;
	_ =	strace $0x80000048  }
0xb9: {  	_ =	swait.ge [sflag:s29], $0x1  }
0xba: {  	[sflag:s29] =	ssyncadd.s32 $0xFFFFFFFF  }
0xbb: {  	_ =	strace $0x90000048  }
0xbc: {  	_ =	sfence  }
0xbd: {  	s30 =	sld [smem:$0x0];
	_ =	sdelay $0x2  }
0xbe: {  	s31 =	sshll.u32 s1, $0xD;
	s1 =	sshrl.u32 s1, $0x2  }
0xbf: {  	s3 =	sand.u32 $0x4000, s31;
	s1 =	sadd.s32 s1, s30  }
0xc0: {  	s0 =	sor.u32 s3, s0;
	s1 =	sshll.u32 s1, $0x11  }
0xc1: {  	s0 =	sor.u32 s1, s0  }
0xc2: {  	s0 =	sadd.s32 $0x8F2B, s0  }
0xc3: {  	[sflag:s0] =	ssyncadd.remote.s32 $0x1  }
0xc4: {  	_ =	sfence.sel $0xFFFF  }
0xc5: {  	[dreg:$0x0] =	wrdreg $0xFFFFFFFF;
	(pc) =	sbr.abs _section_cstart, $3  }
0xc6: {  	[dreg:$0x1] =	wrdreg $0xFFFFFFFF  }
0xc7: {  	_ =	task.clear_ibuf [dreg:s10], $0x2FFFF;
	_ =	strace $0x9FFFFFFF  }
0xc8: {  	(tm) =	ssettm $0x7FFFFFFF  }
0xc9: {  	_ =	shalt  }
tec
execute0_lowered:
.L_overlay_start_1:
0x0: {  	(tag) =	ssettag $0x1  }
0x1: {  	s3 =	rddreg [dreg:$0x0]  }
0x2: {  	s5 =	rddreg [dreg:$0x1]  }
0x3: {  	s7 =	rddreg [dreg:$0x2]  }
0x4: {  	s0 =	rddreg [dreg:$0x3];
	s1 =	srdreg.scid  }
0x5: {  	s2 =	stileid.u32;
	s11 =	rddreg [dreg:$0x4]  }
0x6: {  	s6 =	simm.s32 $0x0;
	s1 =	sand.u32 $0x1, s1;
	s2 =	sshll.u32 s2, $0x1  }
0x7: {  	[smem:$0x7FF] =	sst s6;
	s2 =	sor.u32 s1, s2  }
0x8: {  	s8 =	sadd.s32 $0xF42A00, s0;
	s1 =	ssub.s32 $0x2, s1;
	s12 =	smul.u32 $0x6400, s2  }
0x9: {  	s9 =	sadd.s32 $0x600, s0;
	_ =	strace $0x80000047;
	s10 =	sshrl.u32 s1, $0x1  }
0xa: {  	s21 =	smul.u32 $0x19C80, s2;
	s19 =	sadd.s32 $0x640, s12;
	[dreg:$0x6] =	wrdreg s12  }
0xb: {  	s0 =	ssub.s32 s1, s10;
	s10 =	sor.u32 $0x320, s12;
	[dreg:$0xd] =	wrdreg s19  }
0xc: {  	s24 =	sadd.s32 s11, s21;
	[dreg:$0x8] =	wrdreg s10  }
0xd: {  	s4 =	sshrl.u32 s12, $0x3;
	s12 =	sadd.s32 $0x960, s12;
	[dreg:$0x13] =	wrdreg s24  }
0xe: {  	s0 =	smax.u32 s0, $0x1;
	[dreg:$0x12] =	wrdreg s12  }
0xf: {  	s13 =	sadd.s32 s3, s4;
	[dreg:$0x1a] =	wrdreg s0  }
0x10: {  	s31 =	simm.s32 $0x960;
	s14 =	sadd.s32 s5, s4;
	[dreg:$0x7] =	wrdreg s13  }
0x11: {  	s15 =	sadd.s32 s7, s4;
	s16 =	sshrl.u32 s10, $0x3;
	[dreg:$0x9] =	wrdreg s14  }
0x12: {  	s23 =	smul.u32 $0xCE400, s2;
	[dreg:$0xa] =	wrdreg s15;
	s17 =	sadd.s32 s3, s16  }
0x13: {  	s20 =	sshrl.u32 s19, $0x3;
	s18 =	sadd.s32 s5, s16;
	[dreg:$0xb] =	wrdreg s17  }
0x14: {  	s10 =	smul.u32 $0x21, s10;
	s1 =	sadd.s32 s7, s16;
	[dreg:$0xc] =	wrdreg s18  }
0x15: {  	s26 =	sshrl.u32 s12, $0x3;
	s13 =	sadd.s32 s3, s20;
	[dreg:$0xe] =	wrdreg s1  }
0x16: {  	s24 =	simm.s32 $0x141E0;
	s22 =	sadd.s32 s5, s20;
	[dreg:$0xf] =	wrdreg s13  }
0x17: {  	s3 =	sadd.s32 s3, s26;
	s28 =	sadd.s32 s5, s26;
	[dreg:$0x10] =	wrdreg s22  }
0x18: {  	s29 =	sadd.s32 s7, s26;
	s26 =	simm.s32 $0x6;
	[dreg:$0x14] =	wrdreg s3  }
0x19: {  	s1 =	sadd.s32 s7, s20;
	s25 =	sshrl.u32 s10, $0x3;
	[dreg:$0x15] =	wrdreg s28  }
0x1a: {  	[dreg:$0x16] =	wrdreg s29;
	s13 =	simm.s32 $0x1;
	s17 =	simm.s32 $0x3  }
0x1b: {  	s18 =	simm.s32 $0x2;
	[dreg:$0x11] =	wrdreg s1;
	s1 =	sshrl.u32 s23, $0x3  }
0x1c: {  	v2 =	vlaneseq.u32;
	s22 =	simm.s32 $0xDAC0;
	s2 =	sadd.s32 s11, s25;
	s1 =	sadd.s32 s11, s1  }
0x1d: {  	v1 =	vmul.u32 $0x21, v2;
	s23 =	simm.s32 $0x4;
	[dreg:$0x17] =	wrdreg s2;
	s30 =	sadd.s32 $0x182B8, s1  }
0x1e: {  	v0 =	vimm.f32 $1.000000000e+00;
	s25 =	simm.s32 $0x5;
	s1 =	sadd.s32 $0x18F9C, s1;
	[dreg:$0x18] =	wrdreg s30  }
0x1f: {  	v0 =	vand.u32 $0x7FFFFFFF, v0;
	v2 =	vand.u32 $0x7, v2;
	v1 =	vadd.s32 $0x20, v1;
	s2 =	simm.s32 $0x0;
	[dreg:$0x19] =	wrdreg s1;
	s1 =	simm.s32 $0x320  }
.LBB2_1:
0x20: {  	[dreg:$0x1b] =	wrdreg s2  }
0x21: {  	s0 =	rddreg [dreg:$0x7]  }
0x22: {  	[tilespmem:s6], [sflag:$0x1] =	stream.linear.gather [hbm4b:s0+s6], $0x320, $0x38;
	[tilespmem:$0x1A900] =	vst v63  }
0x23: {  	s10 =	rddreg [dreg:$0x9];
	s11 =	simm.s32 $0x640  }
0x24: {  	[tilespmem:s11], [sflag:$0x1] =	stream.linear.gather [hbm4b:s10+s6], $0x320, $0x38;
	[tilespmem:$0x1A900] =	vst v63  }
0x25: {  	s12 =	rddreg [dreg:$0xa];
	s3 =	simm.s32 $0xC80  }
0x26: {  	[tilespmem:s3], [sflag:$0x1] =	stream.linear.gather [hbm4b:s12+s6], $0x320, $0x38;
	[tilespmem:$0x1A900] =	vst v63  }
0x27: {  	s14 =	rddreg [dreg:$0xb]  }
0x28: {  	[tilespmem:s1], [sflag:$0x2] =	stream.linear.gather [hbm4b:s14+s6], $0x320, $0x38;
	[tilespmem:$0x1A900] =	vst v63  }
0x29: {  	s15 =	rddreg [dreg:$0xc]  }
0x2a: {  	[tilespmem:s31], [sflag:$0x2] =	stream.linear.gather [hbm4b:s15+s6], $0x320, $0x38;
	[tilespmem:$0x1A900] =	vst v63  }
0x2b: {  	s16 =	rddreg [dreg:$0xe];
	s19 =	simm.s32 $0xFA0  }
0x2c: {  	[tilespmem:s19], [sflag:$0x2] =	stream.linear.gather [hbm4b:s16+s6], $0x320, $0x38;
	[tilespmem:$0x1A900] =	vst v63  }
0x2d: {  	_ =	swait.ge [sflag:s13], $0x320  }
0x2e: {  	[sflag:s13] =	ssyncset.done $0x0  }
0x2f: {  	[sflag:s13] =	ssyncadd.s32 $0xFFFFFCE0  }
0x30: {  	_ =	swait.ge [sflag:s13], $0x320  }
0x31: {  	[sflag:s13] =	ssyncset.done $0x0  }
0x32: {  	[sflag:s13] =	ssyncadd.s32 $0xFFFFFCE0  }
0x33: {  	_ =	swait.ge [sflag:s13], $0x320  }
0x34: {  	[sflag:s13] =	ssyncset.done $0x0  }
0x35: {  	s20 =	simm.s32 $0x12C0;
	[sflag:s13] =	ssyncadd.s32 $0xFFFFFCE0  }
0x36: {  	[tilespmem:s20], [sflag:$0x3] =	stream.indirect.gather [hbm4b:s8+s1], $0x10, s6, s1, $0xb8;
	[tilespmem:$0x1A900] =	vst v63  }
0x37: {  	s21 =	simm.s32 $0x76C0  }
0x38: {  	[tilespmem:s21], [sflag:$0x3] =	stream.indirect.gather [hbm4b:s9+s1], $0x10, s11, s1, $0xb8;
	[tilespmem:$0x1A900] =	vst v63  }
0x39: {  	_ =	swait.ge [sflag:s17], $0x3200  }
0x3a: {  	[sflag:s17] =	ssyncset.done $0x0  }
0x3b: {  	[sflag:s17] =	ssyncadd.s32 $0xFFFFCE00  }
0x3c: {  	_ =	swait.ge [sflag:s17], $0x3200  }
0x3d: {  	[sflag:s17] =	ssyncset.done $0x0  }
0x3e: {  	[sflag:s17] =	ssyncadd.s32 $0xFFFFCE00  }
0x3f: {  	_ =	swait.ge [sflag:s18], $0x320  }
0x40: {  	[sflag:s18] =	ssyncset.done $0x0  }
0x41: {  	[sflag:s18] =	ssyncadd.s32 $0xFFFFFCE0  }
0x42: {  	_ =	swait.ge [sflag:s18], $0x320  }
0x43: {  	[sflag:s18] =	ssyncset.done $0x0  }
0x44: {  	[sflag:s18] =	ssyncadd.s32 $0xFFFFFCE0  }
0x45: {  	_ =	swait.ge [sflag:s18], $0x320  }
0x46: {  	[sflag:s18] =	ssyncset.done $0x0  }
0x47: {  	s29 =	simm.s32 $0x44C0;
	[sflag:s18] =	ssyncadd.s32 $0xFFFFFCE0  }
0x48: {  	[tilespmem:s29], [sflag:$0x4] =	stream.indirect.gather [hbm4b:s8+s1], $0x10, s1, s1, $0xb8;
	[tilespmem:$0x1A900] =	vst v63  }
0x49: {  	s30 =	simm.s32 $0xA8C0;
	s28 =	simm.s32 $0x0  }
0x4a: {  	[tilespmem:s30], [sflag:$0x4] =	stream.indirect.gather [hbm4b:s9+s1], $0x10, s31, s1, $0xb8;
	[tilespmem:$0x1A900] =	vst v63  }
.LBB2_2:
0x4b: {  	s2 =	sshll.u32 s28, $0x8  }
0x4c: {  	v3 =	vld [tilespmem:s2+$0x12C0];
	_ =	sdelay $0x1  }
0x4d: {  	s0 =	smul.u32 $0x840, s28;
	_ =	sdelay $0x1  }
0x4e: {  	s4 =	sshra.s32 s0, $0x2  }
0x4f: {  	[tilespmem:s4+$0xDAC0] =	vst v3  }
0x50: {  	s0 =	sor.u32 $0x1, s28;
	v3 =	vld [tilespmem:s2+$0x76C0]  }
0x51: {  	s11 =	sshll.u32 s0, $0x8  }
0x52: {  	v4 =	vld [tilespmem:s11+$0x12C0]  }
0x53: {  	s14 =	sshll.u32 s28, $0x4  }
0x54: {  	s15 =	sor.u32 $0x1, s14;
	s12 =	smul.u32 $0x840, s0  }
0x55: {  	s20 =	sshll.u32 s15, $0x4;
	[tilespmem:s4+$0xDAD0] =	vst v3  }
0x56: {  	s12 =	sshra.s32 s12, $0x2;
	v3 =	vld [tilespmem:s20+$0x12C0]  }
0x57: {  	[tilespmem:s12+$0xDAC0] =	vst v4  }
0x58: {  	v4 =	vld [tilespmem:s11+$0x76C0]  }
0x59: {  	s19 =	sor.u32 $0x2, s28;
	s15 =	smul.u32 $0x21, s15  }
0x5a: {  	s16 =	sshll.u32 s19, $0x8  }
0x5b: {  	v5 =	vld [tilespmem:s16+$0x12C0];
	s4 =	sshll.u32 s0, $0x4;
	[tilespmem:s15+$0xDAC0] =	vst v3  }
0x5c: {  	s29 =	sor.u32 $0x1, s4;
	v3 =	vld [tilespmem:s20+$0x76C0]  }
0x5d: {  	s30 =	smul.u32 $0x840, s19;
	s21 =	sshll.u32 s29, $0x4;
	[tilespmem:s12+$0xDAD0] =	vst v4  }
0x5e: {  	v4 =	vld [tilespmem:s21+$0x12C0]  }
0x5f: {  	s30 =	sshra.s32 s30, $0x2  }
0x60: {  	s7 =	sor.u32 $0x2, s14;
	s5 =	sor.u32 $0x11, s15;
	[tilespmem:s30+$0xDAC0] =	vst v5;
	s3 =	smul.u32 $0x84, s29  }
0x61: {  	s10 =	sshll.u32 s7, $0x4;
	v5 =	vld [tilespmem:s16+$0x76C0];
	[tilespmem:s5+$0xDAC0] =	vst v3  }
0x62: {  	s3 =	sshra.s32 s3, $0x2;
	v3 =	vld [tilespmem:s10+$0x12C0]  }
0x63: {  	[tilespmem:s3+$0xDAC0] =	vst v4  }
0x64: {  	s29 =	sor.u32 $0x3, s28;
	s12 =	sshll.u32 s19, $0x4;
	v4 =	vld [tilespmem:s21+$0x76C0]  }
0x65: {  	s16 =	sor.u32 $0x1, s12;
	s15 =	smul.u32 $0x21, s7;
	s5 =	sshll.u32 s29, $0x8  }
0x66: {  	[tilespmem:s30+$0xDAD0] =	vst v5;
	s21 =	sshll.u32 s16, $0x4;
	v6 =	vld [tilespmem:s5+$0x12C0]  }
0x67: {  	v5 =	vld [tilespmem:s21+$0x12C0];
	[tilespmem:s15+$0xDAC0] =	vst v3  }
0x68: {  	s11 =	sor.u32 $0x2, s4;
	v3 =	vld [tilespmem:s10+$0x76C0];
	s10 =	smul.u32 $0x840, s29  }
0x69: {  	s7 =	sshll.u32 s11, $0x4;
	[tilespmem:s3+$0xDAD0] =	vst v4  }
0x6a: {  	s20 =	smul.u32 $0x21, s16;
	v4 =	vld [tilespmem:s7+$0x12C0];
	s3 =	sshra.s32 s10, $0x2  }
0x6b: {  	[tilespmem:s3+$0xDAC0] =	vst v6  }
0x6c: {  	s11 =	smul.u32 $0x84, s11;
	[tilespmem:s20+$0xDAC0] =	vst v5;
	v6 =	vld [tilespmem:s5+$0x76C0]  }
0x6d: {  	s16 =	sor.u32 $0x3, s14;
	v5 =	vld [tilespmem:s21+$0x76C0];
	s15 =	sor.u32 $0x12, s15  }
0x6e: {  	s11 =	sshra.s32 s11, $0x2;
	s5 =	sshll.u32 s16, $0x4;
	[tilespmem:s15+$0xDAC0] =	vst v3  }
0x6f: {  	[tilespmem:s11+$0xDAC0] =	vst v4;
	s15 =	sshll.u32 s29, $0x4;
	v3 =	vld [tilespmem:s5+$0x12C0]  }
0x70: {  	v4 =	vld [tilespmem:s7+$0x76C0];
	s7 =	sor.u32 $0x1, s15  }
0x71: {  	s20 =	sand.u32 $0xFFC0, s20;
	s21 =	sor.u32 $0x2, s12;
	[tilespmem:s3+$0xDAD0] =	vst v6;
	s3 =	sshll.u32 s7, $0x4  }
0x72: {  	s30 =	smul.u32 $0x21, s16;
	s10 =	sshll.u32 s21, $0x4;
	[tilespmem:s20+$0xDAD1] =	vst v5;
	v6 =	vld [tilespmem:s3+$0x12C0]  }
0x73: {  	v5 =	vld [tilespmem:s10+$0x12C0]  }
0x74: {  	s16 =	sor.u32 $0x3, s4;
	s7 =	smul.u32 $0x84, s7;
	[tilespmem:s30+$0xDAC0] =	vst v3  }
0x75: {  	[tilespmem:s11+$0xDAD0] =	vst v4;
	v3 =	vld [tilespmem:s5+$0x76C0];
	s5 =	sshll.u32 s16, $0x4  }
0x76: {  	s20 =	smul.u32 $0x21, s21;
	s7 =	sshra.s32 s7, $0x2;
	v4 =	vld [tilespmem:s5+$0x12C0]  }
0x77: {  	[tilespmem:s7+$0xDAC0] =	vst v6  }
0x78: {  	s21 =	smul.u32 $0x84, s16;
	[tilespmem:s20+$0xDAC0] =	vst v5;
	v6 =	vld [tilespmem:s3+$0x76C0]  }
0x79: {  	v5 =	vld [tilespmem:s10+$0x76C0];
	s10 =	sor.u32 $0x4, s14;
	s30 =	sor.u32 $0x13, s30  }
0x7a: {  	s2 =	sshll.u32 s10, $0x4;
	s3 =	sshra.s32 s21, $0x2;
	[tilespmem:s30+$0xDAC0] =	vst v3  }
0x7b: {  	v3 =	vld [tilespmem:s2+$0x12C0];
	[tilespmem:s3+$0xDAC0] =	vst v4  }
0x7c: {  	s21 =	sor.u32 $0x2, s15;
	v4 =	vld [tilespmem:s5+$0x76C0]  }
0x7d: {  	[tilespmem:s7+$0xDAD0] =	vst v6;
	s7 =	sshll.u32 s21, $0x4  }
0x7e: {  	s11 =	sor.u32 $0x12, s20;
	s20 =	sor.u32 $0x3, s12;
	s16 =	smul.u32 $0x21, s10;
	v6 =	vld [tilespmem:s7+$0x12C0]  }
0x7f: {  	[tilespmem:s11+$0xDAC0] =	vst v5;
	s11 =	smul.u32 $0x21, s20;
	s5 =	sshll.u32 s20, $0x4  }
0x80: {  	s10 =	sor.u32 $0x4, s4;
	s20 =	smul.u32 $0x84, s21;
	v5 =	vld [tilespmem:s5+$0x12C0];
	[tilespmem:s16+$0xDAC0] =	vst v3  }
0x81: {  	v3 =	vld [tilespmem:s2+$0x76C0];
	[tilespmem:s3+$0xDAD0] =	vst v4;
	s2 =	sshll.u32 s10, $0x4  }
0x82: {  	s3 =	sshra.s32 s20, $0x2;
	v4 =	vld [tilespmem:s2+$0x12C0]  }
0x83: {  	[tilespmem:s3+$0xDAC0] =	vst v6  }
0x84: {  	s21 =	smul.u32 $0x84, s10;
	v6 =	vld [tilespmem:s7+$0x76C0]  }
0x85: {  	s30 =	sor.u32 $0x14, s16;
	s10 =	sor.u32 $0x5, s14;
	[tilespmem:s11+$0xDAC0] =	vst v5  }
0x86: {  	v5 =	vld [tilespmem:s5+$0x76C0];
	s5 =	sshll.u32 s10, $0x4;
	s7 =	sshra.s32 s21, $0x2;
	[tilespmem:s30+$0xDAC0] =	vst v3  }
0x87: {  	v3 =	vld [tilespmem:s5+$0x12C0];
	[tilespmem:s7+$0xDAC0] =	vst v4  }
0x88: {  	s21 =	sor.u32 $0x3, s15;
	v4 =	vld [tilespmem:s2+$0x76C0]  }
0x89: {  	[tilespmem:s3+$0xDAD0] =	vst v6;
	s3 =	sshll.u32 s21, $0x4  }
0x8a: {  	s20 =	sor.u32 $0x4, s12;
	s11 =	sand.u32 $0xFFC0, s11;
	s16 =	smul.u32 $0x21, s10;
	v6 =	vld [tilespmem:s3+$0x12C0]  }
0x8b: {  	[tilespmem:s11+$0xDAD3] =	vst v5;
	s2 =	sshll.u32 s20, $0x4;
	s11 =	smul.u32 $0x21, s20  }
0x8c: {  	s10 =	sor.u32 $0x5, s4;
	s20 =	smul.u32 $0x84, s21;
	v5 =	vld [tilespmem:s2+$0x12C0];
	[tilespmem:s16+$0xDAC0] =	vst v3  }
0x8d: {  	v3 =	vld [tilespmem:s5+$0x76C0];
	[tilespmem:s7+$0xDAD0] =	vst v4;
	s5 =	sshll.u32 s10, $0x4  }
0x8e: {  	s7 =	sshra.s32 s20, $0x2;
	v4 =	vld [tilespmem:s5+$0x12C0]  }
0x8f: {  	[tilespmem:s7+$0xDAC0] =	vst v6  }
0x90: {  	s21 =	smul.u32 $0x84, s10;
	v6 =	vld [tilespmem:s3+$0x76C0]  }
0x91: {  	s30 =	sor.u32 $0x15, s16;
	s10 =	sor.u32 $0x6, s14;
	[tilespmem:s11+$0xDAC0] =	vst v5  }
0x92: {  	v5 =	vld [tilespmem:s2+$0x76C0];
	s2 =	sshll.u32 s10, $0x4;
	s3 =	sshra.s32 s21, $0x2;
	[tilespmem:s30+$0xDAC0] =	vst v3  }
0x93: {  	v3 =	vld [tilespmem:s2+$0x12C0];
	[tilespmem:s3+$0xDAC0] =	vst v4  }
0x94: {  	s21 =	sor.u32 $0x4, s15;
	v4 =	vld [tilespmem:s5+$0x76C0]  }
0x95: {  	[tilespmem:s7+$0xDAD0] =	vst v6;
	s7 =	sshll.u32 s21, $0x4  }
0x96: {  	s20 =	sor.u32 $0x5, s12;
	s11 =	sor.u32 $0x14, s11;
	s16 =	smul.u32 $0x21, s10;
	v6 =	vld [tilespmem:s7+$0x12C0]  }
0x97: {  	[tilespmem:s11+$0xDAC0] =	vst v5;
	s5 =	sshll.u32 s20, $0x4;
	s11 =	smul.u32 $0x21, s20  }
0x98: {  	s10 =	sor.u32 $0x6, s4;
	s20 =	smul.u32 $0x84, s21;
	v5 =	vld [tilespmem:s5+$0x12C0];
	[tilespmem:s16+$0xDAC0] =	vst v3  }
0x99: {  	v3 =	vld [tilespmem:s2+$0x76C0];
	[tilespmem:s3+$0xDAD0] =	vst v4;
	s2 =	sshll.u32 s10, $0x4  }
0x9a: {  	s3 =	sshra.s32 s20, $0x2;
	v4 =	vld [tilespmem:s2+$0x12C0]  }
0x9b: {  	[tilespmem:s3+$0xDAC0] =	vst v6  }
0x9c: {  	s21 =	smul.u32 $0x84, s10;
	v6 =	vld [tilespmem:s7+$0x76C0]  }
0x9d: {  	s30 =	sor.u32 $0x16, s16;
	s10 =	sor.u32 $0x7, s14;
	[tilespmem:s11+$0xDAC0] =	vst v5  }
0x9e: {  	v5 =	vld [tilespmem:s5+$0x76C0];
	s5 =	sshll.u32 s10, $0x4;
	s7 =	sshra.s32 s21, $0x2;
	[tilespmem:s30+$0xDAC0] =	vst v3  }
0x9f: {  	v3 =	vld [tilespmem:s5+$0x12C0];
	[tilespmem:s7+$0xDAC0] =	vst v4  }
0xa0: {  	s21 =	sor.u32 $0x5, s15;
	v4 =	vld [tilespmem:s2+$0x76C0]  }
0xa1: {  	[tilespmem:s3+$0xDAD0] =	vst v6;
	s3 =	sshll.u32 s21, $0x4  }
0xa2: {  	s20 =	sor.u32 $0x6, s12;
	s11 =	sand.u32 $0xFFC0, s11;
	s16 =	smul.u32 $0x21, s10;
	v6 =	vld [tilespmem:s3+$0x12C0]  }
0xa3: {  	[tilespmem:s11+$0xDAD5] =	vst v5;
	s2 =	sshll.u32 s20, $0x4;
	s11 =	smul.u32 $0x21, s20  }
0xa4: {  	s10 =	sor.u32 $0x7, s4;
	s20 =	smul.u32 $0x84, s21;
	v5 =	vld [tilespmem:s2+$0x12C0];
	[tilespmem:s16+$0xDAC0] =	vst v3  }
0xa5: {  	v3 =	vld [tilespmem:s5+$0x76C0];
	[tilespmem:s7+$0xDAD0] =	vst v4;
	s5 =	sshll.u32 s10, $0x4  }
0xa6: {  	s7 =	sshra.s32 s20, $0x2;
	v4 =	vld [tilespmem:s5+$0x12C0]  }
0xa7: {  	[tilespmem:s7+$0xDAC0] =	vst v6  }
0xa8: {  	s21 =	smul.u32 $0x84, s10;
	v6 =	vld [tilespmem:s3+$0x76C0]  }
0xa9: {  	s30 =	sor.u32 $0x17, s16;
	s10 =	sor.u32 $0x8, s14;
	[tilespmem:s11+$0xDAC0] =	vst v5  }
0xaa: {  	v5 =	vld [tilespmem:s2+$0x76C0];
	s2 =	sshll.u32 s10, $0x4;
	s3 =	sshra.s32 s21, $0x2;
	[tilespmem:s30+$0xDAC0] =	vst v3  }
0xab: {  	v3 =	vld [tilespmem:s2+$0x12C0];
	[tilespmem:s3+$0xDAC0] =	vst v4  }
0xac: {  	s21 =	sor.u32 $0x6, s15;
	v4 =	vld [tilespmem:s5+$0x76C0]  }
0xad: {  	s16 =	smul.u32 $0x84, s10;
	[tilespmem:s7+$0xDAD0] =	vst v6;
	s7 =	sshll.u32 s21, $0x4  }
0xae: {  	s20 =	sor.u32 $0x7, s12;
	s11 =	sor.u32 $0x16, s11;
	v6 =	vld [tilespmem:s7+$0x12C0]  }
0xaf: {  	s16 =	sshra.s32 s16, $0x2;
	[tilespmem:s11+$0xDAC0] =	vst v5;
	s5 =	sshll.u32 s20, $0x4  }
0xb0: {  	s10 =	sor.u32 $0x8, s4;
	v5 =	vld [tilespmem:s5+$0x12C0];
	s21 =	smul.u32 $0x84, s21;
	[tilespmem:s16+$0xDAC0] =	vst v3  }
0xb1: {  	v3 =	vld [tilespmem:s2+$0x76C0];
	[tilespmem:s3+$0xDAD0] =	vst v4;
	s2 =	sshll.u32 s10, $0x4  }
0xb2: {  	s3 =	sshra.s32 s21, $0x2;
	v4 =	vld [tilespmem:s2+$0x12C0]  }
0xb3: {  	s11 =	smul.u32 $0x21, s20;
	[tilespmem:s3+$0xDAC0] =	vst v6  }
0xb4: {  	s30 =	smul.u32 $0x84, s10;
	v6 =	vld [tilespmem:s7+$0x76C0]  }
0xb5: {  	s10 =	sor.u32 $0x9, s14;
	[tilespmem:s11+$0xDAC0] =	vst v5  }
0xb6: {  	v5 =	vld [tilespmem:s5+$0x76C0];
	s7 =	sshll.u32 s10, $0x4;
	[tilespmem:s16+$0xDAD0] =	vst v3;
	s16 =	sshra.s32 s30, $0x2  }
0xb7: {  	v3 =	vld [tilespmem:s7+$0x12C0];
	[tilespmem:s16+$0xDAC0] =	vst v4  }
0xb8: {  	s21 =	sor.u32 $0x7, s15;
	v4 =	vld [tilespmem:s2+$0x76C0]  }
0xb9: {  	[tilespmem:s3+$0xDAD0] =	vst v6;
	s3 =	sshll.u32 s21, $0x4  }
0xba: {  	s20 =	sor.u32 $0x8, s12;
	s11 =	sand.u32 $0xFFC0, s11;
	s5 =	smul.u32 $0x21, s10;
	v6 =	vld [tilespmem:s3+$0x12C0]  }
0xbb: {  	[tilespmem:s11+$0xDAD7] =	vst v5;
	s2 =	sshll.u32 s20, $0x4  }
0xbc: {  	s10 =	sor.u32 $0x9, s4;
	v5 =	vld [tilespmem:s2+$0x12C0];
	s21 =	smul.u32 $0x84, s21;
	[tilespmem:s5+$0xDAC0] =	vst v3  }
0xbd: {  	v3 =	vld [tilespmem:s7+$0x76C0];
	[tilespmem:s16+$0xDAD0] =	vst v4;
	s7 =	sshll.u32 s10, $0x4  }
0xbe: {  	s11 =	smul.u32 $0x84, s20;
	s16 =	sshra.s32 s21, $0x2;
	v4 =	vld [tilespmem:s7+$0x12C0]  }
0xbf: {  	[tilespmem:s16+$0xDAC0] =	vst v6  }
0xc0: {  	s11 =	sshra.s32 s11, $0x2;
	s10 =	smul.u32 $0x84, s10;
	v6 =	vld [tilespmem:s3+$0x76C0]  }
0xc1: {  	s30 =	sor.u32 $0xA, s14;
	s21 =	sor.u32 $0x11, s5;
	[tilespmem:s11+$0xDAC0] =	vst v5  }
0xc2: {  	v5 =	vld [tilespmem:s2+$0x76C0];
	s2 =	sshll.u32 s30, $0x4;
	s3 =	sshra.s32 s10, $0x2;
	[tilespmem:s21+$0xDAC0] =	vst v3  }
0xc3: {  	v3 =	vld [tilespmem:s2+$0x12C0];
	[tilespmem:s3+$0xDAC0] =	vst v4  }
0xc4: {  	s20 =	sor.u32 $0x8, s15;
	v4 =	vld [tilespmem:s7+$0x76C0]  }
0xc5: {  	[tilespmem:s16+$0xDAD0] =	vst v6;
	s16 =	sshll.u32 s20, $0x4  }
0xc6: {  	s5 =	smul.u32 $0x21, s30;
	s10 =	sor.u32 $0x9, s12;
	v6 =	vld [tilespmem:s16+$0x12C0]  }
0xc7: {  	[tilespmem:s11+$0xDAD0] =	vst v5;
	s11 =	sshll.u32 s10, $0x4  }
0xc8: {  	s21 =	sor.u32 $0xA, s4;
	v5 =	vld [tilespmem:s11+$0x12C0];
	s20 =	smul.u32 $0x84, s20;
	[tilespmem:s5+$0xDAC0] =	vst v3  }
0xc9: {  	s7 =	smul.u32 $0x21, s10;
	s10 =	sshll.u32 s21, $0x4;
	v3 =	vld [tilespmem:s2+$0x76C0];
	[tilespmem:s3+$0xDAD0] =	vst v4  }
0xca: {  	s3 =	sshra.s32 s20, $0x2;
	v4 =	vld [tilespmem:s10+$0x12C0]  }
0xcb: {  	[tilespmem:s3+$0xDAC0] =	vst v6  }
0xcc: {  	s21 =	smul.u32 $0x84, s21;
	v6 =	vld [tilespmem:s16+$0x76C0]  }
0xcd: {  	s30 =	sor.u32 $0xB, s14;
	s5 =	sor.u32 $0x12, s5;
	[tilespmem:s7+$0xDAC0] =	vst v5  }
0xce: {  	v5 =	vld [tilespmem:s11+$0x76C0];
	s16 =	sshra.s32 s21, $0x2;
	[tilespmem:s5+$0xDAC0] =	vst v3;
	s5 =	sshll.u32 s30, $0x4  }
0xcf: {  	v3 =	vld [tilespmem:s5+$0x12C0];
	[tilespmem:s16+$0xDAC0] =	vst v4  }
0xd0: {  	s21 =	sor.u32 $0x9, s15;
	v4 =	vld [tilespmem:s10+$0x76C0]  }
0xd1: {  	[tilespmem:s3+$0xDAD0] =	vst v6;
	s3 =	sshll.u32 s21, $0x4  }
0xd2: {  	s20 =	sor.u32 $0xA, s12;
	s11 =	smul.u32 $0x21, s30;
	s10 =	sand.u32 $0xFFC8, s7;
	v6 =	vld [tilespmem:s3+$0x12C0]  }
0xd3: {  	s2 =	sshll.u32 s20, $0x4;
	[tilespmem:s10+$0xDAD1] =	vst v5  }
0xd4: {  	s10 =	sor.u32 $0xB, s4;
	v5 =	vld [tilespmem:s2+$0x12C0];
	s21 =	smul.u32 $0x84, s21;
	[tilespmem:s11+$0xDAC0] =	vst v3  }
0xd5: {  	v3 =	vld [tilespmem:s5+$0x76C0];
	[tilespmem:s16+$0xDAD0] =	vst v4;
	s5 =	sshll.u32 s10, $0x4  }
0xd6: {  	s16 =	sshra.s32 s21, $0x2;
	v4 =	vld [tilespmem:s5+$0x12C0]  }
0xd7: {  	s7 =	smul.u32 $0x21, s20;
	[tilespmem:s16+$0xDAC0] =	vst v6  }
0xd8: {  	s10 =	smul.u32 $0x84, s10;
	v6 =	vld [tilespmem:s3+$0x76C0]  }
0xd9: {  	s30 =	sor.u32 $0xC, s14;
	s21 =	sor.u32 $0x13, s11;
	[tilespmem:s7+$0xDAC0] =	vst v5  }
0xda: {  	v5 =	vld [tilespmem:s2+$0x76C0];
	s2 =	sshll.u32 s30, $0x4;
	s3 =	sshra.s32 s10, $0x2;
	[tilespmem:s21+$0xDAC0] =	vst v3  }
0xdb: {  	v3 =	vld [tilespmem:s2+$0x12C0];
	[tilespmem:s3+$0xDAC0] =	vst v4  }
0xdc: {  	s21 =	sor.u32 $0xA, s15;
	v4 =	vld [tilespmem:s5+$0x76C0]  }
0xdd: {  	[tilespmem:s16+$0xDAD0] =	vst v6;
	s16 =	sshll.u32 s21, $0x4  }
0xde: {  	s20 =	sor.u32 $0xB, s12;
	s11 =	smul.u32 $0x21, s30;
	s10 =	sor.u32 $0x12, s7;
	v6 =	vld [tilespmem:s16+$0x12C0]  }
0xdf: {  	s5 =	sshll.u32 s20, $0x4;
	[tilespmem:s10+$0xDAC0] =	vst v5  }
0xe0: {  	s10 =	sor.u32 $0xC, s4;
	v5 =	vld [tilespmem:s5+$0x12C0];
	s21 =	smul.u32 $0x84, s21;
	[tilespmem:s11+$0xDAC0] =	vst v3  }
0xe1: {  	v3 =	vld [tilespmem:s2+$0x76C0];
	[tilespmem:s3+$0xDAD0] =	vst v4;
	s2 =	sshll.u32 s10, $0x4  }
0xe2: {  	s3 =	sshra.s32 s21, $0x2;
	v4 =	vld [tilespmem:s2+$0x12C0]  }
0xe3: {  	s7 =	smul.u32 $0x21, s20;
	[tilespmem:s3+$0xDAC0] =	vst v6  }
0xe4: {  	s10 =	smul.u32 $0x84, s10;
	v6 =	vld [tilespmem:s16+$0x76C0]  }
0xe5: {  	s30 =	sor.u32 $0xD, s14;
	s21 =	sor.u32 $0x14, s11;
	[tilespmem:s7+$0xDAC0] =	vst v5  }
0xe6: {  	v5 =	vld [tilespmem:s5+$0x76C0];
	s5 =	sshll.u32 s30, $0x4;
	s16 =	sshra.s32 s10, $0x2;
	[tilespmem:s21+$0xDAC0] =	vst v3  }
0xe7: {  	v3 =	vld [tilespmem:s5+$0x12C0];
	[tilespmem:s16+$0xDAC0] =	vst v4  }
0xe8: {  	s21 =	sor.u32 $0xB, s15;
	v4 =	vld [tilespmem:s2+$0x76C0]  }
0xe9: {  	[tilespmem:s3+$0xDAD0] =	vst v6;
	s3 =	sshll.u32 s21, $0x4  }
0xea: {  	s20 =	sor.u32 $0xC, s12;
	s11 =	smul.u32 $0x21, s30;
	s10 =	sand.u32 $0xFFC8, s7;
	v6 =	vld [tilespmem:s3+$0x12C0]  }
0xeb: {  	s2 =	sshll.u32 s20, $0x4;
	[tilespmem:s10+$0xDAD3] =	vst v5  }
0xec: {  	s10 =	sor.u32 $0xD, s4;
	v5 =	vld [tilespmem:s2+$0x12C0];
	s21 =	smul.u32 $0x84, s21;
	[tilespmem:s11+$0xDAC0] =	vst v3  }
0xed: {  	v3 =	vld [tilespmem:s5+$0x76C0];
	[tilespmem:s16+$0xDAD0] =	vst v4;
	s5 =	sshll.u32 s10, $0x4  }
0xee: {  	s16 =	sshra.s32 s21, $0x2;
	v4 =	vld [tilespmem:s5+$0x12C0]  }
0xef: {  	s7 =	smul.u32 $0x21, s20;
	[tilespmem:s16+$0xDAC0] =	vst v6  }
0xf0: {  	s10 =	smul.u32 $0x84, s10;
	v6 =	vld [tilespmem:s3+$0x76C0]  }
0xf1: {  	s30 =	sor.u32 $0xE, s14;
	s21 =	sor.u32 $0x15, s11;
	[tilespmem:s7+$0xDAC0] =	vst v5  }
0xf2: {  	v5 =	vld [tilespmem:s2+$0x76C0];
	s2 =	sshll.u32 s30, $0x4;
	s3 =	sshra.s32 s10, $0x2;
	[tilespmem:s21+$0xDAC0] =	vst v3  }
0xf3: {  	v3 =	vld [tilespmem:s2+$0x12C0];
	[tilespmem:s3+$0xDAC0] =	vst v4  }
0xf4: {  	s21 =	sor.u32 $0xC, s15;
	v4 =	vld [tilespmem:s5+$0x76C0]  }
0xf5: {  	[tilespmem:s16+$0xDAD0] =	vst v6;
	s16 =	sshll.u32 s21, $0x4  }
0xf6: {  	s20 =	sor.u32 $0xD, s12;
	s11 =	smul.u32 $0x21, s30;
	s10 =	sor.u32 $0x14, s7;
	v6 =	vld [tilespmem:s16+$0x12C0]  }
0xf7: {  	s7 =	smul.u32 $0x21, s20;
	s5 =	sshll.u32 s20, $0x4;
	[tilespmem:s10+$0xDAC0] =	vst v5  }
0xf8: {  	s20 =	smul.u32 $0x84, s21;
	s10 =	sor.u32 $0xE, s4;
	v5 =	vld [tilespmem:s5+$0x12C0];
	[tilespmem:s11+$0xDAC0] =	vst v3  }
0xf9: {  	v3 =	vld [tilespmem:s2+$0x76C0];
	[tilespmem:s3+$0xDAD0] =	vst v4;
	s2 =	sshll.u32 s10, $0x4  }
0xfa: {  	s3 =	sshra.s32 s20, $0x2;
	v4 =	vld [tilespmem:s2+$0x12C0]  }
0xfb: {  	[tilespmem:s3+$0xDAC0] =	vst v6  }
0xfc: {  	s21 =	smul.u32 $0x84, s10;
	v6 =	vld [tilespmem:s16+$0x76C0]  }
0xfd: {  	s30 =	sor.u32 $0x16, s11;
	s10 =	sshllo.u32 s28, $0x4;
	[tilespmem:s7+$0xDAC0] =	vst v5  }
0xfe: {  	v5 =	vld [tilespmem:s5+$0x76C0];
	s5 =	sshll.u32 s10, $0x4;
	s16 =	sshra.s32 s21, $0x2;
	[tilespmem:s30+$0xDAC0] =	vst v3  }
0xff: {  	v3 =	vld [tilespmem:s5+$0x12C0];
	[tilespmem:s16+$0xDAC0] =	vst v4  }
0x100: {  	s30 =	sor.u32 $0xD, s15;
	v4 =	vld [tilespmem:s2+$0x76C0]  }
0x101: {  	s11 =	smul.u32 $0x21, s10;
	s10 =	sshll.u32 s30, $0x4;
	[tilespmem:s3+$0xDAD0] =	vst v6  }
0x102: {  	s20 =	sand.u32 $0xFFC8, s7;
	s21 =	sor.u32 $0xE, s12;
	v6 =	vld [tilespmem:s10+$0x12C0]  }
0x103: {  	s2 =	sshll.u32 s21, $0x4;
	[tilespmem:s20+$0xDAD5] =	vst v5  }
0x104: {  	s0 =	sshllo.u32 s0, $0x4;
	s30 =	smul.u32 $0x84, s30;
	v5 =	vld [tilespmem:s2+$0x12C0];
	[tilespmem:s11+$0xDAC0] =	vst v3  }
0x105: {  	s7 =	smul.u32 $0x21, s21;
	s21 =	sshll.u32 s0, $0x4;
	v3 =	vld [tilespmem:s5+$0x76C0];
	[tilespmem:s16+$0xDAD0] =	vst v4  }
0x106: {  	s16 =	sshra.s32 s30, $0x2;
	v4 =	vld [tilespmem:s21+$0x12C0]  }
0x107: {  	[tilespmem:s16+$0xDAC0] =	vst v6  }
0x108: {  	s0 =	smul.u32 $0x84, s0;
	v6 =	vld [tilespmem:s10+$0x76C0]  }
0x109: {  	s3 =	sor.u32 $0x17, s11;
	[tilespmem:s7+$0xDAC0] =	vst v5  }
0x10a: {  	s0 =	sshra.s32 s0, $0x2;
	v5 =	vld [tilespmem:s2+$0x76C0];
	[tilespmem:s3+$0xDAC0] =	vst v3  }
0x10b: {  	v7 =	vld [tilespmem:s14+$0xC80];
	[tilespmem:s0+$0xDAC0] =	vst v4  }
0x10c: {  	s11 =	sor.u32 $0xE, s15;
	v3 =	vld [tilespmem:s21+$0x76C0]  }
0x10d: {  	[tilespmem:s16+$0xDAD0] =	vst v6;
	s16 =	sshll.u32 s11, $0x4  }
0x10e: {  	v27 =	vld [tilespmem:s16+$0x12C0]  }
0x10f: {  	s5 =	sor.u32 $0x16, s7;
	s7 =	sshllo.u32 s19, $0x4  }
0x110: {  	s19 =	smul.u32 $0x84, s11;
	s10 =	sshll.u32 s7, $0x4;
	[tilespmem:s5+$0xDAC0] =	vst v5  }
0x111: {  	v26 =	vld [tilespmem:s10+$0x12C0];
	[tilespmem:s0+$0xDAD0] =	vst v3;
	v3 =	vand.u32 $0x7FFFFFFF, v7  }
0x112: {  	s0 =	sshra.s32 s19, $0x2;
	v3 =	vadd.f32 $1.000000000e+00, v3;
	v28 =	vld [tilespmem:s4+$0xC80]  }
0x113: {  	[tilespmem:s0+$0xDAC0] =	vst v27  }
0x114: {  	s3 =	smul.u32 $0x21, s7;
	v8 =	vadd.s32 $0x4AFB0D, v3;
	v3 =	vld [tilespmem:s16+$0x76C0];
	_ =	sdelay $0x1  }
0x115: {  	[tilespmem:s3+$0xDAC0] =	vst v26  }
0x116: {  	v4 =	vld [tilespmem:s10+$0x76C0];
	v29 =	vand.u32 $0x7FFFFF, v8;
	v10 =	vand.u32 $0x7FFFFFFF, v28  }
0x117: {  	s21 =	sshllo.u32 s29, $0x4;
	v5 =	vadd.s32 $0x3F3504F3, v29;
	v10 =	vadd.f32 $1.000000000e+00, v10  }
0x118: {  	s29 =	sshll.u32 s21, $0x4;
	v9 =	vadd.f32 $1.000000000e+00, v5;
	[tilespmem:s0+$0xDAD0] =	vst v3  }
0x119: {  	v30 =	vadd.s32 $0x4AFB0D, v10;
	v32 =	vld [tilespmem:s29+$0x12C0]  }
0x11a: {  	s20 =	sand.u32 $0xFFC8, s3;
	(erf) = vrcp.f32 v9;
	v3 =	vand.u32 $0x7FFFFF, v30  }
0x11b: {  	s2 =	smul.u32 $0x84, s21;
	[tilespmem:s20+$0xDAD7] =	vst v4;
	v3 =	vadd.s32 $0x3F3504F3, v3  }
0x11c: {  	v31 =	vld [tilespmem:s12+$0xC80];
	v11 =	vadd.f32 $1.000000000e+00, v3  }
0x11d: {  	s2 =	sshra.s32 s2, $0x2  }
0x11e: {  	(erf) = vrcp.f32 v11;
	[tilespmem:s2+$0xDAC0] =	vst v32  }
0x11f: {  	v10 =	vld [tilespmem:s29+$0x76C0];
	_ =	sdelay $0x1  }
0x120: {  	v33 =	vand.u32 $0x7FFFFFFF, v31  }
0x121: {  	v5 =	vadd.f32 $-1.000000000e+00, v5;
	v11 =	vadd.f32 $1.000000000e+00, v33  }
0x122: {  	v12 =	vpop (erf)  }
0x123: {  	v11 =	vadd.s32 $0x4AFB0D, v11;
	v5 =	vmul.f32 v12, v5;
	[tilespmem:s2+$0xDAD0] =	vst v10  }
0x124: {  	v15 =	vadd.f32 $-1.000000000e+00, v3;
	v34 =	vand.u32 $0x7FFFFF, v11;
	v3 =	vld [tilespmem:s15+$0xC80]  }
0x125: {  	v12 =	vadd.s32 $0x3F3504F3, v34;
	v13 =	vmul.f32 v5, v5  }
0x126: {  	v14 =	vadd.f32 $1.000000000e+00, v12;
	v16 =	vpop (erf)  }
0x127: {  	v35 =	vmul.f32 $1.111111120e-01, v13;
	v36 =	vmul.f32 v16, v15  }
0x128: {  	(erf) = vrcp.f32 v14  }
0x129: {  	v10 =	vadd.f32 $1.428571490e-01, v35;
	v15 =	vmul.f32 v36, v36;
	v37 =	vand.u32 $0x7FFFFFFF, v3  }
0x12a: {  	v48 =	vmov s14;
	v16 =	vadd.f32 $1.000000000e+00, v37  }
0x12b: {  	v53 =	vmov s4;
	v10 =	vmul.f32 v10, v13;
	v17 =	vmul.f32 $1.111111120e-01, v15  }
0x12c: {  	v54 =	vmul.u32 $0x21, v53;
	v56 =	vmov s12;
	v16 =	vadd.s32 $0x4AFB0D, v16  }
0x12d: {  	v10 =	vadd.f32 $2.000000030e-01, v10;
	v17 =	vadd.f32 $1.428571490e-01, v17;
	v18 =	vand.u32 $0x7FFFFF, v16  }
0x12e: {  	v58 =	vmov s15;
	vm0 =	vlt.f32 v7, $0.0e+00;
	v18 =	vadd.s32 $0x3F3504F3, v18  }
0x12f: {  	v10 =	vmul.f32 v10, v13;
	v17 =	vmul.f32 v17, v15;
	v38 =	vadd.f32 $1.000000000e+00, v18  }
0x130: {  	vm1 =	vgt.f32 v7, $0.0e+00;
	v46 =	vand.u32 $0x80000000, v7;
	v12 =	vadd.f32 $-1.000000000e+00, v12  }
0x131: {  	v19 =	vpop (erf);
	v10 =	vadd.f32 $3.333333430e-01, v10;
	v39 =	vadd.f32 $2.000000030e-01, v17;
	(erf) = vrcp.f32 v38  }
0x132: {  	vm0 =	vmor vm1, vm0;
	v8 =	vshra.s32 v8, $0x17;
	v12 =	vmul.f32 v19, v12  }
0x133: {  	v8 =	vadd.s32 $0xFFFFFF81, v8;
	v10 =	vmul.f32 v10, v13;
	v13 =	vmul.f32 v39, v15  }
0x134: {  	v8 =	vcvt.s32.f32 v8;
	v4 =	vshra.s32 v30, $0x17;
	v40 =	vmul.f32 v12, v12  }
0x135: {  	vm10 =	vlt.f32 v28, $0.0e+00;
	v4 =	vadd.s32 $0xFFFFFF81, v4;
	v13 =	vadd.f32 $3.333333430e-01, v13  }
0x136: {  	vm11 =	vgt.f32 v28, $0.0e+00;
	v4 =	vcvt.s32.f32 v4;
	v41 =	vmul.f32 $1.111111120e-01, v40  }
0x137: {  	v5 =	vadd.f32 v5, v5;
	v44 =	vadd.f32 v36, v36;
	v13 =	vmul.f32 v13, v15  }
0x138: {  	v8 =	vmul.f32 $6.931471820e-01, v8;
	v10 =	vadd.f32 $1.000000000e+00, v10;
	v42 =	vadd.f32 $1.428571490e-01, v41  }
0x139: {  	v4 =	vmul.f32 $6.931471820e-01, v4;
	v45 =	vadd.f32 $-1.000000000e+00, v18;
	v13 =	vadd.f32 $1.000000000e+00, v13  }
0x13a: {  	v52 =	vand.u32 $0x80000000, v28;
	v5 =	vmul.f32 v10, v5;
	v43 =	vmul.f32 v42, v40;
	v47 =	vpop (erf)  }
0x13b: {  	v11 =	vshra.s32 v11, $0x17;
	v10 =	vmul.f32 v13, v44;
	v13 =	vmul.f32 v47, v45  }
0x13c: {  	v11 =	vadd.s32 $0xFFFFFF81, v11;
	v5 =	vadd.f32 v5, v8;
	v8 =	vadd.f32 $2.000000030e-01, v43  }
0x13d: {  	vm12 =	vlt.f32 v31, $0.0e+00;
	v11 =	vcvt.s32.f32 v11;
	v49 =	vmul.f32 v13, v13  }
0x13e: {  	vm13 =	vgt.f32 v31, $0.0e+00;
	v14 =	vmul.u32 $0x21, v48;
	v8 =	vmul.f32 v8, v40  }
0x13f: {  	v55 =	vand.u32 $0x80000000, v31;
	v11 =	vmul.f32 $6.931471820e-01, v11;
	v51 =	vmul.f32 $1.111111120e-01, v49  }
0x140: {  	v50 =	vbroadcast v14, $0x0;
	v59 =	vshra.s32 v16, $0x17;
	v8 =	vadd.f32 $3.333333430e-01, v8  }
0x141: {  	v14 =	vadd.s32 $0xFFFFFF81, v59;
	v4 =	vadd.f32 v10, v4;
	v10 =	vadd.f32 $1.428571490e-01, v51  }
0x142: {  	v61 =	vand.u32 $0x80000000, v3;
	v14 =	vcvt.s32.f32 v14;
	v15 =	vor.u32 v46, v0  }
0x143: {  	v7 =	vsel vm0, v15, v7;
	v8 =	vmul.f32 v8, v40;
	v10 =	vmul.f32 v10, v49  }
0x144: {  	v12 =	vadd.f32 v12, v12;
	v5 =	vmul.f32 v5, v7;
	v7 =	vadd.s32 v1, v50  }
0x145: {  	v7 =	vand.u32 $0xFFFFFFF8, v7;
	v8 =	vadd.f32 $1.000000000e+00, v8;
	v10 =	vadd.f32 $2.000000030e-01, v10  }
0x146: {  	v60 =	vmul.f32 $6.931471820e-01, v14;
	vm0 =	vmor vm11, vm10;
	v7 =	vor.u32 v2, v7  }
0x147: {  	v8 =	vmul.f32 v8, v12;
	v12 =	vor.u32 v52, v0;
	v10 =	vmul.f32 v10, v49  }
0x148: {  	v13 =	vadd.f32 v13, v13;
	v6 =	vsel vm0, v12, v28;
	v12 =	vmul.u32 $0x21, v56  }
0x149: {  	vm0 =	vmor vm13, vm12;
	v4 =	vmul.f32 v4, v6;
	v10 =	vadd.f32 $3.333333430e-01, v10  }
0x14a: {  	v6 =	vbroadcast v54, $0x0;
	v57 =	vbroadcast v12, $0x0;
	v12 =	vmul.u32 $0x21, v58  }
0x14b: {  	v8 =	vadd.f32 v8, v11;
	v11 =	vor.u32 v55, v0;
	v10 =	vmul.f32 v10, v49  }
0x14c: {  	v9 =	vsel vm0, v11, v31;
	v6 =	vadd.s32 v1, v6;
	v12 =	vbroadcast v12, $0x0  }
0x14d: {  	v6 =	vand.u32 $0xFFFFFFF8, v6;
	v11 =	vadd.s32 v1, v57;
	v10 =	vadd.f32 $1.000000000e+00, v10  }
0x14e: {  	v6 =	vor.u32 v2, v6;
	v11 =	vand.u32 $0xFFFFFFF8, v11;
	v12 =	vadd.s32 v1, v12  }
0x14f: {  	v11 =	vor.u32 v2, v11;
	v12 =	vand.u32 $0xFFFFFFF8, v12;
	v10 =	vmul.f32 v10, v13  }
0x150: {  	p0 =	slt.u32 s28, $0x2C;
	vm14 =	vlt.f32 v3, $0.0e+00;
	vm15 =	vgt.f32 v3, $0.0e+00;
	v12 =	vor.u32 v2, v12  }
.Ltmp0:
0x151: {  	v62 =	vor.u32 v61, v0;
	vm0 =	vmor vm15, vm14;
	v10 =	vadd.f32 v10, v60;
	(pc) =	sbr.rel @p0 .LBB2_2-.Ltmp0, $4  }
0x152: {  	[tilespmem:v7+s22+$0x0] =	vst.idx.msk $0xffff, v5;
	v63 =	vmul.f32 v8, v9;
	v3 =	vsel vm0, v62, v3  }
0x153: {  	s30 =	sadd.s32 $0x4, s28;
	[tilespmem:v6+s22+$0x0] =	vst.idx.msk $0xffff, v4;
	v3 =	vmul.f32 v10, v3  }
0x154: {  	s28 =	smov.u32 s30;
	s14 =	simm.s32 $0x300;
	s4 =	simm.s32 $0x43B0;
	[tilespmem:v11+s22+$0x0] =	vst.idx.msk $0xffff, v63  }
0x155: {  	s0 =	simm.s32 $0x0;
	s12 =	simm.s32 $0xA7B0;
	s2 =	simm.s32 $0xF80;
	[tilespmem:v12+s22+$0x0] =	vst.idx.msk $0xffff, v3  }
.LBB2_3:
0x156: {  	v3 =	vld [tilespmem:s4+$0xFFFFFF10];
	_ =	sdelay $0x3  }
0x157: {  	s15 =	sshra.s32 s0, $0x2  }
0x158: {  	[tilespmem:s15+$0x13DC0] =	vst v3  }
0x159: {  	v3 =	vld [tilespmem:s12+$0xFFFFFF10];
	_ =	sdelay $0x4  }
0x15a: {  	[tilespmem:s15+$0x13DD0] =	vst v3  }
0x15b: {  	v3 =	vld [tilespmem:s4+$0xFFFFFF20];
	_ =	sdelay $0x4  }
0x15c: {  	[tilespmem:s15+$0x13DE1] =	vst v3  }
0x15d: {  	v3 =	vld [tilespmem:s12+$0xFFFFFF20];
	_ =	sdelay $0x4  }
0x15e: {  	[tilespmem:s15+$0x13DF1] =	vst v3  }
0x15f: {  	v3 =	vld [tilespmem:s4+$0xFFFFFF30];
	_ =	sdelay $0x4  }
0x160: {  	[tilespmem:s15+$0x13E02] =	vst v3  }
0x161: {  	v3 =	vld [tilespmem:s12+$0xFFFFFF30];
	_ =	sdelay $0x4  }
0x162: {  	[tilespmem:s15+$0x13E12] =	vst v3  }
0x163: {  	v3 =	vld [tilespmem:s4+$0xFFFFFF40];
	_ =	sdelay $0x4  }
0x164: {  	[tilespmem:s15+$0x13E23] =	vst v3  }
0x165: {  	v3 =	vld [tilespmem:s12+$0xFFFFFF40];
	_ =	sdelay $0x4  }
0x166: {  	[tilespmem:s15+$0x13E33] =	vst v3  }
0x167: {  	v3 =	vld [tilespmem:s4+$0xFFFFFF50];
	_ =	sdelay $0x4  }
0x168: {  	[tilespmem:s15+$0x13E44] =	vst v3  }
0x169: {  	v3 =	vld [tilespmem:s12+$0xFFFFFF50];
	_ =	sdelay $0x4  }
0x16a: {  	[tilespmem:s15+$0x13E54] =	vst v3  }
0x16b: {  	v3 =	vld [tilespmem:s4+$0xFFFFFF60];
	_ =	sdelay $0x4  }
0x16c: {  	[tilespmem:s15+$0x13E65] =	vst v3  }
0x16d: {  	v3 =	vld [tilespmem:s12+$0xFFFFFF60];
	_ =	sdelay $0x4  }
0x16e: {  	[tilespmem:s15+$0x13E75] =	vst v3  }
0x16f: {  	v3 =	vld [tilespmem:s4+$0xFFFFFF70];
	_ =	sdelay $0x4  }
0x170: {  	[tilespmem:s15+$0x13E86] =	vst v3  }
0x171: {  	v3 =	vld [tilespmem:s12+$0xFFFFFF70];
	_ =	sdelay $0x4  }
0x172: {  	[tilespmem:s15+$0x13E96] =	vst v3  }
0x173: {  	v3 =	vld [tilespmem:s4+$0xFFFFFF80];
	_ =	sdelay $0x4  }
0x174: {  	[tilespmem:s15+$0x13EA7] =	vst v3  }
0x175: {  	v3 =	vld [tilespmem:s12+$0xFFFFFF80];
	_ =	sdelay $0x4  }
0x176: {  	[tilespmem:s15+$0x13EB7] =	vst v3  }
0x177: {  	v3 =	vld [tilespmem:s4+$0xFFFFFF90];
	_ =	sdelay $0x4  }
0x178: {  	[tilespmem:s15+$0x13EC8] =	vst v3  }
0x179: {  	v3 =	vld [tilespmem:s12+$0xFFFFFF90];
	_ =	sdelay $0x4  }
0x17a: {  	[tilespmem:s15+$0x13ED8] =	vst v3  }
0x17b: {  	v3 =	vld [tilespmem:s4+$0xFFFFFFA0];
	_ =	sdelay $0x4  }
0x17c: {  	[tilespmem:s15+$0x13EE9] =	vst v3  }
0x17d: {  	v3 =	vld [tilespmem:s12+$0xFFFFFFA0];
	_ =	sdelay $0x4  }
0x17e: {  	[tilespmem:s15+$0x13EF9] =	vst v3  }
0x17f: {  	v3 =	vld [tilespmem:s4+$0xFFFFFFB0];
	_ =	sdelay $0x4  }
0x180: {  	[tilespmem:s15+$0x13F0A] =	vst v3  }
0x181: {  	v3 =	vld [tilespmem:s12+$0xFFFFFFB0];
	_ =	sdelay $0x4  }
0x182: {  	[tilespmem:s15+$0x13F1A] =	vst v3  }
0x183: {  	v3 =	vld [tilespmem:s4+$0xFFFFFFC0];
	_ =	sdelay $0x4  }
0x184: {  	[tilespmem:s15+$0x13F2B] =	vst v3  }
0x185: {  	v3 =	vld [tilespmem:s12+$0xFFFFFFC0];
	_ =	sdelay $0x4  }
0x186: {  	[tilespmem:s15+$0x13F3B] =	vst v3  }
0x187: {  	v3 =	vld [tilespmem:s4+$0xFFFFFFD0];
	_ =	sdelay $0x4  }
0x188: {  	[tilespmem:s15+$0x13F4C] =	vst v3  }
0x189: {  	v3 =	vld [tilespmem:s12+$0xFFFFFFD0];
	_ =	sdelay $0x4  }
0x18a: {  	[tilespmem:s15+$0x13F5C] =	vst v3  }
0x18b: {  	v3 =	vld [tilespmem:s4+$0xFFFFFFE0];
	_ =	sdelay $0x4  }
0x18c: {  	[tilespmem:s15+$0x13F6D] =	vst v3  }
0x18d: {  	v3 =	vld [tilespmem:s12+$0xFFFFFFE0];
	_ =	sdelay $0x4  }
0x18e: {  	[tilespmem:s15+$0x13F7D] =	vst v3  }
0x18f: {  	v3 =	vld [tilespmem:s4+$0xFFFFFFF0];
	_ =	sdelay $0x4  }
0x190: {  	[tilespmem:s15+$0x13F8E] =	vst v3  }
0x191: {  	v3 =	vld [tilespmem:s12+$0xFFFFFFF0];
	_ =	sdelay $0x4  }
0x192: {  	[tilespmem:s15+$0x13F9E] =	vst v3  }
0x193: {  	v3 =	vld [tilespmem:s4+$0x0];
	_ =	sdelay $0x4  }
0x194: {  	[tilespmem:s15+$0x13FAF] =	vst v3  }
0x195: {  	v3 =	vld [tilespmem:s12+$0x0];
	_ =	sdelay $0x4  }
0x196: {  	[tilespmem:s15+$0x13FBF] =	vst v3  }
0x197: {  	v3 =	vld [tilespmem:s2+$0x0];
	_ =	sdelay $0x4  }
0x198: {  	v4 =	vand.u32 $0x7FFFFFFF, v3  }
0x199: {  	v4 =	vadd.f32 $1.000000000e+00, v4;
	_ =	sdelay $0x1  }
0x19a: {  	v4 =	vadd.s32 $0x4AFB0D, v4  }
0x19b: {  	v5 =	vand.u32 $0x7FFFFF, v4  }
0x19c: {  	v5 =	vadd.s32 $0x3F3504F3, v5  }
0x19d: {  	v6 =	vadd.f32 $1.000000000e+00, v5;
	_ =	sdelay $0x1  }
0x19e: {  	(erf) = vrcp.f32 v6;
	_ =	sdelay $0x7  }
0x19f: {  	v5 =	vadd.f32 $-1.000000000e+00, v5  }
0x1a0: {  	v6 =	vpop (erf)  }
0x1a1: {  	v5 =	vmul.f32 v6, v5;
	_ =	sdelay $0x1  }
0x1a2: {  	v6 =	vmul.f32 v5, v5;
	_ =	sdelay $0x1  }
0x1a3: {  	v7 =	vmul.f32 $1.111111120e-01, v6;
	_ =	sdelay $0x1  }
0x1a4: {  	v7 =	vadd.f32 $1.428571490e-01, v7;
	_ =	sdelay $0x1  }
0x1a5: {  	v7 =	vmul.f32 v7, v6;
	_ =	sdelay $0x1  }
0x1a6: {  	v7 =	vadd.f32 $2.000000030e-01, v7;
	_ =	sdelay $0x1  }
0x1a7: {  	v7 =	vmul.f32 v7, v6;
	_ =	sdelay $0x1  }
0x1a8: {  	v8 =	vmov s14;
	v7 =	vadd.f32 $3.333333430e-01, v7  }
0x1a9: {  	v60 =	vmul.u32 $0x21, v8  }
0x1aa: {  	v4 =	vshra.s32 v4, $0x17;
	v6 =	vmul.f32 v7, v6  }
0x1ab: {  	v4 =	vadd.s32 $0xFFFFFF81, v4;
	v7 =	vbroadcast v60, $0x0  }
0x1ac: {  	v4 =	vcvt.s32.f32 v4;
	v5 =	vadd.f32 v5, v5;
	v6 =	vadd.f32 $1.000000000e+00, v6  }
0x1ad: {  	v62 =	vand.u32 $0x80000000, v3;
	v61 =	vadd.s32 v1, v7  }
0x1ae: {  	v4 =	vmul.f32 $6.931471820e-01, v4;
	v5 =	vmul.f32 v6, v5;
	v6 =	vand.u32 $0xFFFFFFF8, v61  }
0x1af: {  	p0 =	sne.s32 s0, $0x840;
	vm0 =	vlt.f32 v3, $0.0e+00;
	vm1 =	vgt.f32 v3, $0.0e+00;
	v6 =	vor.u32 v2, v6  }
.Ltmp1:
0x1b0: {  	vm0 =	vmor vm1, vm0;
	v63 =	vor.u32 v62, v0;
	v4 =	vadd.f32 v5, v4;
	(pc) =	sbr.rel @p0 .LBB2_3-.Ltmp1, $4  }
0x1b1: {  	v3 =	vsel vm0, v63, v3  }
0x1b2: {  	v3 =	vmul.f32 v4, v3  }
0x1b3: {  	s14 =	sadd.s32 $0x10, s14;
	s0 =	sadd.s32 $0x840, s0  }
0x1b4: {  	s4 =	sadd.s32 $0x100, s4;
	s12 =	sadd.s32 $0x100, s12;
	s2 =	sadd.s32 $0x10, s2;
	[tilespmem:v6+s22+$0x0] =	vst.idx.msk $0xffff, v3  }
0x1b5: {  	s28 =	simm.s32 $0x0;
	s0 =	rddreg [dreg:$0xf]  }
0x1b6: {  	[tilespmem:s28], [sflag:$0x1] =	stream.linear.gather [hbm4b:s0+s28], $0x320, $0x38;
	[tilespmem:$0x1A900] =	vst v63  }
0x1b7: {  	s16 =	rddreg [dreg:$0x10];
	s2 =	simm.s32 $0x640  }
0x1b8: {  	[tilespmem:s2], [sflag:$0x1] =	stream.linear.gather [hbm4b:s16+s28], $0x320, $0x38;
	[tilespmem:$0x1A900] =	vst v63  }
0x1b9: {  	s19 =	rddreg [dreg:$0x11];
	s3 =	simm.s32 $0xC80  }
0x1ba: {  	[tilespmem:s3], [sflag:$0x1] =	stream.linear.gather [hbm4b:s19+s28], $0x320, $0x38;
	[tilespmem:$0x1A900] =	vst v63  }
0x1bb: {  	s20 =	rddreg [dreg:$0x13]  }
0x1bc: {  	[hbm4b:s20+s28] =	stream.linear.scatter [tilespmem:s22], [sflag:$0x5], $0x6720, $0x38;
	[tilespmem:$0x1A900] =	vst v63  }
0x1bd: {  	_ =	swait.ge [sflag:s23], $0x3200  }
0x1be: {  	[sflag:s23] =	ssyncset.done $0x0  }
0x1bf: {  	[sflag:s23] =	ssyncadd.s32 $0xFFFFCE00  }
0x1c0: {  	_ =	swait.ge [sflag:s23], $0x3200  }
0x1c1: {  	[sflag:s23] =	ssyncset.done $0x0  }
0x1c2: {  	[sflag:s23] =	ssyncadd.s32 $0xFFFFCE00  }
0x1c3: {  	_ =	swait.ge [sflag:s13], $0x320  }
0x1c4: {  	[sflag:s13] =	ssyncset.done $0x0  }
0x1c5: {  	[sflag:s13] =	ssyncadd.s32 $0xFFFFFCE0  }
0x1c6: {  	_ =	swait.ge [sflag:s13], $0x320  }
0x1c7: {  	[sflag:s13] =	ssyncset.done $0x0  }
0x1c8: {  	[sflag:s13] =	ssyncadd.s32 $0xFFFFFCE0  }
0x1c9: {  	_ =	swait.ge [sflag:s13], $0x320  }
0x1ca: {  	[sflag:s13] =	ssyncset.done $0x0  }
0x1cb: {  	s21 =	simm.s32 $0x12C0;
	[sflag:s13] =	ssyncadd.s32 $0xFFFFFCE0  }
0x1cc: {  	[tilespmem:s21], [sflag:$0x3] =	stream.indirect.gather [hbm4b:s8+s1], $0x10, s28, s1, $0xb8;
	[tilespmem:$0x1A900] =	vst v63  }
0x1cd: {  	s30 =	simm.s32 $0x76C0;
	s29 =	simm.s32 $0x0  }
0x1ce: {  	[tilespmem:s30], [sflag:$0x3] =	stream.indirect.gather [hbm4b:s9+s1], $0x10, s2, s1, $0xb8;
	[tilespmem:$0x1A900] =	vst v63  }
.LBB2_5:
0x1cf: {  	s2 =	sshll.u32 s29, $0x8  }
0x1d0: {  	v3 =	vld [tilespmem:s2+$0x44C0];
	_ =	sdelay $0x1  }
0x1d1: {  	s0 =	smul.u32 $0x840, s29;
	_ =	sdelay $0x1  }
0x1d2: {  	s3 =	sshra.s32 s0, $0x2  }
0x1d3: {  	s0 =	sor.u32 $0x1, s29;
	[tilespmem:s3+$0x141E0] =	vst v3  }
0x1d4: {  	s15 =	sshll.u32 s0, $0x8;
	v3 =	vld [tilespmem:s2+$0xA8C0]  }
0x1d5: {  	v4 =	vld [tilespmem:s15+$0x44C0];
	_ =	sdelay $0x1  }
0x1d6: {  	s14 =	sshll.u32 s29, $0x4;
	s4 =	smul.u32 $0x840, s0  }
0x1d7: {  	s5 =	sor.u32 $0x1, s14  }
0x1d8: {  	s16 =	sshll.u32 s5, $0x4;
	s7 =	sshra.s32 s4, $0x2;
	[tilespmem:s3+$0x141F0] =	vst v3  }
0x1d9: {  	s19 =	sor.u32 $0x2, s29;
	[tilespmem:s7+$0x141E0] =	vst v4;
	v3 =	vld [tilespmem:s16+$0x44C0]  }
0x1da: {  	s20 =	sshll.u32 s19, $0x8;
	v4 =	vld [tilespmem:s15+$0xA8C0]  }
0x1db: {  	v5 =	vld [tilespmem:s20+$0x44C0]  }
0x1dc: {  	s5 =	smul.u32 $0x21, s5  }
0x1dd: {  	s12 =	smul.u32 $0x840, s19;
	s4 =	sshll.u32 s0, $0x4  }
0x1de: {  	s11 =	sor.u32 $0x1, s4;
	[tilespmem:s5+$0x141E0] =	vst v3  }
0x1df: {  	s30 =	sshra.s32 s12, $0x2;
	s21 =	sshll.u32 s11, $0x4;
	[tilespmem:s7+$0x141F0] =	vst v4;
	v3 =	vld [tilespmem:s16+$0xA8C0]  }
0x1e0: {  	[tilespmem:s30+$0x141E0] =	vst v5;
	v4 =	vld [tilespmem:s21+$0x44C0]  }
0x1e1: {  	v5 =	vld [tilespmem:s20+$0xA8C0]  }
0x1e2: {  	s11 =	smul.u32 $0x84, s11  }
0x1e3: {  	s15 =	sor.u32 $0x11, s5;
	s16 =	sor.u32 $0x2, s14  }
0x1e4: {  	s11 =	sshra.s32 s11, $0x2;
	s10 =	sshll.u32 s16, $0x4;
	[tilespmem:s15+$0x141E0] =	vst v3  }
0x1e5: {  	[tilespmem:s11+$0x141E0] =	vst v4;
	v3 =	vld [tilespmem:s10+$0x44C0]  }
0x1e6: {  	s12 =	sshll.u32 s19, $0x4;
	[tilespmem:s30+$0x141F0] =	vst v5;
	s30 =	sor.u32 $0x3, s29;
	v4 =	vld [tilespmem:s21+$0xA8C0]  }
0x1e7: {  	s20 =	sor.u32 $0x1, s12;
	s15 =	sshll.u32 s30, $0x8  }
0x1e8: {  	s5 =	smul.u32 $0x21, s16;
	s21 =	sshll.u32 s20, $0x4;
	v6 =	vld [tilespmem:s15+$0x44C0]  }
0x1e9: {  	s3 =	smul.u32 $0x21, s20;
	v5 =	vld [tilespmem:s21+$0x44C0]  }
0x1ea: {  	s16 =	sor.u32 $0x2, s4;
	s20 =	smul.u32 $0x840, s30;
	[tilespmem:s5+$0x141E0] =	vst v3  }
0x1eb: {  	[tilespmem:s11+$0x141F0] =	vst v4;
	v3 =	vld [tilespmem:s10+$0xA8C0];
	s10 =	sshll.u32 s16, $0x4  }
0x1ec: {  	s11 =	sshra.s32 s20, $0x2;
	v4 =	vld [tilespmem:s10+$0x44C0]  }
0x1ed: {  	[tilespmem:s11+$0x141E0] =	vst v6  }
0x1ee: {  	[tilespmem:s3+$0x141E0] =	vst v5;
	s16 =	smul.u32 $0x84, s16;
	v6 =	vld [tilespmem:s15+$0xA8C0]  }
0x1ef: {  	s7 =	sor.u32 $0x3, s14;
	v5 =	vld [tilespmem:s21+$0xA8C0];
	s5 =	sor.u32 $0x12, s5  }
0x1f0: {  	s16 =	sshra.s32 s16, $0x2;
	[tilespmem:s5+$0x141E0] =	vst v3;
	s5 =	sshll.u32 s7, $0x4  }
0x1f1: {  	s15 =	sshll.u32 s30, $0x4;
	v3 =	vld [tilespmem:s5+$0x44C0];
	[tilespmem:s16+$0x141E0] =	vst v4  }
0x1f2: {  	s20 =	sor.u32 $0x1, s15;
	v4 =	vld [tilespmem:s10+$0xA8C0]  }
0x1f3: {  	s21 =	sand.u32 $0xFFC0, s3;
	s3 =	sor.u32 $0x2, s12;
	[tilespmem:s11+$0x141F0] =	vst v6;
	s11 =	sshll.u32 s20, $0x4  }
0x1f4: {  	[tilespmem:s21+$0x141F1] =	vst v5;
	s7 =	smul.u32 $0x21, s7;
	v6 =	vld [tilespmem:s11+$0x44C0];
	s10 =	sshll.u32 s3, $0x4  }
0x1f5: {  	v5 =	vld [tilespmem:s10+$0x44C0]  }
0x1f6: {  	s21 =	sor.u32 $0x3, s4;
	s20 =	smul.u32 $0x84, s20;
	[tilespmem:s7+$0x141E0] =	vst v3  }
0x1f7: {  	v3 =	vld [tilespmem:s5+$0xA8C0];
	[tilespmem:s16+$0x141F0] =	vst v4;
	s5 =	sshll.u32 s21, $0x4  }
0x1f8: {  	s3 =	smul.u32 $0x21, s3;
	s16 =	sshra.s32 s20, $0x2;
	v4 =	vld [tilespmem:s5+$0x44C0]  }
0x1f9: {  	[tilespmem:s16+$0x141E0] =	vst v6  }
0x1fa: {  	s21 =	smul.u32 $0x84, s21;
	[tilespmem:s3+$0x141E0] =	vst v5;
	v6 =	vld [tilespmem:s11+$0xA8C0]  }
0x1fb: {  	s7 =	sor.u32 $0x13, s7;
	v5 =	vld [tilespmem:s10+$0xA8C0];
	s10 =	sor.u32 $0x4, s14  }
0x1fc: {  	s11 =	sshra.s32 s21, $0x2;
	s2 =	sshll.u32 s10, $0x4;
	[tilespmem:s7+$0x141E0] =	vst v3  }
0x1fd: {  	v3 =	vld [tilespmem:s2+$0x44C0];
	[tilespmem:s11+$0x141E0] =	vst v4  }
0x1fe: {  	s21 =	sor.u32 $0x2, s15;
	v4 =	vld [tilespmem:s5+$0xA8C0]  }
0x1ff: {  	s20 =	sor.u32 $0x3, s12;
	s3 =	sor.u32 $0x12, s3;
	[tilespmem:s16+$0x141F0] =	vst v6;
	s16 =	sshll.u32 s21, $0x4  }
0x200: {  	s7 =	smul.u32 $0x21, s10;
	[tilespmem:s3+$0x141E0] =	vst v5;
	s3 =	sshll.u32 s20, $0x4;
	v6 =	vld [tilespmem:s16+$0x44C0]  }
0x201: {  	s5 =	smul.u32 $0x21, s20;
	v5 =	vld [tilespmem:s3+$0x44C0]  }
0x202: {  	s10 =	sor.u32 $0x4, s4;
	s20 =	smul.u32 $0x84, s21;
	[tilespmem:s7+$0x141E0] =	vst v3  }
0x203: {  	v3 =	vld [tilespmem:s2+$0xA8C0];
	[tilespmem:s11+$0x141F0] =	vst v4;
	s2 =	sshll.u32 s10, $0x4  }
0x204: {  	s11 =	sshra.s32 s20, $0x2;
	v4 =	vld [tilespmem:s2+$0x44C0]  }
0x205: {  	[tilespmem:s11+$0x141E0] =	vst v6  }
0x206: {  	s10 =	smul.u32 $0x84, s10;
	[tilespmem:s5+$0x141E0] =	vst v5;
	v6 =	vld [tilespmem:s16+$0xA8C0]  }
0x207: {  	s21 =	sor.u32 $0x14, s7;
	s7 =	sor.u32 $0x5, s14;
	v5 =	vld [tilespmem:s3+$0xA8C0]  }
0x208: {  	s3 =	sshll.u32 s7, $0x4;
	s16 =	sshra.s32 s10, $0x2;
	[tilespmem:s21+$0x141E0] =	vst v3  }
0x209: {  	v3 =	vld [tilespmem:s3+$0x44C0];
	[tilespmem:s16+$0x141E0] =	vst v4  }
0x20a: {  	s21 =	sor.u32 $0x3, s15;
	v4 =	vld [tilespmem:s2+$0xA8C0]  }
0x20b: {  	s20 =	sor.u32 $0x4, s12;
	s10 =	sand.u32 $0xFFC0, s5;
	[tilespmem:s11+$0x141F0] =	vst v6;
	s11 =	sshll.u32 s21, $0x4  }
0x20c: {  	s7 =	smul.u32 $0x21, s7;
	[tilespmem:s10+$0x141F3] =	vst v5;
	s2 =	sshll.u32 s20, $0x4;
	v6 =	vld [tilespmem:s11+$0x44C0]  }
0x20d: {  	s5 =	smul.u32 $0x21, s20;
	v5 =	vld [tilespmem:s2+$0x44C0]  }
0x20e: {  	s10 =	sor.u32 $0x5, s4;
	s20 =	smul.u32 $0x84, s21;
	[tilespmem:s7+$0x141E0] =	vst v3  }
0x20f: {  	v3 =	vld [tilespmem:s3+$0xA8C0];
	[tilespmem:s16+$0x141F0] =	vst v4;
	s3 =	sshll.u32 s10, $0x4  }
0x210: {  	s16 =	sshra.s32 s20, $0x2;
	v4 =	vld [tilespmem:s3+$0x44C0]  }
0x211: {  	[tilespmem:s16+$0x141E0] =	vst v6  }
0x212: {  	s10 =	smul.u32 $0x84, s10;
	[tilespmem:s5+$0x141E0] =	vst v5;
	v6 =	vld [tilespmem:s11+$0xA8C0]  }
0x213: {  	s21 =	sor.u32 $0x15, s7;
	s7 =	sor.u32 $0x6, s14;
	v5 =	vld [tilespmem:s2+$0xA8C0]  }
0x214: {  	s2 =	sshll.u32 s7, $0x4;
	s11 =	sshra.s32 s10, $0x2;
	[tilespmem:s21+$0x141E0] =	vst v3  }
0x215: {  	v3 =	vld [tilespmem:s2+$0x44C0];
	[tilespmem:s11+$0x141E0] =	vst v4  }
0x216: {  	s21 =	sor.u32 $0x4, s15;
	v4 =	vld [tilespmem:s3+$0xA8C0]  }
0x217: {  	s20 =	sor.u32 $0x5, s12;
	s10 =	sor.u32 $0x14, s5;
	[tilespmem:s16+$0x141F0] =	vst v6;
	s16 =	sshll.u32 s21, $0x4  }
0x218: {  	s7 =	smul.u32 $0x21, s7;
	[tilespmem:s10+$0x141E0] =	vst v5;
	s3 =	sshll.u32 s20, $0x4;
	v6 =	vld [tilespmem:s16+$0x44C0]  }
0x219: {  	s5 =	smul.u32 $0x21, s20;
	v5 =	vld [tilespmem:s3+$0x44C0]  }
0x21a: {  	s10 =	sor.u32 $0x6, s4;
	s20 =	smul.u32 $0x84, s21;
	[tilespmem:s7+$0x141E0] =	vst v3  }
0x21b: {  	v3 =	vld [tilespmem:s2+$0xA8C0];
	[tilespmem:s11+$0x141F0] =	vst v4;
	s2 =	sshll.u32 s10, $0x4  }
0x21c: {  	s11 =	sshra.s32 s20, $0x2;
	v4 =	vld [tilespmem:s2+$0x44C0]  }
0x21d: {  	[tilespmem:s11+$0x141E0] =	vst v6  }
0x21e: {  	s10 =	smul.u32 $0x84, s10;
	[tilespmem:s5+$0x141E0] =	vst v5;
	v6 =	vld [tilespmem:s16+$0xA8C0]  }
0x21f: {  	s21 =	sor.u32 $0x16, s7;
	s7 =	sor.u32 $0x7, s14;
	v5 =	vld [tilespmem:s3+$0xA8C0]  }
0x220: {  	s3 =	sshll.u32 s7, $0x4;
	s16 =	sshra.s32 s10, $0x2;
	[tilespmem:s21+$0x141E0] =	vst v3  }
0x221: {  	v3 =	vld [tilespmem:s3+$0x44C0];
	[tilespmem:s16+$0x141E0] =	vst v4  }
0x222: {  	s21 =	sor.u32 $0x5, s15;
	v4 =	vld [tilespmem:s2+$0xA8C0]  }
0x223: {  	s20 =	sor.u32 $0x6, s12;
	s10 =	sand.u32 $0xFFC0, s5;
	[tilespmem:s11+$0x141F0] =	vst v6;
	s11 =	sshll.u32 s21, $0x4  }
0x224: {  	s7 =	smul.u32 $0x21, s7;
	[tilespmem:s10+$0x141F5] =	vst v5;
	s2 =	sshll.u32 s20, $0x4;
	v6 =	vld [tilespmem:s11+$0x44C0]  }
0x225: {  	s5 =	smul.u32 $0x21, s20;
	v5 =	vld [tilespmem:s2+$0x44C0]  }
0x226: {  	s10 =	sor.u32 $0x7, s4;
	s20 =	smul.u32 $0x84, s21;
	[tilespmem:s7+$0x141E0] =	vst v3  }
0x227: {  	v3 =	vld [tilespmem:s3+$0xA8C0];
	[tilespmem:s16+$0x141F0] =	vst v4;
	s3 =	sshll.u32 s10, $0x4  }
0x228: {  	s16 =	sshra.s32 s20, $0x2;
	v4 =	vld [tilespmem:s3+$0x44C0]  }
0x229: {  	[tilespmem:s16+$0x141E0] =	vst v6  }
0x22a: {  	s20 =	smul.u32 $0x84, s10;
	[tilespmem:s5+$0x141E0] =	vst v5;
	v6 =	vld [tilespmem:s11+$0xA8C0]  }
0x22b: {  	s21 =	sor.u32 $0x8, s14;
	s10 =	sor.u32 $0x17, s7;
	v5 =	vld [tilespmem:s2+$0xA8C0]  }
0x22c: {  	s2 =	sshll.u32 s21, $0x4;
	s11 =	sshra.s32 s20, $0x2;
	[tilespmem:s10+$0x141E0] =	vst v3  }
0x22d: {  	v3 =	vld [tilespmem:s2+$0x44C0];
	[tilespmem:s11+$0x141E0] =	vst v4  }
0x22e: {  	s7 =	smul.u32 $0x84, s21;
	s20 =	sor.u32 $0x6, s15;
	v4 =	vld [tilespmem:s3+$0xA8C0]  }
0x22f: {  	s5 =	sor.u32 $0x16, s5;
	s10 =	sor.u32 $0x7, s12;
	[tilespmem:s16+$0x141F0] =	vst v6;
	s16 =	sshll.u32 s20, $0x4  }
0x230: {  	[tilespmem:s5+$0x141E0] =	vst v5;
	s3 =	sshll.u32 s10, $0x4;
	v6 =	vld [tilespmem:s16+$0x44C0]  }
0x231: {  	s7 =	sshra.s32 s7, $0x2;
	v5 =	vld [tilespmem:s3+$0x44C0]  }
0x232: {  	s21 =	sor.u32 $0x8, s4;
	s20 =	smul.u32 $0x84, s20;
	[tilespmem:s7+$0x141E0] =	vst v3  }
0x233: {  	s5 =	smul.u32 $0x21, s10;
	s10 =	sshll.u32 s21, $0x4;
	v3 =	vld [tilespmem:s2+$0xA8C0];
	[tilespmem:s11+$0x141F0] =	vst v4  }
0x234: {  	s11 =	sshra.s32 s20, $0x2;
	v4 =	vld [tilespmem:s10+$0x44C0]  }
0x235: {  	[tilespmem:s11+$0x141E0] =	vst v6  }
0x236: {  	s21 =	smul.u32 $0x84, s21;
	[tilespmem:s5+$0x141E0] =	vst v5;
	v6 =	vld [tilespmem:s16+$0xA8C0]  }
0x237: {  	v5 =	vld [tilespmem:s3+$0xA8C0];
	s3 =	sor.u32 $0x9, s14  }
0x238: {  	s16 =	sshra.s32 s21, $0x2;
	[tilespmem:s7+$0x141F0] =	vst v3;
	s7 =	sshll.u32 s3, $0x4  }
0x239: {  	v3 =	vld [tilespmem:s7+$0x44C0];
	[tilespmem:s16+$0x141E0] =	vst v4  }
0x23a: {  	s21 =	sor.u32 $0x7, s15;
	v4 =	vld [tilespmem:s10+$0xA8C0]  }
0x23b: {  	s20 =	sor.u32 $0x8, s12;
	s10 =	sand.u32 $0xFFC0, s5;
	[tilespmem:s11+$0x141F0] =	vst v6;
	s11 =	sshll.u32 s21, $0x4  }
0x23c: {  	s2 =	sshll.u32 s20, $0x4;
	s3 =	smul.u32 $0x21, s3;
	[tilespmem:s10+$0x141F7] =	vst v5;
	v6 =	vld [tilespmem:s11+$0x44C0]  }
0x23d: {  	s5 =	smul.u32 $0x84, s20;
	v5 =	vld [tilespmem:s2+$0x44C0]  }
0x23e: {  	s20 =	smul.u32 $0x84, s21;
	s10 =	sor.u32 $0x9, s4;
	[tilespmem:s3+$0x141E0] =	vst v3  }
0x23f: {  	v3 =	vld [tilespmem:s7+$0xA8C0];
	[tilespmem:s16+$0x141F0] =	vst v4;
	s7 =	sshll.u32 s10, $0x4  }
0x240: {  	s16 =	sshra.s32 s20, $0x2;
	v4 =	vld [tilespmem:s7+$0x44C0]  }
0x241: {  	s5 =	sshra.s32 s5, $0x2;
	[tilespmem:s16+$0x141E0] =	vst v6  }
0x242: {  	s20 =	smul.u32 $0x84, s10;
	[tilespmem:s5+$0x141E0] =	vst v5;
	v6 =	vld [tilespmem:s11+$0xA8C0]  }
0x243: {  	s21 =	sor.u32 $0xA, s14;
	s10 =	sor.u32 $0x11, s3;
	v5 =	vld [tilespmem:s2+$0xA8C0]  }
0x244: {  	s11 =	sshra.s32 s20, $0x2;
	s2 =	sshll.u32 s21, $0x4;
	[tilespmem:s10+$0x141E0] =	vst v3  }
0x245: {  	v3 =	vld [tilespmem:s2+$0x44C0];
	[tilespmem:s11+$0x141E0] =	vst v4  }
0x246: {  	s20 =	sor.u32 $0x8, s15;
	v4 =	vld [tilespmem:s7+$0xA8C0]  }
0x247: {  	s10 =	sor.u32 $0x9, s12;
	[tilespmem:s16+$0x141F0] =	vst v6;
	s16 =	sshll.u32 s20, $0x4  }
0x248: {  	s3 =	smul.u32 $0x21, s21;
	[tilespmem:s5+$0x141F0] =	vst v5;
	s5 =	sshll.u32 s10, $0x4;
	v6 =	vld [tilespmem:s16+$0x44C0]  }
0x249: {  	v5 =	vld [tilespmem:s5+$0x44C0]  }
0x24a: {  	s21 =	sor.u32 $0xA, s4;
	s20 =	smul.u32 $0x84, s20;
	[tilespmem:s3+$0x141E0] =	vst v3  }
0x24b: {  	s7 =	smul.u32 $0x21, s10;
	s10 =	sshll.u32 s21, $0x4;
	v3 =	vld [tilespmem:s2+$0xA8C0];
	[tilespmem:s11+$0x141F0] =	vst v4  }
0x24c: {  	s11 =	sshra.s32 s20, $0x2;
	v4 =	vld [tilespmem:s10+$0x44C0]  }
0x24d: {  	[tilespmem:s11+$0x141E0] =	vst v6  }
0x24e: {  	s21 =	smul.u32 $0x84, s21;
	[tilespmem:s7+$0x141E0] =	vst v5;
	v6 =	vld [tilespmem:s16+$0xA8C0]  }
0x24f: {  	s3 =	sor.u32 $0x12, s3;
	v5 =	vld [tilespmem:s5+$0xA8C0];
	s5 =	sor.u32 $0xB, s14  }
0x250: {  	s16 =	sshra.s32 s21, $0x2;
	[tilespmem:s3+$0x141E0] =	vst v3;
	s3 =	sshll.u32 s5, $0x4  }
0x251: {  	v3 =	vld [tilespmem:s3+$0x44C0];
	[tilespmem:s16+$0x141E0] =	vst v4  }
0x252: {  	s21 =	sor.u32 $0x9, s15;
	v4 =	vld [tilespmem:s10+$0xA8C0]  }
0x253: {  	[tilespmem:s11+$0x141F0] =	vst v6;
	s11 =	sshll.u32 s21, $0x4  }
0x254: {  	s20 =	sor.u32 $0xA, s12;
	s5 =	smul.u32 $0x21, s5;
	s10 =	sand.u32 $0xFFC8, s7;
	v6 =	vld [tilespmem:s11+$0x44C0]  }
0x255: {  	s2 =	sshll.u32 s20, $0x4;
	s7 =	smul.u32 $0x21, s20;
	[tilespmem:s10+$0x141F1] =	vst v5  }
0x256: {  	s20 =	smul.u32 $0x84, s21;
	s10 =	sor.u32 $0xB, s4;
	v5 =	vld [tilespmem:s2+$0x44C0];
	[tilespmem:s5+$0x141E0] =	vst v3  }
0x257: {  	v3 =	vld [tilespmem:s3+$0xA8C0];
	[tilespmem:s16+$0x141F0] =	vst v4;
	s3 =	sshll.u32 s10, $0x4  }
0x258: {  	s16 =	sshra.s32 s20, $0x2;
	v4 =	vld [tilespmem:s3+$0x44C0]  }
0x259: {  	[tilespmem:s16+$0x141E0] =	vst v6  }
0x25a: {  	s10 =	smul.u32 $0x84, s10;
	v6 =	vld [tilespmem:s11+$0xA8C0]  }
0x25b: {  	s21 =	sor.u32 $0x13, s5;
	s5 =	sor.u32 $0xC, s14;
	[tilespmem:s7+$0x141E0] =	vst v5  }
0x25c: {  	s11 =	sshra.s32 s10, $0x2;
	v5 =	vld [tilespmem:s2+$0xA8C0];
	s2 =	sshll.u32 s5, $0x4;
	[tilespmem:s21+$0x141E0] =	vst v3  }
0x25d: {  	v3 =	vld [tilespmem:s2+$0x44C0];
	[tilespmem:s11+$0x141E0] =	vst v4  }
0x25e: {  	s21 =	sor.u32 $0xA, s15;
	v4 =	vld [tilespmem:s3+$0xA8C0]  }
0x25f: {  	[tilespmem:s16+$0x141F0] =	vst v6;
	s16 =	sshll.u32 s21, $0x4  }
0x260: {  	s20 =	sor.u32 $0xB, s12;
	s10 =	sor.u32 $0x12, s7;
	s5 =	smul.u32 $0x21, s5;
	v6 =	vld [tilespmem:s16+$0x44C0]  }
0x261: {  	s7 =	smul.u32 $0x21, s20;
	s3 =	sshll.u32 s20, $0x4;
	[tilespmem:s10+$0x141E0] =	vst v5  }
0x262: {  	s20 =	smul.u32 $0x84, s21;
	s10 =	sor.u32 $0xC, s4;
	v5 =	vld [tilespmem:s3+$0x44C0];
	[tilespmem:s5+$0x141E0] =	vst v3  }
0x263: {  	v3 =	vld [tilespmem:s2+$0xA8C0];
	[tilespmem:s11+$0x141F0] =	vst v4;
	s2 =	sshll.u32 s10, $0x4  }
0x264: {  	s11 =	sshra.s32 s20, $0x2;
	v4 =	vld [tilespmem:s2+$0x44C0]  }
0x265: {  	[tilespmem:s11+$0x141E0] =	vst v6  }
0x266: {  	s10 =	smul.u32 $0x84, s10;
	v6 =	vld [tilespmem:s16+$0xA8C0]  }
0x267: {  	s21 =	sor.u32 $0x14, s5;
	s5 =	sor.u32 $0xD, s14;
	[tilespmem:s7+$0x141E0] =	vst v5  }
0x268: {  	s16 =	sshra.s32 s10, $0x2;
	v5 =	vld [tilespmem:s3+$0xA8C0];
	s3 =	sshll.u32 s5, $0x4;
	[tilespmem:s21+$0x141E0] =	vst v3  }
0x269: {  	v3 =	vld [tilespmem:s3+$0x44C0];
	[tilespmem:s16+$0x141E0] =	vst v4  }
0x26a: {  	s21 =	sor.u32 $0xB, s15;
	v4 =	vld [tilespmem:s2+$0xA8C0]  }
0x26b: {  	[tilespmem:s11+$0x141F0] =	vst v6;
	s11 =	sshll.u32 s21, $0x4  }
0x26c: {  	s20 =	sor.u32 $0xC, s12;
	s10 =	sand.u32 $0xFFC8, s7;
	s5 =	smul.u32 $0x21, s5;
	v6 =	vld [tilespmem:s11+$0x44C0]  }
0x26d: {  	s7 =	smul.u32 $0x21, s20;
	s2 =	sshll.u32 s20, $0x4;
	[tilespmem:s10+$0x141F3] =	vst v5  }
0x26e: {  	s20 =	smul.u32 $0x84, s21;
	s10 =	sor.u32 $0xD, s4;
	v5 =	vld [tilespmem:s2+$0x44C0];
	[tilespmem:s5+$0x141E0] =	vst v3  }
0x26f: {  	v3 =	vld [tilespmem:s3+$0xA8C0];
	[tilespmem:s16+$0x141F0] =	vst v4;
	s3 =	sshll.u32 s10, $0x4  }
0x270: {  	s16 =	sshra.s32 s20, $0x2;
	v4 =	vld [tilespmem:s3+$0x44C0]  }
0x271: {  	[tilespmem:s16+$0x141E0] =	vst v6  }
0x272: {  	s10 =	smul.u32 $0x84, s10;
	v6 =	vld [tilespmem:s11+$0xA8C0]  }
0x273: {  	s21 =	sor.u32 $0x15, s5;
	s5 =	sor.u32 $0xE, s14;
	[tilespmem:s7+$0x141E0] =	vst v5  }
0x274: {  	s11 =	sshra.s32 s10, $0x2;
	v5 =	vld [tilespmem:s2+$0xA8C0];
	s2 =	sshll.u32 s5, $0x4;
	[tilespmem:s21+$0x141E0] =	vst v3  }
0x275: {  	v3 =	vld [tilespmem:s2+$0x44C0];
	[tilespmem:s11+$0x141E0] =	vst v4  }
0x276: {  	s21 =	sor.u32 $0xC, s15;
	v4 =	vld [tilespmem:s3+$0xA8C0]  }
0x277: {  	[tilespmem:s16+$0x141F0] =	vst v6;
	s16 =	sshll.u32 s21, $0x4  }
0x278: {  	s20 =	sor.u32 $0xD, s12;
	s10 =	sor.u32 $0x14, s7;
	s5 =	smul.u32 $0x21, s5;
	v6 =	vld [tilespmem:s16+$0x44C0]  }
0x279: {  	s7 =	smul.u32 $0x21, s20;
	s3 =	sshll.u32 s20, $0x4;
	[tilespmem:s10+$0x141E0] =	vst v5  }
0x27a: {  	s20 =	smul.u32 $0x84, s21;
	s10 =	sor.u32 $0xE, s4;
	v5 =	vld [tilespmem:s3+$0x44C0];
	[tilespmem:s5+$0x141E0] =	vst v3  }
0x27b: {  	v3 =	vld [tilespmem:s2+$0xA8C0];
	[tilespmem:s11+$0x141F0] =	vst v4;
	s2 =	sshll.u32 s10, $0x4  }
0x27c: {  	s11 =	sshra.s32 s20, $0x2;
	v4 =	vld [tilespmem:s2+$0x44C0]  }
0x27d: {  	[tilespmem:s11+$0x141E0] =	vst v6  }
0x27e: {  	s20 =	smul.u32 $0x84, s10;
	v6 =	vld [tilespmem:s16+$0xA8C0]  }
0x27f: {  	s21 =	sshllo.u32 s29, $0x4;
	s10 =	sor.u32 $0x16, s5;
	[tilespmem:s7+$0x141E0] =	vst v5  }
0x280: {  	s16 =	sshra.s32 s20, $0x2;
	v5 =	vld [tilespmem:s3+$0xA8C0];
	s3 =	sshll.u32 s21, $0x4;
	[tilespmem:s10+$0x141E0] =	vst v3  }
0x281: {  	v3 =	vld [tilespmem:s3+$0x44C0];
	[tilespmem:s16+$0x141E0] =	vst v4  }
0x282: {  	s20 =	sor.u32 $0xD, s15;
	v4 =	vld [tilespmem:s2+$0xA8C0]  }
0x283: {  	s5 =	smul.u32 $0x21, s21;
	s21 =	sshll.u32 s20, $0x4;
	[tilespmem:s11+$0x141F0] =	vst v6  }
0x284: {  	s7 =	sand.u32 $0xFFC8, s7;
	s10 =	sor.u32 $0xE, s12;
	v6 =	vld [tilespmem:s21+$0x44C0]  }
0x285: {  	s2 =	sshll.u32 s10, $0x4;
	[tilespmem:s7+$0x141F5] =	vst v5  }
0x286: {  	s0 =	sshllo.u32 s0, $0x4;
	s20 =	smul.u32 $0x84, s20;
	v5 =	vld [tilespmem:s2+$0x44C0];
	[tilespmem:s5+$0x141E0] =	vst v3  }
0x287: {  	s7 =	smul.u32 $0x21, s10;
	s10 =	sshll.u32 s0, $0x4;
	v3 =	vld [tilespmem:s3+$0xA8C0];
	[tilespmem:s16+$0x141F0] =	vst v4  }
0x288: {  	s16 =	sshra.s32 s20, $0x2;
	v4 =	vld [tilespmem:s10+$0x44C0]  }
0x289: {  	[tilespmem:s16+$0x141E0] =	vst v6  }
0x28a: {  	s0 =	smul.u32 $0x84, s0;
	v6 =	vld [tilespmem:s21+$0xA8C0]  }
0x28b: {  	[tilespmem:s7+$0x141E0] =	vst v5;
	s21 =	sor.u32 $0x17, s5  }
0x28c: {  	s0 =	sshra.s32 s0, $0x2;
	v5 =	vld [tilespmem:s2+$0xA8C0];
	[tilespmem:s21+$0x141E0] =	vst v3  }
0x28d: {  	v7 =	vld [tilespmem:s14+$0xFA0];
	[tilespmem:s0+$0x141E0] =	vst v4  }
0x28e: {  	v3 =	vld [tilespmem:s10+$0xA8C0];
	s10 =	sor.u32 $0xE, s15  }
0x28f: {  	[tilespmem:s16+$0x141F0] =	vst v6;
	s11 =	sshll.u32 s10, $0x4  }
0x290: {  	v26 =	vld [tilespmem:s11+$0x44C0]  }
0x291: {  	s3 =	sor.u32 $0x16, s7;
	s5 =	sshllo.u32 s19, $0x4  }
0x292: {  	s7 =	sshll.u32 s5, $0x4;
	[tilespmem:s3+$0x141E0] =	vst v5;
	s16 =	smul.u32 $0x84, s10  }
0x293: {  	v25 =	vld [tilespmem:s7+$0x44C0];
	[tilespmem:s0+$0x141F0] =	vst v3;
	v3 =	vand.u32 $0x7FFFFFFF, v7  }
0x294: {  	s0 =	sshra.s32 s16, $0x2;
	v3 =	vadd.f32 $1.000000000e+00, v3;
	v27 =	vld [tilespmem:s4+$0xFA0]  }
0x295: {  	[tilespmem:s0+$0x141E0] =	vst v26  }
0x296: {  	s3 =	smul.u32 $0x21, s5;
	v8 =	vadd.s32 $0x4AFB0D, v3;
	v3 =	vld [tilespmem:s11+$0xA8C0];
	_ =	sdelay $0x1  }
0x297: {  	[tilespmem:s3+$0x141E0] =	vst v25  }
0x298: {  	v4 =	vld [tilespmem:s7+$0xA8C0];
	v28 =	vand.u32 $0x7FFFFF, v8;
	v10 =	vand.u32 $0x7FFFFFFF, v27  }
0x299: {  	s20 =	sshllo.u32 s30, $0x4;
	v5 =	vadd.s32 $0x3F3504F3, v28;
	v10 =	vadd.f32 $1.000000000e+00, v10  }
0x29a: {  	s21 =	sshll.u32 s20, $0x4;
	v9 =	vadd.f32 $1.000000000e+00, v5;
	[tilespmem:s0+$0x141F0] =	vst v3  }
0x29b: {  	v29 =	vadd.s32 $0x4AFB0D, v10;
	v31 =	vld [tilespmem:s21+$0x44C0]  }
0x29c: {  	s19 =	sand.u32 $0xFFC8, s3;
	(erf) = vrcp.f32 v9;
	v3 =	vand.u32 $0x7FFFFF, v29  }
0x29d: {  	s2 =	smul.u32 $0x84, s20;
	[tilespmem:s19+$0x141F7] =	vst v4;
	v3 =	vadd.s32 $0x3F3504F3, v3  }
0x29e: {  	v30 =	vld [tilespmem:s12+$0xFA0];
	v11 =	vadd.f32 $1.000000000e+00, v3  }
0x29f: {  	s2 =	sshra.s32 s2, $0x2  }
0x2a0: {  	(erf) = vrcp.f32 v11;
	[tilespmem:s2+$0x141E0] =	vst v31  }
0x2a1: {  	v10 =	vld [tilespmem:s21+$0xA8C0];
	_ =	sdelay $0x1  }
0x2a2: {  	v32 =	vand.u32 $0x7FFFFFFF, v30  }
0x2a3: {  	v5 =	vadd.f32 $-1.000000000e+00, v5;
	v11 =	vadd.f32 $1.000000000e+00, v32  }
0x2a4: {  	v12 =	vpop (erf)  }
0x2a5: {  	v11 =	vadd.s32 $0x4AFB0D, v11;
	v5 =	vmul.f32 v12, v5;
	[tilespmem:s2+$0x141F0] =	vst v10  }
0x2a6: {  	v15 =	vadd.f32 $-1.000000000e+00, v3;
	v33 =	vand.u32 $0x7FFFFF, v11;
	v3 =	vld [tilespmem:s15+$0xFA0]  }
0x2a7: {  	v12 =	vadd.s32 $0x3F3504F3, v33;
	v13 =	vmul.f32 v5, v5  }
0x2a8: {  	v34 =	vadd.f32 $1.000000000e+00, v12;
	v16 =	vpop (erf)  }
0x2a9: {  	v14 =	vmul.f32 $1.111111120e-01, v13;
	v36 =	vmul.f32 v16, v15  }
0x2aa: {  	(erf) = vrcp.f32 v34  }
0x2ab: {  	v35 =	vadd.f32 $1.428571490e-01, v14;
	v15 =	vmul.f32 v36, v36;
	v37 =	vand.u32 $0x7FFFFFFF, v3  }
0x2ac: {  	v48 =	vmov s14;
	v16 =	vadd.f32 $1.000000000e+00, v37  }
0x2ad: {  	v53 =	vmov s4;
	v10 =	vmul.f32 v35, v13;
	v17 =	vmul.f32 $1.111111120e-01, v15  }
0x2ae: {  	v56 =	vmov s12;
	v54 =	vmul.u32 $0x21, v53;
	v16 =	vadd.s32 $0x4AFB0D, v16  }
0x2af: {  	v10 =	vadd.f32 $2.000000030e-01, v10;
	v17 =	vadd.f32 $1.428571490e-01, v17;
	v18 =	vand.u32 $0x7FFFFF, v16  }
0x2b0: {  	v58 =	vmov s15;
	vm0 =	vlt.f32 v7, $0.0e+00;
	v18 =	vadd.s32 $0x3F3504F3, v18  }
0x2b1: {  	v10 =	vmul.f32 v10, v13;
	v17 =	vmul.f32 v17, v15;
	v38 =	vadd.f32 $1.000000000e+00, v18  }
0x2b2: {  	vm1 =	vgt.f32 v7, $0.0e+00;
	v46 =	vand.u32 $0x80000000, v7;
	v12 =	vadd.f32 $-1.000000000e+00, v12  }
0x2b3: {  	v19 =	vpop (erf);
	v10 =	vadd.f32 $3.333333430e-01, v10;
	v39 =	vadd.f32 $2.000000030e-01, v17;
	(erf) = vrcp.f32 v38  }
0x2b4: {  	vm0 =	vmor vm1, vm0;
	v8 =	vshra.s32 v8, $0x17;
	v12 =	vmul.f32 v19, v12  }
0x2b5: {  	v8 =	vadd.s32 $0xFFFFFF81, v8;
	v10 =	vmul.f32 v10, v13;
	v13 =	vmul.f32 v39, v15  }
0x2b6: {  	v8 =	vcvt.s32.f32 v8;
	v4 =	vshra.s32 v29, $0x17;
	v40 =	vmul.f32 v12, v12  }
0x2b7: {  	vm10 =	vlt.f32 v27, $0.0e+00;
	v4 =	vadd.s32 $0xFFFFFF81, v4;
	v13 =	vadd.f32 $3.333333430e-01, v13  }
0x2b8: {  	vm11 =	vgt.f32 v27, $0.0e+00;
	v4 =	vcvt.s32.f32 v4;
	v41 =	vmul.f32 $1.111111120e-01, v40  }
0x2b9: {  	v5 =	vadd.f32 v5, v5;
	v44 =	vadd.f32 v36, v36;
	v13 =	vmul.f32 v13, v15  }
0x2ba: {  	v8 =	vmul.f32 $6.931471820e-01, v8;
	v10 =	vadd.f32 $1.000000000e+00, v10;
	v42 =	vadd.f32 $1.428571490e-01, v41  }
0x2bb: {  	v4 =	vmul.f32 $6.931471820e-01, v4;
	v45 =	vadd.f32 $-1.000000000e+00, v18;
	v13 =	vadd.f32 $1.000000000e+00, v13  }
0x2bc: {  	v52 =	vand.u32 $0x80000000, v27;
	v5 =	vmul.f32 v10, v5;
	v43 =	vmul.f32 v42, v40;
	v47 =	vpop (erf)  }
0x2bd: {  	v11 =	vshra.s32 v11, $0x17;
	v10 =	vmul.f32 v13, v44;
	v13 =	vmul.f32 v47, v45  }
0x2be: {  	v11 =	vadd.s32 $0xFFFFFF81, v11;
	v5 =	vadd.f32 v5, v8;
	v8 =	vadd.f32 $2.000000030e-01, v43  }
0x2bf: {  	vm12 =	vlt.f32 v30, $0.0e+00;
	v11 =	vcvt.s32.f32 v11;
	v49 =	vmul.f32 v13, v13  }
0x2c0: {  	vm13 =	vgt.f32 v30, $0.0e+00;
	v14 =	vmul.u32 $0x21, v48;
	v8 =	vmul.f32 v8, v40  }
0x2c1: {  	v55 =	vand.u32 $0x80000000, v30;
	v11 =	vmul.f32 $6.931471820e-01, v11;
	v51 =	vmul.f32 $1.111111120e-01, v49  }
0x2c2: {  	v50 =	vbroadcast v14, $0x0;
	v59 =	vshra.s32 v16, $0x17;
	v8 =	vadd.f32 $3.333333430e-01, v8  }
0x2c3: {  	v14 =	vadd.s32 $0xFFFFFF81, v59;
	v4 =	vadd.f32 v10, v4;
	v10 =	vadd.f32 $1.428571490e-01, v51  }
0x2c4: {  	v61 =	vand.u32 $0x80000000, v3;
	v14 =	vcvt.s32.f32 v14;
	v15 =	vor.u32 v46, v0  }
0x2c5: {  	v7 =	vsel vm0, v15, v7;
	v8 =	vmul.f32 v8, v40;
	v10 =	vmul.f32 v10, v49  }
0x2c6: {  	v12 =	vadd.f32 v12, v12;
	v5 =	vmul.f32 v5, v7;
	v7 =	vadd.s32 v1, v50  }
0x2c7: {  	v7 =	vand.u32 $0xFFFFFFF8, v7;
	v8 =	vadd.f32 $1.000000000e+00, v8;
	v10 =	vadd.f32 $2.000000030e-01, v10  }
0x2c8: {  	v60 =	vmul.f32 $6.931471820e-01, v14;
	vm0 =	vmor vm11, vm10;
	v7 =	vor.u32 v2, v7  }
0x2c9: {  	v8 =	vmul.f32 v8, v12;
	v12 =	vor.u32 v52, v0;
	v10 =	vmul.f32 v10, v49  }
0x2ca: {  	v13 =	vadd.f32 v13, v13;
	v6 =	vsel vm0, v12, v27;
	v12 =	vmul.u32 $0x21, v56  }
0x2cb: {  	vm0 =	vmor vm13, vm12;
	v4 =	vmul.f32 v4, v6;
	v10 =	vadd.f32 $3.333333430e-01, v10  }
0x2cc: {  	v6 =	vbroadcast v54, $0x0;
	v57 =	vbroadcast v12, $0x0;
	v12 =	vmul.u32 $0x21, v58  }
0x2cd: {  	v8 =	vadd.f32 v8, v11;
	v11 =	vor.u32 v55, v0;
	v10 =	vmul.f32 v10, v49  }
0x2ce: {  	v9 =	vsel vm0, v11, v30;
	v6 =	vadd.s32 v1, v6;
	v12 =	vbroadcast v12, $0x0  }
0x2cf: {  	v6 =	vand.u32 $0xFFFFFFF8, v6;
	v11 =	vadd.s32 v1, v57;
	v10 =	vadd.f32 $1.000000000e+00, v10  }
0x2d0: {  	v6 =	vor.u32 v2, v6;
	v11 =	vand.u32 $0xFFFFFFF8, v11;
	v12 =	vadd.s32 v1, v12  }
0x2d1: {  	v11 =	vor.u32 v2, v11;
	v12 =	vand.u32 $0xFFFFFFF8, v12;
	v10 =	vmul.f32 v10, v13  }
0x2d2: {  	p0 =	slt.u32 s29, $0x2C;
	vm14 =	vlt.f32 v3, $0.0e+00;
	vm15 =	vgt.f32 v3, $0.0e+00;
	v12 =	vor.u32 v2, v12  }
.Ltmp2:
0x2d3: {  	v62 =	vor.u32 v61, v0;
	vm0 =	vmor vm15, vm14;
	v10 =	vadd.f32 v10, v60;
	(pc) =	sbr.rel @p0 .LBB2_5-.Ltmp2, $4  }
0x2d4: {  	[tilespmem:v7+s24+$0x0] =	vst.idx.msk $0xffff, v5;
	v63 =	vmul.f32 v8, v9;
	v3 =	vsel vm0, v62, v3  }
0x2d5: {  	s30 =	sadd.s32 $0x4, s29;
	[tilespmem:v6+s24+$0x0] =	vst.idx.msk $0xffff, v4;
	v3 =	vmul.f32 v10, v3  }
0x2d6: {  	s29 =	smov.u32 s30;
	s4 =	simm.s32 $0xD9B0;
	[tilespmem:v11+s24+$0x0] =	vst.idx.msk $0xffff, v63  }
0x2d7: {  	s0 =	simm.s32 $0x12A0;
	s12 =	simm.s32 $0x300;
	s2 =	simm.s32 $0x75B0;
	[tilespmem:v12+s24+$0x0] =	vst.idx.msk $0xffff, v3  }
.LBB2_6:
0x2d8: {  	v3 =	vld [tilespmem:s2+$0xFFFFFF10];
	_ =	sdelay $0x3  }
0x2d9: {  	s14 =	sshra.s32 s28, $0x2  }
0x2da: {  	[tilespmem:s14+$0x1A4E0] =	vst v3  }
0x2db: {  	v3 =	vld [tilespmem:s4+$0xFFFFFF10];
	_ =	sdelay $0x4  }
0x2dc: {  	[tilespmem:s14+$0x1A4F0] =	vst v3  }
0x2dd: {  	v3 =	vld [tilespmem:s2+$0xFFFFFF20];
	_ =	sdelay $0x4  }
0x2de: {  	[tilespmem:s14+$0x1A501] =	vst v3  }
0x2df: {  	v3 =	vld [tilespmem:s4+$0xFFFFFF20];
	_ =	sdelay $0x4  }
0x2e0: {  	[tilespmem:s14+$0x1A511] =	vst v3  }
0x2e1: {  	v3 =	vld [tilespmem:s2+$0xFFFFFF30];
	_ =	sdelay $0x4  }
0x2e2: {  	[tilespmem:s14+$0x1A522] =	vst v3  }
0x2e3: {  	v3 =	vld [tilespmem:s4+$0xFFFFFF30];
	_ =	sdelay $0x4  }
0x2e4: {  	[tilespmem:s14+$0x1A532] =	vst v3  }
0x2e5: {  	v3 =	vld [tilespmem:s2+$0xFFFFFF40];
	_ =	sdelay $0x4  }
0x2e6: {  	[tilespmem:s14+$0x1A543] =	vst v3  }
0x2e7: {  	v3 =	vld [tilespmem:s4+$0xFFFFFF40];
	_ =	sdelay $0x4  }
0x2e8: {  	[tilespmem:s14+$0x1A553] =	vst v3  }
0x2e9: {  	v3 =	vld [tilespmem:s2+$0xFFFFFF50];
	_ =	sdelay $0x4  }
0x2ea: {  	[tilespmem:s14+$0x1A564] =	vst v3  }
0x2eb: {  	v3 =	vld [tilespmem:s4+$0xFFFFFF50];
	_ =	sdelay $0x4  }
0x2ec: {  	[tilespmem:s14+$0x1A574] =	vst v3  }
0x2ed: {  	v3 =	vld [tilespmem:s2+$0xFFFFFF60];
	_ =	sdelay $0x4  }
0x2ee: {  	[tilespmem:s14+$0x1A585] =	vst v3  }
0x2ef: {  	v3 =	vld [tilespmem:s4+$0xFFFFFF60];
	_ =	sdelay $0x4  }
0x2f0: {  	[tilespmem:s14+$0x1A595] =	vst v3  }
0x2f1: {  	v3 =	vld [tilespmem:s2+$0xFFFFFF70];
	_ =	sdelay $0x4  }
0x2f2: {  	[tilespmem:s14+$0x1A5A6] =	vst v3  }
0x2f3: {  	v3 =	vld [tilespmem:s4+$0xFFFFFF70];
	_ =	sdelay $0x4  }
0x2f4: {  	[tilespmem:s14+$0x1A5B6] =	vst v3  }
0x2f5: {  	v3 =	vld [tilespmem:s2+$0xFFFFFF80];
	_ =	sdelay $0x4  }
0x2f6: {  	[tilespmem:s14+$0x1A5C7] =	vst v3  }
0x2f7: {  	v3 =	vld [tilespmem:s4+$0xFFFFFF80];
	_ =	sdelay $0x4  }
0x2f8: {  	[tilespmem:s14+$0x1A5D7] =	vst v3  }
0x2f9: {  	v3 =	vld [tilespmem:s2+$0xFFFFFF90];
	_ =	sdelay $0x4  }
0x2fa: {  	[tilespmem:s14+$0x1A5E8] =	vst v3  }
0x2fb: {  	v3 =	vld [tilespmem:s4+$0xFFFFFF90];
	_ =	sdelay $0x4  }
0x2fc: {  	[tilespmem:s14+$0x1A5F8] =	vst v3  }
0x2fd: {  	v3 =	vld [tilespmem:s2+$0xFFFFFFA0];
	_ =	sdelay $0x4  }
0x2fe: {  	[tilespmem:s14+$0x1A609] =	vst v3  }
0x2ff: {  	v3 =	vld [tilespmem:s4+$0xFFFFFFA0];
	_ =	sdelay $0x4  }
0x300: {  	[tilespmem:s14+$0x1A619] =	vst v3  }
0x301: {  	v3 =	vld [tilespmem:s2+$0xFFFFFFB0];
	_ =	sdelay $0x4  }
0x302: {  	[tilespmem:s14+$0x1A62A] =	vst v3  }
0x303: {  	v3 =	vld [tilespmem:s4+$0xFFFFFFB0];
	_ =	sdelay $0x4  }
0x304: {  	[tilespmem:s14+$0x1A63A] =	vst v3  }
0x305: {  	v3 =	vld [tilespmem:s2+$0xFFFFFFC0];
	_ =	sdelay $0x4  }
0x306: {  	[tilespmem:s14+$0x1A64B] =	vst v3  }
0x307: {  	v3 =	vld [tilespmem:s4+$0xFFFFFFC0];
	_ =	sdelay $0x4  }
0x308: {  	[tilespmem:s14+$0x1A65B] =	vst v3  }
0x309: {  	v3 =	vld [tilespmem:s2+$0xFFFFFFD0];
	_ =	sdelay $0x4  }
0x30a: {  	[tilespmem:s14+$0x1A66C] =	vst v3  }
0x30b: {  	v3 =	vld [tilespmem:s4+$0xFFFFFFD0];
	_ =	sdelay $0x4  }
0x30c: {  	[tilespmem:s14+$0x1A67C] =	vst v3  }
0x30d: {  	v3 =	vld [tilespmem:s2+$0xFFFFFFE0];
	_ =	sdelay $0x4  }
0x30e: {  	[tilespmem:s14+$0x1A68D] =	vst v3  }
0x30f: {  	v3 =	vld [tilespmem:s4+$0xFFFFFFE0];
	_ =	sdelay $0x4  }
0x310: {  	[tilespmem:s14+$0x1A69D] =	vst v3  }
0x311: {  	v3 =	vld [tilespmem:s2+$0xFFFFFFF0];
	_ =	sdelay $0x4  }
0x312: {  	[tilespmem:s14+$0x1A6AE] =	vst v3  }
0x313: {  	v3 =	vld [tilespmem:s4+$0xFFFFFFF0];
	_ =	sdelay $0x4  }
0x314: {  	[tilespmem:s14+$0x1A6BE] =	vst v3  }
0x315: {  	v3 =	vld [tilespmem:s2+$0x0];
	_ =	sdelay $0x4  }
0x316: {  	[tilespmem:s14+$0x1A6CF] =	vst v3  }
0x317: {  	v3 =	vld [tilespmem:s4+$0x0];
	_ =	sdelay $0x4  }
0x318: {  	[tilespmem:s14+$0x1A6DF] =	vst v3  }
0x319: {  	v3 =	vld [tilespmem:s0+$0x0];
	_ =	sdelay $0x4  }
0x31a: {  	v4 =	vand.u32 $0x7FFFFFFF, v3  }
0x31b: {  	v4 =	vadd.f32 $1.000000000e+00, v4;
	_ =	sdelay $0x1  }
0x31c: {  	v4 =	vadd.s32 $0x4AFB0D, v4  }
0x31d: {  	v5 =	vand.u32 $0x7FFFFF, v4  }
0x31e: {  	v5 =	vadd.s32 $0x3F3504F3, v5  }
0x31f: {  	v6 =	vadd.f32 $1.000000000e+00, v5;
	_ =	sdelay $0x1  }
0x320: {  	(erf) = vrcp.f32 v6;
	_ =	sdelay $0x7  }
0x321: {  	v5 =	vadd.f32 $-1.000000000e+00, v5  }
0x322: {  	v6 =	vpop (erf)  }
0x323: {  	v5 =	vmul.f32 v6, v5;
	_ =	sdelay $0x1  }
0x324: {  	v6 =	vmul.f32 v5, v5;
	_ =	sdelay $0x1  }
0x325: {  	v7 =	vmul.f32 $1.111111120e-01, v6;
	_ =	sdelay $0x1  }
0x326: {  	v7 =	vadd.f32 $1.428571490e-01, v7;
	_ =	sdelay $0x1  }
0x327: {  	v7 =	vmul.f32 v7, v6;
	_ =	sdelay $0x1  }
0x328: {  	v7 =	vadd.f32 $2.000000030e-01, v7;
	_ =	sdelay $0x1  }
0x329: {  	v7 =	vmul.f32 v7, v6;
	_ =	sdelay $0x1  }
0x32a: {  	v8 =	vmov s12;
	v7 =	vadd.f32 $3.333333430e-01, v7  }
0x32b: {  	v60 =	vmul.u32 $0x21, v8  }
0x32c: {  	v4 =	vshra.s32 v4, $0x17;
	v6 =	vmul.f32 v7, v6  }
0x32d: {  	v4 =	vadd.s32 $0xFFFFFF81, v4;
	v7 =	vbroadcast v60, $0x0  }
0x32e: {  	v4 =	vcvt.s32.f32 v4;
	v5 =	vadd.f32 v5, v5;
	v6 =	vadd.f32 $1.000000000e+00, v6  }
0x32f: {  	v62 =	vand.u32 $0x80000000, v3;
	v61 =	vadd.s32 v1, v7  }
0x330: {  	v4 =	vmul.f32 $6.931471820e-01, v4;
	v5 =	vmul.f32 v6, v5;
	v6 =	vand.u32 $0xFFFFFFF8, v61  }
0x331: {  	p0 =	sne.s32 s28, $0x840;
	vm0 =	vlt.f32 v3, $0.0e+00;
	vm1 =	vgt.f32 v3, $0.0e+00;
	v6 =	vor.u32 v2, v6  }
.Ltmp3:
0x332: {  	vm0 =	vmor vm1, vm0;
	v63 =	vor.u32 v62, v0;
	v4 =	vadd.f32 v5, v4;
	(pc) =	sbr.rel @p0 .LBB2_6-.Ltmp3, $4  }
0x333: {  	v3 =	vsel vm0, v63, v3  }
0x334: {  	v3 =	vmul.f32 v4, v3  }
0x335: {  	s12 =	sadd.s32 $0x10, s12;
	s28 =	sadd.s32 $0x840, s28  }
0x336: {  	s2 =	sadd.s32 $0x100, s2;
	s4 =	sadd.s32 $0x100, s4;
	s0 =	sadd.s32 $0x10, s0;
	[tilespmem:v6+s24+$0x0] =	vst.idx.msk $0xffff, v3  }
0x337: {  	s0 =	rddreg [dreg:$0x14]  }
0x338: {  	[tilespmem:s1], [sflag:$0x2] =	stream.linear.gather [hbm4b:s0+s6], $0x320, $0x38;
	[tilespmem:$0x1A900] =	vst v63  }
0x339: {  	s21 =	rddreg [dreg:$0x15]  }
0x33a: {  	[tilespmem:s31], [sflag:$0x2] =	stream.linear.gather [hbm4b:s21+s6], $0x320, $0x38;
	[tilespmem:$0x1A900] =	vst v63  }
0x33b: {  	s28 =	rddreg [dreg:$0x16];
	s2 =	simm.s32 $0xFA0  }
0x33c: {  	[tilespmem:s2], [sflag:$0x2] =	stream.linear.gather [hbm4b:s28+s6], $0x320, $0x38;
	[tilespmem:$0x1A900] =	vst v63  }
0x33d: {  	s30 =	rddreg [dreg:$0x17];
	s29 =	simm.s32 $0x1  }
0x33e: {  	[hbm4b:s30+s6] =	stream.linear.scatter [tilespmem:s24], [sflag:$0x6], $0x6720, $0x38;
	[tilespmem:$0x1A900] =	vst v63  }
.LBB2_8:
0x33f: {  	_ =	swait.ge [sflag:s17], $0x3200  }
0x340: {  	[sflag:s17] =	ssyncset.done $0x0  }
0x341: {  	[sflag:s17] =	ssyncadd.s32 $0xFFFFCE00  }
0x342: {  	_ =	swait.ge [sflag:s17], $0x3200  }
0x343: {  	[sflag:s17] =	ssyncset.done $0x0  }
0x344: {  	[sflag:s17] =	ssyncadd.s32 $0xFFFFCE00  }
0x345: {  	_ =	swait.ge [sflag:s18], $0x320  }
0x346: {  	[sflag:s18] =	ssyncset.done $0x0  }
0x347: {  	[sflag:s18] =	ssyncadd.s32 $0xFFFFFCE0  }
0x348: {  	_ =	swait.ge [sflag:s18], $0x320  }
0x349: {  	[sflag:s18] =	ssyncset.done $0x0  }
0x34a: {  	[sflag:s18] =	ssyncadd.s32 $0xFFFFFCE0  }
0x34b: {  	_ =	swait.ge [sflag:s18], $0x320  }
0x34c: {  	[sflag:s18] =	ssyncset.done $0x0  }
0x34d: {  	s0 =	simm.s32 $0x44C0;
	[sflag:s18] =	ssyncadd.s32 $0xFFFFFCE0  }
0x34e: {  	[tilespmem:s0], [sflag:$0x4] =	stream.indirect.gather [hbm4b:s8+s1], $0x10, s1, s1, $0xb8;
	[tilespmem:$0x1A900] =	vst v63  }
0x34f: {  	s21 =	simm.s32 $0xA8C0  }
0x350: {  	[tilespmem:s21], [sflag:$0x4] =	stream.indirect.gather [hbm4b:s9+s1], $0x10, s31, s1, $0xb8;
	[tilespmem:$0x1A900] =	vst v63  }
0x351: {  	_ =	swait.ge [sflag:s25], $0x6720  }
0x352: {  	[sflag:s25] =	ssyncset.done $0x0  }
0x353: {  	s28 =	simm.s32 $0x0;
	s30 =	simm.s32 $0x0;
	[sflag:s25] =	ssyncadd.s32 $0xFFFF98E0  }
.LBB2_9:
0x354: {  	s2 =	sshll.u32 s30, $0x8  }
0x355: {  	v3 =	vld [tilespmem:s2+$0x12C0];
	_ =	sdelay $0x1  }
0x356: {  	s0 =	smul.u32 $0x840, s30;
	_ =	sdelay $0x1  }
0x357: {  	s3 =	sshra.s32 s0, $0x2  }
0x358: {  	s0 =	sor.u32 $0x1, s30;
	[tilespmem:s3+$0xDAC0] =	vst v3  }
0x359: {  	s15 =	sshll.u32 s0, $0x8;
	v3 =	vld [tilespmem:s2+$0x76C0]  }
0x35a: {  	v4 =	vld [tilespmem:s15+$0x12C0];
	_ =	sdelay $0x1  }
0x35b: {  	s14 =	sshll.u32 s30, $0x4;
	s4 =	smul.u32 $0x840, s0  }
0x35c: {  	s5 =	sor.u32 $0x1, s14  }
0x35d: {  	s16 =	sshll.u32 s5, $0x4;
	s7 =	sshra.s32 s4, $0x2;
	[tilespmem:s3+$0xDAD0] =	vst v3  }
0x35e: {  	[tilespmem:s7+$0xDAC0] =	vst v4;
	v3 =	vld [tilespmem:s16+$0x12C0]  }
0x35f: {  	v4 =	vld [tilespmem:s15+$0x76C0]  }
0x360: {  	s19 =	sor.u32 $0x2, s30  }
0x361: {  	s20 =	sshll.u32 s19, $0x8;
	s5 =	smul.u32 $0x21, s5  }
0x362: {  	v5 =	vld [tilespmem:s20+$0x12C0];
	s4 =	sshll.u32 s0, $0x4  }
0x363: {  	s11 =	sor.u32 $0x1, s4;
	[tilespmem:s5+$0xDAC0] =	vst v3  }
0x364: {  	s12 =	smul.u32 $0x840, s19;
	s21 =	sshll.u32 s11, $0x4;
	[tilespmem:s7+$0xDAD0] =	vst v4;
	v3 =	vld [tilespmem:s16+$0x76C0]  }
0x365: {  	v4 =	vld [tilespmem:s21+$0x12C0]  }
0x366: {  	s31 =	sshra.s32 s12, $0x2  }
0x367: {  	[tilespmem:s31+$0xDAC0] =	vst v5;
	s11 =	smul.u32 $0x84, s11  }
0x368: {  	v5 =	vld [tilespmem:s20+$0x76C0];
	s15 =	sor.u32 $0x11, s5;
	s16 =	sor.u32 $0x2, s14  }
0x369: {  	s11 =	sshra.s32 s11, $0x2;
	s10 =	sshll.u32 s16, $0x4;
	[tilespmem:s15+$0xDAC0] =	vst v3  }
0x36a: {  	[tilespmem:s11+$0xDAC0] =	vst v4;
	v3 =	vld [tilespmem:s10+$0x12C0]  }
0x36b: {  	s12 =	sshll.u32 s19, $0x4;
	s20 =	sor.u32 $0x3, s30;
	v4 =	vld [tilespmem:s21+$0x76C0]  }
0x36c: {  	s21 =	sor.u32 $0x1, s12;
	s15 =	sshll.u32 s20, $0x8  }
0x36d: {  	[tilespmem:s31+$0xDAD0] =	vst v5;
	s5 =	smul.u32 $0x21, s16;
	s31 =	sshll.u32 s21, $0x4;
	v6 =	vld [tilespmem:s15+$0x12C0]  }
0x36e: {  	s3 =	smul.u32 $0x21, s21;
	v5 =	vld [tilespmem:s31+$0x12C0]  }
0x36f: {  	s16 =	sor.u32 $0x2, s4;
	s21 =	smul.u32 $0x840, s20;
	[tilespmem:s5+$0xDAC0] =	vst v3  }
0x370: {  	[tilespmem:s11+$0xDAD0] =	vst v4;
	v3 =	vld [tilespmem:s10+$0x76C0];
	s10 =	sshll.u32 s16, $0x4  }
0x371: {  	s11 =	sshra.s32 s21, $0x2;
	v4 =	vld [tilespmem:s10+$0x12C0]  }
0x372: {  	[tilespmem:s11+$0xDAC0] =	vst v6  }
0x373: {  	[tilespmem:s3+$0xDAC0] =	vst v5;
	s16 =	smul.u32 $0x84, s16;
	v6 =	vld [tilespmem:s15+$0x76C0]  }
0x374: {  	s7 =	sor.u32 $0x3, s14;
	v5 =	vld [tilespmem:s31+$0x76C0];
	s5 =	sor.u32 $0x12, s5  }
0x375: {  	s16 =	sshra.s32 s16, $0x2;
	[tilespmem:s5+$0xDAC0] =	vst v3;
	s5 =	sshll.u32 s7, $0x4  }
0x376: {  	s15 =	sshll.u32 s20, $0x4;
	v3 =	vld [tilespmem:s5+$0x12C0];
	[tilespmem:s16+$0xDAC0] =	vst v4  }
0x377: {  	s21 =	sor.u32 $0x1, s15;
	v4 =	vld [tilespmem:s10+$0x76C0]  }
0x378: {  	s31 =	sand.u32 $0xFFC0, s3;
	s3 =	sor.u32 $0x2, s12;
	[tilespmem:s11+$0xDAD0] =	vst v6;
	s11 =	sshll.u32 s21, $0x4  }
0x379: {  	[tilespmem:s31+$0xDAD1] =	vst v5;
	s7 =	smul.u32 $0x21, s7;
	v6 =	vld [tilespmem:s11+$0x12C0];
	s10 =	sshll.u32 s3, $0x4  }
0x37a: {  	v5 =	vld [tilespmem:s10+$0x12C0]  }
0x37b: {  	s31 =	sor.u32 $0x3, s4;
	s21 =	smul.u32 $0x84, s21;
	[tilespmem:s7+$0xDAC0] =	vst v3  }
0x37c: {  	v3 =	vld [tilespmem:s5+$0x76C0];
	[tilespmem:s16+$0xDAD0] =	vst v4;
	s5 =	sshll.u32 s31, $0x4  }
0x37d: {  	s3 =	smul.u32 $0x21, s3;
	s16 =	sshra.s32 s21, $0x2;
	v4 =	vld [tilespmem:s5+$0x12C0]  }
0x37e: {  	[tilespmem:s16+$0xDAC0] =	vst v6  }
0x37f: {  	s21 =	smul.u32 $0x84, s31;
	[tilespmem:s3+$0xDAC0] =	vst v5;
	v6 =	vld [tilespmem:s11+$0x76C0]  }
0x380: {  	s31 =	sor.u32 $0x4, s14;
	v5 =	vld [tilespmem:s10+$0x76C0];
	s10 =	sor.u32 $0x13, s7  }
0x381: {  	s2 =	sshll.u32 s31, $0x4;
	s11 =	sshra.s32 s21, $0x2;
	[tilespmem:s10+$0xDAC0] =	vst v3  }
0x382: {  	v3 =	vld [tilespmem:s2+$0x12C0];
	[tilespmem:s11+$0xDAC0] =	vst v4  }
0x383: {  	s21 =	sor.u32 $0x2, s15;
	v4 =	vld [tilespmem:s5+$0x76C0]  }
0x384: {  	[tilespmem:s16+$0xDAD0] =	vst v6;
	s16 =	sshll.u32 s21, $0x4  }
0x385: {  	s3 =	sor.u32 $0x12, s3;
	s7 =	smul.u32 $0x21, s31;
	s5 =	sor.u32 $0x3, s12;
	v6 =	vld [tilespmem:s16+$0x12C0]  }
0x386: {  	[tilespmem:s3+$0xDAC0] =	vst v5;
	s3 =	sshll.u32 s5, $0x4  }
0x387: {  	s10 =	sor.u32 $0x4, s4;
	s21 =	smul.u32 $0x84, s21;
	v5 =	vld [tilespmem:s3+$0x12C0];
	[tilespmem:s7+$0xDAC0] =	vst v3  }
0x388: {  	v3 =	vld [tilespmem:s2+$0x76C0];
	[tilespmem:s11+$0xDAD0] =	vst v4;
	s2 =	sshll.u32 s10, $0x4  }
0x389: {  	s11 =	sshra.s32 s21, $0x2;
	v4 =	vld [tilespmem:s2+$0x12C0]  }
0x38a: {  	s5 =	smul.u32 $0x21, s5;
	[tilespmem:s11+$0xDAC0] =	vst v6  }
0x38b: {  	s31 =	smul.u32 $0x84, s10;
	v6 =	vld [tilespmem:s16+$0x76C0]  }
0x38c: {  	s7 =	sor.u32 $0x14, s7;
	s10 =	sor.u32 $0x5, s14;
	[tilespmem:s5+$0xDAC0] =	vst v5  }
0x38d: {  	s16 =	sshra.s32 s31, $0x2;
	v5 =	vld [tilespmem:s3+$0x76C0];
	s3 =	sshll.u32 s10, $0x4;
	[tilespmem:s7+$0xDAC0] =	vst v3  }
0x38e: {  	v3 =	vld [tilespmem:s3+$0x12C0];
	[tilespmem:s16+$0xDAC0] =	vst v4  }
0x38f: {  	s21 =	sor.u32 $0x3, s15;
	v4 =	vld [tilespmem:s2+$0x76C0]  }
0x390: {  	[tilespmem:s11+$0xDAD0] =	vst v6;
	s11 =	sshll.u32 s21, $0x4  }
0x391: {  	s31 =	sand.u32 $0xFFC0, s5;
	s5 =	sor.u32 $0x4, s12;
	s7 =	smul.u32 $0x21, s10;
	v6 =	vld [tilespmem:s11+$0x12C0]  }
0x392: {  	s2 =	sshll.u32 s5, $0x4;
	[tilespmem:s31+$0xDAD3] =	vst v5  }
0x393: {  	s10 =	sor.u32 $0x5, s4;
	s21 =	smul.u32 $0x84, s21;
	v5 =	vld [tilespmem:s2+$0x12C0];
	[tilespmem:s7+$0xDAC0] =	vst v3  }
0x394: {  	v3 =	vld [tilespmem:s3+$0x76C0];
	[tilespmem:s16+$0xDAD0] =	vst v4;
	s3 =	sshll.u32 s10, $0x4  }
0x395: {  	s16 =	sshra.s32 s21, $0x2;
	v4 =	vld [tilespmem:s3+$0x12C0]  }
0x396: {  	s5 =	smul.u32 $0x21, s5;
	[tilespmem:s16+$0xDAC0] =	vst v6  }
0x397: {  	s31 =	smul.u32 $0x84, s10;
	v6 =	vld [tilespmem:s11+$0x76C0]  }
0x398: {  	s7 =	sor.u32 $0x15, s7;
	s10 =	sor.u32 $0x6, s14;
	[tilespmem:s5+$0xDAC0] =	vst v5  }
0x399: {  	s11 =	sshra.s32 s31, $0x2;
	v5 =	vld [tilespmem:s2+$0x76C0];
	s2 =	sshll.u32 s10, $0x4;
	[tilespmem:s7+$0xDAC0] =	vst v3  }
0x39a: {  	v3 =	vld [tilespmem:s2+$0x12C0];
	[tilespmem:s11+$0xDAC0] =	vst v4  }
0x39b: {  	s21 =	sor.u32 $0x4, s15;
	v4 =	vld [tilespmem:s3+$0x76C0]  }
0x39c: {  	[tilespmem:s16+$0xDAD0] =	vst v6;
	s16 =	sshll.u32 s21, $0x4  }
0x39d: {  	s31 =	sor.u32 $0x14, s5;
	s5 =	sor.u32 $0x5, s12;
	s7 =	smul.u32 $0x21, s10;
	v6 =	vld [tilespmem:s16+$0x12C0]  }
0x39e: {  	s3 =	sshll.u32 s5, $0x4;
	[tilespmem:s31+$0xDAC0] =	vst v5  }
0x39f: {  	s10 =	sor.u32 $0x6, s4;
	s21 =	smul.u32 $0x84, s21;
	v5 =	vld [tilespmem:s3+$0x12C0];
	[tilespmem:s7+$0xDAC0] =	vst v3  }
0x3a0: {  	v3 =	vld [tilespmem:s2+$0x76C0];
	[tilespmem:s11+$0xDAD0] =	vst v4;
	s2 =	sshll.u32 s10, $0x4  }
0x3a1: {  	s11 =	sshra.s32 s21, $0x2;
	v4 =	vld [tilespmem:s2+$0x12C0]  }
0x3a2: {  	s5 =	smul.u32 $0x21, s5;
	[tilespmem:s11+$0xDAC0] =	vst v6  }
0x3a3: {  	s31 =	smul.u32 $0x84, s10;
	v6 =	vld [tilespmem:s16+$0x76C0]  }
0x3a4: {  	s7 =	sor.u32 $0x16, s7;
	s10 =	sor.u32 $0x7, s14;
	[tilespmem:s5+$0xDAC0] =	vst v5  }
0x3a5: {  	s16 =	sshra.s32 s31, $0x2;
	v5 =	vld [tilespmem:s3+$0x76C0];
	s3 =	sshll.u32 s10, $0x4;
	[tilespmem:s7+$0xDAC0] =	vst v3  }
0x3a6: {  	v3 =	vld [tilespmem:s3+$0x12C0];
	[tilespmem:s16+$0xDAC0] =	vst v4  }
0x3a7: {  	s21 =	sor.u32 $0x5, s15;
	v4 =	vld [tilespmem:s2+$0x76C0]  }
0x3a8: {  	[tilespmem:s11+$0xDAD0] =	vst v6;
	s11 =	sshll.u32 s21, $0x4  }
0x3a9: {  	s31 =	sand.u32 $0xFFC0, s5;
	s5 =	sor.u32 $0x6, s12;
	s7 =	smul.u32 $0x21, s10;
	v6 =	vld [tilespmem:s11+$0x12C0]  }
0x3aa: {  	s2 =	sshll.u32 s5, $0x4;
	[tilespmem:s31+$0xDAD5] =	vst v5  }
0x3ab: {  	s10 =	sor.u32 $0x7, s4;
	s21 =	smul.u32 $0x84, s21;
	v5 =	vld [tilespmem:s2+$0x12C0];
	[tilespmem:s7+$0xDAC0] =	vst v3  }
0x3ac: {  	v3 =	vld [tilespmem:s3+$0x76C0];
	[tilespmem:s16+$0xDAD0] =	vst v4;
	s3 =	sshll.u32 s10, $0x4  }
0x3ad: {  	s16 =	sshra.s32 s21, $0x2;
	v4 =	vld [tilespmem:s3+$0x12C0]  }
0x3ae: {  	s5 =	smul.u32 $0x21, s5;
	[tilespmem:s16+$0xDAC0] =	vst v6  }
0x3af: {  	s31 =	smul.u32 $0x84, s10;
	v6 =	vld [tilespmem:s11+$0x76C0]  }
0x3b0: {  	s7 =	sor.u32 $0x17, s7;
	s10 =	sor.u32 $0x8, s14;
	[tilespmem:s5+$0xDAC0] =	vst v5  }
0x3b1: {  	s11 =	sshra.s32 s31, $0x2;
	v5 =	vld [tilespmem:s2+$0x76C0];
	s2 =	sshll.u32 s10, $0x4;
	[tilespmem:s7+$0xDAC0] =	vst v3  }
0x3b2: {  	v3 =	vld [tilespmem:s2+$0x12C0];
	[tilespmem:s11+$0xDAC0] =	vst v4  }
0x3b3: {  	s21 =	sor.u32 $0x6, s15;
	v4 =	vld [tilespmem:s3+$0x76C0]  }
0x3b4: {  	s7 =	smul.u32 $0x84, s10;
	[tilespmem:s16+$0xDAD0] =	vst v6;
	s16 =	sshll.u32 s21, $0x4  }
0x3b5: {  	s31 =	sor.u32 $0x16, s5;
	s5 =	sor.u32 $0x7, s12;
	v6 =	vld [tilespmem:s16+$0x12C0]  }
0x3b6: {  	s3 =	sshll.u32 s5, $0x4;
	s7 =	sshra.s32 s7, $0x2;
	[tilespmem:s31+$0xDAC0] =	vst v5  }
0x3b7: {  	s10 =	sor.u32 $0x8, s4;
	s21 =	smul.u32 $0x84, s21;
	v5 =	vld [tilespmem:s3+$0x12C0];
	[tilespmem:s7+$0xDAC0] =	vst v3  }
0x3b8: {  	v3 =	vld [tilespmem:s2+$0x76C0];
	[tilespmem:s11+$0xDAD0] =	vst v4;
	s2 =	sshll.u32 s10, $0x4  }
0x3b9: {  	s11 =	sshra.s32 s21, $0x2;
	v4 =	vld [tilespmem:s2+$0x12C0]  }
0x3ba: {  	s5 =	smul.u32 $0x21, s5;
	[tilespmem:s11+$0xDAC0] =	vst v6  }
0x3bb: {  	s31 =	smul.u32 $0x84, s10;
	v6 =	vld [tilespmem:s16+$0x76C0]  }
0x3bc: {  	s10 =	sor.u32 $0x9, s14;
	[tilespmem:s5+$0xDAC0] =	vst v5  }
0x3bd: {  	s16 =	sshra.s32 s31, $0x2;
	v5 =	vld [tilespmem:s3+$0x76C0];
	[tilespmem:s7+$0xDAD0] =	vst v3;
	s7 =	sshll.u32 s10, $0x4  }
0x3be: {  	v3 =	vld [tilespmem:s7+$0x12C0];
	[tilespmem:s16+$0xDAC0] =	vst v4  }
0x3bf: {  	s21 =	sor.u32 $0x7, s15;
	v4 =	vld [tilespmem:s2+$0x76C0]  }
0x3c0: {  	[tilespmem:s11+$0xDAD0] =	vst v6;
	s11 =	sshll.u32 s21, $0x4  }
0x3c1: {  	s31 =	sand.u32 $0xFFC0, s5;
	s5 =	sor.u32 $0x8, s12;
	s3 =	smul.u32 $0x21, s10;
	v6 =	vld [tilespmem:s11+$0x12C0]  }
0x3c2: {  	s2 =	sshll.u32 s5, $0x4;
	[tilespmem:s31+$0xDAD7] =	vst v5  }
0x3c3: {  	s10 =	sor.u32 $0x9, s4;
	s21 =	smul.u32 $0x84, s21;
	v5 =	vld [tilespmem:s2+$0x12C0];
	[tilespmem:s3+$0xDAC0] =	vst v3  }
0x3c4: {  	v3 =	vld [tilespmem:s7+$0x76C0];
	[tilespmem:s16+$0xDAD0] =	vst v4;
	s7 =	sshll.u32 s10, $0x4  }
0x3c5: {  	s5 =	smul.u32 $0x84, s5;
	s16 =	sshra.s32 s21, $0x2;
	v4 =	vld [tilespmem:s7+$0x12C0]  }
0x3c6: {  	[tilespmem:s16+$0xDAC0] =	vst v6  }
0x3c7: {  	s5 =	sshra.s32 s5, $0x2;
	s21 =	smul.u32 $0x84, s10;
	v6 =	vld [tilespmem:s11+$0x76C0]  }
0x3c8: {  	s31 =	sor.u32 $0xA, s14;
	s10 =	sor.u32 $0x11, s3;
	[tilespmem:s5+$0xDAC0] =	vst v5  }
0x3c9: {  	s11 =	sshra.s32 s21, $0x2;
	v5 =	vld [tilespmem:s2+$0x76C0];
	s2 =	sshll.u32 s31, $0x4;
	[tilespmem:s10+$0xDAC0] =	vst v3  }
0x3ca: {  	v3 =	vld [tilespmem:s2+$0x12C0];
	[tilespmem:s11+$0xDAC0] =	vst v4  }
0x3cb: {  	s21 =	sor.u32 $0x8, s15;
	v4 =	vld [tilespmem:s7+$0x76C0]  }
0x3cc: {  	[tilespmem:s16+$0xDAD0] =	vst v6;
	s16 =	sshll.u32 s21, $0x4  }
0x3cd: {  	s3 =	smul.u32 $0x21, s31;
	s7 =	sor.u32 $0x9, s12;
	v6 =	vld [tilespmem:s16+$0x12C0]  }
0x3ce: {  	[tilespmem:s5+$0xDAD0] =	vst v5;
	s5 =	sshll.u32 s7, $0x4  }
0x3cf: {  	s10 =	sor.u32 $0xA, s4;
	s21 =	smul.u32 $0x84, s21;
	v5 =	vld [tilespmem:s5+$0x12C0];
	[tilespmem:s3+$0xDAC0] =	vst v3  }
0x3d0: {  	v3 =	vld [tilespmem:s2+$0x76C0];
	[tilespmem:s11+$0xDAD0] =	vst v4;
	s2 =	sshll.u32 s10, $0x4  }
0x3d1: {  	s11 =	sshra.s32 s21, $0x2;
	v4 =	vld [tilespmem:s2+$0x12C0]  }
0x3d2: {  	s7 =	smul.u32 $0x21, s7;
	[tilespmem:s11+$0xDAC0] =	vst v6  }
0x3d3: {  	s31 =	smul.u32 $0x84, s10;
	v6 =	vld [tilespmem:s16+$0x76C0]  }
0x3d4: {  	s3 =	sor.u32 $0x12, s3;
	s10 =	sor.u32 $0xB, s14;
	[tilespmem:s7+$0xDAC0] =	vst v5  }
0x3d5: {  	s16 =	sshra.s32 s31, $0x2;
	v5 =	vld [tilespmem:s5+$0x76C0];
	[tilespmem:s3+$0xDAC0] =	vst v3;
	s3 =	sshll.u32 s10, $0x4  }
0x3d6: {  	v3 =	vld [tilespmem:s3+$0x12C0];
	[tilespmem:s16+$0xDAC0] =	vst v4  }
0x3d7: {  	s21 =	sor.u32 $0x9, s15;
	v4 =	vld [tilespmem:s2+$0x76C0]  }
0x3d8: {  	[tilespmem:s11+$0xDAD0] =	vst v6;
	s11 =	sshll.u32 s21, $0x4  }
0x3d9: {  	s31 =	sand.u32 $0xFFC8, s7;
	s7 =	sor.u32 $0xA, s12;
	s5 =	smul.u32 $0x21, s10;
	v6 =	vld [tilespmem:s11+$0x12C0]  }
0x3da: {  	s2 =	sshll.u32 s7, $0x4;
	[tilespmem:s31+$0xDAD1] =	vst v5  }
0x3db: {  	s10 =	sor.u32 $0xB, s4;
	s21 =	smul.u32 $0x84, s21;
	v5 =	vld [tilespmem:s2+$0x12C0];
	[tilespmem:s5+$0xDAC0] =	vst v3  }
0x3dc: {  	v3 =	vld [tilespmem:s3+$0x76C0];
	[tilespmem:s16+$0xDAD0] =	vst v4;
	s3 =	sshll.u32 s10, $0x4  }
0x3dd: {  	s16 =	sshra.s32 s21, $0x2;
	v4 =	vld [tilespmem:s3+$0x12C0]  }
0x3de: {  	s7 =	smul.u32 $0x21, s7;
	[tilespmem:s16+$0xDAC0] =	vst v6  }
0x3df: {  	s31 =	smul.u32 $0x84, s10;
	v6 =	vld [tilespmem:s11+$0x76C0]  }
0x3e0: {  	s5 =	sor.u32 $0x13, s5;
	s10 =	sor.u32 $0xC, s14;
	[tilespmem:s7+$0xDAC0] =	vst v5  }
0x3e1: {  	s11 =	sshra.s32 s31, $0x2;
	v5 =	vld [tilespmem:s2+$0x76C0];
	s2 =	sshll.u32 s10, $0x4;
	[tilespmem:s5+$0xDAC0] =	vst v3  }
0x3e2: {  	v3 =	vld [tilespmem:s2+$0x12C0];
	[tilespmem:s11+$0xDAC0] =	vst v4  }
0x3e3: {  	s21 =	sor.u32 $0xA, s15;
	v4 =	vld [tilespmem:s3+$0x76C0]  }
0x3e4: {  	[tilespmem:s16+$0xDAD0] =	vst v6;
	s16 =	sshll.u32 s21, $0x4  }
0x3e5: {  	s31 =	sor.u32 $0x12, s7;
	s7 =	sor.u32 $0xB, s12;
	s5 =	smul.u32 $0x21, s10;
	v6 =	vld [tilespmem:s16+$0x12C0]  }
0x3e6: {  	s3 =	sshll.u32 s7, $0x4;
	[tilespmem:s31+$0xDAC0] =	vst v5  }
0x3e7: {  	s10 =	sor.u32 $0xC, s4;
	s21 =	smul.u32 $0x84, s21;
	v5 =	vld [tilespmem:s3+$0x12C0];
	[tilespmem:s5+$0xDAC0] =	vst v3  }
0x3e8: {  	v3 =	vld [tilespmem:s2+$0x76C0];
	[tilespmem:s11+$0xDAD0] =	vst v4;
	s2 =	sshll.u32 s10, $0x4  }
0x3e9: {  	s11 =	sshra.s32 s21, $0x2;
	v4 =	vld [tilespmem:s2+$0x12C0]  }
0x3ea: {  	s7 =	smul.u32 $0x21, s7;
	[tilespmem:s11+$0xDAC0] =	vst v6  }
0x3eb: {  	s31 =	smul.u32 $0x84, s10;
	v6 =	vld [tilespmem:s16+$0x76C0]  }
0x3ec: {  	s5 =	sor.u32 $0x14, s5;
	s10 =	sor.u32 $0xD, s14;
	[tilespmem:s7+$0xDAC0] =	vst v5  }
0x3ed: {  	s16 =	sshra.s32 s31, $0x2;
	v5 =	vld [tilespmem:s3+$0x76C0];
	s3 =	sshll.u32 s10, $0x4;
	[tilespmem:s5+$0xDAC0] =	vst v3  }
0x3ee: {  	v3 =	vld [tilespmem:s3+$0x12C0];
	[tilespmem:s16+$0xDAC0] =	vst v4  }
0x3ef: {  	s21 =	sor.u32 $0xB, s15;
	v4 =	vld [tilespmem:s2+$0x76C0]  }
0x3f0: {  	[tilespmem:s11+$0xDAD0] =	vst v6;
	s11 =	sshll.u32 s21, $0x4  }
0x3f1: {  	s31 =	sand.u32 $0xFFC8, s7;
	s7 =	sor.u32 $0xC, s12;
	s5 =	smul.u32 $0x21, s10;
	v6 =	vld [tilespmem:s11+$0x12C0]  }
0x3f2: {  	s2 =	sshll.u32 s7, $0x4;
	[tilespmem:s31+$0xDAD3] =	vst v5  }
0x3f3: {  	s10 =	sor.u32 $0xD, s4;
	s21 =	smul.u32 $0x84, s21;
	v5 =	vld [tilespmem:s2+$0x12C0];
	[tilespmem:s5+$0xDAC0] =	vst v3  }
0x3f4: {  	v3 =	vld [tilespmem:s3+$0x76C0];
	[tilespmem:s16+$0xDAD0] =	vst v4;
	s3 =	sshll.u32 s10, $0x4  }
0x3f5: {  	s16 =	sshra.s32 s21, $0x2;
	v4 =	vld [tilespmem:s3+$0x12C0]  }
0x3f6: {  	s7 =	smul.u32 $0x21, s7;
	[tilespmem:s16+$0xDAC0] =	vst v6  }
0x3f7: {  	s31 =	smul.u32 $0x84, s10;
	v6 =	vld [tilespmem:s11+$0x76C0]  }
0x3f8: {  	s5 =	sor.u32 $0x15, s5;
	s10 =	sor.u32 $0xE, s14;
	[tilespmem:s7+$0xDAC0] =	vst v5  }
0x3f9: {  	s11 =	sshra.s32 s31, $0x2;
	v5 =	vld [tilespmem:s2+$0x76C0];
	s2 =	sshll.u32 s10, $0x4;
	[tilespmem:s5+$0xDAC0] =	vst v3  }
0x3fa: {  	v3 =	vld [tilespmem:s2+$0x12C0];
	[tilespmem:s11+$0xDAC0] =	vst v4  }
0x3fb: {  	s21 =	sor.u32 $0xC, s15;
	v4 =	vld [tilespmem:s3+$0x76C0]  }
0x3fc: {  	[tilespmem:s16+$0xDAD0] =	vst v6;
	s16 =	sshll.u32 s21, $0x4  }
0x3fd: {  	s31 =	sor.u32 $0x14, s7;
	s7 =	sor.u32 $0xD, s12;
	s5 =	smul.u32 $0x21, s10;
	v6 =	vld [tilespmem:s16+$0x12C0]  }
0x3fe: {  	s3 =	sshll.u32 s7, $0x4;
	[tilespmem:s31+$0xDAC0] =	vst v5  }
0x3ff: {  	s10 =	sor.u32 $0xE, s4;
	s21 =	smul.u32 $0x84, s21;
	v5 =	vld [tilespmem:s3+$0x12C0];
	[tilespmem:s5+$0xDAC0] =	vst v3  }
0x400: {  	v3 =	vld [tilespmem:s2+$0x76C0];
	[tilespmem:s11+$0xDAD0] =	vst v4;
	s2 =	sshll.u32 s10, $0x4  }
0x401: {  	s11 =	sshra.s32 s21, $0x2;
	v4 =	vld [tilespmem:s2+$0x12C0]  }
0x402: {  	s7 =	smul.u32 $0x21, s7;
	[tilespmem:s11+$0xDAC0] =	vst v6  }
0x403: {  	s21 =	smul.u32 $0x84, s10;
	v6 =	vld [tilespmem:s16+$0x76C0]  }
0x404: {  	s31 =	sshllo.u32 s30, $0x4;
	s10 =	sor.u32 $0x16, s5;
	[tilespmem:s7+$0xDAC0] =	vst v5  }
0x405: {  	s16 =	sshra.s32 s21, $0x2;
	v5 =	vld [tilespmem:s3+$0x76C0];
	s3 =	sshll.u32 s31, $0x4;
	[tilespmem:s10+$0xDAC0] =	vst v3  }
0x406: {  	v3 =	vld [tilespmem:s3+$0x12C0];
	[tilespmem:s16+$0xDAC0] =	vst v4  }
0x407: {  	s21 =	sor.u32 $0xD, s15;
	v4 =	vld [tilespmem:s2+$0x76C0]  }
0x408: {  	s5 =	smul.u32 $0x21, s31;
	s31 =	sshll.u32 s21, $0x4;
	[tilespmem:s11+$0xDAD0] =	vst v6  }
0x409: {  	s7 =	sand.u32 $0xFFC8, s7;
	s10 =	sor.u32 $0xE, s12;
	v6 =	vld [tilespmem:s31+$0x12C0]  }
0x40a: {  	s2 =	sshll.u32 s10, $0x4;
	[tilespmem:s7+$0xDAD5] =	vst v5  }
0x40b: {  	s0 =	sshllo.u32 s0, $0x4;
	s21 =	smul.u32 $0x84, s21;
	v5 =	vld [tilespmem:s2+$0x12C0];
	[tilespmem:s5+$0xDAC0] =	vst v3  }
0x40c: {  	s7 =	smul.u32 $0x21, s10;
	s10 =	sshll.u32 s0, $0x4;
	v3 =	vld [tilespmem:s3+$0x76C0];
	[tilespmem:s16+$0xDAD0] =	vst v4  }
0x40d: {  	s16 =	sshra.s32 s21, $0x2;
	v4 =	vld [tilespmem:s10+$0x12C0]  }
0x40e: {  	[tilespmem:s16+$0xDAC0] =	vst v6  }
0x40f: {  	s0 =	smul.u32 $0x84, s0;
	v6 =	vld [tilespmem:s31+$0x76C0]  }
0x410: {  	[tilespmem:s7+$0xDAC0] =	vst v5;
	s31 =	sor.u32 $0x17, s5  }
0x411: {  	s0 =	sshra.s32 s0, $0x2;
	v5 =	vld [tilespmem:s2+$0x76C0];
	[tilespmem:s31+$0xDAC0] =	vst v3  }
0x412: {  	v7 =	vld [tilespmem:s14+$0xC80];
	[tilespmem:s0+$0xDAC0] =	vst v4  }
0x413: {  	v3 =	vld [tilespmem:s10+$0x76C0];
	s10 =	sor.u32 $0xE, s15  }
0x414: {  	[tilespmem:s16+$0xDAD0] =	vst v6;
	s11 =	sshll.u32 s10, $0x4  }
0x415: {  	v26 =	vld [tilespmem:s11+$0x12C0]  }
0x416: {  	s3 =	sor.u32 $0x16, s7;
	s5 =	sshllo.u32 s19, $0x4  }
0x417: {  	s7 =	sshll.u32 s5, $0x4;
	[tilespmem:s3+$0xDAC0] =	vst v5;
	s16 =	smul.u32 $0x84, s10  }
0x418: {  	v25 =	vld [tilespmem:s7+$0x12C0];
	[tilespmem:s0+$0xDAD0] =	vst v3;
	v3 =	vand.u32 $0x7FFFFFFF, v7  }
0x419: {  	s0 =	sshra.s32 s16, $0x2;
	v3 =	vadd.f32 $1.000000000e+00, v3;
	v27 =	vld [tilespmem:s4+$0xC80]  }
0x41a: {  	[tilespmem:s0+$0xDAC0] =	vst v26  }
0x41b: {  	s3 =	smul.u32 $0x21, s5;
	v8 =	vadd.s32 $0x4AFB0D, v3;
	v3 =	vld [tilespmem:s11+$0x76C0];
	_ =	sdelay $0x1  }
0x41c: {  	[tilespmem:s3+$0xDAC0] =	vst v25  }
0x41d: {  	v4 =	vld [tilespmem:s7+$0x76C0];
	v28 =	vand.u32 $0x7FFFFF, v8;
	v10 =	vand.u32 $0x7FFFFFFF, v27  }
0x41e: {  	s20 =	sshllo.u32 s20, $0x4;
	v5 =	vadd.s32 $0x3F3504F3, v28;
	v10 =	vadd.f32 $1.000000000e+00, v10  }
0x41f: {  	s21 =	sshll.u32 s20, $0x4;
	v9 =	vadd.f32 $1.000000000e+00, v5;
	[tilespmem:s0+$0xDAD0] =	vst v3  }
0x420: {  	v29 =	vadd.s32 $0x4AFB0D, v10;
	v31 =	vld [tilespmem:s21+$0x12C0]  }
0x421: {  	s19 =	sand.u32 $0xFFC8, s3;
	(erf) = vrcp.f32 v9;
	v3 =	vand.u32 $0x7FFFFF, v29  }
0x422: {  	s2 =	smul.u32 $0x84, s20;
	[tilespmem:s19+$0xDAD7] =	vst v4;
	v3 =	vadd.s32 $0x3F3504F3, v3  }
0x423: {  	v30 =	vld [tilespmem:s12+$0xC80];
	v11 =	vadd.f32 $1.000000000e+00, v3  }
0x424: {  	s2 =	sshra.s32 s2, $0x2  }
0x425: {  	(erf) = vrcp.f32 v11;
	[tilespmem:s2+$0xDAC0] =	vst v31  }
0x426: {  	v10 =	vld [tilespmem:s21+$0x76C0];
	_ =	sdelay $0x1  }
0x427: {  	v32 =	vand.u32 $0x7FFFFFFF, v30  }
0x428: {  	v5 =	vadd.f32 $-1.000000000e+00, v5;
	v11 =	vadd.f32 $1.000000000e+00, v32  }
0x429: {  	v12 =	vpop (erf)  }
0x42a: {  	v11 =	vadd.s32 $0x4AFB0D, v11;
	v5 =	vmul.f32 v12, v5;
	[tilespmem:s2+$0xDAD0] =	vst v10  }
0x42b: {  	v15 =	vadd.f32 $-1.000000000e+00, v3;
	v33 =	vand.u32 $0x7FFFFF, v11;
	v3 =	vld [tilespmem:s15+$0xC80]  }
0x42c: {  	v12 =	vadd.s32 $0x3F3504F3, v33;
	v13 =	vmul.f32 v5, v5  }
0x42d: {  	v34 =	vadd.f32 $1.000000000e+00, v12;
	v16 =	vpop (erf)  }
0x42e: {  	v14 =	vmul.f32 $1.111111120e-01, v13;
	v36 =	vmul.f32 v16, v15  }
0x42f: {  	(erf) = vrcp.f32 v34  }
0x430: {  	v35 =	vadd.f32 $1.428571490e-01, v14;
	v15 =	vmul.f32 v36, v36;
	v37 =	vand.u32 $0x7FFFFFFF, v3  }
0x431: {  	v48 =	vmov s14;
	v16 =	vadd.f32 $1.000000000e+00, v37  }
0x432: {  	v53 =	vmov s4;
	v10 =	vmul.f32 v35, v13;
	v17 =	vmul.f32 $1.111111120e-01, v15  }
0x433: {  	v56 =	vmov s12;
	v54 =	vmul.u32 $0x21, v53;
	v16 =	vadd.s32 $0x4AFB0D, v16  }
0x434: {  	v10 =	vadd.f32 $2.000000030e-01, v10;
	v17 =	vadd.f32 $1.428571490e-01, v17;
	v18 =	vand.u32 $0x7FFFFF, v16  }
0x435: {  	v58 =	vmov s15;
	vm0 =	vlt.f32 v7, $0.0e+00;
	v18 =	vadd.s32 $0x3F3504F3, v18  }
0x436: {  	v10 =	vmul.f32 v10, v13;
	v17 =	vmul.f32 v17, v15;
	v38 =	vadd.f32 $1.000000000e+00, v18  }
0x437: {  	vm1 =	vgt.f32 v7, $0.0e+00;
	v46 =	vand.u32 $0x80000000, v7;
	v12 =	vadd.f32 $-1.000000000e+00, v12  }
0x438: {  	v19 =	vpop (erf);
	v10 =	vadd.f32 $3.333333430e-01, v10;
	v39 =	vadd.f32 $2.000000030e-01, v17;
	(erf) = vrcp.f32 v38  }
0x439: {  	vm0 =	vmor vm1, vm0;
	v8 =	vshra.s32 v8, $0x17;
	v12 =	vmul.f32 v19, v12  }
0x43a: {  	v8 =	vadd.s32 $0xFFFFFF81, v8;
	v10 =	vmul.f32 v10, v13;
	v13 =	vmul.f32 v39, v15  }
0x43b: {  	v8 =	vcvt.s32.f32 v8;
	v4 =	vshra.s32 v29, $0x17;
	v40 =	vmul.f32 v12, v12  }
0x43c: {  	vm10 =	vlt.f32 v27, $0.0e+00;
	v4 =	vadd.s32 $0xFFFFFF81, v4;
	v13 =	vadd.f32 $3.333333430e-01, v13  }
0x43d: {  	vm11 =	vgt.f32 v27, $0.0e+00;
	v4 =	vcvt.s32.f32 v4;
	v41 =	vmul.f32 $1.111111120e-01, v40  }
0x43e: {  	v5 =	vadd.f32 v5, v5;
	v44 =	vadd.f32 v36, v36;
	v13 =	vmul.f32 v13, v15  }
0x43f: {  	v8 =	vmul.f32 $6.931471820e-01, v8;
	v10 =	vadd.f32 $1.000000000e+00, v10;
	v42 =	vadd.f32 $1.428571490e-01, v41  }
0x440: {  	v4 =	vmul.f32 $6.931471820e-01, v4;
	v45 =	vadd.f32 $-1.000000000e+00, v18;
	v13 =	vadd.f32 $1.000000000e+00, v13  }
0x441: {  	v52 =	vand.u32 $0x80000000, v27;
	v5 =	vmul.f32 v10, v5;
	v43 =	vmul.f32 v42, v40;
	v47 =	vpop (erf)  }
0x442: {  	v11 =	vshra.s32 v11, $0x17;
	v10 =	vmul.f32 v13, v44;
	v13 =	vmul.f32 v47, v45  }
0x443: {  	v11 =	vadd.s32 $0xFFFFFF81, v11;
	v5 =	vadd.f32 v5, v8;
	v8 =	vadd.f32 $2.000000030e-01, v43  }
0x444: {  	vm12 =	vlt.f32 v30, $0.0e+00;
	v11 =	vcvt.s32.f32 v11;
	v49 =	vmul.f32 v13, v13  }
0x445: {  	vm13 =	vgt.f32 v30, $0.0e+00;
	v14 =	vmul.u32 $0x21, v48;
	v8 =	vmul.f32 v8, v40  }
0x446: {  	v55 =	vand.u32 $0x80000000, v30;
	v11 =	vmul.f32 $6.931471820e-01, v11;
	v51 =	vmul.f32 $1.111111120e-01, v49  }
0x447: {  	v50 =	vbroadcast v14, $0x0;
	v59 =	vshra.s32 v16, $0x17;
	v8 =	vadd.f32 $3.333333430e-01, v8  }
0x448: {  	v14 =	vadd.s32 $0xFFFFFF81, v59;
	v4 =	vadd.f32 v10, v4;
	v10 =	vadd.f32 $1.428571490e-01, v51  }
0x449: {  	v61 =	vand.u32 $0x80000000, v3;
	v14 =	vcvt.s32.f32 v14;
	v15 =	vor.u32 v46, v0  }
0x44a: {  	v7 =	vsel vm0, v15, v7;
	v8 =	vmul.f32 v8, v40;
	v10 =	vmul.f32 v10, v49  }
0x44b: {  	v12 =	vadd.f32 v12, v12;
	v5 =	vmul.f32 v5, v7;
	v7 =	vadd.s32 v1, v50  }
0x44c: {  	v7 =	vand.u32 $0xFFFFFFF8, v7;
	v8 =	vadd.f32 $1.000000000e+00, v8;
	v10 =	vadd.f32 $2.000000030e-01, v10  }
0x44d: {  	v60 =	vmul.f32 $6.931471820e-01, v14;
	vm0 =	vmor vm11, vm10;
	v7 =	vor.u32 v2, v7  }
0x44e: {  	v8 =	vmul.f32 v8, v12;
	v12 =	vor.u32 v52, v0;
	v10 =	vmul.f32 v10, v49  }
0x44f: {  	v13 =	vadd.f32 v13, v13;
	v6 =	vsel vm0, v12, v27;
	v12 =	vmul.u32 $0x21, v56  }
0x450: {  	vm0 =	vmor vm13, vm12;
	v4 =	vmul.f32 v4, v6;
	v10 =	vadd.f32 $3.333333430e-01, v10  }
0x451: {  	v6 =	vbroadcast v54, $0x0;
	v57 =	vbroadcast v12, $0x0;
	v12 =	vmul.u32 $0x21, v58  }
0x452: {  	v8 =	vadd.f32 v8, v11;
	v11 =	vor.u32 v55, v0;
	v10 =	vmul.f32 v10, v49  }
0x453: {  	v9 =	vsel vm0, v11, v30;
	v6 =	vadd.s32 v1, v6;
	v12 =	vbroadcast v12, $0x0  }
0x454: {  	v6 =	vand.u32 $0xFFFFFFF8, v6;
	v11 =	vadd.s32 v1, v57;
	v10 =	vadd.f32 $1.000000000e+00, v10  }
0x455: {  	v6 =	vor.u32 v2, v6;
	v11 =	vand.u32 $0xFFFFFFF8, v11;
	v12 =	vadd.s32 v1, v12  }
0x456: {  	v11 =	vor.u32 v2, v11;
	v12 =	vand.u32 $0xFFFFFFF8, v12;
	v10 =	vmul.f32 v10, v13  }
0x457: {  	p0 =	slt.u32 s30, $0x2C;
	vm14 =	vlt.f32 v3, $0.0e+00;
	vm15 =	vgt.f32 v3, $0.0e+00;
	v12 =	vor.u32 v2, v12  }
.Ltmp4:
0x458: {  	v62 =	vor.u32 v61, v0;
	vm0 =	vmor vm15, vm14;
	v10 =	vadd.f32 v10, v60;
	(pc) =	sbr.rel @p0 .LBB2_9-.Ltmp4, $4  }
0x459: {  	[tilespmem:v7+s22+$0x0] =	vst.idx.msk $0xffff, v5;
	v63 =	vmul.f32 v8, v9;
	v3 =	vsel vm0, v62, v3  }
0x45a: {  	s31 =	sadd.s32 $0x4, s30;
	[tilespmem:v6+s22+$0x0] =	vst.idx.msk $0xffff, v4;
	v3 =	vmul.f32 v10, v3  }
0x45b: {  	s30 =	smov.u32 s31;
	s4 =	simm.s32 $0xA7B0;
	[tilespmem:v11+s22+$0x0] =	vst.idx.msk $0xffff, v63  }
0x45c: {  	s0 =	simm.s32 $0xF80;
	s12 =	simm.s32 $0x300;
	s2 =	simm.s32 $0x43B0;
	[tilespmem:v12+s22+$0x0] =	vst.idx.msk $0xffff, v3  }
.LBB2_10:
0x45d: {  	v3 =	vld [tilespmem:s2+$0xFFFFFF10];
	_ =	sdelay $0x3  }
0x45e: {  	s14 =	sshra.s32 s28, $0x2  }
0x45f: {  	[tilespmem:s14+$0x13DC0] =	vst v3  }
0x460: {  	v3 =	vld [tilespmem:s4+$0xFFFFFF10];
	_ =	sdelay $0x4  }
0x461: {  	[tilespmem:s14+$0x13DD0] =	vst v3  }
0x462: {  	v3 =	vld [tilespmem:s2+$0xFFFFFF20];
	_ =	sdelay $0x4  }
0x463: {  	[tilespmem:s14+$0x13DE1] =	vst v3  }
0x464: {  	v3 =	vld [tilespmem:s4+$0xFFFFFF20];
	_ =	sdelay $0x4  }
0x465: {  	[tilespmem:s14+$0x13DF1] =	vst v3  }
0x466: {  	v3 =	vld [tilespmem:s2+$0xFFFFFF30];
	_ =	sdelay $0x4  }
0x467: {  	[tilespmem:s14+$0x13E02] =	vst v3  }
0x468: {  	v3 =	vld [tilespmem:s4+$0xFFFFFF30];
	_ =	sdelay $0x4  }
0x469: {  	[tilespmem:s14+$0x13E12] =	vst v3  }
0x46a: {  	v3 =	vld [tilespmem:s2+$0xFFFFFF40];
	_ =	sdelay $0x4  }
0x46b: {  	[tilespmem:s14+$0x13E23] =	vst v3  }
0x46c: {  	v3 =	vld [tilespmem:s4+$0xFFFFFF40];
	_ =	sdelay $0x4  }
0x46d: {  	[tilespmem:s14+$0x13E33] =	vst v3  }
0x46e: {  	v3 =	vld [tilespmem:s2+$0xFFFFFF50];
	_ =	sdelay $0x4  }
0x46f: {  	[tilespmem:s14+$0x13E44] =	vst v3  }
0x470: {  	v3 =	vld [tilespmem:s4+$0xFFFFFF50];
	_ =	sdelay $0x4  }
0x471: {  	[tilespmem:s14+$0x13E54] =	vst v3  }
0x472: {  	v3 =	vld [tilespmem:s2+$0xFFFFFF60];
	_ =	sdelay $0x4  }
0x473: {  	[tilespmem:s14+$0x13E65] =	vst v3  }
0x474: {  	v3 =	vld [tilespmem:s4+$0xFFFFFF60];
	_ =	sdelay $0x4  }
0x475: {  	[tilespmem:s14+$0x13E75] =	vst v3  }
0x476: {  	v3 =	vld [tilespmem:s2+$0xFFFFFF70];
	_ =	sdelay $0x4  }
0x477: {  	[tilespmem:s14+$0x13E86] =	vst v3  }
0x478: {  	v3 =	vld [tilespmem:s4+$0xFFFFFF70];
	_ =	sdelay $0x4  }
0x479: {  	[tilespmem:s14+$0x13E96] =	vst v3  }
0x47a: {  	v3 =	vld [tilespmem:s2+$0xFFFFFF80];
	_ =	sdelay $0x4  }
0x47b: {  	[tilespmem:s14+$0x13EA7] =	vst v3  }
0x47c: {  	v3 =	vld [tilespmem:s4+$0xFFFFFF80];
	_ =	sdelay $0x4  }
0x47d: {  	[tilespmem:s14+$0x13EB7] =	vst v3  }
0x47e: {  	v3 =	vld [tilespmem:s2+$0xFFFFFF90];
	_ =	sdelay $0x4  }
0x47f: {  	[tilespmem:s14+$0x13EC8] =	vst v3  }
0x480: {  	v3 =	vld [tilespmem:s4+$0xFFFFFF90];
	_ =	sdelay $0x4  }
0x481: {  	[tilespmem:s14+$0x13ED8] =	vst v3  }
0x482: {  	v3 =	vld [tilespmem:s2+$0xFFFFFFA0];
	_ =	sdelay $0x4  }
0x483: {  	[tilespmem:s14+$0x13EE9] =	vst v3  }
0x484: {  	v3 =	vld [tilespmem:s4+$0xFFFFFFA0];
	_ =	sdelay $0x4  }
0x485: {  	[tilespmem:s14+$0x13EF9] =	vst v3  }
0x486: {  	v3 =	vld [tilespmem:s2+$0xFFFFFFB0];
	_ =	sdelay $0x4  }
0x487: {  	[tilespmem:s14+$0x13F0A] =	vst v3  }
0x488: {  	v3 =	vld [tilespmem:s4+$0xFFFFFFB0];
	_ =	sdelay $0x4  }
0x489: {  	[tilespmem:s14+$0x13F1A] =	vst v3  }
0x48a: {  	v3 =	vld [tilespmem:s2+$0xFFFFFFC0];
	_ =	sdelay $0x4  }
0x48b: {  	[tilespmem:s14+$0x13F2B] =	vst v3  }
0x48c: {  	v3 =	vld [tilespmem:s4+$0xFFFFFFC0];
	_ =	sdelay $0x4  }
0x48d: {  	[tilespmem:s14+$0x13F3B] =	vst v3  }
0x48e: {  	v3 =	vld [tilespmem:s2+$0xFFFFFFD0];
	_ =	sdelay $0x4  }
0x48f: {  	[tilespmem:s14+$0x13F4C] =	vst v3  }
0x490: {  	v3 =	vld [tilespmem:s4+$0xFFFFFFD0];
	_ =	sdelay $0x4  }
0x491: {  	[tilespmem:s14+$0x13F5C] =	vst v3  }
0x492: {  	v3 =	vld [tilespmem:s2+$0xFFFFFFE0];
	_ =	sdelay $0x4  }
0x493: {  	[tilespmem:s14+$0x13F6D] =	vst v3  }
0x494: {  	v3 =	vld [tilespmem:s4+$0xFFFFFFE0];
	_ =	sdelay $0x4  }
0x495: {  	[tilespmem:s14+$0x13F7D] =	vst v3  }
0x496: {  	v3 =	vld [tilespmem:s2+$0xFFFFFFF0];
	_ =	sdelay $0x4  }
0x497: {  	[tilespmem:s14+$0x13F8E] =	vst v3  }
0x498: {  	v3 =	vld [tilespmem:s4+$0xFFFFFFF0];
	_ =	sdelay $0x4  }
0x499: {  	[tilespmem:s14+$0x13F9E] =	vst v3  }
0x49a: {  	v3 =	vld [tilespmem:s2+$0x0];
	_ =	sdelay $0x4  }
0x49b: {  	[tilespmem:s14+$0x13FAF] =	vst v3  }
0x49c: {  	v3 =	vld [tilespmem:s4+$0x0];
	_ =	sdelay $0x4  }
0x49d: {  	[tilespmem:s14+$0x13FBF] =	vst v3  }
0x49e: {  	v3 =	vld [tilespmem:s0+$0x0];
	_ =	sdelay $0x4  }
0x49f: {  	v4 =	vand.u32 $0x7FFFFFFF, v3  }
0x4a0: {  	v4 =	vadd.f32 $1.000000000e+00, v4;
	_ =	sdelay $0x1  }
0x4a1: {  	v4 =	vadd.s32 $0x4AFB0D, v4  }
0x4a2: {  	v5 =	vand.u32 $0x7FFFFF, v4  }
0x4a3: {  	v5 =	vadd.s32 $0x3F3504F3, v5  }
0x4a4: {  	v6 =	vadd.f32 $1.000000000e+00, v5;
	_ =	sdelay $0x1  }
0x4a5: {  	(erf) = vrcp.f32 v6;
	_ =	sdelay $0x7  }
0x4a6: {  	v5 =	vadd.f32 $-1.000000000e+00, v5  }
0x4a7: {  	v6 =	vpop (erf)  }
0x4a8: {  	v5 =	vmul.f32 v6, v5;
	_ =	sdelay $0x1  }
0x4a9: {  	v6 =	vmul.f32 v5, v5;
	_ =	sdelay $0x1  }
0x4aa: {  	v7 =	vmul.f32 $1.111111120e-01, v6;
	_ =	sdelay $0x1  }
0x4ab: {  	v7 =	vadd.f32 $1.428571490e-01, v7;
	_ =	sdelay $0x1  }
0x4ac: {  	v7 =	vmul.f32 v7, v6;
	_ =	sdelay $0x1  }
0x4ad: {  	v7 =	vadd.f32 $2.000000030e-01, v7;
	_ =	sdelay $0x1  }
0x4ae: {  	v7 =	vmul.f32 v7, v6;
	_ =	sdelay $0x1  }
0x4af: {  	v8 =	vmov s12;
	v7 =	vadd.f32 $3.333333430e-01, v7  }
0x4b0: {  	v60 =	vmul.u32 $0x21, v8  }
0x4b1: {  	v4 =	vshra.s32 v4, $0x17;
	v6 =	vmul.f32 v7, v6  }
0x4b2: {  	v4 =	vadd.s32 $0xFFFFFF81, v4;
	v7 =	vbroadcast v60, $0x0  }
0x4b3: {  	v4 =	vcvt.s32.f32 v4;
	v5 =	vadd.f32 v5, v5;
	v6 =	vadd.f32 $1.000000000e+00, v6  }
0x4b4: {  	v62 =	vand.u32 $0x80000000, v3;
	v61 =	vadd.s32 v1, v7  }
0x4b5: {  	v4 =	vmul.f32 $6.931471820e-01, v4;
	v5 =	vmul.f32 v6, v5;
	v6 =	vand.u32 $0xFFFFFFF8, v61  }
0x4b6: {  	p0 =	sne.s32 s28, $0x840;
	vm0 =	vlt.f32 v3, $0.0e+00;
	vm1 =	vgt.f32 v3, $0.0e+00;
	v6 =	vor.u32 v2, v6  }
.Ltmp5:
0x4b7: {  	vm0 =	vmor vm1, vm0;
	v63 =	vor.u32 v62, v0;
	v4 =	vadd.f32 v5, v4;
	(pc) =	sbr.rel @p0 .LBB2_10-.Ltmp5, $4  }
0x4b8: {  	v3 =	vsel vm0, v63, v3  }
0x4b9: {  	v3 =	vmul.f32 v4, v3  }
0x4ba: {  	s12 =	sadd.s32 $0x10, s12;
	s28 =	sadd.s32 $0x840, s28  }
0x4bb: {  	s2 =	sadd.s32 $0x100, s2;
	s4 =	sadd.s32 $0x100, s4;
	s0 =	sadd.s32 $0x10, s0;
	[tilespmem:v6+s22+$0x0] =	vst.idx.msk $0xffff, v3  }
0x4bc: {  	s30 =	smul.u32 $0x640, s29  }
0x4bd: {  	s0 =	rddreg [dreg:$0xd]  }
0x4be: {  	s0 =	sadd.s32 s30, s0  }
0x4bf: {  	s2 =	rddreg [dreg:$0x0];
	s0 =	sshrl.u32 s0, $0x3  }
0x4c0: {  	s28 =	simm.s32 $0x0;
	s14 =	rddreg [dreg:$0x1];
	s2 =	sadd.s32 s2, s0  }
0x4c1: {  	[tilespmem:s28], [sflag:$0x1] =	stream.linear.gather [hbm4b:s2+s28], $0x320, $0x38;
	[tilespmem:$0x1A900] =	vst v63  }
0x4c2: {  	s4 =	simm.s32 $0x640;
	s15 =	rddreg [dreg:$0x6];
	s2 =	sadd.s32 s14, s0  }
0x4c3: {  	[tilespmem:s4], [sflag:$0x1] =	stream.linear.gather [hbm4b:s2+s28], $0x320, $0x38;
	[tilespmem:$0x1A900] =	vst v63  }
0x4c4: {  	s3 =	rddreg [dreg:$0x2];
	s2 =	sadd.s32 s15, s30  }
0x4c5: {  	s16 =	simm.s32 $0xC80;
	s0 =	sadd.s32 s3, s0;
	s2 =	smul.u32 $0x21, s2  }
0x4c6: {  	[tilespmem:s16], [sflag:$0x1] =	stream.linear.gather [hbm4b:s0+s28], $0x320, $0x38;
	[tilespmem:$0x1A900] =	vst v63  }
0x4c7: {  	s20 =	rddreg [dreg:$0x4];
	s19 =	sshrl.u32 s2, $0x3  }
0x4c8: {  	s0 =	sadd.s32 s20, s19  }
0x4c9: {  	[hbm4b:s0+s28] =	stream.linear.scatter [tilespmem:s22], [sflag:$0x5], $0x6720, $0x38;
	[tilespmem:$0x1A900] =	vst v63  }
0x4ca: {  	_ =	swait.ge [sflag:s23], $0x3200  }
0x4cb: {  	[sflag:s23] =	ssyncset.done $0x0  }
0x4cc: {  	[sflag:s23] =	ssyncadd.s32 $0xFFFFCE00  }
0x4cd: {  	_ =	swait.ge [sflag:s23], $0x3200  }
0x4ce: {  	[sflag:s23] =	ssyncset.done $0x0  }
0x4cf: {  	[sflag:s23] =	ssyncadd.s32 $0xFFFFCE00  }
0x4d0: {  	_ =	swait.ge [sflag:s13], $0x320  }
0x4d1: {  	[sflag:s13] =	ssyncset.done $0x0  }
0x4d2: {  	[sflag:s13] =	ssyncadd.s32 $0xFFFFFCE0  }
0x4d3: {  	_ =	swait.ge [sflag:s13], $0x320  }
0x4d4: {  	[sflag:s13] =	ssyncset.done $0x0  }
0x4d5: {  	[sflag:s13] =	ssyncadd.s32 $0xFFFFFCE0  }
0x4d6: {  	_ =	swait.ge [sflag:s13], $0x320  }
0x4d7: {  	[sflag:s13] =	ssyncset.done $0x0  }
0x4d8: {  	s21 =	simm.s32 $0x12C0;
	[sflag:s13] =	ssyncadd.s32 $0xFFFFFCE0  }
0x4d9: {  	[tilespmem:s21], [sflag:$0x3] =	stream.indirect.gather [hbm4b:s8+s1], $0x10, s28, s1, $0xb8;
	[tilespmem:$0x1A900] =	vst v63  }
0x4da: {  	s31 =	simm.s32 $0x76C0  }
0x4db: {  	[tilespmem:s31], [sflag:$0x3] =	stream.indirect.gather [hbm4b:s9+s1], $0x10, s4, s1, $0xb8;
	[tilespmem:$0x1A900] =	vst v63  }
0x4dc: {  	_ =	swait.ge [sflag:s26], $0x6720  }
0x4dd: {  	[sflag:s26] =	ssyncset.done $0x0  }
0x4de: {  	s4 =	simm.s32 $0x0;
	[sflag:s26] =	ssyncadd.s32 $0xFFFF98E0  }
.LBB2_12:
0x4df: {  	s0 =	sshll.u32 s4, $0x8  }
0x4e0: {  	v3 =	vld [tilespmem:s0+$0x44C0];
	_ =	sdelay $0x1  }
0x4e1: {  	s2 =	smul.u32 $0x840, s4;
	_ =	sdelay $0x1  }
0x4e2: {  	s3 =	sshra.s32 s2, $0x2  }
0x4e3: {  	s2 =	sor.u32 $0x1, s4;
	[tilespmem:s3+$0x141E0] =	vst v3  }
0x4e4: {  	s20 =	sshll.u32 s2, $0x8;
	v3 =	vld [tilespmem:s0+$0xA8C0]  }
0x4e5: {  	v4 =	vld [tilespmem:s20+$0x44C0];
	_ =	sdelay $0x1  }
0x4e6: {  	s15 =	sshll.u32 s4, $0x4;
	s5 =	smul.u32 $0x840, s2  }
0x4e7: {  	s7 =	sor.u32 $0x1, s15  }
0x4e8: {  	s21 =	sshll.u32 s7, $0x4;
	s5 =	sshra.s32 s5, $0x2;
	[tilespmem:s3+$0x141F0] =	vst v3  }
0x4e9: {  	[tilespmem:s5+$0x141E0] =	vst v4;
	v3 =	vld [tilespmem:s21+$0x44C0]  }
0x4ea: {  	v4 =	vld [tilespmem:s20+$0xA8C0];
	s20 =	sor.u32 $0x2, s4  }
0x4eb: {  	s31 =	sshll.u32 s20, $0x8  }
0x4ec: {  	s7 =	smul.u32 $0x21, s7;
	v5 =	vld [tilespmem:s31+$0x44C0]  }
0x4ed: {  	s12 =	sshll.u32 s2, $0x4  }
0x4ee: {  	s11 =	sor.u32 $0x1, s12;
	s14 =	smul.u32 $0x840, s20;
	[tilespmem:s7+$0x141E0] =	vst v3  }
0x4ef: {  	[tilespmem:s5+$0x141F0] =	vst v4;
	s5 =	sshll.u32 s11, $0x4;
	v3 =	vld [tilespmem:s21+$0xA8C0]  }
0x4f0: {  	s10 =	sshra.s32 s14, $0x2;
	v4 =	vld [tilespmem:s5+$0x44C0]  }
0x4f1: {  	[tilespmem:s10+$0x141E0] =	vst v5  }
0x4f2: {  	s11 =	smul.u32 $0x84, s11;
	v5 =	vld [tilespmem:s31+$0xA8C0]  }
0x4f3: {  	s19 =	sor.u32 $0x11, s7;
	s21 =	sor.u32 $0x2, s15  }
0x4f4: {  	s11 =	sshra.s32 s11, $0x2;
	s16 =	sshll.u32 s21, $0x4;
	[tilespmem:s19+$0x141E0] =	vst v3  }
0x4f5: {  	s0 =	sor.u32 $0x3, s4;
	s14 =	sshll.u32 s20, $0x4;
	[tilespmem:s11+$0x141E0] =	vst v4;
	v3 =	vld [tilespmem:s16+$0x44C0]  }
0x4f6: {  	s31 =	sor.u32 $0x1, s14;
	v4 =	vld [tilespmem:s5+$0xA8C0];
	s19 =	sshll.u32 s0, $0x8  }
0x4f7: {  	s3 =	smul.u32 $0x21, s31;
	[tilespmem:s10+$0x141F0] =	vst v5;
	s10 =	sshll.u32 s31, $0x4;
	v6 =	vld [tilespmem:s19+$0x44C0]  }
0x4f8: {  	s7 =	smul.u32 $0x21, s21;
	v5 =	vld [tilespmem:s10+$0x44C0]  }
0x4f9: {  	s31 =	smul.u32 $0x840, s0  }
0x4fa: {  	s21 =	sor.u32 $0x2, s12;
	[tilespmem:s7+$0x141E0] =	vst v3  }
0x4fb: {  	[tilespmem:s11+$0x141F0] =	vst v4;
	s11 =	sshll.u32 s21, $0x4;
	v3 =	vld [tilespmem:s16+$0xA8C0];
	s16 =	sshra.s32 s31, $0x2  }
0x4fc: {  	v4 =	vld [tilespmem:s11+$0x44C0];
	[tilespmem:s16+$0x141E0] =	vst v6  }
0x4fd: {  	[tilespmem:s3+$0x141E0] =	vst v5;
	v6 =	vld [tilespmem:s19+$0xA8C0]  }
0x4fe: {  	s21 =	smul.u32 $0x84, s21;
	v5 =	vld [tilespmem:s10+$0xA8C0]  }
0x4ff: {  	s7 =	sor.u32 $0x12, s7;
	s10 =	sor.u32 $0x3, s15  }
0x500: {  	s21 =	sshra.s32 s21, $0x2;
	s5 =	sshll.u32 s10, $0x4;
	s19 =	sshll.u32 s0, $0x4;
	[tilespmem:s7+$0x141E0] =	vst v3  }
0x501: {  	[tilespmem:s21+$0x141E0] =	vst v4;
	s31 =	sor.u32 $0x1, s19;
	v3 =	vld [tilespmem:s5+$0x44C0]  }
0x502: {  	s3 =	sand.u32 $0xFFC0, s3;
	v4 =	vld [tilespmem:s11+$0xA8C0];
	s11 =	sor.u32 $0x2, s14;
	[tilespmem:s16+$0x141F0] =	vst v6;
	s16 =	sshll.u32 s31, $0x4  }
0x503: {  	[tilespmem:s3+$0x141F1] =	vst v5;
	s3 =	sshll.u32 s11, $0x4;
	v6 =	vld [tilespmem:s16+$0x44C0]  }
0x504: {  	s7 =	smul.u32 $0x21, s10;
	v5 =	vld [tilespmem:s3+$0x44C0]  }
0x505: {  	s31 =	smul.u32 $0x84, s31  }
0x506: {  	s10 =	sor.u32 $0x3, s12;
	[tilespmem:s7+$0x141E0] =	vst v3  }
0x507: {  	s11 =	smul.u32 $0x21, s11;
	[tilespmem:s21+$0x141F0] =	vst v4;
	s21 =	sshra.s32 s31, $0x2;
	v3 =	vld [tilespmem:s5+$0xA8C0];
	s5 =	sshll.u32 s10, $0x4  }
0x508: {  	v4 =	vld [tilespmem:s5+$0x44C0];
	[tilespmem:s21+$0x141E0] =	vst v6  }
0x509: {  	[tilespmem:s11+$0x141E0] =	vst v5;
	v6 =	vld [tilespmem:s16+$0xA8C0]  }
0x50a: {  	v5 =	vld [tilespmem:s3+$0xA8C0];
	s10 =	smul.u32 $0x84, s10  }
0x50b: {  	s31 =	sor.u32 $0x13, s7;
	s7 =	sor.u32 $0x4, s15  }
0x50c: {  	s3 =	sshll.u32 s7, $0x4;
	s10 =	sshra.s32 s10, $0x2;
	[tilespmem:s31+$0x141E0] =	vst v3  }
0x50d: {  	s16 =	sor.u32 $0x2, s19;
	v3 =	vld [tilespmem:s3+$0x44C0];
	[tilespmem:s10+$0x141E0] =	vst v4  }
0x50e: {  	s31 =	sor.u32 $0x12, s11;
	s11 =	sor.u32 $0x3, s14;
	v4 =	vld [tilespmem:s5+$0xA8C0];
	[tilespmem:s21+$0x141F0] =	vst v6;
	s21 =	sshll.u32 s16, $0x4  }
0x50f: {  	[tilespmem:s31+$0x141E0] =	vst v5;
	s5 =	sshll.u32 s11, $0x4;
	v6 =	vld [tilespmem:s21+$0x44C0]  }
0x510: {  	s7 =	smul.u32 $0x21, s7;
	v5 =	vld [tilespmem:s5+$0x44C0]  }
0x511: {  	s16 =	smul.u32 $0x84, s16  }
0x512: {  	s31 =	sor.u32 $0x4, s12;
	[tilespmem:s7+$0x141E0] =	vst v3  }
0x513: {  	s11 =	smul.u32 $0x21, s11;
	v3 =	vld [tilespmem:s3+$0xA8C0];
	[tilespmem:s10+$0x141F0] =	vst v4;
	s3 =	sshll.u32 s31, $0x4;
	s10 =	sshra.s32 s16, $0x2  }
0x514: {  	v4 =	vld [tilespmem:s3+$0x44C0];
	[tilespmem:s10+$0x141E0] =	vst v6  }
0x515: {  	[tilespmem:s11+$0x141E0] =	vst v5;
	v6 =	vld [tilespmem:s21+$0xA8C0]  }
0x516: {  	s16 =	smul.u32 $0x84, s31;
	v5 =	vld [tilespmem:s5+$0xA8C0]  }
0x517: {  	s31 =	sor.u32 $0x14, s7;
	s7 =	sor.u32 $0x5, s15  }
0x518: {  	s5 =	sshll.u32 s7, $0x4;
	s16 =	sshra.s32 s16, $0x2;
	[tilespmem:s31+$0x141E0] =	vst v3  }
0x519: {  	s21 =	sor.u32 $0x3, s19;
	v3 =	vld [tilespmem:s5+$0x44C0];
	[tilespmem:s16+$0x141E0] =	vst v4  }
0x51a: {  	s31 =	sand.u32 $0xFFC0, s11;
	s11 =	sor.u32 $0x4, s14;
	v4 =	vld [tilespmem:s3+$0xA8C0];
	[tilespmem:s10+$0x141F0] =	vst v6;
	s10 =	sshll.u32 s21, $0x4  }
0x51b: {  	[tilespmem:s31+$0x141F3] =	vst v5;
	s3 =	sshll.u32 s11, $0x4;
	v6 =	vld [tilespmem:s10+$0x44C0]  }
0x51c: {  	s7 =	smul.u32 $0x21, s7;
	v5 =	vld [tilespmem:s3+$0x44C0]  }
0x51d: {  	s21 =	smul.u32 $0x84, s21  }
0x51e: {  	s31 =	sor.u32 $0x5, s12;
	[tilespmem:s7+$0x141E0] =	vst v3  }
0x51f: {  	s11 =	smul.u32 $0x21, s11;
	v3 =	vld [tilespmem:s5+$0xA8C0];
	[tilespmem:s16+$0x141F0] =	vst v4;
	s5 =	sshll.u32 s31, $0x4;
	s16 =	sshra.s32 s21, $0x2  }
0x520: {  	v4 =	vld [tilespmem:s5+$0x44C0];
	[tilespmem:s16+$0x141E0] =	vst v6  }
0x521: {  	[tilespmem:s11+$0x141E0] =	vst v5;
	v6 =	vld [tilespmem:s10+$0xA8C0]  }
0x522: {  	s21 =	smul.u32 $0x84, s31;
	v5 =	vld [tilespmem:s3+$0xA8C0]  }
0x523: {  	s31 =	sor.u32 $0x15, s7;
	s7 =	sor.u32 $0x6, s15  }
0x524: {  	s3 =	sshll.u32 s7, $0x4;
	s10 =	sshra.s32 s21, $0x2;
	[tilespmem:s31+$0x141E0] =	vst v3  }
0x525: {  	s21 =	sor.u32 $0x4, s19;
	v3 =	vld [tilespmem:s3+$0x44C0];
	[tilespmem:s10+$0x141E0] =	vst v4  }
0x526: {  	s31 =	sor.u32 $0x14, s11;
	s11 =	sor.u32 $0x5, s14;
	v4 =	vld [tilespmem:s5+$0xA8C0];
	[tilespmem:s16+$0x141F0] =	vst v6;
	s16 =	sshll.u32 s21, $0x4  }
0x527: {  	[tilespmem:s31+$0x141E0] =	vst v5;
	s5 =	sshll.u32 s11, $0x4;
	v6 =	vld [tilespmem:s16+$0x44C0]  }
0x528: {  	s7 =	smul.u32 $0x21, s7;
	v5 =	vld [tilespmem:s5+$0x44C0]  }
0x529: {  	s21 =	smul.u32 $0x84, s21  }
0x52a: {  	s31 =	sor.u32 $0x6, s12;
	[tilespmem:s7+$0x141E0] =	vst v3  }
0x52b: {  	s11 =	smul.u32 $0x21, s11;
	v3 =	vld [tilespmem:s3+$0xA8C0];
	[tilespmem:s10+$0x141F0] =	vst v4;
	s3 =	sshll.u32 s31, $0x4;
	s10 =	sshra.s32 s21, $0x2  }
0x52c: {  	v4 =	vld [tilespmem:s3+$0x44C0];
	[tilespmem:s10+$0x141E0] =	vst v6  }
0x52d: {  	[tilespmem:s11+$0x141E0] =	vst v5;
	v6 =	vld [tilespmem:s16+$0xA8C0]  }
0x52e: {  	s21 =	smul.u32 $0x84, s31;
	v5 =	vld [tilespmem:s5+$0xA8C0]  }
0x52f: {  	s31 =	sor.u32 $0x16, s7;
	s7 =	sor.u32 $0x7, s15  }
0x530: {  	s5 =	sshll.u32 s7, $0x4;
	s16 =	sshra.s32 s21, $0x2;
	[tilespmem:s31+$0x141E0] =	vst v3  }
0x531: {  	s21 =	sor.u32 $0x5, s19;
	v3 =	vld [tilespmem:s5+$0x44C0];
	[tilespmem:s16+$0x141E0] =	vst v4  }
0x532: {  	s31 =	sand.u32 $0xFFC0, s11;
	s11 =	sor.u32 $0x6, s14;
	v4 =	vld [tilespmem:s3+$0xA8C0];
	[tilespmem:s10+$0x141F0] =	vst v6;
	s10 =	sshll.u32 s21, $0x4  }
0x533: {  	[tilespmem:s31+$0x141F5] =	vst v5;
	s3 =	sshll.u32 s11, $0x4;
	v6 =	vld [tilespmem:s10+$0x44C0]  }
0x534: {  	s7 =	smul.u32 $0x21, s7;
	v5 =	vld [tilespmem:s3+$0x44C0]  }
0x535: {  	s21 =	smul.u32 $0x84, s21  }
0x536: {  	s31 =	sor.u32 $0x7, s12;
	[tilespmem:s7+$0x141E0] =	vst v3  }
0x537: {  	s11 =	smul.u32 $0x21, s11;
	v3 =	vld [tilespmem:s5+$0xA8C0];
	[tilespmem:s16+$0x141F0] =	vst v4;
	s5 =	sshll.u32 s31, $0x4;
	s16 =	sshra.s32 s21, $0x2  }
0x538: {  	v4 =	vld [tilespmem:s5+$0x44C0];
	[tilespmem:s16+$0x141E0] =	vst v6  }
0x539: {  	[tilespmem:s11+$0x141E0] =	vst v5;
	v6 =	vld [tilespmem:s10+$0xA8C0]  }
0x53a: {  	s21 =	smul.u32 $0x84, s31;
	v5 =	vld [tilespmem:s3+$0xA8C0]  }
0x53b: {  	s31 =	sor.u32 $0x17, s7;
	s7 =	sor.u32 $0x8, s15  }
0x53c: {  	s3 =	sshll.u32 s7, $0x4;
	s10 =	sshra.s32 s21, $0x2;
	[tilespmem:s31+$0x141E0] =	vst v3  }
0x53d: {  	s21 =	sor.u32 $0x6, s19;
	v3 =	vld [tilespmem:s3+$0x44C0];
	[tilespmem:s10+$0x141E0] =	vst v4  }
0x53e: {  	s31 =	sor.u32 $0x16, s11;
	s11 =	sor.u32 $0x7, s14;
	v4 =	vld [tilespmem:s5+$0xA8C0];
	[tilespmem:s16+$0x141F0] =	vst v6;
	s16 =	sshll.u32 s21, $0x4  }
0x53f: {  	s7 =	smul.u32 $0x84, s7;
	[tilespmem:s31+$0x141E0] =	vst v5;
	s5 =	sshll.u32 s11, $0x4;
	v6 =	vld [tilespmem:s16+$0x44C0]  }
0x540: {  	v5 =	vld [tilespmem:s5+$0x44C0]  }
0x541: {  	s7 =	sshra.s32 s7, $0x2;
	s21 =	smul.u32 $0x84, s21  }
0x542: {  	s31 =	sor.u32 $0x8, s12;
	[tilespmem:s7+$0x141E0] =	vst v3  }
0x543: {  	s11 =	smul.u32 $0x21, s11;
	v3 =	vld [tilespmem:s3+$0xA8C0];
	[tilespmem:s10+$0x141F0] =	vst v4;
	s3 =	sshll.u32 s31, $0x4;
	s10 =	sshra.s32 s21, $0x2  }
0x544: {  	v4 =	vld [tilespmem:s3+$0x44C0];
	[tilespmem:s10+$0x141E0] =	vst v6  }
0x545: {  	[tilespmem:s11+$0x141E0] =	vst v5;
	v6 =	vld [tilespmem:s16+$0xA8C0]  }
0x546: {  	s31 =	smul.u32 $0x84, s31;
	v5 =	vld [tilespmem:s5+$0xA8C0]  }
0x547: {  	s5 =	sor.u32 $0x9, s15  }
0x548: {  	s16 =	sshra.s32 s31, $0x2;
	[tilespmem:s7+$0x141F0] =	vst v3;
	s7 =	sshll.u32 s5, $0x4  }
0x549: {  	s21 =	sor.u32 $0x7, s19;
	v3 =	vld [tilespmem:s7+$0x44C0];
	[tilespmem:s16+$0x141E0] =	vst v4  }
0x54a: {  	s31 =	sand.u32 $0xFFC0, s11;
	s11 =	sor.u32 $0x8, s14;
	v4 =	vld [tilespmem:s3+$0xA8C0];
	[tilespmem:s10+$0x141F0] =	vst v6;
	s10 =	sshll.u32 s21, $0x4  }
0x54b: {  	[tilespmem:s31+$0x141F7] =	vst v5;
	s3 =	sshll.u32 s11, $0x4;
	v6 =	vld [tilespmem:s10+$0x44C0]  }
0x54c: {  	s5 =	smul.u32 $0x21, s5;
	v5 =	vld [tilespmem:s3+$0x44C0]  }
0x54d: {  	s21 =	smul.u32 $0x84, s21  }
0x54e: {  	s31 =	sor.u32 $0x9, s12;
	s11 =	smul.u32 $0x84, s11;
	[tilespmem:s5+$0x141E0] =	vst v3  }
0x54f: {  	v3 =	vld [tilespmem:s7+$0xA8C0];
	[tilespmem:s16+$0x141F0] =	vst v4;
	s7 =	sshll.u32 s31, $0x4;
	s16 =	sshra.s32 s21, $0x2  }
0x550: {  	s11 =	sshra.s32 s11, $0x2;
	v4 =	vld [tilespmem:s7+$0x44C0];
	[tilespmem:s16+$0x141E0] =	vst v6  }
0x551: {  	[tilespmem:s11+$0x141E0] =	vst v5;
	v6 =	vld [tilespmem:s10+$0xA8C0]  }
0x552: {  	s21 =	smul.u32 $0x84, s31;
	v5 =	vld [tilespmem:s3+$0xA8C0]  }
0x553: {  	s5 =	sor.u32 $0x11, s5;
	s31 =	sor.u32 $0xA, s15  }
0x554: {  	s3 =	sshll.u32 s31, $0x4;
	s10 =	sshra.s32 s21, $0x2;
	[tilespmem:s5+$0x141E0] =	vst v3  }
0x555: {  	s21 =	sor.u32 $0x8, s19;
	v3 =	vld [tilespmem:s3+$0x44C0];
	[tilespmem:s10+$0x141E0] =	vst v4  }
0x556: {  	v4 =	vld [tilespmem:s7+$0xA8C0];
	s7 =	sor.u32 $0x9, s14;
	[tilespmem:s16+$0x141F0] =	vst v6;
	s16 =	sshll.u32 s21, $0x4  }
0x557: {  	[tilespmem:s11+$0x141F0] =	vst v5;
	s11 =	sshll.u32 s7, $0x4;
	v6 =	vld [tilespmem:s16+$0x44C0]  }
0x558: {  	s5 =	smul.u32 $0x21, s31;
	v5 =	vld [tilespmem:s11+$0x44C0]  }
0x559: {  	s21 =	smul.u32 $0x84, s21  }
0x55a: {  	s31 =	sor.u32 $0xA, s12;
	[tilespmem:s5+$0x141E0] =	vst v3  }
0x55b: {  	s7 =	smul.u32 $0x21, s7;
	v3 =	vld [tilespmem:s3+$0xA8C0];
	[tilespmem:s10+$0x141F0] =	vst v4;
	s3 =	sshll.u32 s31, $0x4;
	s10 =	sshra.s32 s21, $0x2  }
0x55c: {  	v4 =	vld [tilespmem:s3+$0x44C0];
	[tilespmem:s10+$0x141E0] =	vst v6  }
0x55d: {  	[tilespmem:s7+$0x141E0] =	vst v5;
	v6 =	vld [tilespmem:s16+$0xA8C0]  }
0x55e: {  	s31 =	smul.u32 $0x84, s31;
	v5 =	vld [tilespmem:s11+$0xA8C0]  }
0x55f: {  	s5 =	sor.u32 $0x12, s5;
	s11 =	sor.u32 $0xB, s15  }
0x560: {  	s16 =	sshra.s32 s31, $0x2;
	[tilespmem:s5+$0x141E0] =	vst v3;
	s5 =	sshll.u32 s11, $0x4  }
0x561: {  	s21 =	sor.u32 $0x9, s19;
	v3 =	vld [tilespmem:s5+$0x44C0];
	[tilespmem:s16+$0x141E0] =	vst v4  }
0x562: {  	s31 =	sand.u32 $0xFFC8, s7;
	s7 =	sor.u32 $0xA, s14;
	v4 =	vld [tilespmem:s3+$0xA8C0];
	[tilespmem:s10+$0x141F0] =	vst v6;
	s10 =	sshll.u32 s21, $0x4  }
0x563: {  	s3 =	sshll.u32 s7, $0x4;
	[tilespmem:s31+$0x141F1] =	vst v5;
	v6 =	vld [tilespmem:s10+$0x44C0]  }
0x564: {  	s11 =	smul.u32 $0x21, s11;
	v5 =	vld [tilespmem:s3+$0x44C0]  }
0x565: {  	s21 =	smul.u32 $0x84, s21  }
0x566: {  	s31 =	sor.u32 $0xB, s12;
	[tilespmem:s11+$0x141E0] =	vst v3  }
0x567: {  	s7 =	smul.u32 $0x21, s7;
	v3 =	vld [tilespmem:s5+$0xA8C0];
	[tilespmem:s16+$0x141F0] =	vst v4;
	s5 =	sshll.u32 s31, $0x4;
	s16 =	sshra.s32 s21, $0x2  }
0x568: {  	v4 =	vld [tilespmem:s5+$0x44C0];
	[tilespmem:s16+$0x141E0] =	vst v6  }
0x569: {  	[tilespmem:s7+$0x141E0] =	vst v5;
	v6 =	vld [tilespmem:s10+$0xA8C0]  }
0x56a: {  	s21 =	smul.u32 $0x84, s31;
	v5 =	vld [tilespmem:s3+$0xA8C0]  }
0x56b: {  	s31 =	sor.u32 $0x13, s11;
	s11 =	sor.u32 $0xC, s15  }
0x56c: {  	s10 =	sshra.s32 s21, $0x2;
	s3 =	sshll.u32 s11, $0x4;
	[tilespmem:s31+$0x141E0] =	vst v3  }
0x56d: {  	s21 =	sor.u32 $0xA, s19;
	v3 =	vld [tilespmem:s3+$0x44C0];
	[tilespmem:s10+$0x141E0] =	vst v4  }
0x56e: {  	s31 =	sor.u32 $0x12, s7;
	s7 =	sor.u32 $0xB, s14;
	v4 =	vld [tilespmem:s5+$0xA8C0];
	[tilespmem:s16+$0x141F0] =	vst v6;
	s16 =	sshll.u32 s21, $0x4  }
0x56f: {  	s5 =	sshll.u32 s7, $0x4;
	[tilespmem:s31+$0x141E0] =	vst v5;
	v6 =	vld [tilespmem:s16+$0x44C0]  }
0x570: {  	s11 =	smul.u32 $0x21, s11;
	v5 =	vld [tilespmem:s5+$0x44C0]  }
0x571: {  	s21 =	smul.u32 $0x84, s21  }
0x572: {  	s31 =	sor.u32 $0xC, s12;
	[tilespmem:s11+$0x141E0] =	vst v3  }
0x573: {  	s7 =	smul.u32 $0x21, s7;
	v3 =	vld [tilespmem:s3+$0xA8C0];
	[tilespmem:s10+$0x141F0] =	vst v4;
	s3 =	sshll.u32 s31, $0x4;
	s10 =	sshra.s32 s21, $0x2  }
0x574: {  	v4 =	vld [tilespmem:s3+$0x44C0];
	[tilespmem:s10+$0x141E0] =	vst v6  }
0x575: {  	[tilespmem:s7+$0x141E0] =	vst v5;
	v6 =	vld [tilespmem:s16+$0xA8C0]  }
0x576: {  	s21 =	smul.u32 $0x84, s31;
	v5 =	vld [tilespmem:s5+$0xA8C0]  }
0x577: {  	s31 =	sor.u32 $0x14, s11;
	s11 =	sor.u32 $0xD, s15  }
0x578: {  	s16 =	sshra.s32 s21, $0x2;
	s5 =	sshll.u32 s11, $0x4;
	[tilespmem:s31+$0x141E0] =	vst v3  }
0x579: {  	s21 =	sor.u32 $0xB, s19;
	v3 =	vld [tilespmem:s5+$0x44C0];
	[tilespmem:s16+$0x141E0] =	vst v4  }
0x57a: {  	s31 =	sand.u32 $0xFFC8, s7;
	s7 =	sor.u32 $0xC, s14;
	v4 =	vld [tilespmem:s3+$0xA8C0];
	[tilespmem:s10+$0x141F0] =	vst v6;
	s10 =	sshll.u32 s21, $0x4  }
0x57b: {  	s3 =	sshll.u32 s7, $0x4;
	[tilespmem:s31+$0x141F3] =	vst v5;
	v6 =	vld [tilespmem:s10+$0x44C0]  }
0x57c: {  	s11 =	smul.u32 $0x21, s11;
	v5 =	vld [tilespmem:s3+$0x44C0]  }
0x57d: {  	s21 =	smul.u32 $0x84, s21  }
0x57e: {  	s31 =	sor.u32 $0xD, s12;
	[tilespmem:s11+$0x141E0] =	vst v3  }
0x57f: {  	s7 =	smul.u32 $0x21, s7;
	v3 =	vld [tilespmem:s5+$0xA8C0];
	[tilespmem:s16+$0x141F0] =	vst v4;
	s5 =	sshll.u32 s31, $0x4;
	s16 =	sshra.s32 s21, $0x2  }
0x580: {  	v4 =	vld [tilespmem:s5+$0x44C0];
	[tilespmem:s16+$0x141E0] =	vst v6  }
0x581: {  	[tilespmem:s7+$0x141E0] =	vst v5;
	v6 =	vld [tilespmem:s10+$0xA8C0]  }
0x582: {  	s21 =	smul.u32 $0x84, s31;
	v5 =	vld [tilespmem:s3+$0xA8C0]  }
0x583: {  	s31 =	sor.u32 $0x15, s11;
	s11 =	sor.u32 $0xE, s15  }
0x584: {  	s10 =	sshra.s32 s21, $0x2;
	s3 =	sshll.u32 s11, $0x4;
	[tilespmem:s31+$0x141E0] =	vst v3  }
0x585: {  	s21 =	sor.u32 $0xC, s19;
	v3 =	vld [tilespmem:s3+$0x44C0];
	[tilespmem:s10+$0x141E0] =	vst v4  }
0x586: {  	s31 =	sor.u32 $0x14, s7;
	s7 =	sor.u32 $0xD, s14;
	v4 =	vld [tilespmem:s5+$0xA8C0];
	[tilespmem:s16+$0x141F0] =	vst v6;
	s16 =	sshll.u32 s21, $0x4  }
0x587: {  	s5 =	sshll.u32 s7, $0x4;
	[tilespmem:s31+$0x141E0] =	vst v5;
	v6 =	vld [tilespmem:s16+$0x44C0]  }
0x588: {  	s11 =	smul.u32 $0x21, s11;
	v5 =	vld [tilespmem:s5+$0x44C0]  }
0x589: {  	s21 =	smul.u32 $0x84, s21  }
0x58a: {  	s31 =	sor.u32 $0xE, s12;
	[tilespmem:s11+$0x141E0] =	vst v3  }
0x58b: {  	s7 =	smul.u32 $0x21, s7;
	v3 =	vld [tilespmem:s3+$0xA8C0];
	[tilespmem:s10+$0x141F0] =	vst v4;
	s3 =	sshll.u32 s31, $0x4;
	s10 =	sshra.s32 s21, $0x2  }
0x58c: {  	v4 =	vld [tilespmem:s3+$0x44C0];
	[tilespmem:s10+$0x141E0] =	vst v6  }
0x58d: {  	[tilespmem:s7+$0x141E0] =	vst v5;
	v6 =	vld [tilespmem:s16+$0xA8C0]  }
0x58e: {  	s21 =	smul.u32 $0x84, s31;
	v5 =	vld [tilespmem:s5+$0xA8C0]  }
0x58f: {  	s31 =	sor.u32 $0x16, s11;
	s11 =	sshllo.u32 s4, $0x4  }
0x590: {  	s16 =	sshra.s32 s21, $0x2;
	s5 =	sshll.u32 s11, $0x4;
	[tilespmem:s31+$0x141E0] =	vst v3  }
0x591: {  	s31 =	sor.u32 $0xD, s19;
	v3 =	vld [tilespmem:s5+$0x44C0];
	[tilespmem:s16+$0x141E0] =	vst v4  }
0x592: {  	s7 =	sand.u32 $0xFFC8, s7;
	s21 =	sor.u32 $0xE, s14;
	v4 =	vld [tilespmem:s3+$0xA8C0];
	[tilespmem:s10+$0x141F0] =	vst v6;
	s10 =	sshll.u32 s31, $0x4  }
0x593: {  	s3 =	sshll.u32 s21, $0x4;
	[tilespmem:s7+$0x141F5] =	vst v5;
	v6 =	vld [tilespmem:s10+$0x44C0]  }
0x594: {  	s11 =	smul.u32 $0x21, s11;
	v5 =	vld [tilespmem:s3+$0x44C0]  }
0x595: {  	s31 =	smul.u32 $0x84, s31  }
0x596: {  	s2 =	sshllo.u32 s2, $0x4;
	[tilespmem:s11+$0x141E0] =	vst v3  }
0x597: {  	s7 =	smul.u32 $0x21, s21;
	v3 =	vld [tilespmem:s5+$0xA8C0];
	[tilespmem:s16+$0x141F0] =	vst v4;
	s5 =	sshll.u32 s2, $0x4;
	s16 =	sshra.s32 s31, $0x2  }
0x598: {  	v4 =	vld [tilespmem:s5+$0x44C0];
	[tilespmem:s16+$0x141E0] =	vst v6  }
0x599: {  	[tilespmem:s7+$0x141E0] =	vst v5;
	v6 =	vld [tilespmem:s10+$0xA8C0]  }
0x59a: {  	s2 =	smul.u32 $0x84, s2;
	v5 =	vld [tilespmem:s3+$0xA8C0]  }
0x59b: {  	s10 =	sor.u32 $0x17, s11  }
0x59c: {  	s2 =	sshra.s32 s2, $0x2;
	[tilespmem:s10+$0x141E0] =	vst v3  }
0x59d: {  	v7 =	vld [tilespmem:s15+$0xFA0];
	[tilespmem:s2+$0x141E0] =	vst v4  }
0x59e: {  	s11 =	sor.u32 $0x16, s7;
	s10 =	sor.u32 $0xE, s19;
	v3 =	vld [tilespmem:s5+$0xA8C0];
	[tilespmem:s16+$0x141F0] =	vst v6  }
0x59f: {  	[tilespmem:s11+$0x141E0] =	vst v5;
	s11 =	sshll.u32 s10, $0x4  }
0x5a0: {  	v26 =	vld [tilespmem:s11+$0x44C0]  }
0x5a1: {  	s21 =	sshllo.u32 s20, $0x4  }
0x5a2: {  	s31 =	sshll.u32 s21, $0x4;
	s16 =	smul.u32 $0x84, s10  }
0x5a3: {  	v25 =	vld [tilespmem:s31+$0x44C0];
	[tilespmem:s2+$0x141F0] =	vst v3;
	v3 =	vand.u32 $0x7FFFFFFF, v7  }
0x5a4: {  	s2 =	sshra.s32 s16, $0x2;
	v3 =	vadd.f32 $1.000000000e+00, v3;
	v27 =	vld [tilespmem:s12+$0xFA0]  }
0x5a5: {  	[tilespmem:s2+$0x141E0] =	vst v26  }
0x5a6: {  	s5 =	smul.u32 $0x21, s21;
	v8 =	vadd.s32 $0x4AFB0D, v3;
	v3 =	vld [tilespmem:s11+$0xA8C0];
	_ =	sdelay $0x1  }
0x5a7: {  	[tilespmem:s5+$0x141E0] =	vst v25  }
0x5a8: {  	v4 =	vld [tilespmem:s31+$0xA8C0];
	v28 =	vand.u32 $0x7FFFFF, v8;
	v10 =	vand.u32 $0x7FFFFFFF, v27  }
0x5a9: {  	s0 =	sshllo.u32 s0, $0x4;
	v5 =	vadd.s32 $0x3F3504F3, v28;
	v10 =	vadd.f32 $1.000000000e+00, v10  }
0x5aa: {  	s21 =	sshll.u32 s0, $0x4;
	v9 =	vadd.f32 $1.000000000e+00, v5;
	[tilespmem:s2+$0x141F0] =	vst v3  }
0x5ab: {  	v29 =	vadd.s32 $0x4AFB0D, v10;
	v31 =	vld [tilespmem:s21+$0x44C0]  }
0x5ac: {  	s20 =	sand.u32 $0xFFC8, s5;
	(erf) = vrcp.f32 v9;
	v3 =	vand.u32 $0x7FFFFF, v29  }
0x5ad: {  	s0 =	smul.u32 $0x84, s0;
	[tilespmem:s20+$0x141F7] =	vst v4;
	v3 =	vadd.s32 $0x3F3504F3, v3  }
0x5ae: {  	v30 =	vld [tilespmem:s14+$0xFA0];
	v11 =	vadd.f32 $1.000000000e+00, v3  }
0x5af: {  	s0 =	sshra.s32 s0, $0x2  }
0x5b0: {  	(erf) = vrcp.f32 v11;
	[tilespmem:s0+$0x141E0] =	vst v31  }
0x5b1: {  	v10 =	vld [tilespmem:s21+$0xA8C0];
	_ =	sdelay $0x1  }
0x5b2: {  	v32 =	vand.u32 $0x7FFFFFFF, v30  }
0x5b3: {  	v5 =	vadd.f32 $-1.000000000e+00, v5;
	v11 =	vadd.f32 $1.000000000e+00, v32  }
0x5b4: {  	v12 =	vpop (erf)  }
0x5b5: {  	v11 =	vadd.s32 $0x4AFB0D, v11;
	v5 =	vmul.f32 v12, v5;
	[tilespmem:s0+$0x141F0] =	vst v10  }
0x5b6: {  	v15 =	vadd.f32 $-1.000000000e+00, v3;
	v33 =	vand.u32 $0x7FFFFF, v11;
	v3 =	vld [tilespmem:s19+$0xFA0]  }
0x5b7: {  	v12 =	vadd.s32 $0x3F3504F3, v33;
	v13 =	vmul.f32 v5, v5  }
0x5b8: {  	v34 =	vadd.f32 $1.000000000e+00, v12;
	v16 =	vpop (erf)  }
0x5b9: {  	v14 =	vmul.f32 $1.111111120e-01, v13;
	v36 =	vmul.f32 v16, v15  }
0x5ba: {  	(erf) = vrcp.f32 v34  }
0x5bb: {  	v35 =	vadd.f32 $1.428571490e-01, v14;
	v15 =	vmul.f32 v36, v36;
	v37 =	vand.u32 $0x7FFFFFFF, v3  }
0x5bc: {  	v48 =	vmov s15;
	v16 =	vadd.f32 $1.000000000e+00, v37  }
0x5bd: {  	v53 =	vmov s12;
	v10 =	vmul.f32 v35, v13;
	v17 =	vmul.f32 $1.111111120e-01, v15  }
0x5be: {  	v54 =	vmul.u32 $0x21, v53;
	v56 =	vmov s14;
	v16 =	vadd.s32 $0x4AFB0D, v16  }
0x5bf: {  	v10 =	vadd.f32 $2.000000030e-01, v10;
	v17 =	vadd.f32 $1.428571490e-01, v17;
	v18 =	vand.u32 $0x7FFFFF, v16  }
0x5c0: {  	v58 =	vmov s19;
	vm0 =	vlt.f32 v7, $0.0e+00;
	v18 =	vadd.s32 $0x3F3504F3, v18  }
0x5c1: {  	v10 =	vmul.f32 v10, v13;
	v17 =	vmul.f32 v17, v15;
	v38 =	vadd.f32 $1.000000000e+00, v18  }
0x5c2: {  	vm1 =	vgt.f32 v7, $0.0e+00;
	v46 =	vand.u32 $0x80000000, v7;
	v12 =	vadd.f32 $-1.000000000e+00, v12  }
0x5c3: {  	v19 =	vpop (erf);
	v10 =	vadd.f32 $3.333333430e-01, v10;
	v39 =	vadd.f32 $2.000000030e-01, v17;
	(erf) = vrcp.f32 v38  }
0x5c4: {  	vm0 =	vmor vm1, vm0;
	v8 =	vshra.s32 v8, $0x17;
	v12 =	vmul.f32 v19, v12  }
0x5c5: {  	v8 =	vadd.s32 $0xFFFFFF81, v8;
	v10 =	vmul.f32 v10, v13;
	v13 =	vmul.f32 v39, v15  }
0x5c6: {  	v8 =	vcvt.s32.f32 v8;
	v4 =	vshra.s32 v29, $0x17;
	v40 =	vmul.f32 v12, v12  }
0x5c7: {  	vm10 =	vlt.f32 v27, $0.0e+00;
	v4 =	vadd.s32 $0xFFFFFF81, v4;
	v13 =	vadd.f32 $3.333333430e-01, v13  }
0x5c8: {  	vm11 =	vgt.f32 v27, $0.0e+00;
	v4 =	vcvt.s32.f32 v4;
	v41 =	vmul.f32 $1.111111120e-01, v40  }
0x5c9: {  	v5 =	vadd.f32 v5, v5;
	v44 =	vadd.f32 v36, v36;
	v13 =	vmul.f32 v13, v15  }
0x5ca: {  	v8 =	vmul.f32 $6.931471820e-01, v8;
	v10 =	vadd.f32 $1.000000000e+00, v10;
	v42 =	vadd.f32 $1.428571490e-01, v41  }
0x5cb: {  	v4 =	vmul.f32 $6.931471820e-01, v4;
	v45 =	vadd.f32 $-1.000000000e+00, v18;
	v13 =	vadd.f32 $1.000000000e+00, v13  }
0x5cc: {  	v52 =	vand.u32 $0x80000000, v27;
	v5 =	vmul.f32 v10, v5;
	v43 =	vmul.f32 v42, v40;
	v47 =	vpop (erf)  }
0x5cd: {  	v11 =	vshra.s32 v11, $0x17;
	v10 =	vmul.f32 v13, v44;
	v13 =	vmul.f32 v47, v45  }
0x5ce: {  	v11 =	vadd.s32 $0xFFFFFF81, v11;
	v5 =	vadd.f32 v5, v8;
	v8 =	vadd.f32 $2.000000030e-01, v43  }
0x5cf: {  	vm12 =	vlt.f32 v30, $0.0e+00;
	v11 =	vcvt.s32.f32 v11;
	v49 =	vmul.f32 v13, v13  }
0x5d0: {  	vm13 =	vgt.f32 v30, $0.0e+00;
	v14 =	vmul.u32 $0x21, v48;
	v8 =	vmul.f32 v8, v40  }
0x5d1: {  	v55 =	vand.u32 $0x80000000, v30;
	v11 =	vmul.f32 $6.931471820e-01, v11;
	v51 =	vmul.f32 $1.111111120e-01, v49  }
0x5d2: {  	v50 =	vbroadcast v14, $0x0;
	v59 =	vshra.s32 v16, $0x17;
	v8 =	vadd.f32 $3.333333430e-01, v8  }
0x5d3: {  	v14 =	vadd.s32 $0xFFFFFF81, v59;
	v4 =	vadd.f32 v10, v4;
	v10 =	vadd.f32 $1.428571490e-01, v51  }
0x5d4: {  	v61 =	vand.u32 $0x80000000, v3;
	v14 =	vcvt.s32.f32 v14;
	v15 =	vor.u32 v46, v0  }
0x5d5: {  	v7 =	vsel vm0, v15, v7;
	v8 =	vmul.f32 v8, v40;
	v10 =	vmul.f32 v10, v49  }
0x5d6: {  	v12 =	vadd.f32 v12, v12;
	v5 =	vmul.f32 v5, v7;
	v7 =	vadd.s32 v1, v50  }
0x5d7: {  	v7 =	vand.u32 $0xFFFFFFF8, v7;
	v8 =	vadd.f32 $1.000000000e+00, v8;
	v10 =	vadd.f32 $2.000000030e-01, v10  }
0x5d8: {  	v60 =	vmul.f32 $6.931471820e-01, v14;
	vm0 =	vmor vm11, vm10;
	v7 =	vor.u32 v2, v7  }
0x5d9: {  	v8 =	vmul.f32 v8, v12;
	v12 =	vor.u32 v52, v0;
	v10 =	vmul.f32 v10, v49  }
0x5da: {  	v13 =	vadd.f32 v13, v13;
	v6 =	vsel vm0, v12, v27;
	v12 =	vmul.u32 $0x21, v56  }
0x5db: {  	vm0 =	vmor vm13, vm12;
	v4 =	vmul.f32 v4, v6;
	v10 =	vadd.f32 $3.333333430e-01, v10  }
0x5dc: {  	v6 =	vbroadcast v54, $0x0;
	v57 =	vbroadcast v12, $0x0;
	v12 =	vmul.u32 $0x21, v58  }
0x5dd: {  	v8 =	vadd.f32 v8, v11;
	v11 =	vor.u32 v55, v0;
	v10 =	vmul.f32 v10, v49  }
0x5de: {  	v9 =	vsel vm0, v11, v30;
	v6 =	vadd.s32 v1, v6;
	v12 =	vbroadcast v12, $0x0  }
0x5df: {  	v6 =	vand.u32 $0xFFFFFFF8, v6;
	v11 =	vadd.s32 v1, v57;
	v10 =	vadd.f32 $1.000000000e+00, v10  }
0x5e0: {  	v6 =	vor.u32 v2, v6;
	v11 =	vand.u32 $0xFFFFFFF8, v11;
	v12 =	vadd.s32 v1, v12  }
0x5e1: {  	v11 =	vor.u32 v2, v11;
	v12 =	vand.u32 $0xFFFFFFF8, v12;
	v10 =	vmul.f32 v10, v13  }
0x5e2: {  	p0 =	slt.u32 s4, $0x2C;
	vm14 =	vlt.f32 v3, $0.0e+00;
	vm15 =	vgt.f32 v3, $0.0e+00;
	v12 =	vor.u32 v2, v12  }
.Ltmp6:
0x5e3: {  	v62 =	vor.u32 v61, v0;
	vm0 =	vmor vm15, vm14;
	v10 =	vadd.f32 v10, v60;
	(pc) =	sbr.rel @p0 .LBB2_12-.Ltmp6, $4  }
0x5e4: {  	[tilespmem:v7+s24+$0x0] =	vst.idx.msk $0xffff, v5;
	v63 =	vmul.f32 v8, v9;
	v3 =	vsel vm0, v62, v3  }
0x5e5: {  	s31 =	sadd.s32 $0x4, s4;
	[tilespmem:v6+s24+$0x0] =	vst.idx.msk $0xffff, v4;
	v3 =	vmul.f32 v10, v3  }
0x5e6: {  	s12 =	simm.s32 $0xD9B0;
	s4 =	smov.u32 s31;
	[tilespmem:v11+s24+$0x0] =	vst.idx.msk $0xffff, v63  }
0x5e7: {  	s2 =	simm.s32 $0x75B0;
	s14 =	simm.s32 $0x300;
	s0 =	simm.s32 $0x12A0;
	[tilespmem:v12+s24+$0x0] =	vst.idx.msk $0xffff, v3  }
.LBB2_13:
0x5e8: {  	v3 =	vld [tilespmem:s2+$0xFFFFFF10];
	_ =	sdelay $0x3  }
0x5e9: {  	s4 =	sshra.s32 s28, $0x2  }
0x5ea: {  	[tilespmem:s4+$0x1A4E0] =	vst v3  }
0x5eb: {  	v3 =	vld [tilespmem:s12+$0xFFFFFF10];
	_ =	sdelay $0x4  }
0x5ec: {  	[tilespmem:s4+$0x1A4F0] =	vst v3  }
0x5ed: {  	v3 =	vld [tilespmem:s2+$0xFFFFFF20];
	_ =	sdelay $0x4  }
0x5ee: {  	[tilespmem:s4+$0x1A501] =	vst v3  }
0x5ef: {  	v3 =	vld [tilespmem:s12+$0xFFFFFF20];
	_ =	sdelay $0x4  }
0x5f0: {  	[tilespmem:s4+$0x1A511] =	vst v3  }
0x5f1: {  	v3 =	vld [tilespmem:s2+$0xFFFFFF30];
	_ =	sdelay $0x4  }
0x5f2: {  	[tilespmem:s4+$0x1A522] =	vst v3  }
0x5f3: {  	v3 =	vld [tilespmem:s12+$0xFFFFFF30];
	_ =	sdelay $0x4  }
0x5f4: {  	[tilespmem:s4+$0x1A532] =	vst v3  }
0x5f5: {  	v3 =	vld [tilespmem:s2+$0xFFFFFF40];
	_ =	sdelay $0x4  }
0x5f6: {  	[tilespmem:s4+$0x1A543] =	vst v3  }
0x5f7: {  	v3 =	vld [tilespmem:s12+$0xFFFFFF40];
	_ =	sdelay $0x4  }
0x5f8: {  	[tilespmem:s4+$0x1A553] =	vst v3  }
0x5f9: {  	v3 =	vld [tilespmem:s2+$0xFFFFFF50];
	_ =	sdelay $0x4  }
0x5fa: {  	[tilespmem:s4+$0x1A564] =	vst v3  }
0x5fb: {  	v3 =	vld [tilespmem:s12+$0xFFFFFF50];
	_ =	sdelay $0x4  }
0x5fc: {  	[tilespmem:s4+$0x1A574] =	vst v3  }
0x5fd: {  	v3 =	vld [tilespmem:s2+$0xFFFFFF60];
	_ =	sdelay $0x4  }
0x5fe: {  	[tilespmem:s4+$0x1A585] =	vst v3  }
0x5ff: {  	v3 =	vld [tilespmem:s12+$0xFFFFFF60];
	_ =	sdelay $0x4  }
0x600: {  	[tilespmem:s4+$0x1A595] =	vst v3  }
0x601: {  	v3 =	vld [tilespmem:s2+$0xFFFFFF70];
	_ =	sdelay $0x4  }
0x602: {  	[tilespmem:s4+$0x1A5A6] =	vst v3  }
0x603: {  	v3 =	vld [tilespmem:s12+$0xFFFFFF70];
	_ =	sdelay $0x4  }
0x604: {  	[tilespmem:s4+$0x1A5B6] =	vst v3  }
0x605: {  	v3 =	vld [tilespmem:s2+$0xFFFFFF80];
	_ =	sdelay $0x4  }
0x606: {  	[tilespmem:s4+$0x1A5C7] =	vst v3  }
0x607: {  	v3 =	vld [tilespmem:s12+$0xFFFFFF80];
	_ =	sdelay $0x4  }
0x608: {  	[tilespmem:s4+$0x1A5D7] =	vst v3  }
0x609: {  	v3 =	vld [tilespmem:s2+$0xFFFFFF90];
	_ =	sdelay $0x4  }
0x60a: {  	[tilespmem:s4+$0x1A5E8] =	vst v3  }
0x60b: {  	v3 =	vld [tilespmem:s12+$0xFFFFFF90];
	_ =	sdelay $0x4  }
0x60c: {  	[tilespmem:s4+$0x1A5F8] =	vst v3  }
0x60d: {  	v3 =	vld [tilespmem:s2+$0xFFFFFFA0];
	_ =	sdelay $0x4  }
0x60e: {  	[tilespmem:s4+$0x1A609] =	vst v3  }
0x60f: {  	v3 =	vld [tilespmem:s12+$0xFFFFFFA0];
	_ =	sdelay $0x4  }
0x610: {  	[tilespmem:s4+$0x1A619] =	vst v3  }
0x611: {  	v3 =	vld [tilespmem:s2+$0xFFFFFFB0];
	_ =	sdelay $0x4  }
0x612: {  	[tilespmem:s4+$0x1A62A] =	vst v3  }
0x613: {  	v3 =	vld [tilespmem:s12+$0xFFFFFFB0];
	_ =	sdelay $0x4  }
0x614: {  	[tilespmem:s4+$0x1A63A] =	vst v3  }
0x615: {  	v3 =	vld [tilespmem:s2+$0xFFFFFFC0];
	_ =	sdelay $0x4  }
0x616: {  	[tilespmem:s4+$0x1A64B] =	vst v3  }
0x617: {  	v3 =	vld [tilespmem:s12+$0xFFFFFFC0];
	_ =	sdelay $0x4  }
0x618: {  	[tilespmem:s4+$0x1A65B] =	vst v3  }
0x619: {  	v3 =	vld [tilespmem:s2+$0xFFFFFFD0];
	_ =	sdelay $0x4  }
0x61a: {  	[tilespmem:s4+$0x1A66C] =	vst v3  }
0x61b: {  	v3 =	vld [tilespmem:s12+$0xFFFFFFD0];
	_ =	sdelay $0x4  }
0x61c: {  	[tilespmem:s4+$0x1A67C] =	vst v3  }
0x61d: {  	v3 =	vld [tilespmem:s2+$0xFFFFFFE0];
	_ =	sdelay $0x4  }
0x61e: {  	[tilespmem:s4+$0x1A68D] =	vst v3  }
0x61f: {  	v3 =	vld [tilespmem:s12+$0xFFFFFFE0];
	_ =	sdelay $0x4  }
0x620: {  	[tilespmem:s4+$0x1A69D] =	vst v3  }
0x621: {  	v3 =	vld [tilespmem:s2+$0xFFFFFFF0];
	_ =	sdelay $0x4  }
0x622: {  	[tilespmem:s4+$0x1A6AE] =	vst v3  }
0x623: {  	v3 =	vld [tilespmem:s12+$0xFFFFFFF0];
	_ =	sdelay $0x4  }
0x624: {  	[tilespmem:s4+$0x1A6BE] =	vst v3  }
0x625: {  	v3 =	vld [tilespmem:s2+$0x0];
	_ =	sdelay $0x4  }
0x626: {  	[tilespmem:s4+$0x1A6CF] =	vst v3  }
0x627: {  	v3 =	vld [tilespmem:s12+$0x0];
	_ =	sdelay $0x4  }
0x628: {  	[tilespmem:s4+$0x1A6DF] =	vst v3  }
0x629: {  	v3 =	vld [tilespmem:s0+$0x0];
	_ =	sdelay $0x4  }
0x62a: {  	v4 =	vand.u32 $0x7FFFFFFF, v3  }
0x62b: {  	v4 =	vadd.f32 $1.000000000e+00, v4;
	_ =	sdelay $0x1  }
0x62c: {  	v4 =	vadd.s32 $0x4AFB0D, v4  }
0x62d: {  	v5 =	vand.u32 $0x7FFFFF, v4  }
0x62e: {  	v5 =	vadd.s32 $0x3F3504F3, v5  }
0x62f: {  	v6 =	vadd.f32 $1.000000000e+00, v5;
	_ =	sdelay $0x1  }
0x630: {  	(erf) = vrcp.f32 v6;
	_ =	sdelay $0x7  }
0x631: {  	v5 =	vadd.f32 $-1.000000000e+00, v5  }
0x632: {  	v6 =	vpop (erf)  }
0x633: {  	v5 =	vmul.f32 v6, v5;
	_ =	sdelay $0x1  }
0x634: {  	v6 =	vmul.f32 v5, v5;
	_ =	sdelay $0x1  }
0x635: {  	v7 =	vmul.f32 $1.111111120e-01, v6;
	_ =	sdelay $0x1  }
0x636: {  	v7 =	vadd.f32 $1.428571490e-01, v7;
	_ =	sdelay $0x1  }
0x637: {  	v7 =	vmul.f32 v7, v6;
	_ =	sdelay $0x1  }
0x638: {  	v7 =	vadd.f32 $2.000000030e-01, v7;
	_ =	sdelay $0x1  }
0x639: {  	v7 =	vmul.f32 v7, v6;
	_ =	sdelay $0x1  }
0x63a: {  	v8 =	vmov s14;
	v7 =	vadd.f32 $3.333333430e-01, v7  }
0x63b: {  	v60 =	vmul.u32 $0x21, v8  }
0x63c: {  	v4 =	vshra.s32 v4, $0x17;
	v6 =	vmul.f32 v7, v6  }
0x63d: {  	v4 =	vadd.s32 $0xFFFFFF81, v4;
	v7 =	vbroadcast v60, $0x0  }
0x63e: {  	v4 =	vcvt.s32.f32 v4;
	v5 =	vadd.f32 v5, v5;
	v6 =	vadd.f32 $1.000000000e+00, v6  }
0x63f: {  	v62 =	vand.u32 $0x80000000, v3;
	v61 =	vadd.s32 v1, v7  }
0x640: {  	v4 =	vmul.f32 $6.931471820e-01, v4;
	v5 =	vmul.f32 v6, v5;
	v6 =	vand.u32 $0xFFFFFFF8, v61  }
0x641: {  	p0 =	sne.s32 s28, $0x840;
	vm0 =	vlt.f32 v3, $0.0e+00;
	vm1 =	vgt.f32 v3, $0.0e+00;
	v6 =	vor.u32 v2, v6  }
.Ltmp7:
0x642: {  	vm0 =	vmor vm1, vm0;
	v63 =	vor.u32 v62, v0;
	v4 =	vadd.f32 v5, v4;
	(pc) =	sbr.rel @p0 .LBB2_13-.Ltmp7, $4  }
0x643: {  	v3 =	vsel vm0, v63, v3  }
0x644: {  	v3 =	vmul.f32 v4, v3  }
0x645: {  	s14 =	sadd.s32 $0x10, s14;
	s28 =	sadd.s32 $0x840, s28  }
0x646: {  	s2 =	sadd.s32 $0x100, s2;
	s12 =	sadd.s32 $0x100, s12;
	s0 =	sadd.s32 $0x10, s0;
	[tilespmem:v6+s24+$0x0] =	vst.idx.msk $0xffff, v3  }
0x647: {  	s0 =	rddreg [dreg:$0x12]  }
0x648: {  	s0 =	sadd.s32 s30, s0  }
0x649: {  	s2 =	rddreg [dreg:$0x0];
	s0 =	sshrl.u32 s0, $0x3  }
0x64a: {  	s19 =	rddreg [dreg:$0x1];
	s2 =	sadd.s32 s2, s0  }
0x64b: {  	[tilespmem:s1], [sflag:$0x2] =	stream.linear.gather [hbm4b:s2+s6], $0x320, $0x38;
	[tilespmem:$0x1A900] =	vst v63  }
0x64c: {  	s31 =	simm.s32 $0x960;
	s20 =	rddreg [dreg:$0x8];
	s2 =	sadd.s32 s19, s0  }
0x64d: {  	[tilespmem:s31], [sflag:$0x2] =	stream.linear.gather [hbm4b:s2+s6], $0x320, $0x38;
	[tilespmem:$0x1A900] =	vst v63  }
0x64e: {  	s29 =	sadd.s32 $0x1, s29;
	s2 =	sadd.s32 s30, s20  }
0x64f: {  	s3 =	rddreg [dreg:$0x2];
	p0 =	sne.s32 s29, $0xF;
	s2 =	smul.u32 $0x21, s2  }
.Ltmp8:
0x650: {  	s21 =	simm.s32 $0xFA0;
	s0 =	sadd.s32 s3, s0;
	(pc) =	sbr.rel @p0 .LBB2_8-.Ltmp8, $4  }
0x651: {  	[tilespmem:s21], [sflag:$0x2] =	stream.linear.gather [hbm4b:s0+s6], $0x320, $0x38;
	[tilespmem:$0x1A900] =	vst v63  }
0x652: {  	s30 =	rddreg [dreg:$0x4];
	s28 =	sshrl.u32 s2, $0x3  }
0x653: {  	s0 =	sadd.s32 s30, s28  }
0x654: {  	[hbm4b:s0+s6] =	stream.linear.scatter [tilespmem:s24], [sflag:$0x6], $0x6720, $0x38;
	[tilespmem:$0x1A900] =	vst v63  }
0x655: {  	_ =	swait.ge [sflag:s17], $0x3200  }
0x656: {  	[sflag:s17] =	ssyncset.done $0x0  }
0x657: {  	[sflag:s17] =	ssyncadd.s32 $0xFFFFCE00  }
0x658: {  	_ =	swait.ge [sflag:s17], $0x3200  }
0x659: {  	[sflag:s17] =	ssyncset.done $0x0  }
0x65a: {  	[sflag:s17] =	ssyncadd.s32 $0xFFFFCE00  }
0x65b: {  	_ =	swait.ge [sflag:s18], $0x320  }
0x65c: {  	[sflag:s18] =	ssyncset.done $0x0  }
0x65d: {  	[sflag:s18] =	ssyncadd.s32 $0xFFFFFCE0  }
0x65e: {  	_ =	swait.ge [sflag:s18], $0x320  }
0x65f: {  	[sflag:s18] =	ssyncset.done $0x0  }
0x660: {  	[sflag:s18] =	ssyncadd.s32 $0xFFFFFCE0  }
0x661: {  	_ =	swait.ge [sflag:s18], $0x320  }
0x662: {  	[sflag:s18] =	ssyncset.done $0x0  }
0x663: {  	s0 =	simm.s32 $0x44C0;
	[sflag:s18] =	ssyncadd.s32 $0xFFFFFCE0  }
0x664: {  	[tilespmem:s0], [sflag:$0x4] =	stream.indirect.gather [hbm4b:s8+s1], $0x10, s1, s1, $0xb8;
	[tilespmem:$0x1A900] =	vst v63  }
0x665: {  	s30 =	simm.s32 $0xA8C0  }
0x666: {  	[tilespmem:s30], [sflag:$0x4] =	stream.indirect.gather [hbm4b:s9+s1], $0x10, s31, s1, $0xb8;
	[tilespmem:$0x1A900] =	vst v63  }
0x667: {  	_ =	swait.ge [sflag:s25], $0x6720  }
0x668: {  	[sflag:s25] =	ssyncset.done $0x0  }
0x669: {  	s28 =	simm.s32 $0x0;
	s4 =	simm.s32 $0x0;
	[sflag:s25] =	ssyncadd.s32 $0xFFFF98E0  }
.LBB2_16:
0x66a: {  	s0 =	sshll.u32 s4, $0x8  }
0x66b: {  	v3 =	vld [tilespmem:s0+$0x12C0];
	_ =	sdelay $0x1  }
0x66c: {  	s2 =	smul.u32 $0x840, s4;
	_ =	sdelay $0x1  }
0x66d: {  	s3 =	sshra.s32 s2, $0x2  }
0x66e: {  	[tilespmem:s3+$0xDAC0] =	vst v3  }
0x66f: {  	s2 =	sor.u32 $0x1, s4;
	v3 =	vld [tilespmem:s0+$0x76C0]  }
0x670: {  	s29 =	sshll.u32 s2, $0x8  }
0x671: {  	v4 =	vld [tilespmem:s29+$0x12C0]  }
0x672: {  	s15 =	sshll.u32 s4, $0x4  }
0x673: {  	s7 =	sor.u32 $0x1, s15;
	s5 =	smul.u32 $0x840, s2  }
0x674: {  	s30 =	sshll.u32 s7, $0x4;
	[tilespmem:s3+$0xDAD0] =	vst v3  }
0x675: {  	s5 =	sshra.s32 s5, $0x2;
	v3 =	vld [tilespmem:s30+$0x12C0]  }
0x676: {  	[tilespmem:s5+$0xDAC0] =	vst v4  }
0x677: {  	s0 =	sor.u32 $0x2, s4;
	v4 =	vld [tilespmem:s29+$0x76C0]  }
0x678: {  	s7 =	smul.u32 $0x21, s7;
	s10 =	sshll.u32 s0, $0x8  }
0x679: {  	v5 =	vld [tilespmem:s10+$0x12C0]  }
0x67a: {  	s12 =	sshll.u32 s2, $0x4;
	[tilespmem:s7+$0xDAC0] =	vst v3  }
0x67b: {  	s11 =	sor.u32 $0x1, s12;
	s14 =	smul.u32 $0x840, s0;
	v3 =	vld [tilespmem:s30+$0x76C0]  }
0x67c: {  	[tilespmem:s5+$0xDAD0] =	vst v4;
	s5 =	sshll.u32 s11, $0x4  }
0x67d: {  	s16 =	sshra.s32 s14, $0x2;
	v4 =	vld [tilespmem:s5+$0x12C0]  }
0x67e: {  	[tilespmem:s16+$0xDAC0] =	vst v5  }
0x67f: {  	s19 =	sor.u32 $0x2, s15;
	s11 =	smul.u32 $0x84, s11;
	v5 =	vld [tilespmem:s10+$0x76C0];
	s7 =	sor.u32 $0x11, s7  }
0x680: {  	s30 =	sshll.u32 s19, $0x4;
	[tilespmem:s7+$0xDAC0] =	vst v3  }
0x681: {  	s11 =	sshra.s32 s11, $0x2;
	v3 =	vld [tilespmem:s30+$0x12C0]  }
0x682: {  	[tilespmem:s11+$0xDAC0] =	vst v4  }
0x683: {  	s20 =	sor.u32 $0x3, s4;
	s14 =	sshll.u32 s0, $0x4;
	v4 =	vld [tilespmem:s5+$0x76C0]  }
0x684: {  	s21 =	sor.u32 $0x1, s14;
	s10 =	smul.u32 $0x21, s19;
	[tilespmem:s16+$0xDAD0] =	vst v5;
	s16 =	sshll.u32 s20, $0x8  }
0x685: {  	s29 =	sshll.u32 s21, $0x4;
	v6 =	vld [tilespmem:s16+$0x12C0]  }
0x686: {  	v5 =	vld [tilespmem:s29+$0x12C0];
	[tilespmem:s10+$0xDAC0] =	vst v3  }
0x687: {  	s19 =	sor.u32 $0x2, s12;
	v3 =	vld [tilespmem:s30+$0x76C0];
	s30 =	smul.u32 $0x840, s20  }
0x688: {  	s7 =	sshll.u32 s19, $0x4;
	[tilespmem:s11+$0xDAD0] =	vst v4  }
0x689: {  	s3 =	smul.u32 $0x21, s21;
	v4 =	vld [tilespmem:s7+$0x12C0];
	s11 =	sshra.s32 s30, $0x2  }
0x68a: {  	[tilespmem:s11+$0xDAC0] =	vst v6  }
0x68b: {  	s19 =	smul.u32 $0x84, s19;
	[tilespmem:s3+$0xDAC0] =	vst v5;
	v6 =	vld [tilespmem:s16+$0x76C0]  }
0x68c: {  	s21 =	sor.u32 $0x12, s10;
	v5 =	vld [tilespmem:s29+$0x76C0];
	s29 =	sor.u32 $0x3, s15  }
0x68d: {  	s5 =	sshll.u32 s29, $0x4;
	s16 =	sshra.s32 s19, $0x2;
	[tilespmem:s21+$0xDAC0] =	vst v3  }
0x68e: {  	s19 =	sshll.u32 s20, $0x4;
	[tilespmem:s16+$0xDAC0] =	vst v4;
	v3 =	vld [tilespmem:s5+$0x12C0]  }
0x68f: {  	s21 =	sor.u32 $0x1, s19;
	v4 =	vld [tilespmem:s7+$0x76C0]  }
0x690: {  	s3 =	sand.u32 $0xFFC0, s3;
	s7 =	sor.u32 $0x2, s14;
	[tilespmem:s11+$0xDAD0] =	vst v6;
	s11 =	sshll.u32 s21, $0x4  }
0x691: {  	s10 =	smul.u32 $0x21, s29;
	[tilespmem:s3+$0xDAD1] =	vst v5;
	s30 =	sshll.u32 s7, $0x4;
	v6 =	vld [tilespmem:s11+$0x12C0]  }
0x692: {  	v5 =	vld [tilespmem:s30+$0x12C0]  }
0x693: {  	s29 =	sor.u32 $0x3, s12;
	s21 =	smul.u32 $0x84, s21;
	[tilespmem:s10+$0xDAC0] =	vst v3  }
0x694: {  	[tilespmem:s16+$0xDAD0] =	vst v4;
	v3 =	vld [tilespmem:s5+$0x76C0];
	s5 =	sshll.u32 s29, $0x4  }
0x695: {  	s7 =	smul.u32 $0x21, s7;
	s16 =	sshra.s32 s21, $0x2;
	v4 =	vld [tilespmem:s5+$0x12C0]  }
0x696: {  	[tilespmem:s16+$0xDAC0] =	vst v6  }
0x697: {  	s21 =	smul.u32 $0x84, s29;
	[tilespmem:s7+$0xDAC0] =	vst v5;
	v6 =	vld [tilespmem:s11+$0x76C0]  }
0x698: {  	s29 =	sor.u32 $0x13, s10;
	v5 =	vld [tilespmem:s30+$0x76C0];
	s30 =	sor.u32 $0x4, s15  }
0x699: {  	s3 =	sshll.u32 s30, $0x4;
	s11 =	sshra.s32 s21, $0x2;
	[tilespmem:s29+$0xDAC0] =	vst v3  }
0x69a: {  	v3 =	vld [tilespmem:s3+$0x12C0];
	[tilespmem:s11+$0xDAC0] =	vst v4  }
0x69b: {  	s21 =	sor.u32 $0x2, s19;
	v4 =	vld [tilespmem:s5+$0x76C0]  }
0x69c: {  	[tilespmem:s16+$0xDAD0] =	vst v6;
	s16 =	sshll.u32 s21, $0x4  }
0x69d: {  	s10 =	smul.u32 $0x21, s30;
	s29 =	sor.u32 $0x12, s7;
	s7 =	sor.u32 $0x3, s14;
	v6 =	vld [tilespmem:s16+$0x12C0]  }
0x69e: {  	[tilespmem:s29+$0xDAC0] =	vst v5;
	s5 =	sshll.u32 s7, $0x4  }
0x69f: {  	s30 =	sor.u32 $0x4, s12;
	v5 =	vld [tilespmem:s5+$0x12C0];
	s21 =	smul.u32 $0x84, s21;
	[tilespmem:s10+$0xDAC0] =	vst v3  }
0x6a0: {  	v3 =	vld [tilespmem:s3+$0x76C0];
	[tilespmem:s11+$0xDAD0] =	vst v4;
	s3 =	sshll.u32 s30, $0x4  }
0x6a1: {  	s11 =	sshra.s32 s21, $0x2;
	v4 =	vld [tilespmem:s3+$0x12C0]  }
0x6a2: {  	s7 =	smul.u32 $0x21, s7;
	[tilespmem:s11+$0xDAC0] =	vst v6  }
0x6a3: {  	s21 =	smul.u32 $0x84, s30;
	v6 =	vld [tilespmem:s16+$0x76C0]  }
0x6a4: {  	s29 =	sor.u32 $0x14, s10;
	s30 =	sor.u32 $0x5, s15;
	[tilespmem:s7+$0xDAC0] =	vst v5  }
0x6a5: {  	v5 =	vld [tilespmem:s5+$0x76C0];
	s5 =	sshll.u32 s30, $0x4;
	s16 =	sshra.s32 s21, $0x2;
	[tilespmem:s29+$0xDAC0] =	vst v3  }
0x6a6: {  	v3 =	vld [tilespmem:s5+$0x12C0];
	[tilespmem:s16+$0xDAC0] =	vst v4  }
0x6a7: {  	s21 =	sor.u32 $0x3, s19;
	v4 =	vld [tilespmem:s3+$0x76C0]  }
0x6a8: {  	[tilespmem:s11+$0xDAD0] =	vst v6;
	s11 =	sshll.u32 s21, $0x4  }
0x6a9: {  	s10 =	smul.u32 $0x21, s30;
	s29 =	sand.u32 $0xFFC0, s7;
	s7 =	sor.u32 $0x4, s14;
	v6 =	vld [tilespmem:s11+$0x12C0]  }
0x6aa: {  	[tilespmem:s29+$0xDAD3] =	vst v5;
	s3 =	sshll.u32 s7, $0x4  }
0x6ab: {  	s30 =	sor.u32 $0x5, s12;
	v5 =	vld [tilespmem:s3+$0x12C0];
	s21 =	smul.u32 $0x84, s21;
	[tilespmem:s10+$0xDAC0] =	vst v3  }
0x6ac: {  	v3 =	vld [tilespmem:s5+$0x76C0];
	[tilespmem:s16+$0xDAD0] =	vst v4;
	s5 =	sshll.u32 s30, $0x4  }
0x6ad: {  	s16 =	sshra.s32 s21, $0x2;
	v4 =	vld [tilespmem:s5+$0x12C0]  }
0x6ae: {  	s7 =	smul.u32 $0x21, s7;
	[tilespmem:s16+$0xDAC0] =	vst v6  }
0x6af: {  	s21 =	smul.u32 $0x84, s30;
	v6 =	vld [tilespmem:s11+$0x76C0]  }
0x6b0: {  	s29 =	sor.u32 $0x15, s10;
	s30 =	sor.u32 $0x6, s15;
	[tilespmem:s7+$0xDAC0] =	vst v5  }
0x6b1: {  	v5 =	vld [tilespmem:s3+$0x76C0];
	s3 =	sshll.u32 s30, $0x4;
	s11 =	sshra.s32 s21, $0x2;
	[tilespmem:s29+$0xDAC0] =	vst v3  }
0x6b2: {  	v3 =	vld [tilespmem:s3+$0x12C0];
	[tilespmem:s11+$0xDAC0] =	vst v4  }
0x6b3: {  	s21 =	sor.u32 $0x4, s19;
	v4 =	vld [tilespmem:s5+$0x76C0]  }
0x6b4: {  	[tilespmem:s16+$0xDAD0] =	vst v6;
	s16 =	sshll.u32 s21, $0x4  }
0x6b5: {  	s10 =	smul.u32 $0x21, s30;
	s29 =	sor.u32 $0x14, s7;
	s7 =	sor.u32 $0x5, s14;
	v6 =	vld [tilespmem:s16+$0x12C0]  }
0x6b6: {  	[tilespmem:s29+$0xDAC0] =	vst v5;
	s5 =	sshll.u32 s7, $0x4  }
0x6b7: {  	s30 =	sor.u32 $0x6, s12;
	v5 =	vld [tilespmem:s5+$0x12C0];
	s21 =	smul.u32 $0x84, s21;
	[tilespmem:s10+$0xDAC0] =	vst v3  }
0x6b8: {  	v3 =	vld [tilespmem:s3+$0x76C0];
	[tilespmem:s11+$0xDAD0] =	vst v4;
	s3 =	sshll.u32 s30, $0x4  }
0x6b9: {  	s11 =	sshra.s32 s21, $0x2;
	v4 =	vld [tilespmem:s3+$0x12C0]  }
0x6ba: {  	s7 =	smul.u32 $0x21, s7;
	[tilespmem:s11+$0xDAC0] =	vst v6  }
0x6bb: {  	s21 =	smul.u32 $0x84, s30;
	v6 =	vld [tilespmem:s16+$0x76C0]  }
0x6bc: {  	s29 =	sor.u32 $0x16, s10;
	s30 =	sor.u32 $0x7, s15;
	[tilespmem:s7+$0xDAC0] =	vst v5  }
0x6bd: {  	v5 =	vld [tilespmem:s5+$0x76C0];
	s5 =	sshll.u32 s30, $0x4;
	s16 =	sshra.s32 s21, $0x2;
	[tilespmem:s29+$0xDAC0] =	vst v3  }
0x6be: {  	v3 =	vld [tilespmem:s5+$0x12C0];
	[tilespmem:s16+$0xDAC0] =	vst v4  }
0x6bf: {  	s21 =	sor.u32 $0x5, s19;
	v4 =	vld [tilespmem:s3+$0x76C0]  }
0x6c0: {  	[tilespmem:s11+$0xDAD0] =	vst v6;
	s11 =	sshll.u32 s21, $0x4  }
0x6c1: {  	s10 =	smul.u32 $0x21, s30;
	s29 =	sand.u32 $0xFFC0, s7;
	s7 =	sor.u32 $0x6, s14;
	v6 =	vld [tilespmem:s11+$0x12C0]  }
0x6c2: {  	[tilespmem:s29+$0xDAD5] =	vst v5;
	s3 =	sshll.u32 s7, $0x4  }
0x6c3: {  	s30 =	sor.u32 $0x7, s12;
	v5 =	vld [tilespmem:s3+$0x12C0];
	s21 =	smul.u32 $0x84, s21;
	[tilespmem:s10+$0xDAC0] =	vst v3  }
0x6c4: {  	v3 =	vld [tilespmem:s5+$0x76C0];
	[tilespmem:s16+$0xDAD0] =	vst v4;
	s5 =	sshll.u32 s30, $0x4  }
0x6c5: {  	s16 =	sshra.s32 s21, $0x2;
	v4 =	vld [tilespmem:s5+$0x12C0]  }
0x6c6: {  	s7 =	smul.u32 $0x21, s7;
	[tilespmem:s16+$0xDAC0] =	vst v6  }
0x6c7: {  	s21 =	smul.u32 $0x84, s30;
	v6 =	vld [tilespmem:s11+$0x76C0]  }
0x6c8: {  	s29 =	sor.u32 $0x17, s10;
	s30 =	sor.u32 $0x8, s15;
	[tilespmem:s7+$0xDAC0] =	vst v5  }
0x6c9: {  	v5 =	vld [tilespmem:s3+$0x76C0];
	s3 =	sshll.u32 s30, $0x4;
	s11 =	sshra.s32 s21, $0x2;
	[tilespmem:s29+$0xDAC0] =	vst v3  }
0x6ca: {  	v3 =	vld [tilespmem:s3+$0x12C0];
	[tilespmem:s11+$0xDAC0] =	vst v4  }
0x6cb: {  	s21 =	sor.u32 $0x6, s19;
	v4 =	vld [tilespmem:s5+$0x76C0]  }
0x6cc: {  	s10 =	smul.u32 $0x84, s30;
	[tilespmem:s16+$0xDAD0] =	vst v6;
	s16 =	sshll.u32 s21, $0x4  }
0x6cd: {  	s29 =	sor.u32 $0x16, s7;
	s7 =	sor.u32 $0x7, s14;
	v6 =	vld [tilespmem:s16+$0x12C0]  }
0x6ce: {  	s10 =	sshra.s32 s10, $0x2;
	[tilespmem:s29+$0xDAC0] =	vst v5;
	s5 =	sshll.u32 s7, $0x4  }
0x6cf: {  	s30 =	sor.u32 $0x8, s12;
	v5 =	vld [tilespmem:s5+$0x12C0];
	s21 =	smul.u32 $0x84, s21;
	[tilespmem:s10+$0xDAC0] =	vst v3  }
0x6d0: {  	v3 =	vld [tilespmem:s3+$0x76C0];
	[tilespmem:s11+$0xDAD0] =	vst v4;
	s3 =	sshll.u32 s30, $0x4  }
0x6d1: {  	s11 =	sshra.s32 s21, $0x2;
	v4 =	vld [tilespmem:s3+$0x12C0]  }
0x6d2: {  	s7 =	smul.u32 $0x21, s7;
	[tilespmem:s11+$0xDAC0] =	vst v6  }
0x6d3: {  	s29 =	smul.u32 $0x84, s30;
	v6 =	vld [tilespmem:s16+$0x76C0]  }
0x6d4: {  	s30 =	sor.u32 $0x9, s15;
	[tilespmem:s7+$0xDAC0] =	vst v5  }
0x6d5: {  	v5 =	vld [tilespmem:s5+$0x76C0];
	s16 =	sshra.s32 s29, $0x2;
	[tilespmem:s10+$0xDAD0] =	vst v3;
	s10 =	sshll.u32 s30, $0x4  }
0x6d6: {  	v3 =	vld [tilespmem:s10+$0x12C0];
	[tilespmem:s16+$0xDAC0] =	vst v4  }
0x6d7: {  	s21 =	sor.u32 $0x7, s19;
	v4 =	vld [tilespmem:s3+$0x76C0]  }
0x6d8: {  	[tilespmem:s11+$0xDAD0] =	vst v6;
	s11 =	sshll.u32 s21, $0x4  }
0x6d9: {  	s5 =	smul.u32 $0x21, s30;
	s29 =	sand.u32 $0xFFC0, s7;
	s7 =	sor.u32 $0x8, s14;
	v6 =	vld [tilespmem:s11+$0x12C0]  }
0x6da: {  	[tilespmem:s29+$0xDAD7] =	vst v5;
	s3 =	sshll.u32 s7, $0x4  }
0x6db: {  	s30 =	sor.u32 $0x9, s12;
	v5 =	vld [tilespmem:s3+$0x12C0];
	s21 =	smul.u32 $0x84, s21;
	[tilespmem:s5+$0xDAC0] =	vst v3  }
0x6dc: {  	v3 =	vld [tilespmem:s10+$0x76C0];
	[tilespmem:s16+$0xDAD0] =	vst v4;
	s10 =	sshll.u32 s30, $0x4  }
0x6dd: {  	s7 =	smul.u32 $0x84, s7;
	s16 =	sshra.s32 s21, $0x2;
	v4 =	vld [tilespmem:s10+$0x12C0]  }
0x6de: {  	[tilespmem:s16+$0xDAC0] =	vst v6  }
0x6df: {  	s7 =	sshra.s32 s7, $0x2;
	s30 =	smul.u32 $0x84, s30;
	v6 =	vld [tilespmem:s11+$0x76C0]  }
0x6e0: {  	s29 =	sor.u32 $0xA, s15;
	s5 =	sor.u32 $0x11, s5;
	[tilespmem:s7+$0xDAC0] =	vst v5  }
0x6e1: {  	v5 =	vld [tilespmem:s3+$0x76C0];
	s3 =	sshll.u32 s29, $0x4;
	s11 =	sshra.s32 s30, $0x2;
	[tilespmem:s5+$0xDAC0] =	vst v3  }
0x6e2: {  	v3 =	vld [tilespmem:s3+$0x12C0];
	[tilespmem:s11+$0xDAC0] =	vst v4  }
0x6e3: {  	s21 =	sor.u32 $0x8, s19;
	v4 =	vld [tilespmem:s10+$0x76C0]  }
0x6e4: {  	[tilespmem:s16+$0xDAD0] =	vst v6;
	s16 =	sshll.u32 s21, $0x4  }
0x6e5: {  	s5 =	smul.u32 $0x21, s29;
	s10 =	sor.u32 $0x9, s14;
	v6 =	vld [tilespmem:s16+$0x12C0]  }
0x6e6: {  	[tilespmem:s7+$0xDAD0] =	vst v5;
	s7 =	sshll.u32 s10, $0x4  }
0x6e7: {  	s30 =	sor.u32 $0xA, s12;
	v5 =	vld [tilespmem:s7+$0x12C0];
	s21 =	smul.u32 $0x84, s21;
	[tilespmem:s5+$0xDAC0] =	vst v3  }
0x6e8: {  	v3 =	vld [tilespmem:s3+$0x76C0];
	[tilespmem:s11+$0xDAD0] =	vst v4;
	s3 =	sshll.u32 s30, $0x4  }
0x6e9: {  	s11 =	sshra.s32 s21, $0x2;
	v4 =	vld [tilespmem:s3+$0x12C0]  }
0x6ea: {  	s10 =	smul.u32 $0x21, s10;
	[tilespmem:s11+$0xDAC0] =	vst v6  }
0x6eb: {  	s29 =	smul.u32 $0x84, s30;
	v6 =	vld [tilespmem:s16+$0x76C0]  }
0x6ec: {  	s5 =	sor.u32 $0x12, s5;
	s30 =	sor.u32 $0xB, s15;
	[tilespmem:s10+$0xDAC0] =	vst v5  }
0x6ed: {  	v5 =	vld [tilespmem:s7+$0x76C0];
	s16 =	sshra.s32 s29, $0x2;
	[tilespmem:s5+$0xDAC0] =	vst v3;
	s5 =	sshll.u32 s30, $0x4  }
0x6ee: {  	v3 =	vld [tilespmem:s5+$0x12C0];
	[tilespmem:s16+$0xDAC0] =	vst v4  }
0x6ef: {  	s21 =	sor.u32 $0x9, s19;
	v4 =	vld [tilespmem:s3+$0x76C0]  }
0x6f0: {  	[tilespmem:s11+$0xDAD0] =	vst v6;
	s11 =	sshll.u32 s21, $0x4  }
0x6f1: {  	s7 =	smul.u32 $0x21, s30;
	s29 =	sand.u32 $0xFFC8, s10;
	s10 =	sor.u32 $0xA, s14;
	v6 =	vld [tilespmem:s11+$0x12C0]  }
0x6f2: {  	s3 =	sshll.u32 s10, $0x4;
	[tilespmem:s29+$0xDAD1] =	vst v5  }
0x6f3: {  	s30 =	sor.u32 $0xB, s12;
	v5 =	vld [tilespmem:s3+$0x12C0];
	s21 =	smul.u32 $0x84, s21;
	[tilespmem:s7+$0xDAC0] =	vst v3  }
0x6f4: {  	v3 =	vld [tilespmem:s5+$0x76C0];
	[tilespmem:s16+$0xDAD0] =	vst v4;
	s5 =	sshll.u32 s30, $0x4  }
0x6f5: {  	s16 =	sshra.s32 s21, $0x2;
	v4 =	vld [tilespmem:s5+$0x12C0]  }
0x6f6: {  	s10 =	smul.u32 $0x21, s10;
	[tilespmem:s16+$0xDAC0] =	vst v6  }
0x6f7: {  	s21 =	smul.u32 $0x84, s30;
	v6 =	vld [tilespmem:s11+$0x76C0]  }
0x6f8: {  	s29 =	sor.u32 $0x13, s7;
	s30 =	sor.u32 $0xC, s15;
	[tilespmem:s10+$0xDAC0] =	vst v5  }
0x6f9: {  	v5 =	vld [tilespmem:s3+$0x76C0];
	s3 =	sshll.u32 s30, $0x4;
	s11 =	sshra.s32 s21, $0x2;
	[tilespmem:s29+$0xDAC0] =	vst v3  }
0x6fa: {  	v3 =	vld [tilespmem:s3+$0x12C0];
	[tilespmem:s11+$0xDAC0] =	vst v4  }
0x6fb: {  	s21 =	sor.u32 $0xA, s19;
	v4 =	vld [tilespmem:s5+$0x76C0]  }
0x6fc: {  	[tilespmem:s16+$0xDAD0] =	vst v6;
	s16 =	sshll.u32 s21, $0x4  }
0x6fd: {  	s7 =	smul.u32 $0x21, s30;
	s29 =	sor.u32 $0x12, s10;
	s10 =	sor.u32 $0xB, s14;
	v6 =	vld [tilespmem:s16+$0x12C0]  }
0x6fe: {  	s5 =	sshll.u32 s10, $0x4;
	[tilespmem:s29+$0xDAC0] =	vst v5  }
0x6ff: {  	s30 =	sor.u32 $0xC, s12;
	v5 =	vld [tilespmem:s5+$0x12C0];
	s21 =	smul.u32 $0x84, s21;
	[tilespmem:s7+$0xDAC0] =	vst v3  }
0x700: {  	v3 =	vld [tilespmem:s3+$0x76C0];
	[tilespmem:s11+$0xDAD0] =	vst v4;
	s3 =	sshll.u32 s30, $0x4  }
0x701: {  	s11 =	sshra.s32 s21, $0x2;
	v4 =	vld [tilespmem:s3+$0x12C0]  }
0x702: {  	s10 =	smul.u32 $0x21, s10;
	[tilespmem:s11+$0xDAC0] =	vst v6  }
0x703: {  	s21 =	smul.u32 $0x84, s30;
	v6 =	vld [tilespmem:s16+$0x76C0]  }
0x704: {  	s29 =	sor.u32 $0x14, s7;
	s30 =	sor.u32 $0xD, s15;
	[tilespmem:s10+$0xDAC0] =	vst v5  }
0x705: {  	v5 =	vld [tilespmem:s5+$0x76C0];
	s5 =	sshll.u32 s30, $0x4;
	s16 =	sshra.s32 s21, $0x2;
	[tilespmem:s29+$0xDAC0] =	vst v3  }
0x706: {  	v3 =	vld [tilespmem:s5+$0x12C0];
	[tilespmem:s16+$0xDAC0] =	vst v4  }
0x707: {  	s21 =	sor.u32 $0xB, s19;
	v4 =	vld [tilespmem:s3+$0x76C0]  }
0x708: {  	[tilespmem:s11+$0xDAD0] =	vst v6;
	s11 =	sshll.u32 s21, $0x4  }
0x709: {  	s7 =	smul.u32 $0x21, s30;
	s29 =	sand.u32 $0xFFC8, s10;
	s10 =	sor.u32 $0xC, s14;
	v6 =	vld [tilespmem:s11+$0x12C0]  }
0x70a: {  	s3 =	sshll.u32 s10, $0x4;
	[tilespmem:s29+$0xDAD3] =	vst v5  }
0x70b: {  	s30 =	sor.u32 $0xD, s12;
	v5 =	vld [tilespmem:s3+$0x12C0];
	s21 =	smul.u32 $0x84, s21;
	[tilespmem:s7+$0xDAC0] =	vst v3  }
0x70c: {  	v3 =	vld [tilespmem:s5+$0x76C0];
	[tilespmem:s16+$0xDAD0] =	vst v4;
	s5 =	sshll.u32 s30, $0x4  }
0x70d: {  	s16 =	sshra.s32 s21, $0x2;
	v4 =	vld [tilespmem:s5+$0x12C0]  }
0x70e: {  	s10 =	smul.u32 $0x21, s10;
	[tilespmem:s16+$0xDAC0] =	vst v6  }
0x70f: {  	s21 =	smul.u32 $0x84, s30;
	v6 =	vld [tilespmem:s11+$0x76C0]  }
0x710: {  	s29 =	sor.u32 $0x15, s7;
	s30 =	sor.u32 $0xE, s15;
	[tilespmem:s10+$0xDAC0] =	vst v5  }
0x711: {  	v5 =	vld [tilespmem:s3+$0x76C0];
	s3 =	sshll.u32 s30, $0x4;
	s11 =	sshra.s32 s21, $0x2;
	[tilespmem:s29+$0xDAC0] =	vst v3  }
0x712: {  	v3 =	vld [tilespmem:s3+$0x12C0];
	[tilespmem:s11+$0xDAC0] =	vst v4  }
0x713: {  	s21 =	sor.u32 $0xC, s19;
	v4 =	vld [tilespmem:s5+$0x76C0]  }
0x714: {  	[tilespmem:s16+$0xDAD0] =	vst v6;
	s16 =	sshll.u32 s21, $0x4  }
0x715: {  	s7 =	smul.u32 $0x21, s30;
	s29 =	sor.u32 $0x14, s10;
	s10 =	sor.u32 $0xD, s14;
	v6 =	vld [tilespmem:s16+$0x12C0]  }
0x716: {  	s5 =	sshll.u32 s10, $0x4;
	[tilespmem:s29+$0xDAC0] =	vst v5  }
0x717: {  	s30 =	sor.u32 $0xE, s12;
	v5 =	vld [tilespmem:s5+$0x12C0];
	s21 =	smul.u32 $0x84, s21;
	[tilespmem:s7+$0xDAC0] =	vst v3  }
0x718: {  	v3 =	vld [tilespmem:s3+$0x76C0];
	[tilespmem:s11+$0xDAD0] =	vst v4;
	s3 =	sshll.u32 s30, $0x4  }
0x719: {  	s11 =	sshra.s32 s21, $0x2;
	v4 =	vld [tilespmem:s3+$0x12C0]  }
0x71a: {  	s10 =	smul.u32 $0x21, s10;
	[tilespmem:s11+$0xDAC0] =	vst v6  }
0x71b: {  	s21 =	smul.u32 $0x84, s30;
	v6 =	vld [tilespmem:s16+$0x76C0]  }
0x71c: {  	s29 =	sor.u32 $0x16, s7;
	s30 =	sshllo.u32 s4, $0x4;
	[tilespmem:s10+$0xDAC0] =	vst v5  }
0x71d: {  	v5 =	vld [tilespmem:s5+$0x76C0];
	s5 =	sshll.u32 s30, $0x4;
	s16 =	sshra.s32 s21, $0x2;
	[tilespmem:s29+$0xDAC0] =	vst v3  }
0x71e: {  	v3 =	vld [tilespmem:s5+$0x12C0];
	[tilespmem:s16+$0xDAC0] =	vst v4  }
0x71f: {  	s29 =	sor.u32 $0xD, s19;
	v4 =	vld [tilespmem:s3+$0x76C0]  }
0x720: {  	s7 =	smul.u32 $0x21, s30;
	s30 =	sshll.u32 s29, $0x4;
	[tilespmem:s11+$0xDAD0] =	vst v6  }
0x721: {  	s10 =	sand.u32 $0xFFC8, s10;
	s21 =	sor.u32 $0xE, s14;
	v6 =	vld [tilespmem:s30+$0x12C0]  }
0x722: {  	s3 =	sshll.u32 s21, $0x4;
	[tilespmem:s10+$0xDAD5] =	vst v5  }
0x723: {  	s2 =	sshllo.u32 s2, $0x4;
	s29 =	smul.u32 $0x84, s29;
	v5 =	vld [tilespmem:s3+$0x12C0];
	[tilespmem:s7+$0xDAC0] =	vst v3  }
0x724: {  	v3 =	vld [tilespmem:s5+$0x76C0];
	[tilespmem:s16+$0xDAD0] =	vst v4;
	s5 =	sshll.u32 s2, $0x4  }
0x725: {  	s16 =	sshra.s32 s29, $0x2;
	v4 =	vld [tilespmem:s5+$0x12C0]  }
0x726: {  	s10 =	smul.u32 $0x21, s21;
	[tilespmem:s16+$0xDAC0] =	vst v6  }
0x727: {  	s2 =	smul.u32 $0x84, s2;
	v6 =	vld [tilespmem:s30+$0x76C0]  }
0x728: {  	[tilespmem:s10+$0xDAC0] =	vst v5;
	s30 =	sor.u32 $0x17, s7  }
0x729: {  	s2 =	sshra.s32 s2, $0x2;
	v5 =	vld [tilespmem:s3+$0x76C0];
	[tilespmem:s30+$0xDAC0] =	vst v3  }
0x72a: {  	v7 =	vld [tilespmem:s15+$0xC80];
	[tilespmem:s2+$0xDAC0] =	vst v4  }
0x72b: {  	v3 =	vld [tilespmem:s5+$0x76C0];
	s5 =	sor.u32 $0x16, s10;
	s10 =	sor.u32 $0xE, s19  }
0x72c: {  	s11 =	sshll.u32 s10, $0x4;
	[tilespmem:s16+$0xDAD0] =	vst v6  }
0x72d: {  	v26 =	vld [tilespmem:s11+$0x12C0]  }
0x72e: {  	s0 =	sshllo.u32 s0, $0x4  }
0x72f: {  	s7 =	sshll.u32 s0, $0x4;
	[tilespmem:s5+$0xDAC0] =	vst v5;
	s16 =	smul.u32 $0x84, s10  }
0x730: {  	v25 =	vld [tilespmem:s7+$0x12C0];
	[tilespmem:s2+$0xDAD0] =	vst v3;
	v3 =	vand.u32 $0x7FFFFFFF, v7  }
0x731: {  	s2 =	sshra.s32 s16, $0x2;
	v3 =	vadd.f32 $1.000000000e+00, v3;
	v27 =	vld [tilespmem:s12+$0xC80]  }
0x732: {  	[tilespmem:s2+$0xDAC0] =	vst v26  }
0x733: {  	s0 =	smul.u32 $0x21, s0;
	v8 =	vadd.s32 $0x4AFB0D, v3;
	v3 =	vld [tilespmem:s11+$0x76C0];
	_ =	sdelay $0x1  }
0x734: {  	[tilespmem:s0+$0xDAC0] =	vst v25  }
0x735: {  	v4 =	vld [tilespmem:s7+$0x76C0];
	v28 =	vand.u32 $0x7FFFFF, v8;
	v10 =	vand.u32 $0x7FFFFFFF, v27  }
0x736: {  	s21 =	sshllo.u32 s20, $0x4;
	v5 =	vadd.s32 $0x3F3504F3, v28;
	v10 =	vadd.f32 $1.000000000e+00, v10  }
0x737: {  	s29 =	sshll.u32 s21, $0x4;
	v9 =	vadd.f32 $1.000000000e+00, v5;
	[tilespmem:s2+$0xDAD0] =	vst v3  }
0x738: {  	v29 =	vadd.s32 $0x4AFB0D, v10;
	v31 =	vld [tilespmem:s29+$0x12C0]  }
0x739: {  	s0 =	sand.u32 $0xFFC8, s0;
	(erf) = vrcp.f32 v9;
	v3 =	vand.u32 $0x7FFFFF, v29  }
0x73a: {  	[tilespmem:s0+$0xDAD7] =	vst v4;
	s0 =	smul.u32 $0x84, s21;
	v3 =	vadd.s32 $0x3F3504F3, v3  }
0x73b: {  	v30 =	vld [tilespmem:s14+$0xC80];
	v11 =	vadd.f32 $1.000000000e+00, v3  }
0x73c: {  	s0 =	sshra.s32 s0, $0x2  }
0x73d: {  	(erf) = vrcp.f32 v11;
	[tilespmem:s0+$0xDAC0] =	vst v31  }
0x73e: {  	v10 =	vld [tilespmem:s29+$0x76C0];
	_ =	sdelay $0x1  }
0x73f: {  	v32 =	vand.u32 $0x7FFFFFFF, v30  }
0x740: {  	v5 =	vadd.f32 $-1.000000000e+00, v5;
	v11 =	vadd.f32 $1.000000000e+00, v32  }
0x741: {  	v12 =	vpop (erf)  }
0x742: {  	v11 =	vadd.s32 $0x4AFB0D, v11;
	v5 =	vmul.f32 v12, v5;
	[tilespmem:s0+$0xDAD0] =	vst v10  }
0x743: {  	v15 =	vadd.f32 $-1.000000000e+00, v3;
	v33 =	vand.u32 $0x7FFFFF, v11;
	v3 =	vld [tilespmem:s19+$0xC80]  }
0x744: {  	v12 =	vadd.s32 $0x3F3504F3, v33;
	v13 =	vmul.f32 v5, v5  }
0x745: {  	v34 =	vadd.f32 $1.000000000e+00, v12;
	v16 =	vpop (erf)  }
0x746: {  	v14 =	vmul.f32 $1.111111120e-01, v13;
	v36 =	vmul.f32 v16, v15  }
0x747: {  	(erf) = vrcp.f32 v34  }
0x748: {  	v35 =	vadd.f32 $1.428571490e-01, v14;
	v15 =	vmul.f32 v36, v36;
	v37 =	vand.u32 $0x7FFFFFFF, v3  }
0x749: {  	v48 =	vmov s15;
	v16 =	vadd.f32 $1.000000000e+00, v37  }
0x74a: {  	v53 =	vmov s12;
	v10 =	vmul.f32 v35, v13;
	v17 =	vmul.f32 $1.111111120e-01, v15  }
0x74b: {  	v54 =	vmul.u32 $0x21, v53;
	v56 =	vmov s14;
	v16 =	vadd.s32 $0x4AFB0D, v16  }
0x74c: {  	v10 =	vadd.f32 $2.000000030e-01, v10;
	v17 =	vadd.f32 $1.428571490e-01, v17;
	v18 =	vand.u32 $0x7FFFFF, v16  }
0x74d: {  	v58 =	vmov s19;
	vm0 =	vlt.f32 v7, $0.0e+00;
	v18 =	vadd.s32 $0x3F3504F3, v18  }
0x74e: {  	v10 =	vmul.f32 v10, v13;
	v17 =	vmul.f32 v17, v15;
	v38 =	vadd.f32 $1.000000000e+00, v18  }
0x74f: {  	vm1 =	vgt.f32 v7, $0.0e+00;
	v46 =	vand.u32 $0x80000000, v7;
	v12 =	vadd.f32 $-1.000000000e+00, v12  }
0x750: {  	v19 =	vpop (erf);
	v10 =	vadd.f32 $3.333333430e-01, v10;
	v39 =	vadd.f32 $2.000000030e-01, v17;
	(erf) = vrcp.f32 v38  }
0x751: {  	vm0 =	vmor vm1, vm0;
	v8 =	vshra.s32 v8, $0x17;
	v12 =	vmul.f32 v19, v12  }
0x752: {  	v8 =	vadd.s32 $0xFFFFFF81, v8;
	v10 =	vmul.f32 v10, v13;
	v13 =	vmul.f32 v39, v15  }
0x753: {  	v8 =	vcvt.s32.f32 v8;
	v4 =	vshra.s32 v29, $0x17;
	v40 =	vmul.f32 v12, v12  }
0x754: {  	vm10 =	vlt.f32 v27, $0.0e+00;
	v4 =	vadd.s32 $0xFFFFFF81, v4;
	v13 =	vadd.f32 $3.333333430e-01, v13  }
0x755: {  	vm11 =	vgt.f32 v27, $0.0e+00;
	v4 =	vcvt.s32.f32 v4;
	v41 =	vmul.f32 $1.111111120e-01, v40  }
0x756: {  	v5 =	vadd.f32 v5, v5;
	v44 =	vadd.f32 v36, v36;
	v13 =	vmul.f32 v13, v15  }
0x757: {  	v8 =	vmul.f32 $6.931471820e-01, v8;
	v10 =	vadd.f32 $1.000000000e+00, v10;
	v42 =	vadd.f32 $1.428571490e-01, v41  }
0x758: {  	v4 =	vmul.f32 $6.931471820e-01, v4;
	v45 =	vadd.f32 $-1.000000000e+00, v18;
	v13 =	vadd.f32 $1.000000000e+00, v13  }
0x759: {  	v52 =	vand.u32 $0x80000000, v27;
	v5 =	vmul.f32 v10, v5;
	v43 =	vmul.f32 v42, v40;
	v47 =	vpop (erf)  }
0x75a: {  	v11 =	vshra.s32 v11, $0x17;
	v10 =	vmul.f32 v13, v44;
	v13 =	vmul.f32 v47, v45  }
0x75b: {  	v11 =	vadd.s32 $0xFFFFFF81, v11;
	v5 =	vadd.f32 v5, v8;
	v8 =	vadd.f32 $2.000000030e-01, v43  }
0x75c: {  	vm12 =	vlt.f32 v30, $0.0e+00;
	v11 =	vcvt.s32.f32 v11;
	v49 =	vmul.f32 v13, v13  }
0x75d: {  	vm13 =	vgt.f32 v30, $0.0e+00;
	v14 =	vmul.u32 $0x21, v48;
	v8 =	vmul.f32 v8, v40  }
0x75e: {  	v55 =	vand.u32 $0x80000000, v30;
	v11 =	vmul.f32 $6.931471820e-01, v11;
	v51 =	vmul.f32 $1.111111120e-01, v49  }
0x75f: {  	v50 =	vbroadcast v14, $0x0;
	v59 =	vshra.s32 v16, $0x17;
	v8 =	vadd.f32 $3.333333430e-01, v8  }
0x760: {  	v14 =	vadd.s32 $0xFFFFFF81, v59;
	v4 =	vadd.f32 v10, v4;
	v10 =	vadd.f32 $1.428571490e-01, v51  }
0x761: {  	v61 =	vand.u32 $0x80000000, v3;
	v14 =	vcvt.s32.f32 v14;
	v15 =	vor.u32 v46, v0  }
0x762: {  	v7 =	vsel vm0, v15, v7;
	v8 =	vmul.f32 v8, v40;
	v10 =	vmul.f32 v10, v49  }
0x763: {  	v12 =	vadd.f32 v12, v12;
	v5 =	vmul.f32 v5, v7;
	v7 =	vadd.s32 v1, v50  }
0x764: {  	v7 =	vand.u32 $0xFFFFFFF8, v7;
	v8 =	vadd.f32 $1.000000000e+00, v8;
	v10 =	vadd.f32 $2.000000030e-01, v10  }
0x765: {  	v60 =	vmul.f32 $6.931471820e-01, v14;
	vm0 =	vmor vm11, vm10;
	v7 =	vor.u32 v2, v7  }
0x766: {  	v8 =	vmul.f32 v8, v12;
	v12 =	vor.u32 v52, v0;
	v10 =	vmul.f32 v10, v49  }
0x767: {  	v13 =	vadd.f32 v13, v13;
	v6 =	vsel vm0, v12, v27;
	v12 =	vmul.u32 $0x21, v56  }
0x768: {  	vm0 =	vmor vm13, vm12;
	v4 =	vmul.f32 v4, v6;
	v10 =	vadd.f32 $3.333333430e-01, v10  }
0x769: {  	v6 =	vbroadcast v54, $0x0;
	v57 =	vbroadcast v12, $0x0;
	v12 =	vmul.u32 $0x21, v58  }
0x76a: {  	v8 =	vadd.f32 v8, v11;
	v11 =	vor.u32 v55, v0;
	v10 =	vmul.f32 v10, v49  }
0x76b: {  	v9 =	vsel vm0, v11, v30;
	v6 =	vadd.s32 v1, v6;
	v12 =	vbroadcast v12, $0x0  }
0x76c: {  	v6 =	vand.u32 $0xFFFFFFF8, v6;
	v11 =	vadd.s32 v1, v57;
	v10 =	vadd.f32 $1.000000000e+00, v10  }
0x76d: {  	v6 =	vor.u32 v2, v6;
	v11 =	vand.u32 $0xFFFFFFF8, v11;
	v12 =	vadd.s32 v1, v12  }
0x76e: {  	v11 =	vor.u32 v2, v11;
	v12 =	vand.u32 $0xFFFFFFF8, v12;
	v10 =	vmul.f32 v10, v13  }
0x76f: {  	p0 =	slt.u32 s4, $0x2C;
	vm14 =	vlt.f32 v3, $0.0e+00;
	vm15 =	vgt.f32 v3, $0.0e+00;
	v12 =	vor.u32 v2, v12  }
.Ltmp9:
0x770: {  	v62 =	vor.u32 v61, v0;
	vm0 =	vmor vm15, vm14;
	v10 =	vadd.f32 v10, v60;
	(pc) =	sbr.rel @p0 .LBB2_16-.Ltmp9, $4  }
0x771: {  	[tilespmem:v7+s22+$0x0] =	vst.idx.msk $0xffff, v5;
	v63 =	vmul.f32 v8, v9;
	v3 =	vsel vm0, v62, v3  }
0x772: {  	s30 =	sadd.s32 $0x4, s4;
	[tilespmem:v6+s22+$0x0] =	vst.idx.msk $0xffff, v4;
	v3 =	vmul.f32 v10, v3  }
0x773: {  	s4 =	smov.u32 s30;
	s12 =	simm.s32 $0xA7B0;
	[tilespmem:v11+s22+$0x0] =	vst.idx.msk $0xffff, v63  }
0x774: {  	s2 =	simm.s32 $0x43B0;
	s14 =	simm.s32 $0x300;
	s0 =	simm.s32 $0xF80;
	[tilespmem:v12+s22+$0x0] =	vst.idx.msk $0xffff, v3  }
.LBB2_17:
0x775: {  	v3 =	vld [tilespmem:s2+$0xFFFFFF10];
	_ =	sdelay $0x3  }
0x776: {  	s4 =	sshra.s32 s28, $0x2  }
0x777: {  	[tilespmem:s4+$0x13DC0] =	vst v3  }
0x778: {  	v3 =	vld [tilespmem:s12+$0xFFFFFF10];
	_ =	sdelay $0x4  }
0x779: {  	[tilespmem:s4+$0x13DD0] =	vst v3  }
0x77a: {  	v3 =	vld [tilespmem:s2+$0xFFFFFF20];
	_ =	sdelay $0x4  }
0x77b: {  	[tilespmem:s4+$0x13DE1] =	vst v3  }
0x77c: {  	v3 =	vld [tilespmem:s12+$0xFFFFFF20];
	_ =	sdelay $0x4  }
0x77d: {  	[tilespmem:s4+$0x13DF1] =	vst v3  }
0x77e: {  	v3 =	vld [tilespmem:s2+$0xFFFFFF30];
	_ =	sdelay $0x4  }
0x77f: {  	[tilespmem:s4+$0x13E02] =	vst v3  }
0x780: {  	v3 =	vld [tilespmem:s12+$0xFFFFFF30];
	_ =	sdelay $0x4  }
0x781: {  	[tilespmem:s4+$0x13E12] =	vst v3  }
0x782: {  	v3 =	vld [tilespmem:s2+$0xFFFFFF40];
	_ =	sdelay $0x4  }
0x783: {  	[tilespmem:s4+$0x13E23] =	vst v3  }
0x784: {  	v3 =	vld [tilespmem:s12+$0xFFFFFF40];
	_ =	sdelay $0x4  }
0x785: {  	[tilespmem:s4+$0x13E33] =	vst v3  }
0x786: {  	v3 =	vld [tilespmem:s2+$0xFFFFFF50];
	_ =	sdelay $0x4  }
0x787: {  	[tilespmem:s4+$0x13E44] =	vst v3  }
0x788: {  	v3 =	vld [tilespmem:s12+$0xFFFFFF50];
	_ =	sdelay $0x4  }
0x789: {  	[tilespmem:s4+$0x13E54] =	vst v3  }
0x78a: {  	v3 =	vld [tilespmem:s2+$0xFFFFFF60];
	_ =	sdelay $0x4  }
0x78b: {  	[tilespmem:s4+$0x13E65] =	vst v3  }
0x78c: {  	v3 =	vld [tilespmem:s12+$0xFFFFFF60];
	_ =	sdelay $0x4  }
0x78d: {  	[tilespmem:s4+$0x13E75] =	vst v3  }
0x78e: {  	v3 =	vld [tilespmem:s2+$0xFFFFFF70];
	_ =	sdelay $0x4  }
0x78f: {  	[tilespmem:s4+$0x13E86] =	vst v3  }
0x790: {  	v3 =	vld [tilespmem:s12+$0xFFFFFF70];
	_ =	sdelay $0x4  }
0x791: {  	[tilespmem:s4+$0x13E96] =	vst v3  }
0x792: {  	v3 =	vld [tilespmem:s2+$0xFFFFFF80];
	_ =	sdelay $0x4  }
0x793: {  	[tilespmem:s4+$0x13EA7] =	vst v3  }
0x794: {  	v3 =	vld [tilespmem:s12+$0xFFFFFF80];
	_ =	sdelay $0x4  }
0x795: {  	[tilespmem:s4+$0x13EB7] =	vst v3  }
0x796: {  	v3 =	vld [tilespmem:s2+$0xFFFFFF90];
	_ =	sdelay $0x4  }
0x797: {  	[tilespmem:s4+$0x13EC8] =	vst v3  }
0x798: {  	v3 =	vld [tilespmem:s12+$0xFFFFFF90];
	_ =	sdelay $0x4  }
0x799: {  	[tilespmem:s4+$0x13ED8] =	vst v3  }
0x79a: {  	v3 =	vld [tilespmem:s2+$0xFFFFFFA0];
	_ =	sdelay $0x4  }
0x79b: {  	[tilespmem:s4+$0x13EE9] =	vst v3  }
0x79c: {  	v3 =	vld [tilespmem:s12+$0xFFFFFFA0];
	_ =	sdelay $0x4  }
0x79d: {  	[tilespmem:s4+$0x13EF9] =	vst v3  }
0x79e: {  	v3 =	vld [tilespmem:s2+$0xFFFFFFB0];
	_ =	sdelay $0x4  }
0x79f: {  	[tilespmem:s4+$0x13F0A] =	vst v3  }
0x7a0: {  	v3 =	vld [tilespmem:s12+$0xFFFFFFB0];
	_ =	sdelay $0x4  }
0x7a1: {  	[tilespmem:s4+$0x13F1A] =	vst v3  }
0x7a2: {  	v3 =	vld [tilespmem:s2+$0xFFFFFFC0];
	_ =	sdelay $0x4  }
0x7a3: {  	[tilespmem:s4+$0x13F2B] =	vst v3  }
0x7a4: {  	v3 =	vld [tilespmem:s12+$0xFFFFFFC0];
	_ =	sdelay $0x4  }
0x7a5: {  	[tilespmem:s4+$0x13F3B] =	vst v3  }
0x7a6: {  	v3 =	vld [tilespmem:s2+$0xFFFFFFD0];
	_ =	sdelay $0x4  }
0x7a7: {  	[tilespmem:s4+$0x13F4C] =	vst v3  }
0x7a8: {  	v3 =	vld [tilespmem:s12+$0xFFFFFFD0];
	_ =	sdelay $0x4  }
0x7a9: {  	[tilespmem:s4+$0x13F5C] =	vst v3  }
0x7aa: {  	v3 =	vld [tilespmem:s2+$0xFFFFFFE0];
	_ =	sdelay $0x4  }
0x7ab: {  	[tilespmem:s4+$0x13F6D] =	vst v3  }
0x7ac: {  	v3 =	vld [tilespmem:s12+$0xFFFFFFE0];
	_ =	sdelay $0x4  }
0x7ad: {  	[tilespmem:s4+$0x13F7D] =	vst v3  }
0x7ae: {  	v3 =	vld [tilespmem:s2+$0xFFFFFFF0];
	_ =	sdelay $0x4  }
0x7af: {  	[tilespmem:s4+$0x13F8E] =	vst v3  }
0x7b0: {  	v3 =	vld [tilespmem:s12+$0xFFFFFFF0];
	_ =	sdelay $0x4  }
0x7b1: {  	[tilespmem:s4+$0x13F9E] =	vst v3  }
0x7b2: {  	v3 =	vld [tilespmem:s2+$0x0];
	_ =	sdelay $0x4  }
0x7b3: {  	[tilespmem:s4+$0x13FAF] =	vst v3  }
0x7b4: {  	v3 =	vld [tilespmem:s12+$0x0];
	_ =	sdelay $0x4  }
0x7b5: {  	[tilespmem:s4+$0x13FBF] =	vst v3  }
0x7b6: {  	v3 =	vld [tilespmem:s0+$0x0];
	_ =	sdelay $0x4  }
0x7b7: {  	v4 =	vand.u32 $0x7FFFFFFF, v3  }
0x7b8: {  	v4 =	vadd.f32 $1.000000000e+00, v4;
	_ =	sdelay $0x1  }
0x7b9: {  	v4 =	vadd.s32 $0x4AFB0D, v4  }
0x7ba: {  	v5 =	vand.u32 $0x7FFFFF, v4  }
0x7bb: {  	v5 =	vadd.s32 $0x3F3504F3, v5  }
0x7bc: {  	v6 =	vadd.f32 $1.000000000e+00, v5;
	_ =	sdelay $0x1  }
0x7bd: {  	(erf) = vrcp.f32 v6;
	_ =	sdelay $0x7  }
0x7be: {  	v5 =	vadd.f32 $-1.000000000e+00, v5  }
0x7bf: {  	v6 =	vpop (erf)  }
0x7c0: {  	v5 =	vmul.f32 v6, v5;
	_ =	sdelay $0x1  }
0x7c1: {  	v6 =	vmul.f32 v5, v5;
	_ =	sdelay $0x1  }
0x7c2: {  	v7 =	vmul.f32 $1.111111120e-01, v6;
	_ =	sdelay $0x1  }
0x7c3: {  	v7 =	vadd.f32 $1.428571490e-01, v7;
	_ =	sdelay $0x1  }
0x7c4: {  	v7 =	vmul.f32 v7, v6;
	_ =	sdelay $0x1  }
0x7c5: {  	v7 =	vadd.f32 $2.000000030e-01, v7;
	_ =	sdelay $0x1  }
0x7c6: {  	v7 =	vmul.f32 v7, v6;
	_ =	sdelay $0x1  }
0x7c7: {  	v8 =	vmov s14;
	v7 =	vadd.f32 $3.333333430e-01, v7  }
0x7c8: {  	v60 =	vmul.u32 $0x21, v8  }
0x7c9: {  	v4 =	vshra.s32 v4, $0x17;
	v6 =	vmul.f32 v7, v6  }
0x7ca: {  	v4 =	vadd.s32 $0xFFFFFF81, v4;
	v7 =	vbroadcast v60, $0x0  }
0x7cb: {  	v4 =	vcvt.s32.f32 v4;
	v5 =	vadd.f32 v5, v5;
	v6 =	vadd.f32 $1.000000000e+00, v6  }
0x7cc: {  	v62 =	vand.u32 $0x80000000, v3;
	v61 =	vadd.s32 v1, v7  }
0x7cd: {  	v4 =	vmul.f32 $6.931471820e-01, v4;
	v5 =	vmul.f32 v6, v5;
	v6 =	vand.u32 $0xFFFFFFF8, v61  }
0x7ce: {  	p0 =	sne.s32 s28, $0x840;
	vm0 =	vlt.f32 v3, $0.0e+00;
	vm1 =	vgt.f32 v3, $0.0e+00;
	v6 =	vor.u32 v2, v6  }
.Ltmp10:
0x7cf: {  	vm0 =	vmor vm1, vm0;
	v63 =	vor.u32 v62, v0;
	v4 =	vadd.f32 v5, v4;
	(pc) =	sbr.rel @p0 .LBB2_17-.Ltmp10, $4  }
0x7d0: {  	v3 =	vsel vm0, v63, v3  }
0x7d1: {  	v3 =	vmul.f32 v4, v3  }
0x7d2: {  	s14 =	sadd.s32 $0x10, s14;
	s28 =	sadd.s32 $0x840, s28  }
0x7d3: {  	s2 =	sadd.s32 $0x100, s2;
	s12 =	sadd.s32 $0x100, s12;
	s0 =	sadd.s32 $0x10, s0;
	[tilespmem:v6+s22+$0x0] =	vst.idx.msk $0xffff, v3  }
0x7d4: {  	s28 =	simm.s32 $0x0;
	s0 =	rddreg [dreg:$0x18]  }
0x7d5: {  	[hbm4b:s0+s28] =	stream.linear.scatter [tilespmem:s22], [sflag:$0x5], $0x6720, $0x38;
	[tilespmem:$0x1A900] =	vst v63  }
0x7d6: {  	_ =	swait.ge [sflag:s23], $0x3200  }
0x7d7: {  	[sflag:s23] =	ssyncset.done $0x0  }
0x7d8: {  	[sflag:s23] =	ssyncadd.s32 $0xFFFFCE00  }
0x7d9: {  	_ =	swait.ge [sflag:s23], $0x3200  }
0x7da: {  	[sflag:s23] =	ssyncset.done $0x0  }
0x7db: {  	[sflag:s23] =	ssyncadd.s32 $0xFFFFCE00  }
0x7dc: {  	_ =	swait.ge [sflag:s26], $0x6720  }
0x7dd: {  	[sflag:s26] =	ssyncset.done $0x0  }
0x7de: {  	s4 =	simm.s32 $0x0;
	[sflag:s26] =	ssyncadd.s32 $0xFFFF98E0  }
.LBB2_19:
0x7df: {  	s0 =	sshll.u32 s4, $0x8  }
0x7e0: {  	v3 =	vld [tilespmem:s0+$0x44C0];
	_ =	sdelay $0x1  }
0x7e1: {  	s2 =	smul.u32 $0x840, s4;
	_ =	sdelay $0x1  }
0x7e2: {  	s3 =	sshra.s32 s2, $0x2  }
0x7e3: {  	[tilespmem:s3+$0x141E0] =	vst v3  }
0x7e4: {  	s2 =	sor.u32 $0x1, s4;
	v3 =	vld [tilespmem:s0+$0xA8C0]  }
0x7e5: {  	s29 =	sshll.u32 s2, $0x8  }
0x7e6: {  	v4 =	vld [tilespmem:s29+$0x44C0]  }
0x7e7: {  	s15 =	sshll.u32 s4, $0x4  }
0x7e8: {  	s7 =	sor.u32 $0x1, s15;
	s5 =	smul.u32 $0x840, s2  }
0x7e9: {  	s30 =	sshll.u32 s7, $0x4;
	[tilespmem:s3+$0x141F0] =	vst v3  }
0x7ea: {  	s5 =	sshra.s32 s5, $0x2;
	v3 =	vld [tilespmem:s30+$0x44C0]  }
0x7eb: {  	[tilespmem:s5+$0x141E0] =	vst v4  }
0x7ec: {  	s0 =	sor.u32 $0x2, s4;
	v4 =	vld [tilespmem:s29+$0xA8C0]  }
0x7ed: {  	s7 =	smul.u32 $0x21, s7;
	s10 =	sshll.u32 s0, $0x8  }
0x7ee: {  	v5 =	vld [tilespmem:s10+$0x44C0]  }
0x7ef: {  	s12 =	sshll.u32 s2, $0x4;
	[tilespmem:s7+$0x141E0] =	vst v3  }
0x7f0: {  	s11 =	sor.u32 $0x1, s12;
	s14 =	smul.u32 $0x840, s0;
	v3 =	vld [tilespmem:s30+$0xA8C0]  }
0x7f1: {  	[tilespmem:s5+$0x141F0] =	vst v4;
	s5 =	sshll.u32 s11, $0x4  }
0x7f2: {  	s16 =	sshra.s32 s14, $0x2;
	v4 =	vld [tilespmem:s5+$0x44C0]  }
0x7f3: {  	[tilespmem:s16+$0x141E0] =	vst v5  }
0x7f4: {  	s19 =	sor.u32 $0x2, s15;
	s11 =	smul.u32 $0x84, s11;
	v5 =	vld [tilespmem:s10+$0xA8C0];
	s7 =	sor.u32 $0x11, s7  }
0x7f5: {  	s30 =	sshll.u32 s19, $0x4;
	[tilespmem:s7+$0x141E0] =	vst v3  }
0x7f6: {  	s11 =	sshra.s32 s11, $0x2;
	v3 =	vld [tilespmem:s30+$0x44C0]  }
0x7f7: {  	[tilespmem:s11+$0x141E0] =	vst v4  }
0x7f8: {  	s20 =	sor.u32 $0x3, s4;
	s14 =	sshll.u32 s0, $0x4;
	v4 =	vld [tilespmem:s5+$0xA8C0]  }
0x7f9: {  	s21 =	sor.u32 $0x1, s14;
	s10 =	smul.u32 $0x21, s19;
	[tilespmem:s16+$0x141F0] =	vst v5;
	s16 =	sshll.u32 s20, $0x8  }
0x7fa: {  	s29 =	sshll.u32 s21, $0x4;
	v6 =	vld [tilespmem:s16+$0x44C0]  }
0x7fb: {  	v5 =	vld [tilespmem:s29+$0x44C0];
	[tilespmem:s10+$0x141E0] =	vst v3  }
0x7fc: {  	s19 =	sor.u32 $0x2, s12;
	v3 =	vld [tilespmem:s30+$0xA8C0];
	s30 =	smul.u32 $0x840, s20  }
0x7fd: {  	s7 =	sshll.u32 s19, $0x4;
	[tilespmem:s11+$0x141F0] =	vst v4  }
0x7fe: {  	s3 =	smul.u32 $0x21, s21;
	v4 =	vld [tilespmem:s7+$0x44C0];
	s11 =	sshra.s32 s30, $0x2  }
0x7ff: {  	[tilespmem:s11+$0x141E0] =	vst v6  }
0x800: {  	s19 =	smul.u32 $0x84, s19;
	[tilespmem:s3+$0x141E0] =	vst v5;
	v6 =	vld [tilespmem:s16+$0xA8C0]  }
0x801: {  	s21 =	sor.u32 $0x12, s10;
	v5 =	vld [tilespmem:s29+$0xA8C0];
	s29 =	sor.u32 $0x3, s15  }
0x802: {  	s5 =	sshll.u32 s29, $0x4;
	s16 =	sshra.s32 s19, $0x2;
	[tilespmem:s21+$0x141E0] =	vst v3  }
0x803: {  	s19 =	sshll.u32 s20, $0x4;
	[tilespmem:s16+$0x141E0] =	vst v4;
	v3 =	vld [tilespmem:s5+$0x44C0]  }
0x804: {  	s21 =	sor.u32 $0x1, s19;
	v4 =	vld [tilespmem:s7+$0xA8C0]  }
0x805: {  	s3 =	sand.u32 $0xFFC0, s3;
	s7 =	sor.u32 $0x2, s14;
	[tilespmem:s11+$0x141F0] =	vst v6;
	s11 =	sshll.u32 s21, $0x4  }
0x806: {  	s10 =	smul.u32 $0x21, s29;
	[tilespmem:s3+$0x141F1] =	vst v5;
	s30 =	sshll.u32 s7, $0x4;
	v6 =	vld [tilespmem:s11+$0x44C0]  }
0x807: {  	v5 =	vld [tilespmem:s30+$0x44C0]  }
0x808: {  	s29 =	sor.u32 $0x3, s12;
	s21 =	smul.u32 $0x84, s21;
	[tilespmem:s10+$0x141E0] =	vst v3  }
0x809: {  	[tilespmem:s16+$0x141F0] =	vst v4;
	v3 =	vld [tilespmem:s5+$0xA8C0];
	s5 =	sshll.u32 s29, $0x4  }
0x80a: {  	s7 =	smul.u32 $0x21, s7;
	s16 =	sshra.s32 s21, $0x2;
	v4 =	vld [tilespmem:s5+$0x44C0]  }
0x80b: {  	[tilespmem:s16+$0x141E0] =	vst v6  }
0x80c: {  	s21 =	smul.u32 $0x84, s29;
	[tilespmem:s7+$0x141E0] =	vst v5;
	v6 =	vld [tilespmem:s11+$0xA8C0]  }
0x80d: {  	s29 =	sor.u32 $0x13, s10;
	v5 =	vld [tilespmem:s30+$0xA8C0];
	s30 =	sor.u32 $0x4, s15  }
0x80e: {  	s3 =	sshll.u32 s30, $0x4;
	s11 =	sshra.s32 s21, $0x2;
	[tilespmem:s29+$0x141E0] =	vst v3  }
0x80f: {  	v3 =	vld [tilespmem:s3+$0x44C0];
	[tilespmem:s11+$0x141E0] =	vst v4  }
0x810: {  	s21 =	sor.u32 $0x2, s19;
	v4 =	vld [tilespmem:s5+$0xA8C0]  }
0x811: {  	[tilespmem:s16+$0x141F0] =	vst v6;
	s16 =	sshll.u32 s21, $0x4  }
0x812: {  	s10 =	smul.u32 $0x21, s30;
	s29 =	sor.u32 $0x12, s7;
	s7 =	sor.u32 $0x3, s14;
	v6 =	vld [tilespmem:s16+$0x44C0]  }
0x813: {  	[tilespmem:s29+$0x141E0] =	vst v5;
	s5 =	sshll.u32 s7, $0x4  }
0x814: {  	s30 =	sor.u32 $0x4, s12;
	v5 =	vld [tilespmem:s5+$0x44C0];
	s21 =	smul.u32 $0x84, s21;
	[tilespmem:s10+$0x141E0] =	vst v3  }
0x815: {  	v3 =	vld [tilespmem:s3+$0xA8C0];
	[tilespmem:s11+$0x141F0] =	vst v4;
	s3 =	sshll.u32 s30, $0x4  }
0x816: {  	s11 =	sshra.s32 s21, $0x2;
	v4 =	vld [tilespmem:s3+$0x44C0]  }
0x817: {  	s7 =	smul.u32 $0x21, s7;
	[tilespmem:s11+$0x141E0] =	vst v6  }
0x818: {  	s21 =	smul.u32 $0x84, s30;
	v6 =	vld [tilespmem:s16+$0xA8C0]  }
0x819: {  	s29 =	sor.u32 $0x14, s10;
	s30 =	sor.u32 $0x5, s15;
	[tilespmem:s7+$0x141E0] =	vst v5  }
0x81a: {  	v5 =	vld [tilespmem:s5+$0xA8C0];
	s5 =	sshll.u32 s30, $0x4;
	s16 =	sshra.s32 s21, $0x2;
	[tilespmem:s29+$0x141E0] =	vst v3  }
0x81b: {  	v3 =	vld [tilespmem:s5+$0x44C0];
	[tilespmem:s16+$0x141E0] =	vst v4  }
0x81c: {  	s21 =	sor.u32 $0x3, s19;
	v4 =	vld [tilespmem:s3+$0xA8C0]  }
0x81d: {  	[tilespmem:s11+$0x141F0] =	vst v6;
	s11 =	sshll.u32 s21, $0x4  }
0x81e: {  	s10 =	smul.u32 $0x21, s30;
	s29 =	sand.u32 $0xFFC0, s7;
	s7 =	sor.u32 $0x4, s14;
	v6 =	vld [tilespmem:s11+$0x44C0]  }
0x81f: {  	[tilespmem:s29+$0x141F3] =	vst v5;
	s3 =	sshll.u32 s7, $0x4  }
0x820: {  	s30 =	sor.u32 $0x5, s12;
	v5 =	vld [tilespmem:s3+$0x44C0];
	s21 =	smul.u32 $0x84, s21;
	[tilespmem:s10+$0x141E0] =	vst v3  }
0x821: {  	v3 =	vld [tilespmem:s5+$0xA8C0];
	[tilespmem:s16+$0x141F0] =	vst v4;
	s5 =	sshll.u32 s30, $0x4  }
0x822: {  	s16 =	sshra.s32 s21, $0x2;
	v4 =	vld [tilespmem:s5+$0x44C0]  }
0x823: {  	s7 =	smul.u32 $0x21, s7;
	[tilespmem:s16+$0x141E0] =	vst v6  }
0x824: {  	s21 =	smul.u32 $0x84, s30;
	v6 =	vld [tilespmem:s11+$0xA8C0]  }
0x825: {  	s29 =	sor.u32 $0x15, s10;
	s30 =	sor.u32 $0x6, s15;
	[tilespmem:s7+$0x141E0] =	vst v5  }
0x826: {  	v5 =	vld [tilespmem:s3+$0xA8C0];
	s3 =	sshll.u32 s30, $0x4;
	s11 =	sshra.s32 s21, $0x2;
	[tilespmem:s29+$0x141E0] =	vst v3  }
0x827: {  	v3 =	vld [tilespmem:s3+$0x44C0];
	[tilespmem:s11+$0x141E0] =	vst v4  }
0x828: {  	s21 =	sor.u32 $0x4, s19;
	v4 =	vld [tilespmem:s5+$0xA8C0]  }
0x829: {  	[tilespmem:s16+$0x141F0] =	vst v6;
	s16 =	sshll.u32 s21, $0x4  }
0x82a: {  	s10 =	smul.u32 $0x21, s30;
	s29 =	sor.u32 $0x14, s7;
	s7 =	sor.u32 $0x5, s14;
	v6 =	vld [tilespmem:s16+$0x44C0]  }
0x82b: {  	[tilespmem:s29+$0x141E0] =	vst v5;
	s5 =	sshll.u32 s7, $0x4  }
0x82c: {  	s30 =	sor.u32 $0x6, s12;
	v5 =	vld [tilespmem:s5+$0x44C0];
	s21 =	smul.u32 $0x84, s21;
	[tilespmem:s10+$0x141E0] =	vst v3  }
0x82d: {  	v3 =	vld [tilespmem:s3+$0xA8C0];
	[tilespmem:s11+$0x141F0] =	vst v4;
	s3 =	sshll.u32 s30, $0x4  }
0x82e: {  	s11 =	sshra.s32 s21, $0x2;
	v4 =	vld [tilespmem:s3+$0x44C0]  }
0x82f: {  	s7 =	smul.u32 $0x21, s7;
	[tilespmem:s11+$0x141E0] =	vst v6  }
0x830: {  	s21 =	smul.u32 $0x84, s30;
	v6 =	vld [tilespmem:s16+$0xA8C0]  }
0x831: {  	s29 =	sor.u32 $0x16, s10;
	s30 =	sor.u32 $0x7, s15;
	[tilespmem:s7+$0x141E0] =	vst v5  }
0x832: {  	v5 =	vld [tilespmem:s5+$0xA8C0];
	s5 =	sshll.u32 s30, $0x4;
	s16 =	sshra.s32 s21, $0x2;
	[tilespmem:s29+$0x141E0] =	vst v3  }
0x833: {  	v3 =	vld [tilespmem:s5+$0x44C0];
	[tilespmem:s16+$0x141E0] =	vst v4  }
0x834: {  	s21 =	sor.u32 $0x5, s19;
	v4 =	vld [tilespmem:s3+$0xA8C0]  }
0x835: {  	[tilespmem:s11+$0x141F0] =	vst v6;
	s11 =	sshll.u32 s21, $0x4  }
0x836: {  	s10 =	smul.u32 $0x21, s30;
	s29 =	sand.u32 $0xFFC0, s7;
	s7 =	sor.u32 $0x6, s14;
	v6 =	vld [tilespmem:s11+$0x44C0]  }
0x837: {  	[tilespmem:s29+$0x141F5] =	vst v5;
	s3 =	sshll.u32 s7, $0x4  }
0x838: {  	s30 =	sor.u32 $0x7, s12;
	v5 =	vld [tilespmem:s3+$0x44C0];
	s21 =	smul.u32 $0x84, s21;
	[tilespmem:s10+$0x141E0] =	vst v3  }
0x839: {  	v3 =	vld [tilespmem:s5+$0xA8C0];
	[tilespmem:s16+$0x141F0] =	vst v4;
	s5 =	sshll.u32 s30, $0x4  }
0x83a: {  	s16 =	sshra.s32 s21, $0x2;
	v4 =	vld [tilespmem:s5+$0x44C0]  }
0x83b: {  	s7 =	smul.u32 $0x21, s7;
	[tilespmem:s16+$0x141E0] =	vst v6  }
0x83c: {  	s21 =	smul.u32 $0x84, s30;
	v6 =	vld [tilespmem:s11+$0xA8C0]  }
0x83d: {  	s29 =	sor.u32 $0x17, s10;
	s30 =	sor.u32 $0x8, s15;
	[tilespmem:s7+$0x141E0] =	vst v5  }
0x83e: {  	v5 =	vld [tilespmem:s3+$0xA8C0];
	s3 =	sshll.u32 s30, $0x4;
	s11 =	sshra.s32 s21, $0x2;
	[tilespmem:s29+$0x141E0] =	vst v3  }
0x83f: {  	v3 =	vld [tilespmem:s3+$0x44C0];
	[tilespmem:s11+$0x141E0] =	vst v4  }
0x840: {  	s21 =	sor.u32 $0x6, s19;
	v4 =	vld [tilespmem:s5+$0xA8C0]  }
0x841: {  	s10 =	smul.u32 $0x84, s30;
	[tilespmem:s16+$0x141F0] =	vst v6;
	s16 =	sshll.u32 s21, $0x4  }
0x842: {  	s29 =	sor.u32 $0x16, s7;
	s7 =	sor.u32 $0x7, s14;
	v6 =	vld [tilespmem:s16+$0x44C0]  }
0x843: {  	s10 =	sshra.s32 s10, $0x2;
	[tilespmem:s29+$0x141E0] =	vst v5;
	s5 =	sshll.u32 s7, $0x4  }
0x844: {  	s30 =	sor.u32 $0x8, s12;
	v5 =	vld [tilespmem:s5+$0x44C0];
	s21 =	smul.u32 $0x84, s21;
	[tilespmem:s10+$0x141E0] =	vst v3  }
0x845: {  	v3 =	vld [tilespmem:s3+$0xA8C0];
	[tilespmem:s11+$0x141F0] =	vst v4;
	s3 =	sshll.u32 s30, $0x4  }
0x846: {  	s11 =	sshra.s32 s21, $0x2;
	v4 =	vld [tilespmem:s3+$0x44C0]  }
0x847: {  	s7 =	smul.u32 $0x21, s7;
	[tilespmem:s11+$0x141E0] =	vst v6  }
0x848: {  	s29 =	smul.u32 $0x84, s30;
	v6 =	vld [tilespmem:s16+$0xA8C0]  }
0x849: {  	s30 =	sor.u32 $0x9, s15;
	[tilespmem:s7+$0x141E0] =	vst v5  }
0x84a: {  	v5 =	vld [tilespmem:s5+$0xA8C0];
	s16 =	sshra.s32 s29, $0x2;
	[tilespmem:s10+$0x141F0] =	vst v3;
	s10 =	sshll.u32 s30, $0x4  }
0x84b: {  	v3 =	vld [tilespmem:s10+$0x44C0];
	[tilespmem:s16+$0x141E0] =	vst v4  }
0x84c: {  	s21 =	sor.u32 $0x7, s19;
	v4 =	vld [tilespmem:s3+$0xA8C0]  }
0x84d: {  	[tilespmem:s11+$0x141F0] =	vst v6;
	s11 =	sshll.u32 s21, $0x4  }
0x84e: {  	s5 =	smul.u32 $0x21, s30;
	s29 =	sand.u32 $0xFFC0, s7;
	s7 =	sor.u32 $0x8, s14;
	v6 =	vld [tilespmem:s11+$0x44C0]  }
0x84f: {  	[tilespmem:s29+$0x141F7] =	vst v5;
	s3 =	sshll.u32 s7, $0x4  }
0x850: {  	s30 =	sor.u32 $0x9, s12;
	v5 =	vld [tilespmem:s3+$0x44C0];
	s21 =	smul.u32 $0x84, s21;
	[tilespmem:s5+$0x141E0] =	vst v3  }
0x851: {  	v3 =	vld [tilespmem:s10+$0xA8C0];
	[tilespmem:s16+$0x141F0] =	vst v4;
	s10 =	sshll.u32 s30, $0x4  }
0x852: {  	s7 =	smul.u32 $0x84, s7;
	s16 =	sshra.s32 s21, $0x2;
	v4 =	vld [tilespmem:s10+$0x44C0]  }
0x853: {  	[tilespmem:s16+$0x141E0] =	vst v6  }
0x854: {  	s7 =	sshra.s32 s7, $0x2;
	s30 =	smul.u32 $0x84, s30;
	v6 =	vld [tilespmem:s11+$0xA8C0]  }
0x855: {  	s29 =	sor.u32 $0xA, s15;
	s5 =	sor.u32 $0x11, s5;
	[tilespmem:s7+$0x141E0] =	vst v5  }
0x856: {  	v5 =	vld [tilespmem:s3+$0xA8C0];
	s3 =	sshll.u32 s29, $0x4;
	s11 =	sshra.s32 s30, $0x2;
	[tilespmem:s5+$0x141E0] =	vst v3  }
0x857: {  	v3 =	vld [tilespmem:s3+$0x44C0];
	[tilespmem:s11+$0x141E0] =	vst v4  }
0x858: {  	s21 =	sor.u32 $0x8, s19;
	v4 =	vld [tilespmem:s10+$0xA8C0]  }
0x859: {  	[tilespmem:s16+$0x141F0] =	vst v6;
	s16 =	sshll.u32 s21, $0x4  }
0x85a: {  	s5 =	smul.u32 $0x21, s29;
	s10 =	sor.u32 $0x9, s14;
	v6 =	vld [tilespmem:s16+$0x44C0]  }
0x85b: {  	[tilespmem:s7+$0x141F0] =	vst v5;
	s7 =	sshll.u32 s10, $0x4  }
0x85c: {  	s30 =	sor.u32 $0xA, s12;
	v5 =	vld [tilespmem:s7+$0x44C0];
	s21 =	smul.u32 $0x84, s21;
	[tilespmem:s5+$0x141E0] =	vst v3  }
0x85d: {  	v3 =	vld [tilespmem:s3+$0xA8C0];
	[tilespmem:s11+$0x141F0] =	vst v4;
	s3 =	sshll.u32 s30, $0x4  }
0x85e: {  	s11 =	sshra.s32 s21, $0x2;
	v4 =	vld [tilespmem:s3+$0x44C0]  }
0x85f: {  	s10 =	smul.u32 $0x21, s10;
	[tilespmem:s11+$0x141E0] =	vst v6  }
0x860: {  	s29 =	smul.u32 $0x84, s30;
	v6 =	vld [tilespmem:s16+$0xA8C0]  }
0x861: {  	s5 =	sor.u32 $0x12, s5;
	s30 =	sor.u32 $0xB, s15;
	[tilespmem:s10+$0x141E0] =	vst v5  }
0x862: {  	v5 =	vld [tilespmem:s7+$0xA8C0];
	s16 =	sshra.s32 s29, $0x2;
	[tilespmem:s5+$0x141E0] =	vst v3;
	s5 =	sshll.u32 s30, $0x4  }
0x863: {  	v3 =	vld [tilespmem:s5+$0x44C0];
	[tilespmem:s16+$0x141E0] =	vst v4  }
0x864: {  	s21 =	sor.u32 $0x9, s19;
	v4 =	vld [tilespmem:s3+$0xA8C0]  }
0x865: {  	[tilespmem:s11+$0x141F0] =	vst v6;
	s11 =	sshll.u32 s21, $0x4  }
0x866: {  	s7 =	smul.u32 $0x21, s30;
	s29 =	sand.u32 $0xFFC8, s10;
	s10 =	sor.u32 $0xA, s14;
	v6 =	vld [tilespmem:s11+$0x44C0]  }
0x867: {  	s3 =	sshll.u32 s10, $0x4;
	[tilespmem:s29+$0x141F1] =	vst v5  }
0x868: {  	s30 =	sor.u32 $0xB, s12;
	v5 =	vld [tilespmem:s3+$0x44C0];
	s21 =	smul.u32 $0x84, s21;
	[tilespmem:s7+$0x141E0] =	vst v3  }
0x869: {  	v3 =	vld [tilespmem:s5+$0xA8C0];
	[tilespmem:s16+$0x141F0] =	vst v4;
	s5 =	sshll.u32 s30, $0x4  }
0x86a: {  	s16 =	sshra.s32 s21, $0x2;
	v4 =	vld [tilespmem:s5+$0x44C0]  }
0x86b: {  	s10 =	smul.u32 $0x21, s10;
	[tilespmem:s16+$0x141E0] =	vst v6  }
0x86c: {  	s21 =	smul.u32 $0x84, s30;
	v6 =	vld [tilespmem:s11+$0xA8C0]  }
0x86d: {  	s29 =	sor.u32 $0x13, s7;
	s30 =	sor.u32 $0xC, s15;
	[tilespmem:s10+$0x141E0] =	vst v5  }
0x86e: {  	v5 =	vld [tilespmem:s3+$0xA8C0];
	s3 =	sshll.u32 s30, $0x4;
	s11 =	sshra.s32 s21, $0x2;
	[tilespmem:s29+$0x141E0] =	vst v3  }
0x86f: {  	v3 =	vld [tilespmem:s3+$0x44C0];
	[tilespmem:s11+$0x141E0] =	vst v4  }
0x870: {  	s21 =	sor.u32 $0xA, s19;
	v4 =	vld [tilespmem:s5+$0xA8C0]  }
0x871: {  	[tilespmem:s16+$0x141F0] =	vst v6;
	s16 =	sshll.u32 s21, $0x4  }
0x872: {  	s7 =	smul.u32 $0x21, s30;
	s29 =	sor.u32 $0x12, s10;
	s10 =	sor.u32 $0xB, s14;
	v6 =	vld [tilespmem:s16+$0x44C0]  }
0x873: {  	s5 =	sshll.u32 s10, $0x4;
	[tilespmem:s29+$0x141E0] =	vst v5  }
0x874: {  	s30 =	sor.u32 $0xC, s12;
	v5 =	vld [tilespmem:s5+$0x44C0];
	s21 =	smul.u32 $0x84, s21;
	[tilespmem:s7+$0x141E0] =	vst v3  }
0x875: {  	v3 =	vld [tilespmem:s3+$0xA8C0];
	[tilespmem:s11+$0x141F0] =	vst v4;
	s3 =	sshll.u32 s30, $0x4  }
0x876: {  	s11 =	sshra.s32 s21, $0x2;
	v4 =	vld [tilespmem:s3+$0x44C0]  }
0x877: {  	s10 =	smul.u32 $0x21, s10;
	[tilespmem:s11+$0x141E0] =	vst v6  }
0x878: {  	s21 =	smul.u32 $0x84, s30;
	v6 =	vld [tilespmem:s16+$0xA8C0]  }
0x879: {  	s29 =	sor.u32 $0x14, s7;
	s30 =	sor.u32 $0xD, s15;
	[tilespmem:s10+$0x141E0] =	vst v5  }
0x87a: {  	v5 =	vld [tilespmem:s5+$0xA8C0];
	s5 =	sshll.u32 s30, $0x4;
	s16 =	sshra.s32 s21, $0x2;
	[tilespmem:s29+$0x141E0] =	vst v3  }
0x87b: {  	v3 =	vld [tilespmem:s5+$0x44C0];
	[tilespmem:s16+$0x141E0] =	vst v4  }
0x87c: {  	s21 =	sor.u32 $0xB, s19;
	v4 =	vld [tilespmem:s3+$0xA8C0]  }
0x87d: {  	[tilespmem:s11+$0x141F0] =	vst v6;
	s11 =	sshll.u32 s21, $0x4  }
0x87e: {  	s7 =	smul.u32 $0x21, s30;
	s29 =	sand.u32 $0xFFC8, s10;
	s10 =	sor.u32 $0xC, s14;
	v6 =	vld [tilespmem:s11+$0x44C0]  }
0x87f: {  	s3 =	sshll.u32 s10, $0x4;
	[tilespmem:s29+$0x141F3] =	vst v5  }
0x880: {  	s30 =	sor.u32 $0xD, s12;
	v5 =	vld [tilespmem:s3+$0x44C0];
	s21 =	smul.u32 $0x84, s21;
	[tilespmem:s7+$0x141E0] =	vst v3  }
0x881: {  	v3 =	vld [tilespmem:s5+$0xA8C0];
	[tilespmem:s16+$0x141F0] =	vst v4;
	s5 =	sshll.u32 s30, $0x4  }
0x882: {  	s16 =	sshra.s32 s21, $0x2;
	v4 =	vld [tilespmem:s5+$0x44C0]  }
0x883: {  	s10 =	smul.u32 $0x21, s10;
	[tilespmem:s16+$0x141E0] =	vst v6  }
0x884: {  	s21 =	smul.u32 $0x84, s30;
	v6 =	vld [tilespmem:s11+$0xA8C0]  }
0x885: {  	s29 =	sor.u32 $0x15, s7;
	s30 =	sor.u32 $0xE, s15;
	[tilespmem:s10+$0x141E0] =	vst v5  }
0x886: {  	v5 =	vld [tilespmem:s3+$0xA8C0];
	s3 =	sshll.u32 s30, $0x4;
	s11 =	sshra.s32 s21, $0x2;
	[tilespmem:s29+$0x141E0] =	vst v3  }
0x887: {  	v3 =	vld [tilespmem:s3+$0x44C0];
	[tilespmem:s11+$0x141E0] =	vst v4  }
0x888: {  	s21 =	sor.u32 $0xC, s19;
	v4 =	vld [tilespmem:s5+$0xA8C0]  }
0x889: {  	[tilespmem:s16+$0x141F0] =	vst v6;
	s16 =	sshll.u32 s21, $0x4  }
0x88a: {  	s7 =	smul.u32 $0x21, s30;
	s29 =	sor.u32 $0x14, s10;
	s10 =	sor.u32 $0xD, s14;
	v6 =	vld [tilespmem:s16+$0x44C0]  }
0x88b: {  	s5 =	sshll.u32 s10, $0x4;
	[tilespmem:s29+$0x141E0] =	vst v5  }
0x88c: {  	s30 =	sor.u32 $0xE, s12;
	v5 =	vld [tilespmem:s5+$0x44C0];
	s21 =	smul.u32 $0x84, s21;
	[tilespmem:s7+$0x141E0] =	vst v3  }
0x88d: {  	v3 =	vld [tilespmem:s3+$0xA8C0];
	[tilespmem:s11+$0x141F0] =	vst v4;
	s3 =	sshll.u32 s30, $0x4  }
0x88e: {  	s11 =	sshra.s32 s21, $0x2;
	v4 =	vld [tilespmem:s3+$0x44C0]  }
0x88f: {  	s10 =	smul.u32 $0x21, s10;
	[tilespmem:s11+$0x141E0] =	vst v6  }
0x890: {  	s21 =	smul.u32 $0x84, s30;
	v6 =	vld [tilespmem:s16+$0xA8C0]  }
0x891: {  	s29 =	sor.u32 $0x16, s7;
	s30 =	sshllo.u32 s4, $0x4;
	[tilespmem:s10+$0x141E0] =	vst v5  }
0x892: {  	v5 =	vld [tilespmem:s5+$0xA8C0];
	s5 =	sshll.u32 s30, $0x4;
	s16 =	sshra.s32 s21, $0x2;
	[tilespmem:s29+$0x141E0] =	vst v3  }
0x893: {  	v3 =	vld [tilespmem:s5+$0x44C0];
	[tilespmem:s16+$0x141E0] =	vst v4  }
0x894: {  	s29 =	sor.u32 $0xD, s19;
	v4 =	vld [tilespmem:s3+$0xA8C0]  }
0x895: {  	s7 =	smul.u32 $0x21, s30;
	s30 =	sshll.u32 s29, $0x4;
	[tilespmem:s11+$0x141F0] =	vst v6  }
0x896: {  	s10 =	sand.u32 $0xFFC8, s10;
	s21 =	sor.u32 $0xE, s14;
	v6 =	vld [tilespmem:s30+$0x44C0]  }
0x897: {  	s3 =	sshll.u32 s21, $0x4;
	[tilespmem:s10+$0x141F5] =	vst v5  }
0x898: {  	s2 =	sshllo.u32 s2, $0x4;
	s29 =	smul.u32 $0x84, s29;
	v5 =	vld [tilespmem:s3+$0x44C0];
	[tilespmem:s7+$0x141E0] =	vst v3  }
0x899: {  	v3 =	vld [tilespmem:s5+$0xA8C0];
	[tilespmem:s16+$0x141F0] =	vst v4;
	s5 =	sshll.u32 s2, $0x4  }
0x89a: {  	s16 =	sshra.s32 s29, $0x2;
	v4 =	vld [tilespmem:s5+$0x44C0]  }
0x89b: {  	s10 =	smul.u32 $0x21, s21;
	[tilespmem:s16+$0x141E0] =	vst v6  }
0x89c: {  	s2 =	smul.u32 $0x84, s2;
	v6 =	vld [tilespmem:s30+$0xA8C0]  }
0x89d: {  	[tilespmem:s10+$0x141E0] =	vst v5;
	s30 =	sor.u32 $0x17, s7  }
0x89e: {  	s2 =	sshra.s32 s2, $0x2;
	v5 =	vld [tilespmem:s3+$0xA8C0];
	[tilespmem:s30+$0x141E0] =	vst v3  }
0x89f: {  	v7 =	vld [tilespmem:s15+$0xFA0];
	[tilespmem:s2+$0x141E0] =	vst v4  }
0x8a0: {  	v3 =	vld [tilespmem:s5+$0xA8C0];
	s5 =	sor.u32 $0x16, s10;
	s10 =	sor.u32 $0xE, s19  }
0x8a1: {  	s11 =	sshll.u32 s10, $0x4;
	[tilespmem:s16+$0x141F0] =	vst v6  }
0x8a2: {  	v26 =	vld [tilespmem:s11+$0x44C0]  }
0x8a3: {  	s0 =	sshllo.u32 s0, $0x4  }
0x8a4: {  	s7 =	sshll.u32 s0, $0x4;
	[tilespmem:s5+$0x141E0] =	vst v5;
	s16 =	smul.u32 $0x84, s10  }
0x8a5: {  	v25 =	vld [tilespmem:s7+$0x44C0];
	[tilespmem:s2+$0x141F0] =	vst v3;
	v3 =	vand.u32 $0x7FFFFFFF, v7  }
0x8a6: {  	s2 =	sshra.s32 s16, $0x2;
	v3 =	vadd.f32 $1.000000000e+00, v3;
	v27 =	vld [tilespmem:s12+$0xFA0]  }
0x8a7: {  	[tilespmem:s2+$0x141E0] =	vst v26  }
0x8a8: {  	s0 =	smul.u32 $0x21, s0;
	v8 =	vadd.s32 $0x4AFB0D, v3;
	v3 =	vld [tilespmem:s11+$0xA8C0];
	_ =	sdelay $0x1  }
0x8a9: {  	[tilespmem:s0+$0x141E0] =	vst v25  }
0x8aa: {  	v4 =	vld [tilespmem:s7+$0xA8C0];
	v28 =	vand.u32 $0x7FFFFF, v8;
	v10 =	vand.u32 $0x7FFFFFFF, v27  }
0x8ab: {  	s21 =	sshllo.u32 s20, $0x4;
	v5 =	vadd.s32 $0x3F3504F3, v28;
	v10 =	vadd.f32 $1.000000000e+00, v10  }
0x8ac: {  	s29 =	sshll.u32 s21, $0x4;
	v9 =	vadd.f32 $1.000000000e+00, v5;
	[tilespmem:s2+$0x141F0] =	vst v3  }
0x8ad: {  	v29 =	vadd.s32 $0x4AFB0D, v10;
	v31 =	vld [tilespmem:s29+$0x44C0]  }
0x8ae: {  	s0 =	sand.u32 $0xFFC8, s0;
	(erf) = vrcp.f32 v9;
	v3 =	vand.u32 $0x7FFFFF, v29  }
0x8af: {  	[tilespmem:s0+$0x141F7] =	vst v4;
	s0 =	smul.u32 $0x84, s21;
	v3 =	vadd.s32 $0x3F3504F3, v3  }
0x8b0: {  	v30 =	vld [tilespmem:s14+$0xFA0];
	v11 =	vadd.f32 $1.000000000e+00, v3  }
0x8b1: {  	s0 =	sshra.s32 s0, $0x2  }
0x8b2: {  	(erf) = vrcp.f32 v11;
	[tilespmem:s0+$0x141E0] =	vst v31  }
0x8b3: {  	v10 =	vld [tilespmem:s29+$0xA8C0];
	_ =	sdelay $0x1  }
0x8b4: {  	v32 =	vand.u32 $0x7FFFFFFF, v30  }
0x8b5: {  	v5 =	vadd.f32 $-1.000000000e+00, v5;
	v11 =	vadd.f32 $1.000000000e+00, v32  }
0x8b6: {  	v12 =	vpop (erf)  }
0x8b7: {  	v11 =	vadd.s32 $0x4AFB0D, v11;
	v5 =	vmul.f32 v12, v5;
	[tilespmem:s0+$0x141F0] =	vst v10  }
0x8b8: {  	v15 =	vadd.f32 $-1.000000000e+00, v3;
	v33 =	vand.u32 $0x7FFFFF, v11;
	v3 =	vld [tilespmem:s19+$0xFA0]  }
0x8b9: {  	v12 =	vadd.s32 $0x3F3504F3, v33;
	v13 =	vmul.f32 v5, v5  }
0x8ba: {  	v34 =	vadd.f32 $1.000000000e+00, v12;
	v16 =	vpop (erf)  }
0x8bb: {  	v14 =	vmul.f32 $1.111111120e-01, v13;
	v36 =	vmul.f32 v16, v15  }
0x8bc: {  	(erf) = vrcp.f32 v34  }
0x8bd: {  	v35 =	vadd.f32 $1.428571490e-01, v14;
	v15 =	vmul.f32 v36, v36;
	v37 =	vand.u32 $0x7FFFFFFF, v3  }
0x8be: {  	v48 =	vmov s15;
	v16 =	vadd.f32 $1.000000000e+00, v37  }
0x8bf: {  	v53 =	vmov s12;
	v10 =	vmul.f32 v35, v13;
	v17 =	vmul.f32 $1.111111120e-01, v15  }
0x8c0: {  	v54 =	vmul.u32 $0x21, v53;
	v56 =	vmov s14;
	v16 =	vadd.s32 $0x4AFB0D, v16  }
0x8c1: {  	v10 =	vadd.f32 $2.000000030e-01, v10;
	v17 =	vadd.f32 $1.428571490e-01, v17;
	v18 =	vand.u32 $0x7FFFFF, v16  }
0x8c2: {  	v58 =	vmov s19;
	vm0 =	vlt.f32 v7, $0.0e+00;
	v18 =	vadd.s32 $0x3F3504F3, v18  }
0x8c3: {  	v10 =	vmul.f32 v10, v13;
	v17 =	vmul.f32 v17, v15;
	v38 =	vadd.f32 $1.000000000e+00, v18  }
0x8c4: {  	vm1 =	vgt.f32 v7, $0.0e+00;
	v46 =	vand.u32 $0x80000000, v7;
	v12 =	vadd.f32 $-1.000000000e+00, v12  }
0x8c5: {  	v19 =	vpop (erf);
	v10 =	vadd.f32 $3.333333430e-01, v10;
	v39 =	vadd.f32 $2.000000030e-01, v17;
	(erf) = vrcp.f32 v38  }
0x8c6: {  	vm0 =	vmor vm1, vm0;
	v8 =	vshra.s32 v8, $0x17;
	v12 =	vmul.f32 v19, v12  }
0x8c7: {  	v8 =	vadd.s32 $0xFFFFFF81, v8;
	v10 =	vmul.f32 v10, v13;
	v13 =	vmul.f32 v39, v15  }
0x8c8: {  	v8 =	vcvt.s32.f32 v8;
	v4 =	vshra.s32 v29, $0x17;
	v40 =	vmul.f32 v12, v12  }
0x8c9: {  	vm10 =	vlt.f32 v27, $0.0e+00;
	v4 =	vadd.s32 $0xFFFFFF81, v4;
	v13 =	vadd.f32 $3.333333430e-01, v13  }
0x8ca: {  	vm11 =	vgt.f32 v27, $0.0e+00;
	v4 =	vcvt.s32.f32 v4;
	v41 =	vmul.f32 $1.111111120e-01, v40  }
0x8cb: {  	v5 =	vadd.f32 v5, v5;
	v44 =	vadd.f32 v36, v36;
	v13 =	vmul.f32 v13, v15  }
0x8cc: {  	v8 =	vmul.f32 $6.931471820e-01, v8;
	v10 =	vadd.f32 $1.000000000e+00, v10;
	v42 =	vadd.f32 $1.428571490e-01, v41  }
0x8cd: {  	v4 =	vmul.f32 $6.931471820e-01, v4;
	v45 =	vadd.f32 $-1.000000000e+00, v18;
	v13 =	vadd.f32 $1.000000000e+00, v13  }
0x8ce: {  	v52 =	vand.u32 $0x80000000, v27;
	v5 =	vmul.f32 v10, v5;
	v43 =	vmul.f32 v42, v40;
	v47 =	vpop (erf)  }
0x8cf: {  	v11 =	vshra.s32 v11, $0x17;
	v10 =	vmul.f32 v13, v44;
	v13 =	vmul.f32 v47, v45  }
0x8d0: {  	v11 =	vadd.s32 $0xFFFFFF81, v11;
	v5 =	vadd.f32 v5, v8;
	v8 =	vadd.f32 $2.000000030e-01, v43  }
0x8d1: {  	vm12 =	vlt.f32 v30, $0.0e+00;
	v11 =	vcvt.s32.f32 v11;
	v49 =	vmul.f32 v13, v13  }
0x8d2: {  	vm13 =	vgt.f32 v30, $0.0e+00;
	v14 =	vmul.u32 $0x21, v48;
	v8 =	vmul.f32 v8, v40  }
0x8d3: {  	v55 =	vand.u32 $0x80000000, v30;
	v11 =	vmul.f32 $6.931471820e-01, v11;
	v51 =	vmul.f32 $1.111111120e-01, v49  }
0x8d4: {  	v50 =	vbroadcast v14, $0x0;
	v59 =	vshra.s32 v16, $0x17;
	v8 =	vadd.f32 $3.333333430e-01, v8  }
0x8d5: {  	v14 =	vadd.s32 $0xFFFFFF81, v59;
	v4 =	vadd.f32 v10, v4;
	v10 =	vadd.f32 $1.428571490e-01, v51  }
0x8d6: {  	v61 =	vand.u32 $0x80000000, v3;
	v14 =	vcvt.s32.f32 v14;
	v15 =	vor.u32 v46, v0  }
0x8d7: {  	v7 =	vsel vm0, v15, v7;
	v8 =	vmul.f32 v8, v40;
	v10 =	vmul.f32 v10, v49  }
0x8d8: {  	v12 =	vadd.f32 v12, v12;
	v5 =	vmul.f32 v5, v7;
	v7 =	vadd.s32 v1, v50  }
0x8d9: {  	v7 =	vand.u32 $0xFFFFFFF8, v7;
	v8 =	vadd.f32 $1.000000000e+00, v8;
	v10 =	vadd.f32 $2.000000030e-01, v10  }
0x8da: {  	v60 =	vmul.f32 $6.931471820e-01, v14;
	vm0 =	vmor vm11, vm10;
	v7 =	vor.u32 v2, v7  }
0x8db: {  	v8 =	vmul.f32 v8, v12;
	v12 =	vor.u32 v52, v0;
	v10 =	vmul.f32 v10, v49  }
0x8dc: {  	v13 =	vadd.f32 v13, v13;
	v6 =	vsel vm0, v12, v27;
	v12 =	vmul.u32 $0x21, v56  }
0x8dd: {  	vm0 =	vmor vm13, vm12;
	v4 =	vmul.f32 v4, v6;
	v10 =	vadd.f32 $3.333333430e-01, v10  }
0x8de: {  	v6 =	vbroadcast v54, $0x0;
	v57 =	vbroadcast v12, $0x0;
	v12 =	vmul.u32 $0x21, v58  }
0x8df: {  	v8 =	vadd.f32 v8, v11;
	v11 =	vor.u32 v55, v0;
	v10 =	vmul.f32 v10, v49  }
0x8e0: {  	v9 =	vsel vm0, v11, v30;
	v6 =	vadd.s32 v1, v6;
	v12 =	vbroadcast v12, $0x0  }
0x8e1: {  	v6 =	vand.u32 $0xFFFFFFF8, v6;
	v11 =	vadd.s32 v1, v57;
	v10 =	vadd.f32 $1.000000000e+00, v10  }
0x8e2: {  	v6 =	vor.u32 v2, v6;
	v11 =	vand.u32 $0xFFFFFFF8, v11;
	v12 =	vadd.s32 v1, v12  }
0x8e3: {  	v11 =	vor.u32 v2, v11;
	v12 =	vand.u32 $0xFFFFFFF8, v12;
	v10 =	vmul.f32 v10, v13  }
0x8e4: {  	p0 =	slt.u32 s4, $0x2C;
	vm14 =	vlt.f32 v3, $0.0e+00;
	vm15 =	vgt.f32 v3, $0.0e+00;
	v12 =	vor.u32 v2, v12  }
.Ltmp11:
0x8e5: {  	v62 =	vor.u32 v61, v0;
	vm0 =	vmor vm15, vm14;
	v10 =	vadd.f32 v10, v60;
	(pc) =	sbr.rel @p0 .LBB2_19-.Ltmp11, $4  }
0x8e6: {  	[tilespmem:v7+s24+$0x0] =	vst.idx.msk $0xffff, v5;
	v63 =	vmul.f32 v8, v9;
	v3 =	vsel vm0, v62, v3  }
0x8e7: {  	s30 =	sadd.s32 $0x4, s4;
	[tilespmem:v6+s24+$0x0] =	vst.idx.msk $0xffff, v4;
	v3 =	vmul.f32 v10, v3  }
0x8e8: {  	s4 =	smov.u32 s30;
	s12 =	simm.s32 $0xD9B0;
	[tilespmem:v11+s24+$0x0] =	vst.idx.msk $0xffff, v63  }
0x8e9: {  	s2 =	simm.s32 $0x75B0;
	s14 =	simm.s32 $0x300;
	s0 =	simm.s32 $0x12A0;
	[tilespmem:v12+s24+$0x0] =	vst.idx.msk $0xffff, v3  }
.LBB2_20:
0x8ea: {  	v3 =	vld [tilespmem:s2+$0xFFFFFF10];
	_ =	sdelay $0x3  }
0x8eb: {  	s4 =	sshra.s32 s28, $0x2  }
0x8ec: {  	[tilespmem:s4+$0x1A4E0] =	vst v3  }
0x8ed: {  	v3 =	vld [tilespmem:s12+$0xFFFFFF10];
	_ =	sdelay $0x4  }
0x8ee: {  	[tilespmem:s4+$0x1A4F0] =	vst v3  }
0x8ef: {  	v3 =	vld [tilespmem:s2+$0xFFFFFF20];
	_ =	sdelay $0x4  }
0x8f0: {  	[tilespmem:s4+$0x1A501] =	vst v3  }
0x8f1: {  	v3 =	vld [tilespmem:s12+$0xFFFFFF20];
	_ =	sdelay $0x4  }
0x8f2: {  	[tilespmem:s4+$0x1A511] =	vst v3  }
0x8f3: {  	v3 =	vld [tilespmem:s2+$0xFFFFFF30];
	_ =	sdelay $0x4  }
0x8f4: {  	[tilespmem:s4+$0x1A522] =	vst v3  }
0x8f5: {  	v3 =	vld [tilespmem:s12+$0xFFFFFF30];
	_ =	sdelay $0x4  }
0x8f6: {  	[tilespmem:s4+$0x1A532] =	vst v3  }
0x8f7: {  	v3 =	vld [tilespmem:s2+$0xFFFFFF40];
	_ =	sdelay $0x4  }
0x8f8: {  	[tilespmem:s4+$0x1A543] =	vst v3  }
0x8f9: {  	v3 =	vld [tilespmem:s12+$0xFFFFFF40];
	_ =	sdelay $0x4  }
0x8fa: {  	[tilespmem:s4+$0x1A553] =	vst v3  }
0x8fb: {  	v3 =	vld [tilespmem:s2+$0xFFFFFF50];
	_ =	sdelay $0x4  }
0x8fc: {  	[tilespmem:s4+$0x1A564] =	vst v3  }
0x8fd: {  	v3 =	vld [tilespmem:s12+$0xFFFFFF50];
	_ =	sdelay $0x4  }
0x8fe: {  	[tilespmem:s4+$0x1A574] =	vst v3  }
0x8ff: {  	v3 =	vld [tilespmem:s2+$0xFFFFFF60];
	_ =	sdelay $0x4  }
0x900: {  	[tilespmem:s4+$0x1A585] =	vst v3  }
0x901: {  	v3 =	vld [tilespmem:s12+$0xFFFFFF60];
	_ =	sdelay $0x4  }
0x902: {  	[tilespmem:s4+$0x1A595] =	vst v3  }
0x903: {  	v3 =	vld [tilespmem:s2+$0xFFFFFF70];
	_ =	sdelay $0x4  }
0x904: {  	[tilespmem:s4+$0x1A5A6] =	vst v3  }
0x905: {  	v3 =	vld [tilespmem:s12+$0xFFFFFF70];
	_ =	sdelay $0x4  }
0x906: {  	[tilespmem:s4+$0x1A5B6] =	vst v3  }
0x907: {  	v3 =	vld [tilespmem:s2+$0xFFFFFF80];
	_ =	sdelay $0x4  }
0x908: {  	[tilespmem:s4+$0x1A5C7] =	vst v3  }
0x909: {  	v3 =	vld [tilespmem:s12+$0xFFFFFF80];
	_ =	sdelay $0x4  }
0x90a: {  	[tilespmem:s4+$0x1A5D7] =	vst v3  }
0x90b: {  	v3 =	vld [tilespmem:s2+$0xFFFFFF90];
	_ =	sdelay $0x4  }
0x90c: {  	[tilespmem:s4+$0x1A5E8] =	vst v3  }
0x90d: {  	v3 =	vld [tilespmem:s12+$0xFFFFFF90];
	_ =	sdelay $0x4  }
0x90e: {  	[tilespmem:s4+$0x1A5F8] =	vst v3  }
0x90f: {  	v3 =	vld [tilespmem:s2+$0xFFFFFFA0];
	_ =	sdelay $0x4  }
0x910: {  	[tilespmem:s4+$0x1A609] =	vst v3  }
0x911: {  	v3 =	vld [tilespmem:s12+$0xFFFFFFA0];
	_ =	sdelay $0x4  }
0x912: {  	[tilespmem:s4+$0x1A619] =	vst v3  }
0x913: {  	v3 =	vld [tilespmem:s2+$0xFFFFFFB0];
	_ =	sdelay $0x4  }
0x914: {  	[tilespmem:s4+$0x1A62A] =	vst v3  }
0x915: {  	v3 =	vld [tilespmem:s12+$0xFFFFFFB0];
	_ =	sdelay $0x4  }
0x916: {  	[tilespmem:s4+$0x1A63A] =	vst v3  }
0x917: {  	v3 =	vld [tilespmem:s2+$0xFFFFFFC0];
	_ =	sdelay $0x4  }
0x918: {  	[tilespmem:s4+$0x1A64B] =	vst v3  }
0x919: {  	v3 =	vld [tilespmem:s12+$0xFFFFFFC0];
	_ =	sdelay $0x4  }
0x91a: {  	[tilespmem:s4+$0x1A65B] =	vst v3  }
0x91b: {  	v3 =	vld [tilespmem:s2+$0xFFFFFFD0];
	_ =	sdelay $0x4  }
0x91c: {  	[tilespmem:s4+$0x1A66C] =	vst v3  }
0x91d: {  	v3 =	vld [tilespmem:s12+$0xFFFFFFD0];
	_ =	sdelay $0x4  }
0x91e: {  	[tilespmem:s4+$0x1A67C] =	vst v3  }
0x91f: {  	v3 =	vld [tilespmem:s2+$0xFFFFFFE0];
	_ =	sdelay $0x4  }
0x920: {  	[tilespmem:s4+$0x1A68D] =	vst v3  }
0x921: {  	v3 =	vld [tilespmem:s12+$0xFFFFFFE0];
	_ =	sdelay $0x4  }
0x922: {  	[tilespmem:s4+$0x1A69D] =	vst v3  }
0x923: {  	v3 =	vld [tilespmem:s2+$0xFFFFFFF0];
	_ =	sdelay $0x4  }
0x924: {  	[tilespmem:s4+$0x1A6AE] =	vst v3  }
0x925: {  	v3 =	vld [tilespmem:s12+$0xFFFFFFF0];
	_ =	sdelay $0x4  }
0x926: {  	[tilespmem:s4+$0x1A6BE] =	vst v3  }
0x927: {  	v3 =	vld [tilespmem:s2+$0x0];
	_ =	sdelay $0x4  }
0x928: {  	[tilespmem:s4+$0x1A6CF] =	vst v3  }
0x929: {  	v3 =	vld [tilespmem:s12+$0x0];
	_ =	sdelay $0x4  }
0x92a: {  	[tilespmem:s4+$0x1A6DF] =	vst v3  }
0x92b: {  	v3 =	vld [tilespmem:s0+$0x0];
	_ =	sdelay $0x4  }
0x92c: {  	v4 =	vand.u32 $0x7FFFFFFF, v3  }
0x92d: {  	v4 =	vadd.f32 $1.000000000e+00, v4;
	_ =	sdelay $0x1  }
0x92e: {  	v4 =	vadd.s32 $0x4AFB0D, v4  }
0x92f: {  	v5 =	vand.u32 $0x7FFFFF, v4  }
0x930: {  	v5 =	vadd.s32 $0x3F3504F3, v5  }
0x931: {  	v6 =	vadd.f32 $1.000000000e+00, v5;
	_ =	sdelay $0x1  }
0x932: {  	(erf) = vrcp.f32 v6;
	_ =	sdelay $0x7  }
0x933: {  	v5 =	vadd.f32 $-1.000000000e+00, v5  }
0x934: {  	v6 =	vpop (erf)  }
0x935: {  	v5 =	vmul.f32 v6, v5;
	_ =	sdelay $0x1  }
0x936: {  	v6 =	vmul.f32 v5, v5;
	_ =	sdelay $0x1  }
0x937: {  	v7 =	vmul.f32 $1.111111120e-01, v6;
	_ =	sdelay $0x1  }
0x938: {  	v7 =	vadd.f32 $1.428571490e-01, v7;
	_ =	sdelay $0x1  }
0x939: {  	v7 =	vmul.f32 v7, v6;
	_ =	sdelay $0x1  }
0x93a: {  	v7 =	vadd.f32 $2.000000030e-01, v7;
	_ =	sdelay $0x1  }
0x93b: {  	v7 =	vmul.f32 v7, v6;
	_ =	sdelay $0x1  }
0x93c: {  	v8 =	vmov s14;
	v7 =	vadd.f32 $3.333333430e-01, v7  }
0x93d: {  	v60 =	vmul.u32 $0x21, v8  }
0x93e: {  	v4 =	vshra.s32 v4, $0x17;
	v6 =	vmul.f32 v7, v6  }
0x93f: {  	v4 =	vadd.s32 $0xFFFFFF81, v4;
	v7 =	vbroadcast v60, $0x0  }
0x940: {  	v4 =	vcvt.s32.f32 v4;
	v5 =	vadd.f32 v5, v5;
	v6 =	vadd.f32 $1.000000000e+00, v6  }
0x941: {  	v62 =	vand.u32 $0x80000000, v3;
	v61 =	vadd.s32 v1, v7  }
0x942: {  	v4 =	vmul.f32 $6.931471820e-01, v4;
	v5 =	vmul.f32 v6, v5;
	v6 =	vand.u32 $0xFFFFFFF8, v61  }
0x943: {  	p0 =	sne.s32 s28, $0x840;
	vm0 =	vlt.f32 v3, $0.0e+00;
	vm1 =	vgt.f32 v3, $0.0e+00;
	v6 =	vor.u32 v2, v6  }
.Ltmp12:
0x944: {  	vm0 =	vmor vm1, vm0;
	v63 =	vor.u32 v62, v0;
	v4 =	vadd.f32 v5, v4;
	(pc) =	sbr.rel @p0 .LBB2_20-.Ltmp12, $4  }
0x945: {  	v3 =	vsel vm0, v63, v3  }
0x946: {  	v3 =	vmul.f32 v4, v3  }
0x947: {  	s14 =	sadd.s32 $0x10, s14;
	s28 =	sadd.s32 $0x840, s28  }
0x948: {  	s2 =	sadd.s32 $0x100, s2;
	s12 =	sadd.s32 $0x100, s12;
	s0 =	sadd.s32 $0x10, s0;
	[tilespmem:v6+s24+$0x0] =	vst.idx.msk $0xffff, v3  }
0x949: {  	s0 =	rddreg [dreg:$0x19]  }
0x94a: {  	[hbm4b:s0+s6] =	stream.linear.scatter [tilespmem:s24], [sflag:$0x6], $0x6720, $0x38;
	[tilespmem:$0x1A900] =	vst v63  }
0x94b: {  	_ =	swait.ge [sflag:s25], $0x6720  }
0x94c: {  	[sflag:s25] =	ssyncset.done $0x0  }
0x94d: {  	[sflag:s25] =	ssyncadd.s32 $0xFFFF98E0  }
0x94e: {  	_ =	swait.ge [sflag:s26], $0x6720  }
0x94f: {  	s2 =	rddreg [dreg:$0x1b]  }
0x950: {  	s30 =	rddreg [dreg:$0x1a];
	s2 =	sadd.s32 $0x1, s2  }
0x951: {  	p0 =	sne.s32 s2, s30  }
.Ltmp13:
0x952: {  	_ = 	snop;
	(pc) =	sbr.rel @p0 .LBB2_1-.Ltmp13, $3  }
0x953: {  	_ =	sdelay $0x1  }
0x954: {  	[sflag:s26] =	ssyncset.done $0x0  }
0x955: {  	[sflag:s26] =	ssyncadd.s32 $0xFFFF98E0  }
0x956: {  	_ =	sfence.sel $0x180000  }
0x957: {  	[bflag:$0x0] =	sbarrier.arrive $0xFFFF  }
0x958: {  	_ =	strace $0x90000047  }
0x959: {  	s0 =	stileid.u32;
	[bflag:$0x2] =	sbarrier.arrive $0xFFFF  }
0x95a: {  	p0 =	sne.s32 s0, $0x0;
	s0 =	rddreg [dreg:$0x5]  }
0x95b: {  	s0 =	sadd.s32 @!p0 $0x100000, s0  }
0x95c: {  	[sflag:s0] =	ssyncadd.tile.s32 @!p0 $0x1;
	_ =	shalt  }
.Lfunc_end2:
_tile_overlayer_lowered:
.L_overlay_start_2:
0x95d: {  	(tag) =	ssettag $0x2  }
0x95e: {  	s0 =	rddreg [dreg:$0x0];
	s2 =	stileid.u32  }
0x95f: {  	s1 =	rddreg [dreg:$0x1];
	p0 =	sne.s32 s2, $0x0  }
0x960: {  	s3 =	rddreg [dreg:$0x2];
	[bflag:$0x3] =	sbarrier.arrive $0xFFFF;
	s2 =	simm.s32 @!p0 $0x1C07  }
0x961: {  	[timem:s3], [sflag:s2] =	dma.local @!p0 [hbm:s0], s1  }
0x962: {  	s0 =	simm.s32 @!p0 $0x7  }
0x963: {  	_ =	swait.ge @!p0 [sflag:s0], s1  }
0x964: {  	s1 =	ssub.s32 @!p0 $0x0, s1;
	[sflag:s0] =	ssyncset.done @!p0 $0x0  }
0x965: {  	[sflag:s0] =	ssyncadd.s32 @!p0 s1  }
0x966: {  	[bflag:$0x3] =	sbarrier.arrive $0xFFFF  }
0x967: {  	_ =	shalt  }

</sc_bundles>
